<compile_context>
chip_gen: v7x
topology: tpu7x:2x2x1
jax: 0.10.2.dev20260603
libtpu: 0.0.44.dev20260713+nightly
codegen_flags: <defaults>
</compile_context>

<pallas_src>
import functools

import jax
import jax.numpy as jnp
from jax import lax
from jax.experimental import pallas as pl
from jax.experimental.pallas import tpu as pltpu
from jax.experimental.pallas import tpu_sc as plsc

N = 50000
E = 800000
F_IN = 128
NODE_D = 112
GRAPH_D = 16
H = 4
C = 8
EDGE_D = 4
OUT = 8
G = 64
HC = H * C

NPAD = 50048
ZSL = NPAD // 16
CH = 256
CPT = 196
EPAD = 16 * CPT * CH
BN = 1000
GRID_N = N // BN



def _ea_stats_body(ea_ref, st_ref):
    i = pl.program_id(0)
    blk = ea_ref[...]
    m = jnp.max(jnp.abs(blk), axis=0, keepdims=True)
    s = jnp.sum(blk, axis=0, keepdims=True)

    @pl.when(i == 0)
    def _():
        st_ref[...] = jnp.concatenate([m, s], axis=1)

    @pl.when(i > 0)
    def _():
        st_ref[...] = jnp.concatenate(
            [jnp.maximum(st_ref[:, :EDGE_D], m), st_ref[:, EDGE_D:] + s], axis=1)


def _ea_stats(ea):
    eb = 8000
    return pl.pallas_call(
        _ea_stats_body,
        grid=(E // eb,),
        in_specs=[pl.BlockSpec((eb, EDGE_D), lambda i: (i, 0))],
        out_specs=pl.BlockSpec((1, 2 * EDGE_D), lambda i: (0, 0)),
        out_shape=jax.ShapeDtypeStruct((1, 2 * EDGE_D), jnp.float32),
    )(ea)


def _prep_body(x_ref, w_ref, p_ref, s8_ref, bm_ref):
    r = jnp.dot(x_ref[...], w_ref[...], preferred_element_type=jnp.float32)
    p_ref[...] = r
    s8_ref[...] = r[:, HC:HC + 8]
    bm_ref[...] = jnp.max(r[:, HC:HC + 8], axis=0, keepdims=True)[None]


def _prep(x_cur, wfull):
    din = x_cur.shape[1]
    return pl.pallas_call(
        _prep_body,
        grid=(GRID_N,),
        in_specs=[pl.BlockSpec((BN, din), lambda i: (i, 0)),
                  pl.BlockSpec((din, 40), lambda i: (0, 0))],
        out_specs=[pl.BlockSpec((BN, 40), lambda i: (i, 0)),
                   pl.BlockSpec((BN, 8), lambda i: (i, 0)),
                   pl.BlockSpec((1, 1, 8), lambda i: (i, 0, 0))],
        out_shape=[jax.ShapeDtypeStruct((N, 40), jnp.float32),
                   jax.ShapeDtypeStruct((N, 8), jnp.float32),
                   jax.ShapeDtypeStruct((GRID_N, 1, 8), jnp.float32)],
    )(x_cur, wfull)


def _k_body(s8_ref, aux_ref, dst_ref, exl_ref):
    s8 = s8_ref[...]
    als = s8[:, :H]
    ald = s8[:, H:2 * H]
    bub = aux_ref[0, :H]
    alf = aux_ref[0, H:2 * H]
    beta_self = als + alf[None, :]
    kz = bub[None, :] + ald
    kv = jnp.where(kz > 0, kz, 0.2 * kz)
    zl = beta_self + ald
    al_loop = jnp.where(zl > 0, zl, 0.2 * zl)
    exl = jnp.exp(al_loop - kv)
    zpad = jnp.zeros_like(als)
    dst_ref[...] = jnp.concatenate([ald, kv], axis=1)
    exl_ref[...] = jnp.concatenate([exl, zpad], axis=1)


def _k_kernel(s8, aux):
    kb = 1024
    grid = pl.cdiv(NPAD, kb)
    return pl.pallas_call(
        _k_body,
        grid=(grid,),
        in_specs=[pl.BlockSpec((kb, 8), lambda i: (i, 0)),
                  pl.BlockSpec((1, 16), lambda i: (0, 0))],
        out_specs=[pl.BlockSpec((kb, 8), lambda i: (i, 0)),
                   pl.BlockSpec((kb, 8), lambda i: (i, 0))],
        out_shape=[jax.ShapeDtypeStruct((NPAD, 8), jnp.float32),
                   jax.ShapeDtypeStruct((NPAD, 8), jnp.float32)],
    )(s8, aux)


def _combine12_body(a_ref, e_ref, p_ref, b_ref, x_ref):
    hmat = p_ref[:, :HC]
    exl = e_ref[...]
    outs = []
    for h in range(H):
        core, loc = divmod(h, 2)
        num = a_ref[core][:, loc * C:(loc + 1) * C]
        den = a_ref[core][:, 2 * C + loc:2 * C + loc + 1]
        el = exl[:, h:h + 1]
        hh = hmat[:, h * C:(h + 1) * C]
        outs.append((num + el * hh) / (den + el))
    o = jnp.concatenate(outs, axis=1) + b_ref[0][None, :]
    x_ref[...] = jnp.maximum(o, 0.0)


def _combine12(accp, exl, p, b):
    return pl.pallas_call(
        _combine12_body,
        grid=(GRID_N,),
        in_specs=[pl.BlockSpec((2, BN, 24), lambda i: (0, i, 0)),
                  pl.BlockSpec((BN, 8), lambda i: (i, 0)),
                  pl.BlockSpec((BN, 40), lambda i: (i, 0)),
                  pl.BlockSpec((1, HC), lambda i: (0, 0))],
        out_specs=pl.BlockSpec((BN, HC), lambda i: (i, 0)),
        out_shape=jax.ShapeDtypeStruct((N, HC), jnp.float32),
    )(accp, exl, p, b)


def _combine3_body(a_ref, e_ref, p_ref, b_ref, f_ref):
    hmat = p_ref[:, :HC]
    exl = e_ref[...]
    acc = None
    for h in range(H):
        core, loc = divmod(h, 2)
        num = a_ref[core][:, loc * C:(loc + 1) * C]
        den = a_ref[core][:, 2 * C + loc:2 * C + loc + 1]
        el = exl[:, h:h + 1]
        hh = hmat[:, h * C:(h + 1) * C]
        o = (num + el * hh) / (den + el)
        acc = o if acc is None else acc + o
    f_ref[...] = acc * (1.0 / H) + b_ref[0][None, :]


def _combine3(accp, exl, p, b3):
    return pl.pallas_call(
        _combine3_body,
        grid=(GRID_N,),
        in_specs=[pl.BlockSpec((2, BN, 24), lambda i: (0, i, 0)),
                  pl.BlockSpec((BN, 8), lambda i: (i, 0)),
                  pl.BlockSpec((BN, 40), lambda i: (i, 0)),
                  pl.BlockSpec((1, C), lambda i: (0, 0))],
        out_specs=pl.BlockSpec((BN, C), lambda i: (i, 0)),
        out_shape=jax.ShapeDtypeStruct((N, C), jnp.float32),
    )(accp, exl, p, b3)


def _pool_body(f_ref, gf_ref, ids_ref, wm1_ref, bm1_ref, wm2_ref, bm2_ref,
               wm3_ref, bm3_ref, o_ref, ps_ref):
    i = pl.program_id(0)
    ids = ids_ref[0]
    giota = lax.broadcasted_iota(jnp.int32, (G, BN), 0)
    oh = (giota == ids).astype(jnp.float32)
    feat = jnp.concatenate(
        [f_ref[...], gf_ref[...], jnp.ones((BN, 1), jnp.float32)], axis=1)
    part = jnp.dot(oh, feat, preferred_element_type=jnp.float32)

    @pl.when(i == 0)
    def _():
        ps_ref[...] = part

    @pl.when(i > 0)
    def _():
        ps_ref[...] = ps_ref[...] + part

    @pl.when(i == GRID_N - 1)
    def _():
        ps = ps_ref[...]
        cnt = jnp.maximum(ps[:, 24:25], 1.0)
        z = ps[:, :24] / cnt
        z = jnp.maximum(jnp.dot(z, wm1_ref[...], preferred_element_type=jnp.float32)
                        + bm1_ref[0][None, :], 0.0)
        z = jnp.maximum(jnp.dot(z, wm2_ref[...], preferred_element_type=jnp.float32)
                        + bm2_ref[0][None, :], 0.0)
        o_ref[...] = (jnp.dot(z, wm3_ref[...], preferred_element_type=jnp.float32)
                      + bm3_ref[0][None, :])


def _pool_mlp(f, gf, ids3, Wm1, bm1, Wm2, bm2, Wm3, bm3):
    return pl.pallas_call(
        _pool_body,
        grid=(GRID_N,),
        in_specs=[pl.BlockSpec((BN, C), lambda i: (i, 0)),
                  pl.BlockSpec((BN, GRAPH_D), lambda i: (i, 0)),
                  pl.BlockSpec((1, 1, BN), lambda i: (i, 0, 0)),
                  pl.BlockSpec((C + GRAPH_D, C), lambda i: (0, 0)),
                  pl.BlockSpec((1, C), lambda i: (0, 0)),
                  pl.BlockSpec((C, C // 2), lambda i: (0, 0)),
                  pl.BlockSpec((1, C // 2), lambda i: (0, 0)),
                  pl.BlockSpec((C // 2, OUT), lambda i: (0, 0)),
                  pl.BlockSpec((1, OUT), lambda i: (0, 0))],
        out_specs=pl.BlockSpec((G, OUT), lambda i: (0, 0)),
        out_shape=jax.ShapeDtypeStruct((G, OUT), jnp.float32),
        scratch_shapes=[pltpu.VMEM((G, 25), jnp.float32)],
    )(f, gf, ids3, Wm1, bm1, Wm2, bm2, Wm3, bm3)



def _splat_dyn(ref, base, off):
    return plsc.load_gather(ref, [jnp.full((16,), base, jnp.int32) + off])


NB = 2


def _pass_b_body(src_hbm, dst_hbm, ea_hbm, p_hbm, dstt_hbm, weab_hbm, z_hbm,
                 out_hbm, srcv, dstv, eav, pbuf, dbuf, msg, weav, acc,
                 semp, semd, sems):
    cid = lax.axis_index("c")
    sid = lax.axis_index("s")
    pltpu.sync_copy(z_hbm.at[pl.ds(sid * ZSL, ZSL)], acc.at[pl.ds(sid * ZSL, ZSL)])
    pltpu.sync_copy(weab_hbm, weav)

    def zrow(i, _):
        for b in range(NB):
            msg[b][i, pl.ds(0, 16)] = jnp.zeros((16,), jnp.float32)
            msg[b][i, pl.ds(8, 16)] = jnp.zeros((16,), jnp.float32)
        return 0

    lax.fori_loop(0, CH, zrow, 0)
    plsc.subcore_barrier()

    iota = lax.iota(jnp.int32, 16)
    hbase = cid * 2
    wsp = [[_splat_dyn(weav, j * H, hbase + hh) for j in range(EDGE_D)]
           for hh in range(2)]

    def superchunk(i, _):
        cps = []
        for b in range(NB):
            base = (sid * CPT + i * NB + b) * CH
            pltpu.sync_copy(src_hbm.at[pl.ds(base, CH)], srcv[b])
            pltpu.sync_copy(dst_hbm.at[pl.ds(base, CH)], dstv[b])
            pltpu.sync_copy(ea_hbm.at[pl.ds(base, CH)], eav[b])
            cps.append((pltpu.async_copy(p_hbm.at[srcv[b]], pbuf[b], semp[b]),
                        pltpu.async_copy(dstt_hbm.at[dstv[b]], dbuf[b], semd[b])))
        scs = []
        for b in range(NB):
            cps[b][0].wait()
            cps[b][1].wait()

            def group(g, _, b=b):
                rows = iota + g * 16
                eaj = [plsc.load_gather(
                    eav[b], [rows, jnp.full((16,), j, jnp.int32)])
                    for j in range(EDGE_D)]
                for hh in range(2):
                    hcol = hbase + hh
                    als = plsc.load_gather(
                        pbuf[b], [rows, jnp.full((16,), HC, jnp.int32) + hcol])
                    ald = plsc.load_gather(
                        dbuf[b], [rows, jnp.full((16,), 0, jnp.int32) + hcol])
                    kv = plsc.load_gather(
                        dbuf[b], [rows, jnp.full((16,), H, jnp.int32) + hcol])
                    ale = eaj[0] * wsp[hh][0]
                    for j in range(1, EDGE_D):
                        ale = ale + eaj[j] * wsp[hh][j]
                    z = als + ald + ale
                    alpha = jnp.where(z > 0, z, 0.2 * z)
                    ex = jnp.exp(alpha - kv)
                    plsc.store_scatter(
                        msg[b], [rows, jnp.full((16,), 2 * C + hh, jnp.int32)],
                        ex)
                    for c in range(C):
                        hv = plsc.load_gather(
                            pbuf[b],
                            [rows, jnp.full((16,), c, jnp.int32) + hcol * C])
                        plsc.store_scatter(
                            msg[b],
                            [rows, jnp.full((16,), hh * C + c, jnp.int32)],
                            ex * hv)
                return 0

            lax.fori_loop(0, CH // 16, group, 0)
            pltpu.sync_copy(msg[b], acc.at[dstv[b]], add=True)
        return 0

    lax.fori_loop(0, CPT // NB, superchunk, 0)
    plsc.subcore_barrier()
    pltpu.sync_copy(acc.at[pl.ds(sid * ZSL, ZSL)],
                    out_hbm.at[cid, pl.ds(sid * ZSL, ZSL)])


@functools.lru_cache(maxsize=1)
def _sc_kernels():
    mesh = plsc.VectorSubcoreMesh(core_axis_name="c", subcore_axis_name="s")
    cp = pltpu.CompilerParams(needs_layout_passes=False,
                              use_tc_tiling_on_sc=False)
    pass_b = pl.kernel(
        _pass_b_body,
        out_type=jax.ShapeDtypeStruct((2, NPAD, 24), jnp.float32),
        mesh=mesh,
        compiler_params=cp,
        scratch_types=[
            [pltpu.VMEM((CH,), jnp.int32)] * NB,
            [pltpu.VMEM((CH,), jnp.int32)] * NB,
            [pltpu.VMEM((CH, EDGE_D), jnp.float32)] * NB,
            [pltpu.VMEM((CH, 40), jnp.float32)] * NB,
            [pltpu.VMEM((CH, 8), jnp.float32)] * NB,
            [pltpu.VMEM((CH, 24), jnp.float32)] * NB,
            pltpu.VMEM((32,), jnp.float32),
            pltpu.VMEM_SHARED((NPAD, 24), jnp.float32),
            [pltpu.SemaphoreType.DMA] * NB,
            [pltpu.SemaphoreType.DMA] * NB,
            [pltpu.SemaphoreType.DMA] * NB,
        ],
    )
    return pass_b



def _fold(a):
    idx = jnp.arange(HC)
    return jnp.zeros((HC, H), jnp.float32).at[idx, idx // C].set(a.reshape(HC))


def kernel(x, edge_index, edge_attr, batch,
           W1, as1, ad1, We1, ae1, b1,
           W2, as2, ad2, We2, ae2, b2,
           W3, as3, ad3, We3, ae3, b3,
           Wm1, bm1, Wm2, bm2, Wm3, bm3):
    src = edge_index[0].astype(jnp.int32)
    dst = edge_index[1].astype(jnp.int32)
    src_p = jnp.concatenate([src, jnp.zeros((EPAD - E,), jnp.int32)])
    dst_p = jnp.concatenate([dst, jnp.full((EPAD - E,), N, jnp.int32)])
    ea_p = jnp.concatenate(
        [edge_attr, jnp.zeros((EPAD - E, EDGE_D), jnp.float32)])

    st = _ea_stats(edge_attr)
    m_abs = st[0, :EDGE_D]
    fill = st[0, EDGE_D:] / E

    z24 = jnp.zeros((NPAD, 24), jnp.float32)

    pass_b = _sc_kernels()
    layers = [(W1, as1, ad1, We1, ae1, b1),
              (W2, as2, ad2, We2, ae2, b2),
              (W3, as3, ad3, We3, ae3, b3)]
    x_cur = x[:, :NODE_D]
    f3 = None
    for li, (W, a_s, a_d, We, a_e, b) in enumerate(layers):
        wfull = jnp.concatenate(
            [W, W @ _fold(a_s), W @ _fold(a_d)], axis=1)
        we_a = jnp.einsum('jhc,hc->jh', We.reshape(EDGE_D, H, C), a_e)
        p_tab, s8, bm = _prep(x_cur, wfull)
        alsmax = jnp.max(bm[:, 0, :H], axis=0)
        ub = jnp.sum(m_abs[:, None] * jnp.abs(we_a), axis=0)
        bub = alsmax + ub
        al_fill = fill @ we_a
        weab = jnp.concatenate(
            [we_a.reshape(-1), bub, jnp.zeros((12,), jnp.float32)])
        aux = jnp.concatenate(
            [bub, al_fill, jnp.zeros((8,), jnp.float32)]).reshape(1, 16)
        dstt, exl = _k_kernel(s8, aux)
        accp = pass_b(src_p, dst_p, ea_p, p_tab, dstt, weab, z24)
        if li < 2:
            x_cur = _combine12(accp, exl, p_tab, b.reshape(1, HC))
        else:
            f3 = _combine3(accp, exl, p_tab, b.reshape(1, C))

    gf = x[:, NODE_D:]
    ids3 = batch.astype(jnp.int32).reshape(GRID_N, 1, BN)
    return _pool_mlp(f3, gf, ids3,
                     Wm1, bm1.reshape(1, C),
                     Wm2, bm2.reshape(1, C // 2),
                     Wm3, bm3.reshape(1, OUT))

# --- scband reference (transcript-rebuilt; emitter-appended) ---
"""Pipeline reference for scband-graph-gat3-layer-classifier-stats-1949915152979 (READ-ONLY COPY).

The authoritative reference and input builder live on the scoring server;
editing this copy changes nothing except your own understanding.
"""

import jax, jax.numpy as jnp
import numpy as np

N = 50000
E = 800000
F_IN = 128
NODE_D = 112
GRAPH_D = 16
H = 4
C = 8
EDGE_D = 4
OUT = 8
G = 64
NODE_IDX = jnp.arange(NODE_D)
GRAPH_IDX = jnp.arange(NODE_D, F_IN)

PARAM_SHAPES = [('W1', (NODE_D, H * C)), ('as1', (H, C)), ('ad1', (H, C)), ('We1', (EDGE_D, H * C)), ('ae1', (H, C)), ('b1', (H * C,)), ('W2', (H * C, H * C)), ('as2', (H, C)), ('ad2', (H, C)), ('We2', (EDGE_D, H * C)), ('ae2', (H, C)), ('b2', (H * C,)), ('W3', (H * C, H * C)), ('as3', (H, C)), ('ad3', (H, C)), ('We3', (EDGE_D, H * C)), ('ae3', (H, C)), ('b3', (C,)), ('Wm1', (C + GRAPH_D, C)), ('bm1', (C,)), ('Wm2', (C, C // 2)), ('bm2', (C // 2,)), ('Wm3', (C // 2, OUT)), ('bm3', (OUT,))]

def setup_inputs(seed: int = 0):
    key = jax.random.key(seed)
    ks = jax.random.split(key, 40)
    inp = {}
    inp['x'] = jax.random.normal(ks[0], (N, F_IN), dtype=jnp.float32)
    inp['edge_index'] = jax.random.randint(ks[1], (2, E), 0, N)
    inp['edge_attr'] = jax.random.normal(ks[2], (E, EDGE_D), dtype=jnp.float32)
    inp['batch'] = jnp.sort(jax.random.randint(ks[3], (N,), 0, G))
    for i, (name, shape) in enumerate(PARAM_SHAPES):
        inp[name] = jax.random.normal(ks[4 + i], shape, dtype=jnp.float32) * 0.1
    return inp

def _gat(x, src, dst, ea, W, a_s, a_d, We, a_e, b, concat):
    # PyG GATConv semantics: add self loops (edge_attr fill_value='mean'),
    # attention = softmax_dst(leaky_relu(a_src.h_src + a_dst.h_dst + a_edge.We.ea)).
    # Dropout is identity in eval mode.
    n = x.shape[0]
    loop = jnp.arange(n)
    s = jnp.concatenate([src, loop])
    d = jnp.concatenate([dst, loop])
    fill = jnp.mean(ea, axis=0, keepdims=True)
    ea2 = jnp.concatenate([ea, jnp.broadcast_to(fill, (n, ea.shape[1]))], axis=0)
    h = (x @ W).reshape(n, H, C)
    al_s = jnp.sum(h * a_s[None], axis=-1)
    al_d = jnp.sum(h * a_d[None], axis=-1)
    eh = (ea2 @ We).reshape(-1, H, C)
    al_e = jnp.sum(eh * a_e[None], axis=-1)
    alpha = al_s[s] + al_d[d] + al_e
    alpha = jax.nn.leaky_relu(alpha, 0.2)
    amax = jax.lax.stop_gradient(jax.ops.segment_max(alpha, d, num_segments=n))
    ex = jnp.exp(alpha - amax[d])
    den = jax.ops.segment_sum(ex, d, num_segments=n)
    att = ex / (den[d] + 1e-16)
    msg = h[s] * att[:, :, None]
    out = jax.ops.segment_sum(msg, d, num_segments=n)
    if concat:
        return out.reshape(n, H * C) + b
    return jnp.mean(out, axis=1) + b

def _mean_pool(feat, batch):
    cnt = jax.ops.segment_sum(jnp.ones((feat.shape[0],), dtype=feat.dtype), batch, num_segments=G)
    s = jax.ops.segment_sum(feat, batch, num_segments=G)
    return s / jnp.clip(cnt, 1.0)[:, None]

def reference(x, edge_index, edge_attr, batch, W1, as1, ad1, We1, ae1, b1, W2, as2, ad2, We2, ae2, b2, W3, as3, ad3, We3, ae3, b3, Wm1, bm1, Wm2, bm2, Wm3, bm3):
    src, dst = edge_index[0], edge_index[1]
    node_t = x[:, NODE_IDX]
    graph_f = x[:, GRAPH_IDX]
    graph_t = _mean_pool(graph_f, batch)
    h = jax.nn.relu(_gat(node_t, src, dst, edge_attr, W1, as1, ad1, We1, ae1, b1, True))
    h = jax.nn.relu(_gat(h, src, dst, edge_attr, W2, as2, ad2, We2, ae2, b2, True))
    h = _gat(h, src, dst, edge_attr, W3, as3, ad3, We3, ae3, b3, False)
    pooled = _mean_pool(h, batch)
    z = jnp.concatenate([pooled, graph_t], axis=1)
    z = jax.nn.relu(z @ Wm1 + bm1)
    z = jax.nn.relu(z @ Wm2 + bm2)
    return z @ Wm3 + bm3

if __name__ == "__main__":
    import jax
    _d = setup_inputs()
    print(jax.jit(kernel)(*tuple(_d.values())))

</pallas_src>

<mosaic_0001>
#map = affine_map<(d0, d1) -> (0)>
#map1 = affine_map<(d0, d1) -> (0, 0)>
#map2 = affine_map<(d0, d1) -> (0, 0, 0)>
module attributes {stable_mosaic.version = 14 : i64} {
  func.func @_pass_b_body(%arg0: i32, %arg1: i32, %arg2: memref<802816xi32, #tpu.memory_space<hbm>>, %arg3: memref<802816xi32, #tpu.memory_space<hbm>>, %arg4: memref<802816x4xf32, #tpu.memory_space<hbm>>, %arg5: memref<50000x40xf32, #tpu.memory_space<hbm>>, %arg6: memref<50048x8xf32, #tpu.memory_space<hbm>>, %arg7: memref<32xf32, #tpu.memory_space<hbm>>, %arg8: memref<50048x24xf32, #tpu.memory_space<hbm>>, %arg9: memref<2x50048x24xf32, #tpu.memory_space<hbm>>, %arg10: memref<256xi32, #tpu.memory_space<vmem>>, %arg11: memref<256xi32, #tpu.memory_space<vmem>>, %arg12: memref<256xi32, #tpu.memory_space<vmem>>, %arg13: memref<256xi32, #tpu.memory_space<vmem>>, %arg14: memref<256x4xf32, #tpu.memory_space<vmem>>, %arg15: memref<256x4xf32, #tpu.memory_space<vmem>>, %arg16: memref<256x40xf32, #tpu.memory_space<vmem>>, %arg17: memref<256x40xf32, #tpu.memory_space<vmem>>, %arg18: memref<256x8xf32, #tpu.memory_space<vmem>>, %arg19: memref<256x8xf32, #tpu.memory_space<vmem>>, %arg20: memref<256x24xf32, #tpu.memory_space<vmem>>, %arg21: memref<256x24xf32, #tpu.memory_space<vmem>>, %arg22: memref<32xf32, #tpu.memory_space<vmem>>, %arg23: memref<50048x24xf32, #tpu.memory_space<vmem_shared>>, %arg24: memref<!tpu.dma_semaphore, #tpu.memory_space<semaphore_mem>>, %arg25: memref<!tpu.dma_semaphore, #tpu.memory_space<semaphore_mem>>, %arg26: memref<!tpu.dma_semaphore, #tpu.memory_space<semaphore_mem>>, %arg27: memref<!tpu.dma_semaphore, #tpu.memory_space<semaphore_mem>>, %arg28: memref<!tpu.dma_semaphore, #tpu.memory_space<semaphore_mem>>, %arg29: memref<!tpu.dma_semaphore, #tpu.memory_space<semaphore_mem>>) attributes {dimension_semantics = [#tpu.dimension_semantics<core_parallel>, #tpu.dimension_semantics<subcore_parallel>], iteration_bounds = array<i64: 2, 16>, scalar_prefetch = 0 : i64, scratch_operands = 20 : i64, tpu.core_type = #tpu.core_type<sc_vector_subcore>, window_params = [{transform_indices = #map}, {transform_indices = #map}, {transform_indices = #map1}, {transform_indices = #map1}, {transform_indices = #map1}, {transform_indices = #map}, {transform_indices = #map1}, {transform_indices = #map2}]} {
    %mul3A = arith.constant 3128 : i32
    %mul3A_0 = arith.muli %arg1, %mul3A : i32
    %mul3A_1 = arith.constant 3128 : i32
    %mul3A_2 = arith.muli %arg1, %mul3A_1 : i32
    "tpu.region"() ({
      %run_scoped3A = tpu.sem_alloc : memref<!tpu.dma_semaphore, #tpu.memory_space<semaphore_mem>>
      %dma_start3A = arith.constant 0 : i32
      %dma_start3A_76 = tpu.memref_slice %arg23[%mul3A_2, %dma_start3A] : memref<50048x24xf32, #tpu.memory_space<vmem_shared>> -> memref<3128x24xf32, #tpu.memory_space<vmem_shared>>
      %dma_start3A_77 = arith.constant 0 : i32
      %dma_start3A_78 = tpu.memref_slice %arg8[%mul3A_0, %dma_start3A_77] : memref<50048x24xf32, #tpu.memory_space<hbm>> -> memref<3128x24xf32, #tpu.memory_space<hbm>>
      tpu.enqueue_dma source(%dma_start3A_78 : memref<3128x24xf32, #tpu.memory_space<hbm>>) target(%dma_start3A_76 : memref<3128x24xf32, #tpu.memory_space<vmem_shared>>) target_semaphore(%run_scoped3A : memref<!tpu.dma_semaphore, #tpu.memory_space<semaphore_mem>>)
      %dma_wait3A = arith.constant 0 : i32
      %dma_wait3A_79 = tpu.memref_slice %arg23[%mul3A_2, %dma_wait3A] : memref<50048x24xf32, #tpu.memory_space<vmem_shared>> -> memref<3128x24xf32, #tpu.memory_space<vmem_shared>>
      %dma_wait3A_80 = arith.constant 0 : i32
      %dma_wait3A_81 = tpu.memref_slice %arg8[%mul3A_0, %dma_wait3A_80] : memref<50048x24xf32, #tpu.memory_space<hbm>> -> memref<3128x24xf32, #tpu.memory_space<hbm>>
      tpu.wait_dma2 semaphore(%run_scoped3A : memref<!tpu.dma_semaphore, #tpu.memory_space<semaphore_mem>>) src(%dma_wait3A_81 : memref<3128x24xf32, #tpu.memory_space<hbm>>) dst(%dma_wait3A_79 : memref<3128x24xf32, #tpu.memory_space<vmem_shared>>)
      tpu.yield
    }) : () -> ()
    "tpu.region"() ({
      %run_scoped3A = tpu.sem_alloc : memref<!tpu.dma_semaphore, #tpu.memory_space<semaphore_mem>>
      tpu.enqueue_dma source(%arg7 : memref<32xf32, #tpu.memory_space<hbm>>) target(%arg22 : memref<32xf32, #tpu.memory_space<vmem>>) target_semaphore(%run_scoped3A : memref<!tpu.dma_semaphore, #tpu.memory_space<semaphore_mem>>)
      tpu.wait_dma2 semaphore(%run_scoped3A : memref<!tpu.dma_semaphore, #tpu.memory_space<semaphore_mem>>) src(%arg7 : memref<32xf32, #tpu.memory_space<hbm>>) dst(%arg22 : memref<32xf32, #tpu.memory_space<vmem>>)
      tpu.yield
    }) : () -> ()
    %scan3A = arith.constant 0 : i32
    %scan3A_3 = arith.constant 0 : i32
    %scan3A_4 = arith.constant 256 : i32
    %scan3A_5 = arith.addi %scan3A_3, %scan3A_4 : i32
    %scan3A_6 = arith.constant 1 : i32
    %scan3A_7 = scf.for %scan3A_76 = %scan3A_3 to %scan3A_5 step %scan3A_6 iter_args(%scan3A_77 = %scan3A) -> (i32)  : i32 {
      %broadcast_in_dim3A_78 = arith.constant 0.000000e+00 : f32
      %broadcast_in_dim3A_79 = vector.broadcast %broadcast_in_dim3A_78 : f32 to vector<16xf32>
      %swap3A = arith.index_cast %scan3A_76 : i32 to index
      %swap3A_80 = arith.constant 0 : index
      %swap3A_81 = tpu.vector_load %arg20[%swap3A, %swap3A_80] {strides = array<i32>} : memref<256x24xf32, #tpu.memory_space<vmem>>, vector<16xf32>,
      tpu.vector_store %arg20[%swap3A, %swap3A_80], %broadcast_in_dim3A_79 {strides = array<i32>} : memref<256x24xf32, #tpu.memory_space<vmem>>, vector<16xf32>,
      %broadcast_in_dim3A_82 = arith.constant 0.000000e+00 : f32
      %broadcast_in_dim3A_83 = vector.broadcast %broadcast_in_dim3A_82 : f32 to vector<16xf32>
      %swap3A_84 = arith.index_cast %scan3A_76 : i32 to index
      %swap3A_85 = arith.constant 8 : index
      %swap3A_86 = tpu.vector_load %arg20[%swap3A_84, %swap3A_85] {strides = array<i32>} : memref<256x24xf32, #tpu.memory_space<vmem>>, vector<16xf32>,
      tpu.vector_store %arg20[%swap3A_84, %swap3A_85], %broadcast_in_dim3A_83 {strides = array<i32>} : memref<256x24xf32, #tpu.memory_space<vmem>>, vector<16xf32>,
      %broadcast_in_dim3A_87 = arith.constant 0.000000e+00 : f32
      %broadcast_in_dim3A_88 = vector.broadcast %broadcast_in_dim3A_87 : f32 to vector<16xf32>
      %swap3A_89 = arith.index_cast %scan3A_76 : i32 to index
      %swap3A_90 = arith.constant 0 : index
      %swap3A_91 = tpu.vector_load %arg21[%swap3A_89, %swap3A_90] {strides = array<i32>} : memref<256x24xf32, #tpu.memory_space<vmem>>, vector<16xf32>,
      tpu.vector_store %arg21[%swap3A_89, %swap3A_90], %broadcast_in_dim3A_88 {strides = array<i32>} : memref<256x24xf32, #tpu.memory_space<vmem>>, vector<16xf32>,
      %broadcast_in_dim3A_92 = arith.constant 0.000000e+00 : f32
      %broadcast_in_dim3A_93 = vector.broadcast %broadcast_in_dim3A_92 : f32 to vector<16xf32>
      %swap3A_94 = arith.index_cast %scan3A_76 : i32 to index
      %swap3A_95 = arith.constant 8 : index
      %swap3A_96 = tpu.vector_load %arg21[%swap3A_94, %swap3A_95] {strides = array<i32>} : memref<256x24xf32, #tpu.memory_space<vmem>>, vector<16xf32>,
      tpu.vector_store %arg21[%swap3A_94, %swap3A_95], %broadcast_in_dim3A_93 {strides = array<i32>} : memref<256x24xf32, #tpu.memory_space<vmem>>, vector<16xf32>,
      %scan3A_97 = arith.constant 0 : i32
      scf.yield %scan3A_97 : i32
    }
    %scan3A_8 = arith.constant 256 : i32
    %barrier3A = arith.constant 0 : index
    tpu.barrier barrier_id(%barrier3A)
    %iota3A = tpu.iota {dimensions = array<i32: 0>} : vector<16xi32>
    %mul3A_9 = arith.constant 2 : i32
    %mul3A_10 = arith.muli %arg0, %mul3A_9 : i32
    %add3A = arith.constant 0 : i32
    %add3A_11 = arith.addi %mul3A_10, %add3A : i32
    %broadcast_in_dim3A = arith.constant 0 : i32
    %broadcast_in_dim3A_12 = vector.broadcast %broadcast_in_dim3A : i32 to vector<16xi32>
    %add3A_13 = vector.broadcast %add3A_11 : i32 to vector<16xi32>
    %add3A_14 = arith.addi %broadcast_in_dim3A_12, %add3A_13 : vector<16xi32>
    %gather3A = tpu.vector_load_idx %arg22[%add3A_14] : memref<32xf32, #tpu.memory_space<vmem>>[vector<16xi32>], vector<16xf32>,
    %add3A_15 = arith.constant 0 : i32
    %add3A_16 = arith.addi %mul3A_10, %add3A_15 : i32
    %broadcast_in_dim3A_17 = arith.constant 4 : i32
    %broadcast_in_dim3A_18 = vector.broadcast %broadcast_in_dim3A_17 : i32 to vector<16xi32>
    %add3A_19 = vector.broadcast %add3A_16 : i32 to vector<16xi32>
    %add3A_20 = arith.addi %broadcast_in_dim3A_18, %add3A_19 : vector<16xi32>
    %gather3A_21 = tpu.vector_load_idx %arg22[%add3A_20] : memref<32xf32, #tpu.memory_space<vmem>>[vector<16xi32>], vector<16xf32>,
    %add3A_22 = arith.constant 0 : i32
    %add3A_23 = arith.addi %mul3A_10, %add3A_22 : i32
    %broadcast_in_dim3A_24 = arith.constant 8 : i32
    %broadcast_in_dim3A_25 = vector.broadcast %broadcast_in_dim3A_24 : i32 to vector<16xi32>
    %add3A_26 = vector.broadcast %add3A_23 : i32 to vector<16xi32>
    %add3A_27 = arith.addi %broadcast_in_dim3A_25, %add3A_26 : vector<16xi32>
    %gather3A_28 = tpu.vector_load_idx %arg22[%add3A_27] : memref<32xf32, #tpu.memory_space<vmem>>[vector<16xi32>], vector<16xf32>,
    %add3A_29 = arith.constant 0 : i32
    %add3A_30 = arith.addi %mul3A_10, %add3A_29 : i32
    %broadcast_in_dim3A_31 = arith.constant 12 : i32
    %broadcast_in_dim3A_32 = vector.broadcast %broadcast_in_dim3A_31 : i32 to vector<16xi32>
    %add3A_33 = vector.broadcast %add3A_30 : i32 to vector<16xi32>
    %add3A_34 = arith.addi %broadcast_in_dim3A_32, %add3A_33 : vector<16xi32>
    %gather3A_35 = tpu.vector_load_idx %arg22[%add3A_34] : memref<32xf32, #tpu.memory_space<vmem>>[vector<16xi32>], vector<16xf32>,
    %add3A_36 = arith.constant 1 : i32
    %add3A_37 = arith.addi %mul3A_10, %add3A_36 : i32
    %broadcast_in_dim3A_38 = arith.constant 0 : i32
    %broadcast_in_dim3A_39 = vector.broadcast %broadcast_in_dim3A_38 : i32 to vector<16xi32>
    %add3A_40 = vector.broadcast %add3A_37 : i32 to vector<16xi32>
    %add3A_41 = arith.addi %broadcast_in_dim3A_39, %add3A_40 : vector<16xi32>
    %gather3A_42 = tpu.vector_load_idx %arg22[%add3A_41] : memref<32xf32, #tpu.memory_space<vmem>>[vector<16xi32>], vector<16xf32>,
    %add3A_43 = arith.constant 1 : i32
    %add3A_44 = arith.addi %mul3A_10, %add3A_43 : i32
    %broadcast_in_dim3A_45 = arith.constant 4 : i32
    %broadcast_in_dim3A_46 = vector.broadcast %broadcast_in_dim3A_45 : i32 to vector<16xi32>
    %add3A_47 = vector.broadcast %add3A_44 : i32 to vector<16xi32>
    %add3A_48 = arith.addi %broadcast_in_dim3A_46, %add3A_47 : vector<16xi32>
    %gather3A_49 = tpu.vector_load_idx %arg22[%add3A_48] : memref<32xf32, #tpu.memory_space<vmem>>[vector<16xi32>], vector<16xf32>,
    %add3A_50 = arith.constant 1 : i32
    %add3A_51 = arith.addi %mul3A_10, %add3A_50 : i32
    %broadcast_in_dim3A_52 = arith.constant 8 : i32
    %broadcast_in_dim3A_53 = vector.broadcast %broadcast_in_dim3A_52 : i32 to vector<16xi32>
    %add3A_54 = vector.broadcast %add3A_51 : i32 to vector<16xi32>
    %add3A_55 = arith.addi %broadcast_in_dim3A_53, %add3A_54 : vector<16xi32>
    %gather3A_56 = tpu.vector_load_idx %arg22[%add3A_55] : memref<32xf32, #tpu.memory_space<vmem>>[vector<16xi32>], vector<16xf32>,
    %add3A_57 = arith.constant 1 : i32
    %add3A_58 = arith.addi %mul3A_10, %add3A_57 : i32
    %broadcast_in_dim3A_59 = arith.constant 12 : i32
    %broadcast_in_dim3A_60 = vector.broadcast %broadcast_in_dim3A_59 : i32 to vector<16xi32>
    %add3A_61 = vector.broadcast %add3A_58 : i32 to vector<16xi32>
    %add3A_62 = arith.addi %broadcast_in_dim3A_60, %add3A_61 : vector<16xi32>
    %gather3A_63 = tpu.vector_load_idx %arg22[%add3A_62] : memref<32xf32, #tpu.memory_space<vmem>>[vector<16xi32>], vector<16xf32>,
    %scan3A_64 = arith.constant 0 : i32
    %scan3A_65 = arith.constant 0 : i32
    %scan3A_66 = arith.constant 98 : i32
    %scan3A_67 = arith.addi %scan3A_65, %scan3A_66 : i32
    %scan3A_68 = arith.constant 1 : i32
    %scan3A_69 = scf.for %scan3A_76 = %scan3A_65 to %scan3A_67 step %scan3A_68 iter_args(%scan3A_77 = %scan3A_64) -> (i32)  : i32 {
      %mul3A_78 = arith.constant 196 : i32
      %mul3A_79 = arith.muli %arg1, %mul3A_78 : i32
      %mul3A_80 = arith.constant 2 : i32
      %mul3A_81 = arith.muli %scan3A_76, %mul3A_80 : i32
      %add3A_82 = arith.addi %mul3A_79, %mul3A_81 : i32
      %add3A_83 = arith.constant 0 : i32
      %add3A_84 = arith.addi %add3A_82, %add3A_83 : i32
      %mul3A_85 = arith.constant 256 : i32
      %mul3A_86 = arith.muli %add3A_84, %mul3A_85 : i32
      "tpu.region"() ({
        %run_scoped3A = tpu.sem_alloc : memref<!tpu.dma_semaphore, #tpu.memory_space<semaphore_mem>>
        %dma_start3A_133 = tpu.memref_slice %arg2[%mul3A_86] : memref<802816xi32, #tpu.memory_space<hbm>> -> memref<256xi32, #tpu.memory_space<hbm>>
        %dma_start3A_134 = tpu.memref_slice %arg2[%mul3A_86] : memref<802816xi32, #tpu.memory_space<hbm>> -> memref<256xi32, #tpu.memory_space<hbm>>
        tpu.enqueue_dma source(%dma_start3A_134 : memref<256xi32, #tpu.memory_space<hbm>>) target(%arg10 : memref<256xi32, #tpu.memory_space<vmem>>) target_semaphore(%run_scoped3A : memref<!tpu.dma_semaphore, #tpu.memory_space<semaphore_mem>>)
        %dma_wait3A_135 = tpu.memref_slice %arg2[%mul3A_86] : memref<802816xi32, #tpu.memory_space<hbm>> -> memref<256xi32, #tpu.memory_space<hbm>>
        %dma_wait3A_136 = tpu.memref_slice %arg2[%mul3A_86] : memref<802816xi32, #tpu.memory_space<hbm>> -> memref<256xi32, #tpu.memory_space<hbm>>
        tpu.wait_dma2 semaphore(%run_scoped3A : memref<!tpu.dma_semaphore, #tpu.memory_space<semaphore_mem>>) src(%dma_wait3A_136 : memref<256xi32, #tpu.memory_space<hbm>>) dst(%arg10 : memref<256xi32, #tpu.memory_space<vmem>>)
        tpu.yield
      }) : () -> ()
      "tpu.region"() ({
        %run_scoped3A = tpu.sem_alloc : memref<!tpu.dma_semaphore, #tpu.memory_space<semaphore_mem>>
        %dma_start3A_133 = tpu.memref_slice %arg3[%mul3A_86] : memref<802816xi32, #tpu.memory_space<hbm>> -> memref<256xi32, #tpu.memory_space<hbm>>
        %dma_start3A_134 = tpu.memref_slice %arg3[%mul3A_86] : memref<802816xi32, #tpu.memory_space<hbm>> -> memref<256xi32, #tpu.memory_space<hbm>>
        tpu.enqueue_dma source(%dma_start3A_134 : memref<256xi32, #tpu.memory_space<hbm>>) target(%arg12 : memref<256xi32, #tpu.memory_space<vmem>>) target_semaphore(%run_scoped3A : memref<!tpu.dma_semaphore, #tpu.memory_space<semaphore_mem>>)
        %dma_wait3A_135 = tpu.memref_slice %arg3[%mul3A_86] : memref<802816xi32, #tpu.memory_space<hbm>> -> memref<256xi32, #tpu.memory_space<hbm>>
        %dma_wait3A_136 = tpu.memref_slice %arg3[%mul3A_86] : memref<802816xi32, #tpu.memory_space<hbm>> -> memref<256xi32, #tpu.memory_space<hbm>>
        tpu.wait_dma2 semaphore(%run_scoped3A : memref<!tpu.dma_semaphore, #tpu.memory_space<semaphore_mem>>) src(%dma_wait3A_136 : memref<256xi32, #tpu.memory_space<hbm>>) dst(%arg12 : memref<256xi32, #tpu.memory_space<vmem>>)
        tpu.yield
      }) : () -> ()
      "tpu.region"() ({
        %run_scoped3A = tpu.sem_alloc : memref<!tpu.dma_semaphore, #tpu.memory_space<semaphore_mem>>
        %dma_start3A_133 = arith.constant 0 : i32
        %dma_start3A_134 = tpu.memref_slice %arg4[%mul3A_86, %dma_start3A_133] : memref<802816x4xf32, #tpu.memory_space<hbm>> -> memref<256x4xf32, #tpu.memory_space<hbm>>
        %dma_start3A_135 = arith.constant 0 : i32
        %dma_start3A_136 = tpu.memref_slice %arg4[%mul3A_86, %dma_start3A_135] : memref<802816x4xf32, #tpu.memory_space<hbm>> -> memref<256x4xf32, #tpu.memory_space<hbm>>
        tpu.enqueue_dma source(%dma_start3A_136 : memref<256x4xf32, #tpu.memory_space<hbm>>) target(%arg14 : memref<256x4xf32, #tpu.memory_space<vmem>>) target_semaphore(%run_scoped3A : memref<!tpu.dma_semaphore, #tpu.memory_space<semaphore_mem>>)
        %dma_wait3A_137 = arith.constant 0 : i32
        %dma_wait3A_138 = tpu.memref_slice %arg4[%mul3A_86, %dma_wait3A_137] : memref<802816x4xf32, #tpu.memory_space<hbm>> -> memref<256x4xf32, #tpu.memory_space<hbm>>
        %dma_wait3A_139 = arith.constant 0 : i32
        %dma_wait3A_140 = tpu.memref_slice %arg4[%mul3A_86, %dma_wait3A_139] : memref<802816x4xf32, #tpu.memory_space<hbm>> -> memref<256x4xf32, #tpu.memory_space<hbm>>
        tpu.wait_dma2 semaphore(%run_scoped3A : memref<!tpu.dma_semaphore, #tpu.memory_space<semaphore_mem>>) src(%dma_wait3A_140 : memref<256x4xf32, #tpu.memory_space<hbm>>) dst(%arg14 : memref<256x4xf32, #tpu.memory_space<vmem>>)
        tpu.yield
      }) : () -> ()
      %dma_start3A = arith.constant 0 : i32
      %dma_start3A_87 = arith.constant 0 : i32
      %dma_start3A_88 = tpu.memref_slice %arg5[%dma_start3A, %dma_start3A_87] : memref<50000x40xf32, #tpu.memory_space<hbm>> -> memref<50000x40xf32, #tpu.memory_space<hbm>>
      tpu.enqueue_indirect_dma source(%dma_start3A_88 : memref<50000x40xf32, #tpu.memory_space<hbm>>) target(%arg16 : memref<256x40xf32, #tpu.memory_space<vmem>>) offsets(%arg10 : memref<256xi32, #tpu.memory_space<vmem>>) semaphore(%arg24 : memref<!tpu.dma_semaphore, #tpu.memory_space<semaphore_mem>>)
      %dma_start3A_89 = arith.constant 0 : i32
      %dma_start3A_90 = arith.constant 0 : i32
      %dma_start3A_91 = tpu.memref_slice %arg6[%dma_start3A_89, %dma_start3A_90] : memref<50048x8xf32, #tpu.memory_space<hbm>> -> memref<50048x8xf32, #tpu.memory_space<hbm>>
      tpu.enqueue_indirect_dma source(%dma_start3A_91 : memref<50048x8xf32, #tpu.memory_space<hbm>>) target(%arg18 : memref<256x8xf32, #tpu.memory_space<vmem>>) offsets(%arg12 : memref<256xi32, #tpu.memory_space<vmem>>) semaphore(%arg26 : memref<!tpu.dma_semaphore, #tpu.memory_space<semaphore_mem>>)
      %mul3A_92 = arith.constant 196 : i32
      %mul3A_93 = arith.muli %arg1, %mul3A_92 : i32
      %mul3A_94 = arith.constant 2 : i32
      %mul3A_95 = arith.muli %scan3A_76, %mul3A_94 : i32
      %add3A_96 = arith.addi %mul3A_93, %mul3A_95 : i32
      %add3A_97 = arith.constant 1 : i32
      %add3A_98 = arith.addi %add3A_96, %add3A_97 : i32
      %mul3A_99 = arith.constant 256 : i32
      %mul3A_100 = arith.muli %add3A_98, %mul3A_99 : i32
      "tpu.region"() ({
        %run_scoped3A = tpu.sem_alloc : memref<!tpu.dma_semaphore, #tpu.memory_space<semaphore_mem>>
        %dma_start3A_133 = tpu.memref_slice %arg2[%mul3A_100] : memref<802816xi32, #tpu.memory_space<hbm>> -> memref<256xi32, #tpu.memory_space<hbm>>
        %dma_start3A_134 = tpu.memref_slice %arg2[%mul3A_100] : memref<802816xi32, #tpu.memory_space<hbm>> -> memref<256xi32, #tpu.memory_space<hbm>>
        tpu.enqueue_dma source(%dma_start3A_134 : memref<256xi32, #tpu.memory_space<hbm>>) target(%arg11 : memref<256xi32, #tpu.memory_space<vmem>>) target_semaphore(%run_scoped3A : memref<!tpu.dma_semaphore, #tpu.memory_space<semaphore_mem>>)
        %dma_wait3A_135 = tpu.memref_slice %arg2[%mul3A_100] : memref<802816xi32, #tpu.memory_space<hbm>> -> memref<256xi32, #tpu.memory_space<hbm>>
        %dma_wait3A_136 = tpu.memref_slice %arg2[%mul3A_100] : memref<802816xi32, #tpu.memory_space<hbm>> -> memref<256xi32, #tpu.memory_space<hbm>>
        tpu.wait_dma2 semaphore(%run_scoped3A : memref<!tpu.dma_semaphore, #tpu.memory_space<semaphore_mem>>) src(%dma_wait3A_136 : memref<256xi32, #tpu.memory_space<hbm>>) dst(%arg11 : memref<256xi32, #tpu.memory_space<vmem>>)
        tpu.yield
      }) : () -> ()
      "tpu.region"() ({
        %run_scoped3A = tpu.sem_alloc : memref<!tpu.dma_semaphore, #tpu.memory_space<semaphore_mem>>
        %dma_start3A_133 = tpu.memref_slice %arg3[%mul3A_100] : memref<802816xi32, #tpu.memory_space<hbm>> -> memref<256xi32, #tpu.memory_space<hbm>>
        %dma_start3A_134 = tpu.memref_slice %arg3[%mul3A_100] : memref<802816xi32, #tpu.memory_space<hbm>> -> memref<256xi32, #tpu.memory_space<hbm>>
        tpu.enqueue_dma source(%dma_start3A_134 : memref<256xi32, #tpu.memory_space<hbm>>) target(%arg13 : memref<256xi32, #tpu.memory_space<vmem>>) target_semaphore(%run_scoped3A : memref<!tpu.dma_semaphore, #tpu.memory_space<semaphore_mem>>)
        %dma_wait3A_135 = tpu.memref_slice %arg3[%mul3A_100] : memref<802816xi32, #tpu.memory_space<hbm>> -> memref<256xi32, #tpu.memory_space<hbm>>
        %dma_wait3A_136 = tpu.memref_slice %arg3[%mul3A_100] : memref<802816xi32, #tpu.memory_space<hbm>> -> memref<256xi32, #tpu.memory_space<hbm>>
        tpu.wait_dma2 semaphore(%run_scoped3A : memref<!tpu.dma_semaphore, #tpu.memory_space<semaphore_mem>>) src(%dma_wait3A_136 : memref<256xi32, #tpu.memory_space<hbm>>) dst(%arg13 : memref<256xi32, #tpu.memory_space<vmem>>)
        tpu.yield
      }) : () -> ()
      "tpu.region"() ({
        %run_scoped3A = tpu.sem_alloc : memref<!tpu.dma_semaphore, #tpu.memory_space<semaphore_mem>>
        %dma_start3A_133 = arith.constant 0 : i32
        %dma_start3A_134 = tpu.memref_slice %arg4[%mul3A_100, %dma_start3A_133] : memref<802816x4xf32, #tpu.memory_space<hbm>> -> memref<256x4xf32, #tpu.memory_space<hbm>>
        %dma_start3A_135 = arith.constant 0 : i32
        %dma_start3A_136 = tpu.memref_slice %arg4[%mul3A_100, %dma_start3A_135] : memref<802816x4xf32, #tpu.memory_space<hbm>> -> memref<256x4xf32, #tpu.memory_space<hbm>>
        tpu.enqueue_dma source(%dma_start3A_136 : memref<256x4xf32, #tpu.memory_space<hbm>>) target(%arg15 : memref<256x4xf32, #tpu.memory_space<vmem>>) target_semaphore(%run_scoped3A : memref<!tpu.dma_semaphore, #tpu.memory_space<semaphore_mem>>)
        %dma_wait3A_137 = arith.constant 0 : i32
        %dma_wait3A_138 = tpu.memref_slice %arg4[%mul3A_100, %dma_wait3A_137] : memref<802816x4xf32, #tpu.memory_space<hbm>> -> memref<256x4xf32, #tpu.memory_space<hbm>>
        %dma_wait3A_139 = arith.constant 0 : i32
        %dma_wait3A_140 = tpu.memref_slice %arg4[%mul3A_100, %dma_wait3A_139] : memref<802816x4xf32, #tpu.memory_space<hbm>> -> memref<256x4xf32, #tpu.memory_space<hbm>>
        tpu.wait_dma2 semaphore(%run_scoped3A : memref<!tpu.dma_semaphore, #tpu.memory_space<semaphore_mem>>) src(%dma_wait3A_140 : memref<256x4xf32, #tpu.memory_space<hbm>>) dst(%arg15 : memref<256x4xf32, #tpu.memory_space<vmem>>)
        tpu.yield
      }) : () -> ()
      %dma_start3A_101 = arith.constant 0 : i32
      %dma_start3A_102 = arith.constant 0 : i32
      %dma_start3A_103 = tpu.memref_slice %arg5[%dma_start3A_101, %dma_start3A_102] : memref<50000x40xf32, #tpu.memory_space<hbm>> -> memref<50000x40xf32, #tpu.memory_space<hbm>>
      tpu.enqueue_indirect_dma source(%dma_start3A_103 : memref<50000x40xf32, #tpu.memory_space<hbm>>) target(%arg17 : memref<256x40xf32, #tpu.memory_space<vmem>>) offsets(%arg11 : memref<256xi32, #tpu.memory_space<vmem>>) semaphore(%arg25 : memref<!tpu.dma_semaphore, #tpu.memory_space<semaphore_mem>>)
      %dma_start3A_104 = arith.constant 0 : i32
      %dma_start3A_105 = arith.constant 0 : i32
      %dma_start3A_106 = tpu.memref_slice %arg6[%dma_start3A_104, %dma_start3A_105] : memref<50048x8xf32, #tpu.memory_space<hbm>> -> memref<50048x8xf32, #tpu.memory_space<hbm>>
      tpu.enqueue_indirect_dma source(%dma_start3A_106 : memref<50048x8xf32, #tpu.memory_space<hbm>>) target(%arg19 : memref<256x8xf32, #tpu.memory_space<vmem>>) offsets(%arg13 : memref<256xi32, #tpu.memory_space<vmem>>) semaphore(%arg27 : memref<!tpu.dma_semaphore, #tpu.memory_space<semaphore_mem>>)
      %dma_wait3A = arith.constant 0 : i32
      %dma_wait3A_107 = arith.constant 0 : i32
      %dma_wait3A_108 = tpu.memref_slice %arg5[%dma_wait3A, %dma_wait3A_107] : memref<50000x40xf32, #tpu.memory_space<hbm>> -> memref<50000x40xf32, #tpu.memory_space<hbm>>
      tpu.wait_indirect_dma semaphore(%arg24 : memref<!tpu.dma_semaphore, #tpu.memory_space<semaphore_mem>>) src(%dma_wait3A_108 : memref<50000x40xf32, #tpu.memory_space<hbm>>) dst(%arg16 : memref<256x40xf32, #tpu.memory_space<vmem>>)
      %dma_wait3A_109 = arith.constant 0 : i32
      %dma_wait3A_110 = arith.constant 0 : i32
      %dma_wait3A_111 = tpu.memref_slice %arg6[%dma_wait3A_109, %dma_wait3A_110] : memref<50048x8xf32, #tpu.memory_space<hbm>> -> memref<50048x8xf32, #tpu.memory_space<hbm>>
      tpu.wait_indirect_dma semaphore(%arg26 : memref<!tpu.dma_semaphore, #tpu.memory_space<semaphore_mem>>) src(%dma_wait3A_111 : memref<50048x8xf32, #tpu.memory_space<hbm>>) dst(%arg18 : memref<256x8xf32, #tpu.memory_space<vmem>>)
      %scan3A_112 = arith.constant 0 : i32
      %scan3A_113 = arith.constant 0 : i32
      %scan3A_114 = arith.constant 16 : i32
      %scan3A_115 = arith.addi %scan3A_113, %scan3A_114 : i32
      %scan3A_116 = arith.constant 1 : i32
      %scan3A_117 = scf.for %scan3A_133 = %scan3A_113 to %scan3A_115 step %scan3A_116 iter_args(%scan3A_134 = %scan3A_112) -> (i32)  : i32 {
        %mul3A_135 = arith.constant 16 : i32
        %mul3A_136 = arith.muli %scan3A_133, %mul3A_135 : i32
        %add3A_137 = vector.broadcast %mul3A_136 : i32 to vector<16xi32>
        %add3A_138 = arith.addi %iota3A, %add3A_137 : vector<16xi32>
        %broadcast_in_dim3A_139 = arith.constant 0 : i32
        %broadcast_in_dim3A_140 = vector.broadcast %broadcast_in_dim3A_139 : i32 to vector<16xi32>
        %gather3A_141 = tpu.vector_load_idx %arg14[%add3A_138, %broadcast_in_dim3A_140] : memref<256x4xf32, #tpu.memory_space<vmem>>[vector<16xi32>, vector<16xi32>], vector<16xf32>,
        %broadcast_in_dim3A_142 = arith.constant 1 : i32
        %broadcast_in_dim3A_143 = vector.broadcast %broadcast_in_dim3A_142 : i32 to vector<16xi32>
        %gather3A_144 = tpu.vector_load_idx %arg14[%add3A_138, %broadcast_in_dim3A_143] : memref<256x4xf32, #tpu.memory_space<vmem>>[vector<16xi32>, vector<16xi32>], vector<16xf32>,
        %broadcast_in_dim3A_145 = arith.constant 2 : i32
        %broadcast_in_dim3A_146 = vector.broadcast %broadcast_in_dim3A_145 : i32 to vector<16xi32>
        %gather3A_147 = tpu.vector_load_idx %arg14[%add3A_138, %broadcast_in_dim3A_146] : memref<256x4xf32, #tpu.memory_space<vmem>>[vector<16xi32>, vector<16xi32>], vector<16xf32>,
        %broadcast_in_dim3A_148 = arith.constant 3 : i32
        %broadcast_in_dim3A_149 = vector.broadcast %broadcast_in_dim3A_148 : i32 to vector<16xi32>
        %gather3A_150 = tpu.vector_load_idx %arg14[%add3A_138, %broadcast_in_dim3A_149] : memref<256x4xf32, #tpu.memory_space<vmem>>[vector<16xi32>, vector<16xi32>], vector<16xf32>,
        %add3A_151 = arith.constant 0 : i32
        %add3A_152 = arith.addi %mul3A_10, %add3A_151 : i32
        %broadcast_in_dim3A_153 = arith.constant 32 : i32
        %broadcast_in_dim3A_154 = vector.broadcast %broadcast_in_dim3A_153 : i32 to vector<16xi32>
        %add3A_155 = vector.broadcast %add3A_152 : i32 to vector<16xi32>
        %add3A_156 = arith.addi %broadcast_in_dim3A_154, %add3A_155 : vector<16xi32>
        %gather3A_157 = tpu.vector_load_idx %arg16[%add3A_138, %add3A_156] : memref<256x40xf32, #tpu.memory_space<vmem>>[vector<16xi32>, vector<16xi32>], vector<16xf32>,
        %broadcast_in_dim3A_158 = arith.constant 0 : i32
        %broadcast_in_dim3A_159 = vector.broadcast %broadcast_in_dim3A_158 : i32 to vector<16xi32>
        %add3A_160 = vector.broadcast %add3A_152 : i32 to vector<16xi32>
        %add3A_161 = arith.addi %broadcast_in_dim3A_159, %add3A_160 : vector<16xi32>
        %gather3A_162 = tpu.vector_load_idx %arg18[%add3A_138, %add3A_161] : memref<256x8xf32, #tpu.memory_space<vmem>>[vector<16xi32>, vector<16xi32>], vector<16xf32>,
        %broadcast_in_dim3A_163 = arith.constant 4 : i32
        %broadcast_in_dim3A_164 = vector.broadcast %broadcast_in_dim3A_163 : i32 to vector<16xi32>
        %add3A_165 = vector.broadcast %add3A_152 : i32 to vector<16xi32>
        %add3A_166 = arith.addi %broadcast_in_dim3A_164, %add3A_165 : vector<16xi32>
        %gather3A_167 = tpu.vector_load_idx %arg18[%add3A_138, %add3A_166] : memref<256x8xf32, #tpu.memory_space<vmem>>[vector<16xi32>, vector<16xi32>], vector<16xf32>,
        %mul3A_168 = arith.mulf %gather3A_141, %gather3A : vector<16xf32>
        %mul3A_169 = arith.mulf %gather3A_144, %gather3A_21 : vector<16xf32>
        %add3A_170 = arith.addf %mul3A_168, %mul3A_169 : vector<16xf32>
        %mul3A_171 = arith.mulf %gather3A_147, %gather3A_28 : vector<16xf32>
        %add3A_172 = arith.addf %add3A_170, %mul3A_171 : vector<16xf32>
        %mul3A_173 = arith.mulf %gather3A_150, %gather3A_35 : vector<16xf32>
        %add3A_174 = arith.addf %add3A_172, %mul3A_173 : vector<16xf32>
        %add3A_175 = arith.addf %gather3A_157, %gather3A_162 : vector<16xf32>
        %add3A_176 = arith.addf %add3A_175, %add3A_174 : vector<16xf32>
        %gt3A = arith.constant 0.000000e+00 : f32
        %gt3A_177 = vector.broadcast %gt3A : f32 to vector<16xf32>
        %gt3A_178 = arith.cmpf ogt, %add3A_176, %gt3A_177 : vector<16xf32>
        %mul3A_179 = arith.constant 2.000000e-01 : f32
        %mul3A_180 = vector.broadcast %mul3A_179 : f32 to vector<16xf32>
        %mul3A_181 = arith.mulf %mul3A_180, %add3A_176 : vector<16xf32>
        %select_n3A = arith.select %gt3A_178, %add3A_176, %mul3A_181 : vector<16xi1>, vector<16xf32>
        %sub3A = arith.subf %select_n3A, %gather3A_167 : vector<16xf32>
        %exp3A = math.exp %sub3A : vector<16xf32>
        %broadcast_in_dim3A_182 = arith.constant 16 : i32
        %broadcast_in_dim3A_183 = vector.broadcast %broadcast_in_dim3A_182 : i32 to vector<16xi32>
        tpu.vector_store_idx %arg20[%add3A_138, %broadcast_in_dim3A_183], %exp3A : memref<256x24xf32, #tpu.memory_space<vmem>>[vector<16xi32>, vector<16xi32>], vector<16xf32>,
        %broadcast_in_dim3A_184 = arith.constant 0 : i32
        %broadcast_in_dim3A_185 = vector.broadcast %broadcast_in_dim3A_184 : i32 to vector<16xi32>
        %mul3A_186 = arith.constant 8 : i32
        %mul3A_187 = arith.muli %add3A_152, %mul3A_186 : i32
        %add3A_188 = vector.broadcast %mul3A_187 : i32 to vector<16xi32>
        %add3A_189 = arith.addi %broadcast_in_dim3A_185, %add3A_188 : vector<16xi32>
        %gather3A_190 = tpu.vector_load_idx %arg16[%add3A_138, %add3A_189] : memref<256x40xf32, #tpu.memory_space<vmem>>[vector<16xi32>, vector<16xi32>], vector<16xf32>,
        %broadcast_in_dim3A_191 = arith.constant 0 : i32
        %broadcast_in_dim3A_192 = vector.broadcast %broadcast_in_dim3A_191 : i32 to vector<16xi32>
        %mul3A_193 = arith.mulf %exp3A, %gather3A_190 : vector<16xf32>
        tpu.vector_store_idx %arg20[%add3A_138, %broadcast_in_dim3A_192], %mul3A_193 : memref<256x24xf32, #tpu.memory_space<vmem>>[vector<16xi32>, vector<16xi32>], vector<16xf32>,
        %broadcast_in_dim3A_194 = arith.constant 1 : i32
        %broadcast_in_dim3A_195 = vector.broadcast %broadcast_in_dim3A_194 : i32 to vector<16xi32>
        %mul3A_196 = arith.constant 8 : i32
        %mul3A_197 = arith.muli %add3A_152, %mul3A_196 : i32
        %add3A_198 = vector.broadcast %mul3A_197 : i32 to vector<16xi32>
        %add3A_199 = arith.addi %broadcast_in_dim3A_195, %add3A_198 : vector<16xi32>
        %gather3A_200 = tpu.vector_load_idx %arg16[%add3A_138, %add3A_199] : memref<256x40xf32, #tpu.memory_space<vmem>>[vector<16xi32>, vector<16xi32>], vector<16xf32>,
        %broadcast_in_dim3A_201 = arith.constant 1 : i32
        %broadcast_in_dim3A_202 = vector.broadcast %broadcast_in_dim3A_201 : i32 to vector<16xi32>
        %mul3A_203 = arith.mulf %exp3A, %gather3A_200 : vector<16xf32>
        tpu.vector_store_idx %arg20[%add3A_138, %broadcast_in_dim3A_202], %mul3A_203 : memref<256x24xf32, #tpu.memory_space<vmem>>[vector<16xi32>, vector<16xi32>], vector<16xf32>,
        %broadcast_in_dim3A_204 = arith.constant 2 : i32
        %broadcast_in_dim3A_205 = vector.broadcast %broadcast_in_dim3A_204 : i32 to vector<16xi32>
        %mul3A_206 = arith.constant 8 : i32
        %mul3A_207 = arith.muli %add3A_152, %mul3A_206 : i32
        %add3A_208 = vector.broadcast %mul3A_207 : i32 to vector<16xi32>
        %add3A_209 = arith.addi %broadcast_in_dim3A_205, %add3A_208 : vector<16xi32>
        %gather3A_210 = tpu.vector_load_idx %arg16[%add3A_138, %add3A_209] : memref<256x40xf32, #tpu.memory_space<vmem>>[vector<16xi32>, vector<16xi32>], vector<16xf32>,
        %broadcast_in_dim3A_211 = arith.constant 2 : i32
        %broadcast_in_dim3A_212 = vector.broadcast %broadcast_in_dim3A_211 : i32 to vector<16xi32>
        %mul3A_213 = arith.mulf %exp3A, %gather3A_210 : vector<16xf32>
        tpu.vector_store_idx %arg20[%add3A_138, %broadcast_in_dim3A_212], %mul3A_213 : memref<256x24xf32, #tpu.memory_space<vmem>>[vector<16xi32>, vector<16xi32>], vector<16xf32>,
        %broadcast_in_dim3A_214 = arith.constant 3 : i32
        %broadcast_in_dim3A_215 = vector.broadcast %broadcast_in_dim3A_214 : i32 to vector<16xi32>
        %mul3A_216 = arith.constant 8 : i32
        %mul3A_217 = arith.muli %add3A_152, %mul3A_216 : i32
        %add3A_218 = vector.broadcast %mul3A_217 : i32 to vector<16xi32>
        %add3A_219 = arith.addi %broadcast_in_dim3A_215, %add3A_218 : vector<16xi32>
        %gather3A_220 = tpu.vector_load_idx %arg16[%add3A_138, %add3A_219] : memref<256x40xf32, #tpu.memory_space<vmem>>[vector<16xi32>, vector<16xi32>], vector<16xf32>,
        %broadcast_in_dim3A_221 = arith.constant 3 : i32
        %broadcast_in_dim3A_222 = vector.broadcast %broadcast_in_dim3A_221 : i32 to vector<16xi32>
        %mul3A_223 = arith.mulf %exp3A, %gather3A_220 : vector<16xf32>
        tpu.vector_store_idx %arg20[%add3A_138, %broadcast_in_dim3A_222], %mul3A_223 : memref<256x24xf32, #tpu.memory_space<vmem>>[vector<16xi32>, vector<16xi32>], vector<16xf32>,
        %broadcast_in_dim3A_224 = arith.constant 4 : i32
        %broadcast_in_dim3A_225 = vector.broadcast %broadcast_in_dim3A_224 : i32 to vector<16xi32>
        %mul3A_226 = arith.constant 8 : i32
        %mul3A_227 = arith.muli %add3A_152, %mul3A_226 : i32
        %add3A_228 = vector.broadcast %mul3A_227 : i32 to vector<16xi32>
        %add3A_229 = arith.addi %broadcast_in_dim3A_225, %add3A_228 : vector<16xi32>
        %gather3A_230 = tpu.vector_load_idx %arg16[%add3A_138, %add3A_229] : memref<256x40xf32, #tpu.memory_space<vmem>>[vector<16xi32>, vector<16xi32>], vector<16xf32>,
        %broadcast_in_dim3A_231 = arith.constant 4 : i32
        %broadcast_in_dim3A_232 = vector.broadcast %broadcast_in_dim3A_231 : i32 to vector<16xi32>
        %mul3A_233 = arith.mulf %exp3A, %gather3A_230 : vector<16xf32>
        tpu.vector_store_idx %arg20[%add3A_138, %broadcast_in_dim3A_232], %mul3A_233 : memref<256x24xf32, #tpu.memory_space<vmem>>[vector<16xi32>, vector<16xi32>], vector<16xf32>,
        %broadcast_in_dim3A_234 = arith.constant 5 : i32
        %broadcast_in_dim3A_235 = vector.broadcast %broadcast_in_dim3A_234 : i32 to vector<16xi32>
        %mul3A_236 = arith.constant 8 : i32
        %mul3A_237 = arith.muli %add3A_152, %mul3A_236 : i32
        %add3A_238 = vector.broadcast %mul3A_237 : i32 to vector<16xi32>
        %add3A_239 = arith.addi %broadcast_in_dim3A_235, %add3A_238 : vector<16xi32>
        %gather3A_240 = tpu.vector_load_idx %arg16[%add3A_138, %add3A_239] : memref<256x40xf32, #tpu.memory_space<vmem>>[vector<16xi32>, vector<16xi32>], vector<16xf32>,
        %broadcast_in_dim3A_241 = arith.constant 5 : i32
        %broadcast_in_dim3A_242 = vector.broadcast %broadcast_in_dim3A_241 : i32 to vector<16xi32>
        %mul3A_243 = arith.mulf %exp3A, %gather3A_240 : vector<16xf32>
        tpu.vector_store_idx %arg20[%add3A_138, %broadcast_in_dim3A_242], %mul3A_243 : memref<256x24xf32, #tpu.memory_space<vmem>>[vector<16xi32>, vector<16xi32>], vector<16xf32>,
        %broadcast_in_dim3A_244 = arith.constant 6 : i32
        %broadcast_in_dim3A_245 = vector.broadcast %broadcast_in_dim3A_244 : i32 to vector<16xi32>
        %mul3A_246 = arith.constant 8 : i32
        %mul3A_247 = arith.muli %add3A_152, %mul3A_246 : i32
        %add3A_248 = vector.broadcast %mul3A_247 : i32 to vector<16xi32>
        %add3A_249 = arith.addi %broadcast_in_dim3A_245, %add3A_248 : vector<16xi32>
        %gather3A_250 = tpu.vector_load_idx %arg16[%add3A_138, %add3A_249] : memref<256x40xf32, #tpu.memory_space<vmem>>[vector<16xi32>, vector<16xi32>], vector<16xf32>,
        %broadcast_in_dim3A_251 = arith.constant 6 : i32
        %broadcast_in_dim3A_252 = vector.broadcast %broadcast_in_dim3A_251 : i32 to vector<16xi32>
        %mul3A_253 = arith.mulf %exp3A, %gather3A_250 : vector<16xf32>
        tpu.vector_store_idx %arg20[%add3A_138, %broadcast_in_dim3A_252], %mul3A_253 : memref<256x24xf32, #tpu.memory_space<vmem>>[vector<16xi32>, vector<16xi32>], vector<16xf32>,
        %broadcast_in_dim3A_254 = arith.constant 7 : i32
        %broadcast_in_dim3A_255 = vector.broadcast %broadcast_in_dim3A_254 : i32 to vector<16xi32>
        %mul3A_256 = arith.constant 8 : i32
        %mul3A_257 = arith.muli %add3A_152, %mul3A_256 : i32
        %add3A_258 = vector.broadcast %mul3A_257 : i32 to vector<16xi32>
        %add3A_259 = arith.addi %broadcast_in_dim3A_255, %add3A_258 : vector<16xi32>
        %gather3A_260 = tpu.vector_load_idx %arg16[%add3A_138, %add3A_259] : memref<256x40xf32, #tpu.memory_space<vmem>>[vector<16xi32>, vector<16xi32>], vector<16xf32>,
        %broadcast_in_dim3A_261 = arith.constant 7 : i32
        %broadcast_in_dim3A_262 = vector.broadcast %broadcast_in_dim3A_261 : i32 to vector<16xi32>
        %mul3A_263 = arith.mulf %exp3A, %gather3A_260 : vector<16xf32>
        tpu.vector_store_idx %arg20[%add3A_138, %broadcast_in_dim3A_262], %mul3A_263 : memref<256x24xf32, #tpu.memory_space<vmem>>[vector<16xi32>, vector<16xi32>], vector<16xf32>,
        %add3A_264 = arith.constant 1 : i32
        %add3A_265 = arith.addi %mul3A_10, %add3A_264 : i32
        %broadcast_in_dim3A_266 = arith.constant 32 : i32
        %broadcast_in_dim3A_267 = vector.broadcast %broadcast_in_dim3A_266 : i32 to vector<16xi32>
        %add3A_268 = vector.broadcast %add3A_265 : i32 to vector<16xi32>
        %add3A_269 = arith.addi %broadcast_in_dim3A_267, %add3A_268 : vector<16xi32>
        %gather3A_270 = tpu.vector_load_idx %arg16[%add3A_138, %add3A_269] : memref<256x40xf32, #tpu.memory_space<vmem>>[vector<16xi32>, vector<16xi32>], vector<16xf32>,
        %broadcast_in_dim3A_271 = arith.constant 0 : i32
        %broadcast_in_dim3A_272 = vector.broadcast %broadcast_in_dim3A_271 : i32 to vector<16xi32>
        %add3A_273 = vector.broadcast %add3A_265 : i32 to vector<16xi32>
        %add3A_274 = arith.addi %broadcast_in_dim3A_272, %add3A_273 : vector<16xi32>
        %gather3A_275 = tpu.vector_load_idx %arg18[%add3A_138, %add3A_274] : memref<256x8xf32, #tpu.memory_space<vmem>>[vector<16xi32>, vector<16xi32>], vector<16xf32>,
        %broadcast_in_dim3A_276 = arith.constant 4 : i32
        %broadcast_in_dim3A_277 = vector.broadcast %broadcast_in_dim3A_276 : i32 to vector<16xi32>
        %add3A_278 = vector.broadcast %add3A_265 : i32 to vector<16xi32>
        %add3A_279 = arith.addi %broadcast_in_dim3A_277, %add3A_278 : vector<16xi32>
        %gather3A_280 = tpu.vector_load_idx %arg18[%add3A_138, %add3A_279] : memref<256x8xf32, #tpu.memory_space<vmem>>[vector<16xi32>, vector<16xi32>], vector<16xf32>,
        %mul3A_281 = arith.mulf %gather3A_141, %gather3A_42 : vector<16xf32>
        %mul3A_282 = arith.mulf %gather3A_144, %gather3A_49 : vector<16xf32>
        %add3A_283 = arith.addf %mul3A_281, %mul3A_282 : vector<16xf32>
        %mul3A_284 = arith.mulf %gather3A_147, %gather3A_56 : vector<16xf32>
        %add3A_285 = arith.addf %add3A_283, %mul3A_284 : vector<16xf32>
        %mul3A_286 = arith.mulf %gather3A_150, %gather3A_63 : vector<16xf32>
        %add3A_287 = arith.addf %add3A_285, %mul3A_286 : vector<16xf32>
        %add3A_288 = arith.addf %gather3A_270, %gather3A_275 : vector<16xf32>
        %add3A_289 = arith.addf %add3A_288, %add3A_287 : vector<16xf32>
        %gt3A_290 = arith.constant 0.000000e+00 : f32
        %gt3A_291 = vector.broadcast %gt3A_290 : f32 to vector<16xf32>
        %gt3A_292 = arith.cmpf ogt, %add3A_289, %gt3A_291 : vector<16xf32>
        %mul3A_293 = arith.constant 2.000000e-01 : f32
        %mul3A_294 = vector.broadcast %mul3A_293 : f32 to vector<16xf32>
        %mul3A_295 = arith.mulf %mul3A_294, %add3A_289 : vector<16xf32>
        %select_n3A_296 = arith.select %gt3A_292, %add3A_289, %mul3A_295 : vector<16xi1>, vector<16xf32>
        %sub3A_297 = arith.subf %select_n3A_296, %gather3A_280 : vector<16xf32>
        %exp3A_298 = math.exp %sub3A_297 : vector<16xf32>
        %broadcast_in_dim3A_299 = arith.constant 17 : i32
        %broadcast_in_dim3A_300 = vector.broadcast %broadcast_in_dim3A_299 : i32 to vector<16xi32>
        tpu.vector_store_idx %arg20[%add3A_138, %broadcast_in_dim3A_300], %exp3A_298 : memref<256x24xf32, #tpu.memory_space<vmem>>[vector<16xi32>, vector<16xi32>], vector<16xf32>,
        %broadcast_in_dim3A_301 = arith.constant 0 : i32
        %broadcast_in_dim3A_302 = vector.broadcast %broadcast_in_dim3A_301 : i32 to vector<16xi32>
        %mul3A_303 = arith.constant 8 : i32
        %mul3A_304 = arith.muli %add3A_265, %mul3A_303 : i32
        %add3A_305 = vector.broadcast %mul3A_304 : i32 to vector<16xi32>
        %add3A_306 = arith.addi %broadcast_in_dim3A_302, %add3A_305 : vector<16xi32>
        %gather3A_307 = tpu.vector_load_idx %arg16[%add3A_138, %add3A_306] : memref<256x40xf32, #tpu.memory_space<vmem>>[vector<16xi32>, vector<16xi32>], vector<16xf32>,
        %broadcast_in_dim3A_308 = arith.constant 8 : i32
        %broadcast_in_dim3A_309 = vector.broadcast %broadcast_in_dim3A_308 : i32 to vector<16xi32>
        %mul3A_310 = arith.mulf %exp3A_298, %gather3A_307 : vector<16xf32>
        tpu.vector_store_idx %arg20[%add3A_138, %broadcast_in_dim3A_309], %mul3A_310 : memref<256x24xf32, #tpu.memory_space<vmem>>[vector<16xi32>, vector<16xi32>], vector<16xf32>,
        %broadcast_in_dim3A_311 = arith.constant 1 : i32
        %broadcast_in_dim3A_312 = vector.broadcast %broadcast_in_dim3A_311 : i32 to vector<16xi32>
        %mul3A_313 = arith.constant 8 : i32
        %mul3A_314 = arith.muli %add3A_265, %mul3A_313 : i32
        %add3A_315 = vector.broadcast %mul3A_314 : i32 to vector<16xi32>
        %add3A_316 = arith.addi %broadcast_in_dim3A_312, %add3A_315 : vector<16xi32>
        %gather3A_317 = tpu.vector_load_idx %arg16[%add3A_138, %add3A_316] : memref<256x40xf32, #tpu.memory_space<vmem>>[vector<16xi32>, vector<16xi32>], vector<16xf32>,
        %broadcast_in_dim3A_318 = arith.constant 9 : i32
        %broadcast_in_dim3A_319 = vector.broadcast %broadcast_in_dim3A_318 : i32 to vector<16xi32>
        %mul3A_320 = arith.mulf %exp3A_298, %gather3A_317 : vector<16xf32>
        tpu.vector_store_idx %arg20[%add3A_138, %broadcast_in_dim3A_319], %mul3A_320 : memref<256x24xf32, #tpu.memory_space<vmem>>[vector<16xi32>, vector<16xi32>], vector<16xf32>,
        %broadcast_in_dim3A_321 = arith.constant 2 : i32
        %broadcast_in_dim3A_322 = vector.broadcast %broadcast_in_dim3A_321 : i32 to vector<16xi32>
        %mul3A_323 = arith.constant 8 : i32
        %mul3A_324 = arith.muli %add3A_265, %mul3A_323 : i32
        %add3A_325 = vector.broadcast %mul3A_324 : i32 to vector<16xi32>
        %add3A_326 = arith.addi %broadcast_in_dim3A_322, %add3A_325 : vector<16xi32>
        %gather3A_327 = tpu.vector_load_idx %arg16[%add3A_138, %add3A_326] : memref<256x40xf32, #tpu.memory_space<vmem>>[vector<16xi32>, vector<16xi32>], vector<16xf32>,
        %broadcast_in_dim3A_328 = arith.constant 10 : i32
        %broadcast_in_dim3A_329 = vector.broadcast %broadcast_in_dim3A_328 : i32 to vector<16xi32>
        %mul3A_330 = arith.mulf %exp3A_298, %gather3A_327 : vector<16xf32>
        tpu.vector_store_idx %arg20[%add3A_138, %broadcast_in_dim3A_329], %mul3A_330 : memref<256x24xf32, #tpu.memory_space<vmem>>[vector<16xi32>, vector<16xi32>], vector<16xf32>,
        %broadcast_in_dim3A_331 = arith.constant 3 : i32
        %broadcast_in_dim3A_332 = vector.broadcast %broadcast_in_dim3A_331 : i32 to vector<16xi32>
        %mul3A_333 = arith.constant 8 : i32
        %mul3A_334 = arith.muli %add3A_265, %mul3A_333 : i32
        %add3A_335 = vector.broadcast %mul3A_334 : i32 to vector<16xi32>
        %add3A_336 = arith.addi %broadcast_in_dim3A_332, %add3A_335 : vector<16xi32>
        %gather3A_337 = tpu.vector_load_idx %arg16[%add3A_138, %add3A_336] : memref<256x40xf32, #tpu.memory_space<vmem>>[vector<16xi32>, vector<16xi32>], vector<16xf32>,
        %broadcast_in_dim3A_338 = arith.constant 11 : i32
        %broadcast_in_dim3A_339 = vector.broadcast %broadcast_in_dim3A_338 : i32 to vector<16xi32>
        %mul3A_340 = arith.mulf %exp3A_298, %gather3A_337 : vector<16xf32>
        tpu.vector_store_idx %arg20[%add3A_138, %broadcast_in_dim3A_339], %mul3A_340 : memref<256x24xf32, #tpu.memory_space<vmem>>[vector<16xi32>, vector<16xi32>], vector<16xf32>,
        %broadcast_in_dim3A_341 = arith.constant 4 : i32
        %broadcast_in_dim3A_342 = vector.broadcast %broadcast_in_dim3A_341 : i32 to vector<16xi32>
        %mul3A_343 = arith.constant 8 : i32
        %mul3A_344 = arith.muli %add3A_265, %mul3A_343 : i32
        %add3A_345 = vector.broadcast %mul3A_344 : i32 to vector<16xi32>
        %add3A_346 = arith.addi %broadcast_in_dim3A_342, %add3A_345 : vector<16xi32>
        %gather3A_347 = tpu.vector_load_idx %arg16[%add3A_138, %add3A_346] : memref<256x40xf32, #tpu.memory_space<vmem>>[vector<16xi32>, vector<16xi32>], vector<16xf32>,
        %broadcast_in_dim3A_348 = arith.constant 12 : i32
        %broadcast_in_dim3A_349 = vector.broadcast %broadcast_in_dim3A_348 : i32 to vector<16xi32>
        %mul3A_350 = arith.mulf %exp3A_298, %gather3A_347 : vector<16xf32>
        tpu.vector_store_idx %arg20[%add3A_138, %broadcast_in_dim3A_349], %mul3A_350 : memref<256x24xf32, #tpu.memory_space<vmem>>[vector<16xi32>, vector<16xi32>], vector<16xf32>,
        %broadcast_in_dim3A_351 = arith.constant 5 : i32
        %broadcast_in_dim3A_352 = vector.broadcast %broadcast_in_dim3A_351 : i32 to vector<16xi32>
        %mul3A_353 = arith.constant 8 : i32
        %mul3A_354 = arith.muli %add3A_265, %mul3A_353 : i32
        %add3A_355 = vector.broadcast %mul3A_354 : i32 to vector<16xi32>
        %add3A_356 = arith.addi %broadcast_in_dim3A_352, %add3A_355 : vector<16xi32>
        %gather3A_357 = tpu.vector_load_idx %arg16[%add3A_138, %add3A_356] : memref<256x40xf32, #tpu.memory_space<vmem>>[vector<16xi32>, vector<16xi32>], vector<16xf32>,
        %broadcast_in_dim3A_358 = arith.constant 13 : i32
        %broadcast_in_dim3A_359 = vector.broadcast %broadcast_in_dim3A_358 : i32 to vector<16xi32>
        %mul3A_360 = arith.mulf %exp3A_298, %gather3A_357 : vector<16xf32>
        tpu.vector_store_idx %arg20[%add3A_138, %broadcast_in_dim3A_359], %mul3A_360 : memref<256x24xf32, #tpu.memory_space<vmem>>[vector<16xi32>, vector<16xi32>], vector<16xf32>,
        %broadcast_in_dim3A_361 = arith.constant 6 : i32
        %broadcast_in_dim3A_362 = vector.broadcast %broadcast_in_dim3A_361 : i32 to vector<16xi32>
        %mul3A_363 = arith.constant 8 : i32
        %mul3A_364 = arith.muli %add3A_265, %mul3A_363 : i32
        %add3A_365 = vector.broadcast %mul3A_364 : i32 to vector<16xi32>
        %add3A_366 = arith.addi %broadcast_in_dim3A_362, %add3A_365 : vector<16xi32>
        %gather3A_367 = tpu.vector_load_idx %arg16[%add3A_138, %add3A_366] : memref<256x40xf32, #tpu.memory_space<vmem>>[vector<16xi32>, vector<16xi32>], vector<16xf32>,
        %broadcast_in_dim3A_368 = arith.constant 14 : i32
        %broadcast_in_dim3A_369 = vector.broadcast %broadcast_in_dim3A_368 : i32 to vector<16xi32>
        %mul3A_370 = arith.mulf %exp3A_298, %gather3A_367 : vector<16xf32>
        tpu.vector_store_idx %arg20[%add3A_138, %broadcast_in_dim3A_369], %mul3A_370 : memref<256x24xf32, #tpu.memory_space<vmem>>[vector<16xi32>, vector<16xi32>], vector<16xf32>,
        %broadcast_in_dim3A_371 = arith.constant 7 : i32
        %broadcast_in_dim3A_372 = vector.broadcast %broadcast_in_dim3A_371 : i32 to vector<16xi32>
        %mul3A_373 = arith.constant 8 : i32
        %mul3A_374 = arith.muli %add3A_265, %mul3A_373 : i32
        %add3A_375 = vector.broadcast %mul3A_374 : i32 to vector<16xi32>
        %add3A_376 = arith.addi %broadcast_in_dim3A_372, %add3A_375 : vector<16xi32>
        %gather3A_377 = tpu.vector_load_idx %arg16[%add3A_138, %add3A_376] : memref<256x40xf32, #tpu.memory_space<vmem>>[vector<16xi32>, vector<16xi32>], vector<16xf32>,
        %broadcast_in_dim3A_378 = arith.constant 15 : i32
        %broadcast_in_dim3A_379 = vector.broadcast %broadcast_in_dim3A_378 : i32 to vector<16xi32>
        %mul3A_380 = arith.mulf %exp3A_298, %gather3A_377 : vector<16xf32>
        tpu.vector_store_idx %arg20[%add3A_138, %broadcast_in_dim3A_379], %mul3A_380 : memref<256x24xf32, #tpu.memory_space<vmem>>[vector<16xi32>, vector<16xi32>], vector<16xf32>,
        %scan3A_381 = arith.constant 0 : i32
        scf.yield %scan3A_381 : i32
      }
      %scan3A_118 = arith.constant 16 : i32
      "tpu.region"() ({
        %run_scoped3A = tpu.sem_alloc : memref<!tpu.dma_semaphore, #tpu.memory_space<semaphore_mem>>
        %dma_start3A_133 = arith.constant 0 : i32
        %dma_start3A_134 = arith.constant 0 : i32
        %dma_start3A_135 = tpu.memref_slice %arg23[%dma_start3A_133, %dma_start3A_134] : memref<50048x24xf32, #tpu.memory_space<vmem_shared>> -> memref<50048x24xf32, #tpu.memory_space<vmem_shared>>
        tpu.enqueue_indirect_dma source(%arg20 : memref<256x24xf32, #tpu.memory_space<vmem>>) target(%dma_start3A_135 : memref<50048x24xf32, #tpu.memory_space<vmem_shared>>) offsets(%arg12 : memref<256xi32, #tpu.memory_space<vmem>>) semaphore(%run_scoped3A : memref<!tpu.dma_semaphore, #tpu.memory_space<semaphore_mem>>) {add = true}
        %dma_wait3A_136 = arith.constant 0 : i32
        %dma_wait3A_137 = arith.constant 0 : i32
        %dma_wait3A_138 = tpu.memref_slice %arg23[%dma_wait3A_136, %dma_wait3A_137] : memref<50048x24xf32, #tpu.memory_space<vmem_shared>> -> memref<50048x24xf32, #tpu.memory_space<vmem_shared>>
        tpu.wait_indirect_dma semaphore(%run_scoped3A : memref<!tpu.dma_semaphore, #tpu.memory_space<semaphore_mem>>) src(%arg20 : memref<256x24xf32, #tpu.memory_space<vmem>>) dst(%dma_wait3A_138 : memref<50048x24xf32, #tpu.memory_space<vmem_shared>>)
        tpu.yield
      }) : () -> ()
      %dma_wait3A_119 = arith.constant 0 : i32
      %dma_wait3A_120 = arith.constant 0 : i32
      %dma_wait3A_121 = tpu.memref_slice %arg5[%dma_wait3A_119, %dma_wait3A_120] : memref<50000x40xf32, #tpu.memory_space<hbm>> -> memref<50000x40xf32, #tpu.memory_space<hbm>>
      tpu.wait_indirect_dma semaphore(%arg25 : memref<!tpu.dma_semaphore, #tpu.memory_space<semaphore_mem>>) src(%dma_wait3A_121 : memref<50000x40xf32, #tpu.memory_space<hbm>>) dst(%arg17 : memref<256x40xf32, #tpu.memory_space<vmem>>)
      %dma_wait3A_122 = arith.constant 0 : i32
      %dma_wait3A_123 = arith.constant 0 : i32
      %dma_wait3A_124 = tpu.memref_slice %arg6[%dma_wait3A_122, %dma_wait3A_123] : memref<50048x8xf32, #tpu.memory_space<hbm>> -> memref<50048x8xf32, #tpu.memory_space<hbm>>
      tpu.wait_indirect_dma semaphore(%arg27 : memref<!tpu.dma_semaphore, #tpu.memory_space<semaphore_mem>>) src(%dma_wait3A_124 : memref<50048x8xf32, #tpu.memory_space<hbm>>) dst(%arg19 : memref<256x8xf32, #tpu.memory_space<vmem>>)
      %scan3A_125 = arith.constant 0 : i32
      %scan3A_126 = arith.constant 0 : i32
      %scan3A_127 = arith.constant 16 : i32
      %scan3A_128 = arith.addi %scan3A_126, %scan3A_127 : i32
      %scan3A_129 = arith.constant 1 : i32
      %scan3A_130 = scf.for %scan3A_133 = %scan3A_126 to %scan3A_128 step %scan3A_129 iter_args(%scan3A_134 = %scan3A_125) -> (i32)  : i32 {
        %mul3A_135 = arith.constant 16 : i32
        %mul3A_136 = arith.muli %scan3A_133, %mul3A_135 : i32
        %add3A_137 = vector.broadcast %mul3A_136 : i32 to vector<16xi32>
        %add3A_138 = arith.addi %iota3A, %add3A_137 : vector<16xi32>
        %broadcast_in_dim3A_139 = arith.constant 0 : i32
        %broadcast_in_dim3A_140 = vector.broadcast %broadcast_in_dim3A_139 : i32 to vector<16xi32>
        %gather3A_141 = tpu.vector_load_idx %arg15[%add3A_138, %broadcast_in_dim3A_140] : memref<256x4xf32, #tpu.memory_space<vmem>>[vector<16xi32>, vector<16xi32>], vector<16xf32>,
        %broadcast_in_dim3A_142 = arith.constant 1 : i32
        %broadcast_in_dim3A_143 = vector.broadcast %broadcast_in_dim3A_142 : i32 to vector<16xi32>
        %gather3A_144 = tpu.vector_load_idx %arg15[%add3A_138, %broadcast_in_dim3A_143] : memref<256x4xf32, #tpu.memory_space<vmem>>[vector<16xi32>, vector<16xi32>], vector<16xf32>,
        %broadcast_in_dim3A_145 = arith.constant 2 : i32
        %broadcast_in_dim3A_146 = vector.broadcast %broadcast_in_dim3A_145 : i32 to vector<16xi32>
        %gather3A_147 = tpu.vector_load_idx %arg15[%add3A_138, %broadcast_in_dim3A_146] : memref<256x4xf32, #tpu.memory_space<vmem>>[vector<16xi32>, vector<16xi32>], vector<16xf32>,
        %broadcast_in_dim3A_148 = arith.constant 3 : i32
        %broadcast_in_dim3A_149 = vector.broadcast %broadcast_in_dim3A_148 : i32 to vector<16xi32>
        %gather3A_150 = tpu.vector_load_idx %arg15[%add3A_138, %broadcast_in_dim3A_149] : memref<256x4xf32, #tpu.memory_space<vmem>>[vector<16xi32>, vector<16xi32>], vector<16xf32>,
        %add3A_151 = arith.constant 0 : i32
        %add3A_152 = arith.addi %mul3A_10, %add3A_151 : i32
        %broadcast_in_dim3A_153 = arith.constant 32 : i32
        %broadcast_in_dim3A_154 = vector.broadcast %broadcast_in_dim3A_153 : i32 to vector<16xi32>
        %add3A_155 = vector.broadcast %add3A_152 : i32 to vector<16xi32>
        %add3A_156 = arith.addi %broadcast_in_dim3A_154, %add3A_155 : vector<16xi32>
        %gather3A_157 = tpu.vector_load_idx %arg17[%add3A_138, %add3A_156] : memref<256x40xf32, #tpu.memory_space<vmem>>[vector<16xi32>, vector<16xi32>], vector<16xf32>,
        %broadcast_in_dim3A_158 = arith.constant 0 : i32
        %broadcast_in_dim3A_159 = vector.broadcast %broadcast_in_dim3A_158 : i32 to vector<16xi32>
        %add3A_160 = vector.broadcast %add3A_152 : i32 to vector<16xi32>
        %add3A_161 = arith.addi %broadcast_in_dim3A_159, %add3A_160 : vector<16xi32>
        %gather3A_162 = tpu.vector_load_idx %arg19[%add3A_138, %add3A_161] : memref<256x8xf32, #tpu.memory_space<vmem>>[vector<16xi32>, vector<16xi32>], vector<16xf32>,
        %broadcast_in_dim3A_163 = arith.constant 4 : i32
        %broadcast_in_dim3A_164 = vector.broadcast %broadcast_in_dim3A_163 : i32 to vector<16xi32>
        %add3A_165 = vector.broadcast %add3A_152 : i32 to vector<16xi32>
        %add3A_166 = arith.addi %broadcast_in_dim3A_164, %add3A_165 : vector<16xi32>
        %gather3A_167 = tpu.vector_load_idx %arg19[%add3A_138, %add3A_166] : memref<256x8xf32, #tpu.memory_space<vmem>>[vector<16xi32>, vector<16xi32>], vector<16xf32>,
        %mul3A_168 = arith.mulf %gather3A_141, %gather3A : vector<16xf32>
        %mul3A_169 = arith.mulf %gather3A_144, %gather3A_21 : vector<16xf32>
        %add3A_170 = arith.addf %mul3A_168, %mul3A_169 : vector<16xf32>
        %mul3A_171 = arith.mulf %gather3A_147, %gather3A_28 : vector<16xf32>
        %add3A_172 = arith.addf %add3A_170, %mul3A_171 : vector<16xf32>
        %mul3A_173 = arith.mulf %gather3A_150, %gather3A_35 : vector<16xf32>
        %add3A_174 = arith.addf %add3A_172, %mul3A_173 : vector<16xf32>
        %add3A_175 = arith.addf %gather3A_157, %gather3A_162 : vector<16xf32>
        %add3A_176 = arith.addf %add3A_175, %add3A_174 : vector<16xf32>
        %gt3A = arith.constant 0.000000e+00 : f32
        %gt3A_177 = vector.broadcast %gt3A : f32 to vector<16xf32>
        %gt3A_178 = arith.cmpf ogt, %add3A_176, %gt3A_177 : vector<16xf32>
        %mul3A_179 = arith.constant 2.000000e-01 : f32
        %mul3A_180 = vector.broadcast %mul3A_179 : f32 to vector<16xf32>
        %mul3A_181 = arith.mulf %mul3A_180, %add3A_176 : vector<16xf32>
        %select_n3A = arith.select %gt3A_178, %add3A_176, %mul3A_181 : vector<16xi1>, vector<16xf32>
        %sub3A = arith.subf %select_n3A, %gather3A_167 : vector<16xf32>
        %exp3A = math.exp %sub3A : vector<16xf32>
        %broadcast_in_dim3A_182 = arith.constant 16 : i32
        %broadcast_in_dim3A_183 = vector.broadcast %broadcast_in_dim3A_182 : i32 to vector<16xi32>
        tpu.vector_store_idx %arg21[%add3A_138, %broadcast_in_dim3A_183], %exp3A : memref<256x24xf32, #tpu.memory_space<vmem>>[vector<16xi32>, vector<16xi32>], vector<16xf32>,
        %broadcast_in_dim3A_184 = arith.constant 0 : i32
        %broadcast_in_dim3A_185 = vector.broadcast %broadcast_in_dim3A_184 : i32 to vector<16xi32>
        %mul3A_186 = arith.constant 8 : i32
        %mul3A_187 = arith.muli %add3A_152, %mul3A_186 : i32
        %add3A_188 = vector.broadcast %mul3A_187 : i32 to vector<16xi32>
        %add3A_189 = arith.addi %broadcast_in_dim3A_185, %add3A_188 : vector<16xi32>
        %gather3A_190 = tpu.vector_load_idx %arg17[%add3A_138, %add3A_189] : memref<256x40xf32, #tpu.memory_space<vmem>>[vector<16xi32>, vector<16xi32>], vector<16xf32>,
        %broadcast_in_dim3A_191 = arith.constant 0 : i32
        %broadcast_in_dim3A_192 = vector.broadcast %broadcast_in_dim3A_191 : i32 to vector<16xi32>
        %mul3A_193 = arith.mulf %exp3A, %gather3A_190 : vector<16xf32>
        tpu.vector_store_idx %arg21[%add3A_138, %broadcast_in_dim3A_192], %mul3A_193 : memref<256x24xf32, #tpu.memory_space<vmem>>[vector<16xi32>, vector<16xi32>], vector<16xf32>,
        %broadcast_in_dim3A_194 = arith.constant 1 : i32
        %broadcast_in_dim3A_195 = vector.broadcast %broadcast_in_dim3A_194 : i32 to vector<16xi32>
        %mul3A_196 = arith.constant 8 : i32
        %mul3A_197 = arith.muli %add3A_152, %mul3A_196 : i32
        %add3A_198 = vector.broadcast %mul3A_197 : i32 to vector<16xi32>
        %add3A_199 = arith.addi %broadcast_in_dim3A_195, %add3A_198 : vector<16xi32>
        %gather3A_200 = tpu.vector_load_idx %arg17[%add3A_138, %add3A_199] : memref<256x40xf32, #tpu.memory_space<vmem>>[vector<16xi32>, vector<16xi32>], vector<16xf32>,
        %broadcast_in_dim3A_201 = arith.constant 1 : i32
        %broadcast_in_dim3A_202 = vector.broadcast %broadcast_in_dim3A_201 : i32 to vector<16xi32>
        %mul3A_203 = arith.mulf %exp3A, %gather3A_200 : vector<16xf32>
        tpu.vector_store_idx %arg21[%add3A_138, %broadcast_in_dim3A_202], %mul3A_203 : memref<256x24xf32, #tpu.memory_space<vmem>>[vector<16xi32>, vector<16xi32>], vector<16xf32>,
        %broadcast_in_dim3A_204 = arith.constant 2 : i32
        %broadcast_in_dim3A_205 = vector.broadcast %broadcast_in_dim3A_204 : i32 to vector<16xi32>
        %mul3A_206 = arith.constant 8 : i32
        %mul3A_207 = arith.muli %add3A_152, %mul3A_206 : i32
        %add3A_208 = vector.broadcast %mul3A_207 : i32 to vector<16xi32>
        %add3A_209 = arith.addi %broadcast_in_dim3A_205, %add3A_208 : vector<16xi32>
        %gather3A_210 = tpu.vector_load_idx %arg17[%add3A_138, %add3A_209] : memref<256x40xf32, #tpu.memory_space<vmem>>[vector<16xi32>, vector<16xi32>], vector<16xf32>,
        %broadcast_in_dim3A_211 = arith.constant 2 : i32
        %broadcast_in_dim3A_212 = vector.broadcast %broadcast_in_dim3A_211 : i32 to vector<16xi32>
        %mul3A_213 = arith.mulf %exp3A, %gather3A_210 : vector<16xf32>
        tpu.vector_store_idx %arg21[%add3A_138, %broadcast_in_dim3A_212], %mul3A_213 : memref<256x24xf32, #tpu.memory_space<vmem>>[vector<16xi32>, vector<16xi32>], vector<16xf32>,
        %broadcast_in_dim3A_214 = arith.constant 3 : i32
        %broadcast_in_dim3A_215 = vector.broadcast %broadcast_in_dim3A_214 : i32 to vector<16xi32>
        %mul3A_216 = arith.constant 8 : i32
        %mul3A_217 = arith.muli %add3A_152, %mul3A_216 : i32
        %add3A_218 = vector.broadcast %mul3A_217 : i32 to vector<16xi32>
        %add3A_219 = arith.addi %broadcast_in_dim3A_215, %add3A_218 : vector<16xi32>
        %gather3A_220 = tpu.vector_load_idx %arg17[%add3A_138, %add3A_219] : memref<256x40xf32, #tpu.memory_space<vmem>>[vector<16xi32>, vector<16xi32>], vector<16xf32>,
        %broadcast_in_dim3A_221 = arith.constant 3 : i32
        %broadcast_in_dim3A_222 = vector.broadcast %broadcast_in_dim3A_221 : i32 to vector<16xi32>
        %mul3A_223 = arith.mulf %exp3A, %gather3A_220 : vector<16xf32>
        tpu.vector_store_idx %arg21[%add3A_138, %broadcast_in_dim3A_222], %mul3A_223 : memref<256x24xf32, #tpu.memory_space<vmem>>[vector<16xi32>, vector<16xi32>], vector<16xf32>,
        %broadcast_in_dim3A_224 = arith.constant 4 : i32
        %broadcast_in_dim3A_225 = vector.broadcast %broadcast_in_dim3A_224 : i32 to vector<16xi32>
        %mul3A_226 = arith.constant 8 : i32
        %mul3A_227 = arith.muli %add3A_152, %mul3A_226 : i32
        %add3A_228 = vector.broadcast %mul3A_227 : i32 to vector<16xi32>
        %add3A_229 = arith.addi %broadcast_in_dim3A_225, %add3A_228 : vector<16xi32>
        %gather3A_230 = tpu.vector_load_idx %arg17[%add3A_138, %add3A_229] : memref<256x40xf32, #tpu.memory_space<vmem>>[vector<16xi32>, vector<16xi32>], vector<16xf32>,
        %broadcast_in_dim3A_231 = arith.constant 4 : i32
        %broadcast_in_dim3A_232 = vector.broadcast %broadcast_in_dim3A_231 : i32 to vector<16xi32>
        %mul3A_233 = arith.mulf %exp3A, %gather3A_230 : vector<16xf32>
        tpu.vector_store_idx %arg21[%add3A_138, %broadcast_in_dim3A_232], %mul3A_233 : memref<256x24xf32, #tpu.memory_space<vmem>>[vector<16xi32>, vector<16xi32>], vector<16xf32>,
        %broadcast_in_dim3A_234 = arith.constant 5 : i32
        %broadcast_in_dim3A_235 = vector.broadcast %broadcast_in_dim3A_234 : i32 to vector<16xi32>
        %mul3A_236 = arith.constant 8 : i32
        %mul3A_237 = arith.muli %add3A_152, %mul3A_236 : i32
        %add3A_238 = vector.broadcast %mul3A_237 : i32 to vector<16xi32>
        %add3A_239 = arith.addi %broadcast_in_dim3A_235, %add3A_238 : vector<16xi32>
        %gather3A_240 = tpu.vector_load_idx %arg17[%add3A_138, %add3A_239] : memref<256x40xf32, #tpu.memory_space<vmem>>[vector<16xi32>, vector<16xi32>], vector<16xf32>,
        %broadcast_in_dim3A_241 = arith.constant 5 : i32
        %broadcast_in_dim3A_242 = vector.broadcast %broadcast_in_dim3A_241 : i32 to vector<16xi32>
        %mul3A_243 = arith.mulf %exp3A, %gather3A_240 : vector<16xf32>
        tpu.vector_store_idx %arg21[%add3A_138, %broadcast_in_dim3A_242], %mul3A_243 : memref<256x24xf32, #tpu.memory_space<vmem>>[vector<16xi32>, vector<16xi32>], vector<16xf32>,
        %broadcast_in_dim3A_244 = arith.constant 6 : i32
        %broadcast_in_dim3A_245 = vector.broadcast %broadcast_in_dim3A_244 : i32 to vector<16xi32>
        %mul3A_246 = arith.constant 8 : i32
        %mul3A_247 = arith.muli %add3A_152, %mul3A_246 : i32
        %add3A_248 = vector.broadcast %mul3A_247 : i32 to vector<16xi32>
        %add3A_249 = arith.addi %broadcast_in_dim3A_245, %add3A_248 : vector<16xi32>
        %gather3A_250 = tpu.vector_load_idx %arg17[%add3A_138, %add3A_249] : memref<256x40xf32, #tpu.memory_space<vmem>>[vector<16xi32>, vector<16xi32>], vector<16xf32>,
        %broadcast_in_dim3A_251 = arith.constant 6 : i32
        %broadcast_in_dim3A_252 = vector.broadcast %broadcast_in_dim3A_251 : i32 to vector<16xi32>
        %mul3A_253 = arith.mulf %exp3A, %gather3A_250 : vector<16xf32>
        tpu.vector_store_idx %arg21[%add3A_138, %broadcast_in_dim3A_252], %mul3A_253 : memref<256x24xf32, #tpu.memory_space<vmem>>[vector<16xi32>, vector<16xi32>], vector<16xf32>,
        %broadcast_in_dim3A_254 = arith.constant 7 : i32
        %broadcast_in_dim3A_255 = vector.broadcast %broadcast_in_dim3A_254 : i32 to vector<16xi32>
        %mul3A_256 = arith.constant 8 : i32
        %mul3A_257 = arith.muli %add3A_152, %mul3A_256 : i32
        %add3A_258 = vector.broadcast %mul3A_257 : i32 to vector<16xi32>
        %add3A_259 = arith.addi %broadcast_in_dim3A_255, %add3A_258 : vector<16xi32>
        %gather3A_260 = tpu.vector_load_idx %arg17[%add3A_138, %add3A_259] : memref<256x40xf32, #tpu.memory_space<vmem>>[vector<16xi32>, vector<16xi32>], vector<16xf32>,
        %broadcast_in_dim3A_261 = arith.constant 7 : i32
        %broadcast_in_dim3A_262 = vector.broadcast %broadcast_in_dim3A_261 : i32 to vector<16xi32>
        %mul3A_263 = arith.mulf %exp3A, %gather3A_260 : vector<16xf32>
        tpu.vector_store_idx %arg21[%add3A_138, %broadcast_in_dim3A_262], %mul3A_263 : memref<256x24xf32, #tpu.memory_space<vmem>>[vector<16xi32>, vector<16xi32>], vector<16xf32>,
        %add3A_264 = arith.constant 1 : i32
        %add3A_265 = arith.addi %mul3A_10, %add3A_264 : i32
        %broadcast_in_dim3A_266 = arith.constant 32 : i32
        %broadcast_in_dim3A_267 = vector.broadcast %broadcast_in_dim3A_266 : i32 to vector<16xi32>
        %add3A_268 = vector.broadcast %add3A_265 : i32 to vector<16xi32>
        %add3A_269 = arith.addi %broadcast_in_dim3A_267, %add3A_268 : vector<16xi32>
        %gather3A_270 = tpu.vector_load_idx %arg17[%add3A_138, %add3A_269] : memref<256x40xf32, #tpu.memory_space<vmem>>[vector<16xi32>, vector<16xi32>], vector<16xf32>,
        %broadcast_in_dim3A_271 = arith.constant 0 : i32
        %broadcast_in_dim3A_272 = vector.broadcast %broadcast_in_dim3A_271 : i32 to vector<16xi32>
        %add3A_273 = vector.broadcast %add3A_265 : i32 to vector<16xi32>
        %add3A_274 = arith.addi %broadcast_in_dim3A_272, %add3A_273 : vector<16xi32>
        %gather3A_275 = tpu.vector_load_idx %arg19[%add3A_138, %add3A_274] : memref<256x8xf32, #tpu.memory_space<vmem>>[vector<16xi32>, vector<16xi32>], vector<16xf32>,
        %broadcast_in_dim3A_276 = arith.constant 4 : i32
        %broadcast_in_dim3A_277 = vector.broadcast %broadcast_in_dim3A_276 : i32 to vector<16xi32>
        %add3A_278 = vector.broadcast %add3A_265 : i32 to vector<16xi32>
        %add3A_279 = arith.addi %broadcast_in_dim3A_277, %add3A_278 : vector<16xi32>
        %gather3A_280 = tpu.vector_load_idx %arg19[%add3A_138, %add3A_279] : memref<256x8xf32, #tpu.memory_space<vmem>>[vector<16xi32>, vector<16xi32>], vector<16xf32>,
        %mul3A_281 = arith.mulf %gather3A_141, %gather3A_42 : vector<16xf32>
        %mul3A_282 = arith.mulf %gather3A_144, %gather3A_49 : vector<16xf32>
        %add3A_283 = arith.addf %mul3A_281, %mul3A_282 : vector<16xf32>
        %mul3A_284 = arith.mulf %gather3A_147, %gather3A_56 : vector<16xf32>
        %add3A_285 = arith.addf %add3A_283, %mul3A_284 : vector<16xf32>
        %mul3A_286 = arith.mulf %gather3A_150, %gather3A_63 : vector<16xf32>
        %add3A_287 = arith.addf %add3A_285, %mul3A_286 : vector<16xf32>
        %add3A_288 = arith.addf %gather3A_270, %gather3A_275 : vector<16xf32>
        %add3A_289 = arith.addf %add3A_288, %add3A_287 : vector<16xf32>
        %gt3A_290 = arith.constant 0.000000e+00 : f32
        %gt3A_291 = vector.broadcast %gt3A_290 : f32 to vector<16xf32>
        %gt3A_292 = arith.cmpf ogt, %add3A_289, %gt3A_291 : vector<16xf32>
        %mul3A_293 = arith.constant 2.000000e-01 : f32
        %mul3A_294 = vector.broadcast %mul3A_293 : f32 to vector<16xf32>
        %mul3A_295 = arith.mulf %mul3A_294, %add3A_289 : vector<16xf32>
        %select_n3A_296 = arith.select %gt3A_292, %add3A_289, %mul3A_295 : vector<16xi1>, vector<16xf32>
        %sub3A_297 = arith.subf %select_n3A_296, %gather3A_280 : vector<16xf32>
        %exp3A_298 = math.exp %sub3A_297 : vector<16xf32>
        %broadcast_in_dim3A_299 = arith.constant 17 : i32
        %broadcast_in_dim3A_300 = vector.broadcast %broadcast_in_dim3A_299 : i32 to vector<16xi32>
        tpu.vector_store_idx %arg21[%add3A_138, %broadcast_in_dim3A_300], %exp3A_298 : memref<256x24xf32, #tpu.memory_space<vmem>>[vector<16xi32>, vector<16xi32>], vector<16xf32>,
        %broadcast_in_dim3A_301 = arith.constant 0 : i32
        %broadcast_in_dim3A_302 = vector.broadcast %broadcast_in_dim3A_301 : i32 to vector<16xi32>
        %mul3A_303 = arith.constant 8 : i32
        %mul3A_304 = arith.muli %add3A_265, %mul3A_303 : i32
        %add3A_305 = vector.broadcast %mul3A_304 : i32 to vector<16xi32>
        %add3A_306 = arith.addi %broadcast_in_dim3A_302, %add3A_305 : vector<16xi32>
        %gather3A_307 = tpu.vector_load_idx %arg17[%add3A_138, %add3A_306] : memref<256x40xf32, #tpu.memory_space<vmem>>[vector<16xi32>, vector<16xi32>], vector<16xf32>,
        %broadcast_in_dim3A_308 = arith.constant 8 : i32
        %broadcast_in_dim3A_309 = vector.broadcast %broadcast_in_dim3A_308 : i32 to vector<16xi32>
        %mul3A_310 = arith.mulf %exp3A_298, %gather3A_307 : vector<16xf32>
        tpu.vector_store_idx %arg21[%add3A_138, %broadcast_in_dim3A_309], %mul3A_310 : memref<256x24xf32, #tpu.memory_space<vmem>>[vector<16xi32>, vector<16xi32>], vector<16xf32>,
        %broadcast_in_dim3A_311 = arith.constant 1 : i32
        %broadcast_in_dim3A_312 = vector.broadcast %broadcast_in_dim3A_311 : i32 to vector<16xi32>
        %mul3A_313 = arith.constant 8 : i32
        %mul3A_314 = arith.muli %add3A_265, %mul3A_313 : i32
        %add3A_315 = vector.broadcast %mul3A_314 : i32 to vector<16xi32>
        %add3A_316 = arith.addi %broadcast_in_dim3A_312, %add3A_315 : vector<16xi32>
        %gather3A_317 = tpu.vector_load_idx %arg17[%add3A_138, %add3A_316] : memref<256x40xf32, #tpu.memory_space<vmem>>[vector<16xi32>, vector<16xi32>], vector<16xf32>,
        %broadcast_in_dim3A_318 = arith.constant 9 : i32
        %broadcast_in_dim3A_319 = vector.broadcast %broadcast_in_dim3A_318 : i32 to vector<16xi32>
        %mul3A_320 = arith.mulf %exp3A_298, %gather3A_317 : vector<16xf32>
        tpu.vector_store_idx %arg21[%add3A_138, %broadcast_in_dim3A_319], %mul3A_320 : memref<256x24xf32, #tpu.memory_space<vmem>>[vector<16xi32>, vector<16xi32>], vector<16xf32>,
        %broadcast_in_dim3A_321 = arith.constant 2 : i32
        %broadcast_in_dim3A_322 = vector.broadcast %broadcast_in_dim3A_321 : i32 to vector<16xi32>
        %mul3A_323 = arith.constant 8 : i32
        %mul3A_324 = arith.muli %add3A_265, %mul3A_323 : i32
        %add3A_325 = vector.broadcast %mul3A_324 : i32 to vector<16xi32>
        %add3A_326 = arith.addi %broadcast_in_dim3A_322, %add3A_325 : vector<16xi32>
        %gather3A_327 = tpu.vector_load_idx %arg17[%add3A_138, %add3A_326] : memref<256x40xf32, #tpu.memory_space<vmem>>[vector<16xi32>, vector<16xi32>], vector<16xf32>,
        %broadcast_in_dim3A_328 = arith.constant 10 : i32
        %broadcast_in_dim3A_329 = vector.broadcast %broadcast_in_dim3A_328 : i32 to vector<16xi32>
        %mul3A_330 = arith.mulf %exp3A_298, %gather3A_327 : vector<16xf32>
        tpu.vector_store_idx %arg21[%add3A_138, %broadcast_in_dim3A_329], %mul3A_330 : memref<256x24xf32, #tpu.memory_space<vmem>>[vector<16xi32>, vector<16xi32>], vector<16xf32>,
        %broadcast_in_dim3A_331 = arith.constant 3 : i32
        %broadcast_in_dim3A_332 = vector.broadcast %broadcast_in_dim3A_331 : i32 to vector<16xi32>
        %mul3A_333 = arith.constant 8 : i32
        %mul3A_334 = arith.muli %add3A_265, %mul3A_333 : i32
        %add3A_335 = vector.broadcast %mul3A_334 : i32 to vector<16xi32>
        %add3A_336 = arith.addi %broadcast_in_dim3A_332, %add3A_335 : vector<16xi32>
        %gather3A_337 = tpu.vector_load_idx %arg17[%add3A_138, %add3A_336] : memref<256x40xf32, #tpu.memory_space<vmem>>[vector<16xi32>, vector<16xi32>], vector<16xf32>,
        %broadcast_in_dim3A_338 = arith.constant 11 : i32
        %broadcast_in_dim3A_339 = vector.broadcast %broadcast_in_dim3A_338 : i32 to vector<16xi32>
        %mul3A_340 = arith.mulf %exp3A_298, %gather3A_337 : vector<16xf32>
        tpu.vector_store_idx %arg21[%add3A_138, %broadcast_in_dim3A_339], %mul3A_340 : memref<256x24xf32, #tpu.memory_space<vmem>>[vector<16xi32>, vector<16xi32>], vector<16xf32>,
        %broadcast_in_dim3A_341 = arith.constant 4 : i32
        %broadcast_in_dim3A_342 = vector.broadcast %broadcast_in_dim3A_341 : i32 to vector<16xi32>
        %mul3A_343 = arith.constant 8 : i32
        %mul3A_344 = arith.muli %add3A_265, %mul3A_343 : i32
        %add3A_345 = vector.broadcast %mul3A_344 : i32 to vector<16xi32>
        %add3A_346 = arith.addi %broadcast_in_dim3A_342, %add3A_345 : vector<16xi32>
        %gather3A_347 = tpu.vector_load_idx %arg17[%add3A_138, %add3A_346] : memref<256x40xf32, #tpu.memory_space<vmem>>[vector<16xi32>, vector<16xi32>], vector<16xf32>,
        %broadcast_in_dim3A_348 = arith.constant 12 : i32
        %broadcast_in_dim3A_349 = vector.broadcast %broadcast_in_dim3A_348 : i32 to vector<16xi32>
        %mul3A_350 = arith.mulf %exp3A_298, %gather3A_347 : vector<16xf32>
        tpu.vector_store_idx %arg21[%add3A_138, %broadcast_in_dim3A_349], %mul3A_350 : memref<256x24xf32, #tpu.memory_space<vmem>>[vector<16xi32>, vector<16xi32>], vector<16xf32>,
        %broadcast_in_dim3A_351 = arith.constant 5 : i32
        %broadcast_in_dim3A_352 = vector.broadcast %broadcast_in_dim3A_351 : i32 to vector<16xi32>
        %mul3A_353 = arith.constant 8 : i32
        %mul3A_354 = arith.muli %add3A_265, %mul3A_353 : i32
        %add3A_355 = vector.broadcast %mul3A_354 : i32 to vector<16xi32>
        %add3A_356 = arith.addi %broadcast_in_dim3A_352, %add3A_355 : vector<16xi32>
        %gather3A_357 = tpu.vector_load_idx %arg17[%add3A_138, %add3A_356] : memref<256x40xf32, #tpu.memory_space<vmem>>[vector<16xi32>, vector<16xi32>], vector<16xf32>,
        %broadcast_in_dim3A_358 = arith.constant 13 : i32
        %broadcast_in_dim3A_359 = vector.broadcast %broadcast_in_dim3A_358 : i32 to vector<16xi32>
        %mul3A_360 = arith.mulf %exp3A_298, %gather3A_357 : vector<16xf32>
        tpu.vector_store_idx %arg21[%add3A_138, %broadcast_in_dim3A_359], %mul3A_360 : memref<256x24xf32, #tpu.memory_space<vmem>>[vector<16xi32>, vector<16xi32>], vector<16xf32>,
        %broadcast_in_dim3A_361 = arith.constant 6 : i32
        %broadcast_in_dim3A_362 = vector.broadcast %broadcast_in_dim3A_361 : i32 to vector<16xi32>
        %mul3A_363 = arith.constant 8 : i32
        %mul3A_364 = arith.muli %add3A_265, %mul3A_363 : i32
        %add3A_365 = vector.broadcast %mul3A_364 : i32 to vector<16xi32>
        %add3A_366 = arith.addi %broadcast_in_dim3A_362, %add3A_365 : vector<16xi32>
        %gather3A_367 = tpu.vector_load_idx %arg17[%add3A_138, %add3A_366] : memref<256x40xf32, #tpu.memory_space<vmem>>[vector<16xi32>, vector<16xi32>], vector<16xf32>,
        %broadcast_in_dim3A_368 = arith.constant 14 : i32
        %broadcast_in_dim3A_369 = vector.broadcast %broadcast_in_dim3A_368 : i32 to vector<16xi32>
        %mul3A_370 = arith.mulf %exp3A_298, %gather3A_367 : vector<16xf32>
        tpu.vector_store_idx %arg21[%add3A_138, %broadcast_in_dim3A_369], %mul3A_370 : memref<256x24xf32, #tpu.memory_space<vmem>>[vector<16xi32>, vector<16xi32>], vector<16xf32>,
        %broadcast_in_dim3A_371 = arith.constant 7 : i32
        %broadcast_in_dim3A_372 = vector.broadcast %broadcast_in_dim3A_371 : i32 to vector<16xi32>
        %mul3A_373 = arith.constant 8 : i32
        %mul3A_374 = arith.muli %add3A_265, %mul3A_373 : i32
        %add3A_375 = vector.broadcast %mul3A_374 : i32 to vector<16xi32>
        %add3A_376 = arith.addi %broadcast_in_dim3A_372, %add3A_375 : vector<16xi32>
        %gather3A_377 = tpu.vector_load_idx %arg17[%add3A_138, %add3A_376] : memref<256x40xf32, #tpu.memory_space<vmem>>[vector<16xi32>, vector<16xi32>], vector<16xf32>,
        %broadcast_in_dim3A_378 = arith.constant 15 : i32
        %broadcast_in_dim3A_379 = vector.broadcast %broadcast_in_dim3A_378 : i32 to vector<16xi32>
        %mul3A_380 = arith.mulf %exp3A_298, %gather3A_377 : vector<16xf32>
        tpu.vector_store_idx %arg21[%add3A_138, %broadcast_in_dim3A_379], %mul3A_380 : memref<256x24xf32, #tpu.memory_space<vmem>>[vector<16xi32>, vector<16xi32>], vector<16xf32>,
        %scan3A_381 = arith.constant 0 : i32
        scf.yield %scan3A_381 : i32
      }
      %scan3A_131 = arith.constant 16 : i32
      "tpu.region"() ({
        %run_scoped3A = tpu.sem_alloc : memref<!tpu.dma_semaphore, #tpu.memory_space<semaphore_mem>>
        %dma_start3A_133 = arith.constant 0 : i32
        %dma_start3A_134 = arith.constant 0 : i32
        %dma_start3A_135 = tpu.memref_slice %arg23[%dma_start3A_133, %dma_start3A_134] : memref<50048x24xf32, #tpu.memory_space<vmem_shared>> -> memref<50048x24xf32, #tpu.memory_space<vmem_shared>>
        tpu.enqueue_indirect_dma source(%arg21 : memref<256x24xf32, #tpu.memory_space<vmem>>) target(%dma_start3A_135 : memref<50048x24xf32, #tpu.memory_space<vmem_shared>>) offsets(%arg13 : memref<256xi32, #tpu.memory_space<vmem>>) semaphore(%run_scoped3A : memref<!tpu.dma_semaphore, #tpu.memory_space<semaphore_mem>>) {add = true}
        %dma_wait3A_136 = arith.constant 0 : i32
        %dma_wait3A_137 = arith.constant 0 : i32
        %dma_wait3A_138 = tpu.memref_slice %arg23[%dma_wait3A_136, %dma_wait3A_137] : memref<50048x24xf32, #tpu.memory_space<vmem_shared>> -> memref<50048x24xf32, #tpu.memory_space<vmem_shared>>
        tpu.wait_indirect_dma semaphore(%run_scoped3A : memref<!tpu.dma_semaphore, #tpu.memory_space<semaphore_mem>>) src(%arg21 : memref<256x24xf32, #tpu.memory_space<vmem>>) dst(%dma_wait3A_138 : memref<50048x24xf32, #tpu.memory_space<vmem_shared>>)
        tpu.yield
      }) : () -> ()
      %scan3A_132 = arith.constant 0 : i32
      scf.yield %scan3A_132 : i32
    }
    %scan3A_70 = arith.constant 98 : i32
    %barrier3A_71 = arith.constant 0 : index
    tpu.barrier barrier_id(%barrier3A_71)
    %mul3A_72 = arith.constant 3128 : i32
    %mul3A_73 = arith.muli %arg1, %mul3A_72 : i32
    %mul3A_74 = arith.constant 3128 : i32
    %mul3A_75 = arith.muli %arg1, %mul3A_74 : i32
    "tpu.region"() ({
      %run_scoped3A = tpu.sem_alloc : memref<!tpu.dma_semaphore, #tpu.memory_space<semaphore_mem>>
      %dma_start3A = arith.constant 0 : i32
      %dma_start3A_76 = tpu.memref_slice %arg9[%arg0, %mul3A_75, %dma_start3A] : memref<2x50048x24xf32, #tpu.memory_space<hbm>> -> memref<1x3128x24xf32, #tpu.memory_space<hbm>>
      %dma_start3A_77 = tpu.memref_squeeze %dma_start3A_76 : memref<1x3128x24xf32, #tpu.memory_space<hbm>> -> memref<3128x24xf32, #tpu.memory_space<hbm>>
      %dma_start3A_78 = arith.constant 0 : i32
      %dma_start3A_79 = tpu.memref_slice %arg23[%mul3A_73, %dma_start3A_78] : memref<50048x24xf32, #tpu.memory_space<vmem_shared>> -> memref<3128x24xf32, #tpu.memory_space<vmem_shared>>
      tpu.enqueue_dma source(%dma_start3A_79 : memref<3128x24xf32, #tpu.memory_space<vmem_shared>>) target(%dma_start3A_77 : memref<3128x24xf32, #tpu.memory_space<hbm>>) target_semaphore(%run_scoped3A : memref<!tpu.dma_semaphore, #tpu.memory_space<semaphore_mem>>)
      %dma_wait3A = arith.constant 0 : i32
      %dma_wait3A_80 = tpu.memref_slice %arg9[%arg0, %mul3A_75, %dma_wait3A] : memref<2x50048x24xf32, #tpu.memory_space<hbm>> -> memref<1x3128x24xf32, #tpu.memory_space<hbm>>
      %dma_wait3A_81 = tpu.memref_squeeze %dma_wait3A_80 : memref<1x3128x24xf32, #tpu.memory_space<hbm>> -> memref<3128x24xf32, #tpu.memory_space<hbm>>
      %dma_wait3A_82 = arith.constant 0 : i32
      %dma_wait3A_83 = tpu.memref_slice %arg23[%mul3A_73, %dma_wait3A_82] : memref<50048x24xf32, #tpu.memory_space<vmem_shared>> -> memref<3128x24xf32, #tpu.memory_space<vmem_shared>>
      tpu.wait_dma2 semaphore(%run_scoped3A : memref<!tpu.dma_semaphore, #tpu.memory_space<semaphore_mem>>) src(%dma_wait3A_83 : memref<3128x24xf32, #tpu.memory_space<vmem_shared>>) dst(%dma_wait3A_81 : memref<3128x24xf32, #tpu.memory_space<hbm>>)
      tpu.yield
    }) : () -> ()
    return
  }
}

#map = affine_map<(d0, d1) -> (0)>
#map1 = affine_map<(d0, d1) -> (0, 0)>
#map2 = affine_map<(d0, d1) -> (0, 0, 0)>
module attributes {stable_mosaic.version = 14 : i64} {
  func.func @_pass_b_body(%arg0: i32, %arg1: i32, %arg2: memref<802816xi32, #tpu.memory_space<hbm>>, %arg3: memref<802816xi32, #tpu.memory_space<hbm>>, %arg4: memref<802816x4xf32, #tpu.memory_space<hbm>>, %arg5: memref<50000x40xf32, #tpu.memory_space<hbm>>, %arg6: memref<50048x8xf32, #tpu.memory_space<hbm>>, %arg7: memref<32xf32, #tpu.memory_space<hbm>>, %arg8: memref<50048x24xf32, #tpu.memory_space<hbm>>, %arg9: memref<2x50048x24xf32, #tpu.memory_space<hbm>>, %arg10: memref<256xi32, #tpu.memory_space<vmem>>, %arg11: memref<256xi32, #tpu.memory_space<vmem>>, %arg12: memref<256xi32, #tpu.memory_space<vmem>>, %arg13: memref<256xi32, #tpu.memory_space<vmem>>, %arg14: memref<256x4xf32, #tpu.memory_space<vmem>>, %arg15: memref<256x4xf32, #tpu.memory_space<vmem>>, %arg16: memref<256x40xf32, #tpu.memory_space<vmem>>, %arg17: memref<256x40xf32, #tpu.memory_space<vmem>>, %arg18: memref<256x8xf32, #tpu.memory_space<vmem>>, %arg19: memref<256x8xf32, #tpu.memory_space<vmem>>, %arg20: memref<256x24xf32, #tpu.memory_space<vmem>>, %arg21: memref<256x24xf32, #tpu.memory_space<vmem>>, %arg22: memref<32xf32, #tpu.memory_space<vmem>>, %arg23: memref<50048x24xf32, #tpu.memory_space<vmem_shared>>, %arg24: memref<!tpu.dma_semaphore, #tpu.memory_space<semaphore_mem>>, %arg25: memref<!tpu.dma_semaphore, #tpu.memory_space<semaphore_mem>>, %arg26: memref<!tpu.dma_semaphore, #tpu.memory_space<semaphore_mem>>, %arg27: memref<!tpu.dma_semaphore, #tpu.memory_space<semaphore_mem>>, %arg28: memref<!tpu.dma_semaphore, #tpu.memory_space<semaphore_mem>>, %arg29: memref<!tpu.dma_semaphore, #tpu.memory_space<semaphore_mem>>) attributes {dimension_semantics = [#tpu.dimension_semantics<core_parallel>, #tpu.dimension_semantics<subcore_parallel>], iteration_bounds = array<i64: 2, 16>, scalar_prefetch = 0 : i64, scratch_operands = 20 : i64, tpu.core_type = #tpu.core_type<sc_vector_subcore>, window_params = [{transform_indices = #map}, {transform_indices = #map}, {transform_indices = #map1}, {transform_indices = #map1}, {transform_indices = #map1}, {transform_indices = #map}, {transform_indices = #map1}, {transform_indices = #map2}]} {
    %mul3A = arith.constant 3128 : i32
    %mul3A_0 = arith.muli %arg1, %mul3A : i32
    %mul3A_1 = arith.constant 3128 : i32
    %mul3A_2 = arith.muli %arg1, %mul3A_1 : i32
    "tpu.region"() ({
      %run_scoped3A = tpu.sem_alloc : memref<!tpu.dma_semaphore, #tpu.memory_space<semaphore_mem>>
      %dma_start3A = arith.constant 0 : i32
      %dma_start3A_76 = tpu.memref_slice %arg23[%mul3A_2, %dma_start3A] : memref<50048x24xf32, #tpu.memory_space<vmem_shared>> -> memref<3128x24xf32, #tpu.memory_space<vmem_shared>>
      %dma_start3A_77 = arith.constant 0 : i32
      %dma_start3A_78 = tpu.memref_slice %arg8[%mul3A_0, %dma_start3A_77] : memref<50048x24xf32, #tpu.memory_space<hbm>> -> memref<3128x24xf32, #tpu.memory_space<hbm>>
      tpu.enqueue_dma source(%dma_start3A_78 : memref<3128x24xf32, #tpu.memory_space<hbm>>) target(%dma_start3A_76 : memref<3128x24xf32, #tpu.memory_space<vmem_shared>>) target_semaphore(%run_scoped3A : memref<!tpu.dma_semaphore, #tpu.memory_space<semaphore_mem>>)
      %dma_wait3A = arith.constant 0 : i32
      %dma_wait3A_79 = tpu.memref_slice %arg23[%mul3A_2, %dma_wait3A] : memref<50048x24xf32, #tpu.memory_space<vmem_shared>> -> memref<3128x24xf32, #tpu.memory_space<vmem_shared>>
      %dma_wait3A_80 = arith.constant 0 : i32
      %dma_wait3A_81 = tpu.memref_slice %arg8[%mul3A_0, %dma_wait3A_80] : memref<50048x24xf32, #tpu.memory_space<hbm>> -> memref<3128x24xf32, #tpu.memory_space<hbm>>
      tpu.wait_dma2 semaphore(%run_scoped3A : memref<!tpu.dma_semaphore, #tpu.memory_space<semaphore_mem>>) src(%dma_wait3A_81 : memref<3128x24xf32, #tpu.memory_space<hbm>>) dst(%dma_wait3A_79 : memref<3128x24xf32, #tpu.memory_space<vmem_shared>>)
      tpu.yield
    }) : () -> ()
    "tpu.region"() ({
      %run_scoped3A = tpu.sem_alloc : memref<!tpu.dma_semaphore, #tpu.memory_space<semaphore_mem>>
      tpu.enqueue_dma source(%arg7 : memref<32xf32, #tpu.memory_space<hbm>>) target(%arg22 : memref<32xf32, #tpu.memory_space<vmem>>) target_semaphore(%run_scoped3A : memref<!tpu.dma_semaphore, #tpu.memory_space<semaphore_mem>>)
      tpu.wait_dma2 semaphore(%run_scoped3A : memref<!tpu.dma_semaphore, #tpu.memory_space<semaphore_mem>>) src(%arg7 : memref<32xf32, #tpu.memory_space<hbm>>) dst(%arg22 : memref<32xf32, #tpu.memory_space<vmem>>)
      tpu.yield
    }) : () -> ()
    %scan3A = arith.constant 0 : i32
    %scan3A_3 = arith.constant 0 : i32
    %scan3A_4 = arith.constant 256 : i32
    %scan3A_5 = arith.addi %scan3A_3, %scan3A_4 : i32
    %scan3A_6 = arith.constant 1 : i32
    %scan3A_7 = scf.for %scan3A_76 = %scan3A_3 to %scan3A_5 step %scan3A_6 iter_args(%scan3A_77 = %scan3A) -> (i32)  : i32 {
      %broadcast_in_dim3A_78 = arith.constant 0.000000e+00 : f32
      %broadcast_in_dim3A_79 = vector.broadcast %broadcast_in_dim3A_78 : f32 to vector<16xf32>
      %swap3A = arith.index_cast %scan3A_76 : i32 to index
      %swap3A_80 = arith.constant 0 : index
      %swap3A_81 = tpu.vector_load %arg20[%swap3A, %swap3A_80] {strides = array<i32>} : memref<256x24xf32, #tpu.memory_space<vmem>>, vector<16xf32>,
      tpu.vector_store %arg20[%swap3A, %swap3A_80], %broadcast_in_dim3A_79 {strides = array<i32>} : memref<256x24xf32, #tpu.memory_space<vmem>>, vector<16xf32>,
      %broadcast_in_dim3A_82 = arith.constant 0.000000e+00 : f32
      %broadcast_in_dim3A_83 = vector.broadcast %broadcast_in_dim3A_82 : f32 to vector<16xf32>
      %swap3A_84 = arith.index_cast %scan3A_76 : i32 to index
      %swap3A_85 = arith.constant 8 : index
      %swap3A_86 = tpu.vector_load %arg20[%swap3A_84, %swap3A_85] {strides = array<i32>} : memref<256x24xf32, #tpu.memory_space<vmem>>, vector<16xf32>,
      tpu.vector_store %arg20[%swap3A_84, %swap3A_85], %broadcast_in_dim3A_83 {strides = array<i32>} : memref<256x24xf32, #tpu.memory_space<vmem>>, vector<16xf32>,
      %broadcast_in_dim3A_87 = arith.constant 0.000000e+00 : f32
      %broadcast_in_dim3A_88 = vector.broadcast %broadcast_in_dim3A_87 : f32 to vector<16xf32>
      %swap3A_89 = arith.index_cast %scan3A_76 : i32 to index
      %swap3A_90 = arith.constant 0 : index
      %swap3A_91 = tpu.vector_load %arg21[%swap3A_89, %swap3A_90] {strides = array<i32>} : memref<256x24xf32, #tpu.memory_space<vmem>>, vector<16xf32>,
      tpu.vector_store %arg21[%swap3A_89, %swap3A_90], %broadcast_in_dim3A_88 {strides = array<i32>} : memref<256x24xf32, #tpu.memory_space<vmem>>, vector<16xf32>,
      %broadcast_in_dim3A_92 = arith.constant 0.000000e+00 : f32
      %broadcast_in_dim3A_93 = vector.broadcast %broadcast_in_dim3A_92 : f32 to vector<16xf32>
      %swap3A_94 = arith.index_cast %scan3A_76 : i32 to index
      %swap3A_95 = arith.constant 8 : index
      %swap3A_96 = tpu.vector_load %arg21[%swap3A_94, %swap3A_95] {strides = array<i32>} : memref<256x24xf32, #tpu.memory_space<vmem>>, vector<16xf32>,
      tpu.vector_store %arg21[%swap3A_94, %swap3A_95], %broadcast_in_dim3A_93 {strides = array<i32>} : memref<256x24xf32, #tpu.memory_space<vmem>>, vector<16xf32>,
      %scan3A_97 = arith.constant 0 : i32
      scf.yield %scan3A_97 : i32
    }
    %scan3A_8 = arith.constant 256 : i32
    %barrier3A = arith.constant 0 : index
    tpu.barrier barrier_id(%barrier3A)
    %iota3A = tpu.iota {dimensions = array<i32: 0>} : vector<16xi32>
    %mul3A_9 = arith.constant 2 : i32
    %mul3A_10 = arith.muli %arg0, %mul3A_9 : i32
    %add3A = arith.constant 0 : i32
    %add3A_11 = arith.addi %mul3A_10, %add3A : i32
    %broadcast_in_dim3A = arith.constant 0 : i32
    %broadcast_in_dim3A_12 = vector.broadcast %broadcast_in_dim3A : i32 to vector<16xi32>
    %add3A_13 = vector.broadcast %add3A_11 : i32 to vector<16xi32>
    %add3A_14 = arith.addi %broadcast_in_dim3A_12, %add3A_13 : vector<16xi32>
    %gather3A = tpu.vector_load_idx %arg22[%add3A_14] : memref<32xf32, #tpu.memory_space<vmem>>[vector<16xi32>], vector<16xf32>,
    %add3A_15 = arith.constant 0 : i32
    %add3A_16 = arith.addi %mul3A_10, %add3A_15 : i32
    %broadcast_in_dim3A_17 = arith.constant 4 : i32
    %broadcast_in_dim3A_18 = vector.broadcast %broadcast_in_dim3A_17 : i32 to vector<16xi32>
    %add3A_19 = vector.broadcast %add3A_16 : i32 to vector<16xi32>
    %add3A_20 = arith.addi %broadcast_in_dim3A_18, %add3A_19 : vector<16xi32>
    %gather3A_21 = tpu.vector_load_idx %arg22[%add3A_20] : memref<32xf32, #tpu.memory_space<vmem>>[vector<16xi32>], vector<16xf32>,
    %add3A_22 = arith.constant 0 : i32
    %add3A_23 = arith.addi %mul3A_10, %add3A_22 : i32
    %broadcast_in_dim3A_24 = arith.constant 8 : i32
    %broadcast_in_dim3A_25 = vector.broadcast %broadcast_in_dim3A_24 : i32 to vector<16xi32>
    %add3A_26 = vector.broadcast %add3A_23 : i32 to vector<16xi32>
    %add3A_27 = arith.addi %broadcast_in_dim3A_25, %add3A_26 : vector<16xi32>
    %gather3A_28 = tpu.vector_load_idx %arg22[%add3A_27] : memref<32xf32, #tpu.memory_space<vmem>>[vector<16xi32>], vector<16xf32>,
    %add3A_29 = arith.constant 0 : i32
    %add3A_30 = arith.addi %mul3A_10, %add3A_29 : i32
    %broadcast_in_dim3A_31 = arith.constant 12 : i32
    %broadcast_in_dim3A_32 = vector.broadcast %broadcast_in_dim3A_31 : i32 to vector<16xi32>
    %add3A_33 = vector.broadcast %add3A_30 : i32 to vector<16xi32>
    %add3A_34 = arith.addi %broadcast_in_dim3A_32, %add3A_33 : vector<16xi32>
    %gather3A_35 = tpu.vector_load_idx %arg22[%add3A_34] : memref<32xf32, #tpu.memory_space<vmem>>[vector<16xi32>], vector<16xf32>,
    %add3A_36 = arith.constant 1 : i32
    %add3A_37 = arith.addi %mul3A_10, %add3A_36 : i32
    %broadcast_in_dim3A_38 = arith.constant 0 : i32
    %broadcast_in_dim3A_39 = vector.broadcast %broadcast_in_dim3A_38 : i32 to vector<16xi32>
    %add3A_40 = vector.broadcast %add3A_37 : i32 to vector<16xi32>
    %add3A_41 = arith.addi %broadcast_in_dim3A_39, %add3A_40 : vector<16xi32>
    %gather3A_42 = tpu.vector_load_idx %arg22[%add3A_41] : memref<32xf32, #tpu.memory_space<vmem>>[vector<16xi32>], vector<16xf32>,
    %add3A_43 = arith.constant 1 : i32
    %add3A_44 = arith.addi %mul3A_10, %add3A_43 : i32
    %broadcast_in_dim3A_45 = arith.constant 4 : i32
    %broadcast_in_dim3A_46 = vector.broadcast %broadcast_in_dim3A_45 : i32 to vector<16xi32>
    %add3A_47 = vector.broadcast %add3A_44 : i32 to vector<16xi32>
    %add3A_48 = arith.addi %broadcast_in_dim3A_46, %add3A_47 : vector<16xi32>
    %gather3A_49 = tpu.vector_load_idx %arg22[%add3A_48] : memref<32xf32, #tpu.memory_space<vmem>>[vector<16xi32>], vector<16xf32>,
    %add3A_50 = arith.constant 1 : i32
    %add3A_51 = arith.addi %mul3A_10, %add3A_50 : i32
    %broadcast_in_dim3A_52 = arith.constant 8 : i32
    %broadcast_in_dim3A_53 = vector.broadcast %broadcast_in_dim3A_52 : i32 to vector<16xi32>
    %add3A_54 = vector.broadcast %add3A_51 : i32 to vector<16xi32>
    %add3A_55 = arith.addi %broadcast_in_dim3A_53, %add3A_54 : vector<16xi32>
    %gather3A_56 = tpu.vector_load_idx %arg22[%add3A_55] : memref<32xf32, #tpu.memory_space<vmem>>[vector<16xi32>], vector<16xf32>,
    %add3A_57 = arith.constant 1 : i32
    %add3A_58 = arith.addi %mul3A_10, %add3A_57 : i32
    %broadcast_in_dim3A_59 = arith.constant 12 : i32
    %broadcast_in_dim3A_60 = vector.broadcast %broadcast_in_dim3A_59 : i32 to vector<16xi32>
    %add3A_61 = vector.broadcast %add3A_58 : i32 to vector<16xi32>
    %add3A_62 = arith.addi %broadcast_in_dim3A_60, %add3A_61 : vector<16xi32>
    %gather3A_63 = tpu.vector_load_idx %arg22[%add3A_62] : memref<32xf32, #tpu.memory_space<vmem>>[vector<16xi32>], vector<16xf32>,
    %scan3A_64 = arith.constant 0 : i32
    %scan3A_65 = arith.constant 0 : i32
    %scan3A_66 = arith.constant 98 : i32
    %scan3A_67 = arith.addi %scan3A_65, %scan3A_66 : i32
    %scan3A_68 = arith.constant 1 : i32
    %scan3A_69 = scf.for %scan3A_76 = %scan3A_65 to %scan3A_67 step %scan3A_68 iter_args(%scan3A_77 = %scan3A_64) -> (i32)  : i32 {
      %mul3A_78 = arith.constant 196 : i32
      %mul3A_79 = arith.muli %arg1, %mul3A_78 : i32
      %mul3A_80 = arith.constant 2 : i32
      %mul3A_81 = arith.muli %scan3A_76, %mul3A_80 : i32
      %add3A_82 = arith.addi %mul3A_79, %mul3A_81 : i32
      %add3A_83 = arith.constant 0 : i32
      %add3A_84 = arith.addi %add3A_82, %add3A_83 : i32
      %mul3A_85 = arith.constant 256 : i32
      %mul3A_86 = arith.muli %add3A_84, %mul3A_85 : i32
      "tpu.region"() ({
        %run_scoped3A = tpu.sem_alloc : memref<!tpu.dma_semaphore, #tpu.memory_space<semaphore_mem>>
        %dma_start3A_133 = tpu.memref_slice %arg2[%mul3A_86] : memref<802816xi32, #tpu.memory_space<hbm>> -> memref<256xi32, #tpu.memory_space<hbm>>
        %dma_start3A_134 = tpu.memref_slice %arg2[%mul3A_86] : memref<802816xi32, #tpu.memory_space<hbm>> -> memref<256xi32, #tpu.memory_space<hbm>>
        tpu.enqueue_dma source(%dma_start3A_134 : memref<256xi32, #tpu.memory_space<hbm>>) target(%arg10 : memref<256xi32, #tpu.memory_space<vmem>>) target_semaphore(%run_scoped3A : memref<!tpu.dma_semaphore, #tpu.memory_space<semaphore_mem>>)
        %dma_wait3A_135 = tpu.memref_slice %arg2[%mul3A_86] : memref<802816xi32, #tpu.memory_space<hbm>> -> memref<256xi32, #tpu.memory_space<hbm>>
        %dma_wait3A_136 = tpu.memref_slice %arg2[%mul3A_86] : memref<802816xi32, #tpu.memory_space<hbm>> -> memref<256xi32, #tpu.memory_space<hbm>>
        tpu.wait_dma2 semaphore(%run_scoped3A : memref<!tpu.dma_semaphore, #tpu.memory_space<semaphore_mem>>) src(%dma_wait3A_136 : memref<256xi32, #tpu.memory_space<hbm>>) dst(%arg10 : memref<256xi32, #tpu.memory_space<vmem>>)
        tpu.yield
      }) : () -> ()
      "tpu.region"() ({
        %run_scoped3A = tpu.sem_alloc : memref<!tpu.dma_semaphore, #tpu.memory_space<semaphore_mem>>
        %dma_start3A_133 = tpu.memref_slice %arg3[%mul3A_86] : memref<802816xi32, #tpu.memory_space<hbm>> -> memref<256xi32, #tpu.memory_space<hbm>>
        %dma_start3A_134 = tpu.memref_slice %arg3[%mul3A_86] : memref<802816xi32, #tpu.memory_space<hbm>> -> memref<256xi32, #tpu.memory_space<hbm>>
        tpu.enqueue_dma source(%dma_start3A_134 : memref<256xi32, #tpu.memory_space<hbm>>) target(%arg12 : memref<256xi32, #tpu.memory_space<vmem>>) target_semaphore(%run_scoped3A : memref<!tpu.dma_semaphore, #tpu.memory_space<semaphore_mem>>)
        %dma_wait3A_135 = tpu.memref_slice %arg3[%mul3A_86] : memref<802816xi32, #tpu.memory_space<hbm>> -> memref<256xi32, #tpu.memory_space<hbm>>
        %dma_wait3A_136 = tpu.memref_slice %arg3[%mul3A_86] : memref<802816xi32, #tpu.memory_space<hbm>> -> memref<256xi32, #tpu.memory_space<hbm>>
        tpu.wait_dma2 semaphore(%run_scoped3A : memref<!tpu.dma_semaphore, #tpu.memory_space<semaphore_mem>>) src(%dma_wait3A_136 : memref<256xi32, #tpu.memory_space<hbm>>) dst(%arg12 : memref<256xi32, #tpu.memory_space<vmem>>)
        tpu.yield
      }) : () -> ()
      "tpu.region"() ({
        %run_scoped3A = tpu.sem_alloc : memref<!tpu.dma_semaphore, #tpu.memory_space<semaphore_mem>>
        %dma_start3A_133 = arith.constant 0 : i32
        %dma_start3A_134 = tpu.memref_slice %arg4[%mul3A_86, %dma_start3A_133] : memref<802816x4xf32, #tpu.memory_space<hbm>> -> memref<256x4xf32, #tpu.memory_space<hbm>>
        %dma_start3A_135 = arith.constant 0 : i32
        %dma_start3A_136 = tpu.memref_slice %arg4[%mul3A_86, %dma_start3A_135] : memref<802816x4xf32, #tpu.memory_space<hbm>> -> memref<256x4xf32, #tpu.memory_space<hbm>>
        tpu.enqueue_dma source(%dma_start3A_136 : memref<256x4xf32, #tpu.memory_space<hbm>>) target(%arg14 : memref<256x4xf32, #tpu.memory_space<vmem>>) target_semaphore(%run_scoped3A : memref<!tpu.dma_semaphore, #tpu.memory_space<semaphore_mem>>)
        %dma_wait3A_137 = arith.constant 0 : i32
        %dma_wait3A_138 = tpu.memref_slice %arg4[%mul3A_86, %dma_wait3A_137] : memref<802816x4xf32, #tpu.memory_space<hbm>> -> memref<256x4xf32, #tpu.memory_space<hbm>>
        %dma_wait3A_139 = arith.constant 0 : i32
        %dma_wait3A_140 = tpu.memref_slice %arg4[%mul3A_86, %dma_wait3A_139] : memref<802816x4xf32, #tpu.memory_space<hbm>> -> memref<256x4xf32, #tpu.memory_space<hbm>>
        tpu.wait_dma2 semaphore(%run_scoped3A : memref<!tpu.dma_semaphore, #tpu.memory_space<semaphore_mem>>) src(%dma_wait3A_140 : memref<256x4xf32, #tpu.memory_space<hbm>>) dst(%arg14 : memref<256x4xf32, #tpu.memory_space<vmem>>)
        tpu.yield
      }) : () -> ()
      %dma_start3A = arith.constant 0 : i32
      %dma_start3A_87 = arith.constant 0 : i32
      %dma_start3A_88 = tpu.memref_slice %arg5[%dma_start3A, %dma_start3A_87] : memref<50000x40xf32, #tpu.memory_space<hbm>> -> memref<50000x40xf32, #tpu.memory_space<hbm>>
      tpu.enqueue_indirect_dma source(%dma_start3A_88 : memref<50000x40xf32, #tpu.memory_space<hbm>>) target(%arg16 : memref<256x40xf32, #tpu.memory_space<vmem>>) offsets(%arg10 : memref<256xi32, #tpu.memory_space<vmem>>) semaphore(%arg24 : memref<!tpu.dma_semaphore, #tpu.memory_space<semaphore_mem>>)
      %dma_start3A_89 = arith.constant 0 : i32
      %dma_start3A_90 = arith.constant 0 : i32
      %dma_start3A_91 = tpu.memref_slice %arg6[%dma_start3A_89, %dma_start3A_90] : memref<50048x8xf32, #tpu.memory_space<hbm>> -> memref<50048x8xf32, #tpu.memory_space<hbm>>
      tpu.enqueue_indirect_dma source(%dma_start3A_91 : memref<50048x8xf32, #tpu.memory_space<hbm>>) target(%arg18 : memref<256x8xf32, #tpu.memory_space<vmem>>) offsets(%arg12 : memref<256xi32, #tpu.memory_space<vmem>>) semaphore(%arg26 : memref<!tpu.dma_semaphore, #tpu.memory_space<semaphore_mem>>)
      %mul3A_92 = arith.constant 196 : i32
      %mul3A_93 = arith.muli %arg1, %mul3A_92 : i32
      %mul3A_94 = arith.constant 2 : i32
      %mul3A_95 = arith.muli %scan3A_76, %mul3A_94 : i32
      %add3A_96 = arith.addi %mul3A_93, %mul3A_95 : i32
      %add3A_97 = arith.constant 1 : i32
      %add3A_98 = arith.addi %add3A_96, %add3A_97 : i32
      %mul3A_99 = arith.constant 256 : i32
      %mul3A_100 = arith.muli %add3A_98, %mul3A_99 : i32
      "tpu.region"() ({
        %run_scoped3A = tpu.sem_alloc : memref<!tpu.dma_semaphore, #tpu.memory_space<semaphore_mem>>
        %dma_start3A_133 = tpu.memref_slice %arg2[%mul3A_100] : memref<802816xi32, #tpu.memory_space<hbm>> -> memref<256xi32, #tpu.memory_space<hbm>>
        %dma_start3A_134 = tpu.memref_slice %arg2[%mul3A_100] : memref<802816xi32, #tpu.memory_space<hbm>> -> memref<256xi32, #tpu.memory_space<hbm>>
        tpu.enqueue_dma source(%dma_start3A_134 : memref<256xi32, #tpu.memory_space<hbm>>) target(%arg11 : memref<256xi32, #tpu.memory_space<vmem>>) target_semaphore(%run_scoped3A : memref<!tpu.dma_semaphore, #tpu.memory_space<semaphore_mem>>)
        %dma_wait3A_135 = tpu.memref_slice %arg2[%mul3A_100] : memref<802816xi32, #tpu.memory_space<hbm>> -> memref<256xi32, #tpu.memory_space<hbm>>
        %dma_wait3A_136 = tpu.memref_slice %arg2[%mul3A_100] : memref<802816xi32, #tpu.memory_space<hbm>> -> memref<256xi32, #tpu.memory_space<hbm>>
        tpu.wait_dma2 semaphore(%run_scoped3A : memref<!tpu.dma_semaphore, #tpu.memory_space<semaphore_mem>>) src(%dma_wait3A_136 : memref<256xi32, #tpu.memory_space<hbm>>) dst(%arg11 : memref<256xi32, #tpu.memory_space<vmem>>)
        tpu.yield
      }) : () -> ()
      "tpu.region"() ({
        %run_scoped3A = tpu.sem_alloc : memref<!tpu.dma_semaphore, #tpu.memory_space<semaphore_mem>>
        %dma_start3A_133 = tpu.memref_slice %arg3[%mul3A_100] : memref<802816xi32, #tpu.memory_space<hbm>> -> memref<256xi32, #tpu.memory_space<hbm>>
        %dma_start3A_134 = tpu.memref_slice %arg3[%mul3A_100] : memref<802816xi32, #tpu.memory_space<hbm>> -> memref<256xi32, #tpu.memory_space<hbm>>
        tpu.enqueue_dma source(%dma_start3A_134 : memref<256xi32, #tpu.memory_space<hbm>>) target(%arg13 : memref<256xi32, #tpu.memory_space<vmem>>) target_semaphore(%run_scoped3A : memref<!tpu.dma_semaphore, #tpu.memory_space<semaphore_mem>>)
        %dma_wait3A_135 = tpu.memref_slice %arg3[%mul3A_100] : memref<802816xi32, #tpu.memory_space<hbm>> -> memref<256xi32, #tpu.memory_space<hbm>>
        %dma_wait3A_136 = tpu.memref_slice %arg3[%mul3A_100] : memref<802816xi32, #tpu.memory_space<hbm>> -> memref<256xi32, #tpu.memory_space<hbm>>
        tpu.wait_dma2 semaphore(%run_scoped3A : memref<!tpu.dma_semaphore, #tpu.memory_space<semaphore_mem>>) src(%dma_wait3A_136 : memref<256xi32, #tpu.memory_space<hbm>>) dst(%arg13 : memref<256xi32, #tpu.memory_space<vmem>>)
        tpu.yield
      }) : () -> ()
      "tpu.region"() ({
        %run_scoped3A = tpu.sem_alloc : memref<!tpu.dma_semaphore, #tpu.memory_space<semaphore_mem>>
        %dma_start3A_133 = arith.constant 0 : i32
        %dma_start3A_134 = tpu.memref_slice %arg4[%mul3A_100, %dma_start3A_133] : memref<802816x4xf32, #tpu.memory_space<hbm>> -> memref<256x4xf32, #tpu.memory_space<hbm>>
        %dma_start3A_135 = arith.constant 0 : i32
        %dma_start3A_136 = tpu.memref_slice %arg4[%mul3A_100, %dma_start3A_135] : memref<802816x4xf32, #tpu.memory_space<hbm>> -> memref<256x4xf32, #tpu.memory_space<hbm>>
        tpu.enqueue_dma source(%dma_start3A_136 : memref<256x4xf32, #tpu.memory_space<hbm>>) target(%arg15 : memref<256x4xf32, #tpu.memory_space<vmem>>) target_semaphore(%run_scoped3A : memref<!tpu.dma_semaphore, #tpu.memory_space<semaphore_mem>>)
        %dma_wait3A_137 = arith.constant 0 : i32
        %dma_wait3A_138 = tpu.memref_slice %arg4[%mul3A_100, %dma_wait3A_137] : memref<802816x4xf32, #tpu.memory_space<hbm>> -> memref<256x4xf32, #tpu.memory_space<hbm>>
        %dma_wait3A_139 = arith.constant 0 : i32
        %dma_wait3A_140 = tpu.memref_slice %arg4[%mul3A_100, %dma_wait3A_139] : memref<802816x4xf32, #tpu.memory_space<hbm>> -> memref<256x4xf32, #tpu.memory_space<hbm>>
        tpu.wait_dma2 semaphore(%run_scoped3A : memref<!tpu.dma_semaphore, #tpu.memory_space<semaphore_mem>>) src(%dma_wait3A_140 : memref<256x4xf32, #tpu.memory_space<hbm>>) dst(%arg15 : memref<256x4xf32, #tpu.memory_space<vmem>>)
        tpu.yield
      }) : () -> ()
      %dma_start3A_101 = arith.constant 0 : i32
      %dma_start3A_102 = arith.constant 0 : i32
      %dma_start3A_103 = tpu.memref_slice %arg5[%dma_start3A_101, %dma_start3A_102] : memref<50000x40xf32, #tpu.memory_space<hbm>> -> memref<50000x40xf32, #tpu.memory_space<hbm>>
      tpu.enqueue_indirect_dma source(%dma_start3A_103 : memref<50000x40xf32, #tpu.memory_space<hbm>>) target(%arg17 : memref<256x40xf32, #tpu.memory_space<vmem>>) offsets(%arg11 : memref<256xi32, #tpu.memory_space<vmem>>) semaphore(%arg25 : memref<!tpu.dma_semaphore, #tpu.memory_space<semaphore_mem>>)
      %dma_start3A_104 = arith.constant 0 : i32
      %dma_start3A_105 = arith.constant 0 : i32
      %dma_start3A_106 = tpu.memref_slice %arg6[%dma_start3A_104, %dma_start3A_105] : memref<50048x8xf32, #tpu.memory_space<hbm>> -> memref<50048x8xf32, #tpu.memory_space<hbm>>
      tpu.enqueue_indirect_dma source(%dma_start3A_106 : memref<50048x8xf32, #tpu.memory_space<hbm>>) target(%arg19 : memref<256x8xf32, #tpu.memory_space<vmem>>) offsets(%arg13 : memref<256xi32, #tpu.memory_space<vmem>>) semaphore(%arg27 : memref<!tpu.dma_semaphore, #tpu.memory_space<semaphore_mem>>)
      %dma_wait3A = arith.constant 0 : i32
      %dma_wait3A_107 = arith.constant 0 : i32
      %dma_wait3A_108 = tpu.memref_slice %arg5[%dma_wait3A, %dma_wait3A_107] : memref<50000x40xf32, #tpu.memory_space<hbm>> -> memref<50000x40xf32, #tpu.memory_space<hbm>>
      tpu.wait_indirect_dma semaphore(%arg24 : memref<!tpu.dma_semaphore, #tpu.memory_space<semaphore_mem>>) src(%dma_wait3A_108 : memref<50000x40xf32, #tpu.memory_space<hbm>>) dst(%arg16 : memref<256x40xf32, #tpu.memory_space<vmem>>)
      %dma_wait3A_109 = arith.constant 0 : i32
      %dma_wait3A_110 = arith.constant 0 : i32
      %dma_wait3A_111 = tpu.memref_slice %arg6[%dma_wait3A_109, %dma_wait3A_110] : memref<50048x8xf32, #tpu.memory_space<hbm>> -> memref<50048x8xf32, #tpu.memory_space<hbm>>
      tpu.wait_indirect_dma semaphore(%arg26 : memref<!tpu.dma_semaphore, #tpu.memory_space<semaphore_mem>>) src(%dma_wait3A_111 : memref<50048x8xf32, #tpu.memory_space<hbm>>) dst(%arg18 : memref<256x8xf32, #tpu.memory_space<vmem>>)
      %scan3A_112 = arith.constant 0 : i32
      %scan3A_113 = arith.constant 0 : i32
      %scan3A_114 = arith.constant 16 : i32
      %scan3A_115 = arith.addi %scan3A_113, %scan3A_114 : i32
      %scan3A_116 = arith.constant 1 : i32
      %scan3A_117 = scf.for %scan3A_133 = %scan3A_113 to %scan3A_115 step %scan3A_116 iter_args(%scan3A_134 = %scan3A_112) -> (i32)  : i32 {
        %mul3A_135 = arith.constant 16 : i32
        %mul3A_136 = arith.muli %scan3A_133, %mul3A_135 : i32
        %add3A_137 = vector.broadcast %mul3A_136 : i32 to vector<16xi32>
        %add3A_138 = arith.addi %iota3A, %add3A_137 : vector<16xi32>
        %broadcast_in_dim3A_139 = arith.constant 0 : i32
        %broadcast_in_dim3A_140 = vector.broadcast %broadcast_in_dim3A_139 : i32 to vector<16xi32>
        %gather3A_141 = tpu.vector_load_idx %arg14[%add3A_138, %broadcast_in_dim3A_140] : memref<256x4xf32, #tpu.memory_space<vmem>>[vector<16xi32>, vector<16xi32>], vector<16xf32>,
        %broadcast_in_dim3A_142 = arith.constant 1 : i32
        %broadcast_in_dim3A_143 = vector.broadcast %broadcast_in_dim3A_142 : i32 to vector<16xi32>
        %gather3A_144 = tpu.vector_load_idx %arg14[%add3A_138, %broadcast_in_dim3A_143] : memref<256x4xf32, #tpu.memory_space<vmem>>[vector<16xi32>, vector<16xi32>], vector<16xf32>,
        %broadcast_in_dim3A_145 = arith.constant 2 : i32
        %broadcast_in_dim3A_146 = vector.broadcast %broadcast_in_dim3A_145 : i32 to vector<16xi32>
        %gather3A_147 = tpu.vector_load_idx %arg14[%add3A_138, %broadcast_in_dim3A_146] : memref<256x4xf32, #tpu.memory_space<vmem>>[vector<16xi32>, vector<16xi32>], vector<16xf32>,
        %broadcast_in_dim3A_148 = arith.constant 3 : i32
        %broadcast_in_dim3A_149 = vector.broadcast %broadcast_in_dim3A_148 : i32 to vector<16xi32>
        %gather3A_150 = tpu.vector_load_idx %arg14[%add3A_138, %broadcast_in_dim3A_149] : memref<256x4xf32, #tpu.memory_space<vmem>>[vector<16xi32>, vector<16xi32>], vector<16xf32>,
        %add3A_151 = arith.constant 0 : i32
        %add3A_152 = arith.addi %mul3A_10, %add3A_151 : i32
        %broadcast_in_dim3A_153 = arith.constant 32 : i32
        %broadcast_in_dim3A_154 = vector.broadcast %broadcast_in_dim3A_153 : i32 to vector<16xi32>
        %add3A_155 = vector.broadcast %add3A_152 : i32 to vector<16xi32>
        %add3A_156 = arith.addi %broadcast_in_dim3A_154, %add3A_155 : vector<16xi32>
        %gather3A_157 = tpu.vector_load_idx %arg16[%add3A_138, %add3A_156] : memref<256x40xf32, #tpu.memory_space<vmem>>[vector<16xi32>, vector<16xi32>], vector<16xf32>,
        %broadcast_in_dim3A_158 = arith.constant 0 : i32
        %broadcast_in_dim3A_159 = vector.broadcast %broadcast_in_dim3A_158 : i32 to vector<16xi32>
        %add3A_160 = vector.broadcast %add3A_152 : i32 to vector<16xi32>
        %add3A_161 = arith.addi %broadcast_in_dim3A_159, %add3A_160 : vector<16xi32>
        %gather3A_162 = tpu.vector_load_idx %arg18[%add3A_138, %add3A_161] : memref<256x8xf32, #tpu.memory_space<vmem>>[vector<16xi32>, vector<16xi32>], vector<16xf32>,
        %broadcast_in_dim3A_163 = arith.constant 4 : i32
        %broadcast_in_dim3A_164 = vector.broadcast %broadcast_in_dim3A_163 : i32 to vector<16xi32>
        %add3A_165 = vector.broadcast %add3A_152 : i32 to vector<16xi32>
        %add3A_166 = arith.addi %broadcast_in_dim3A_164, %add3A_165 : vector<16xi32>
        %gather3A_167 = tpu.vector_load_idx %arg18[%add3A_138, %add3A_166] : memref<256x8xf32, #tpu.memory_space<vmem>>[vector<16xi32>, vector<16xi32>], vector<16xf32>,
        %mul3A_168 = arith.mulf %gather3A_141, %gather3A : vector<16xf32>
        %mul3A_169 = arith.mulf %gather3A_144, %gather3A_21 : vector<16xf32>
        %add3A_170 = arith.addf %mul3A_168, %mul3A_169 : vector<16xf32>
        %mul3A_171 = arith.mulf %gather3A_147, %gather3A_28 : vector<16xf32>
        %add3A_172 = arith.addf %add3A_170, %mul3A_171 : vector<16xf32>
        %mul3A_173 = arith.mulf %gather3A_150, %gather3A_35 : vector<16xf32>
        %add3A_174 = arith.addf %add3A_172, %mul3A_173 : vector<16xf32>
        %add3A_175 = arith.addf %gather3A_157, %gather3A_162 : vector<16xf32>
        %add3A_176 = arith.addf %add3A_175, %add3A_174 : vector<16xf32>
        %gt3A = arith.constant 0.000000e+00 : f32
        %gt3A_177 = vector.broadcast %gt3A : f32 to vector<16xf32>
        %gt3A_178 = arith.cmpf ogt, %add3A_176, %gt3A_177 : vector<16xf32>
        %mul3A_179 = arith.constant 2.000000e-01 : f32
        %mul3A_180 = vector.broadcast %mul3A_179 : f32 to vector<16xf32>
        %mul3A_181 = arith.mulf %mul3A_180, %add3A_176 : vector<16xf32>
        %select_n3A = arith.select %gt3A_178, %add3A_176, %mul3A_181 : vector<16xi1>, vector<16xf32>
        %sub3A = arith.subf %select_n3A, %gather3A_167 : vector<16xf32>
        %exp3A = math.exp %sub3A : vector<16xf32>
        %broadcast_in_dim3A_182 = arith.constant 16 : i32
        %broadcast_in_dim3A_183 = vector.broadcast %broadcast_in_dim3A_182 : i32 to vector<16xi32>
        tpu.vector_store_idx %arg20[%add3A_138, %broadcast_in_dim3A_183], %exp3A : memref<256x24xf32, #tpu.memory_space<vmem>>[vector<16xi32>, vector<16xi32>], vector<16xf32>,
        %broadcast_in_dim3A_184 = arith.constant 0 : i32
        %broadcast_in_dim3A_185 = vector.broadcast %broadcast_in_dim3A_184 : i32 to vector<16xi32>
        %mul3A_186 = arith.constant 8 : i32
        %mul3A_187 = arith.muli %add3A_152, %mul3A_186 : i32
        %add3A_188 = vector.broadcast %mul3A_187 : i32 to vector<16xi32>
        %add3A_189 = arith.addi %broadcast_in_dim3A_185, %add3A_188 : vector<16xi32>
        %gather3A_190 = tpu.vector_load_idx %arg16[%add3A_138, %add3A_189] : memref<256x40xf32, #tpu.memory_space<vmem>>[vector<16xi32>, vector<16xi32>], vector<16xf32>,
        %broadcast_in_dim3A_191 = arith.constant 0 : i32
        %broadcast_in_dim3A_192 = vector.broadcast %broadcast_in_dim3A_191 : i32 to vector<16xi32>
        %mul3A_193 = arith.mulf %exp3A, %gather3A_190 : vector<16xf32>
        tpu.vector_store_idx %arg20[%add3A_138, %broadcast_in_dim3A_192], %mul3A_193 : memref<256x24xf32, #tpu.memory_space<vmem>>[vector<16xi32>, vector<16xi32>], vector<16xf32>,
        %broadcast_in_dim3A_194 = arith.constant 1 : i32
        %broadcast_in_dim3A_195 = vector.broadcast %broadcast_in_dim3A_194 : i32 to vector<16xi32>
        %mul3A_196 = arith.constant 8 : i32
        %mul3A_197 = arith.muli %add3A_152, %mul3A_196 : i32
        %add3A_198 = vector.broadcast %mul3A_197 : i32 to vector<16xi32>
        %add3A_199 = arith.addi %broadcast_in_dim3A_195, %add3A_198 : vector<16xi32>
        %gather3A_200 = tpu.vector_load_idx %arg16[%add3A_138, %add3A_199] : memref<256x40xf32, #tpu.memory_space<vmem>>[vector<16xi32>, vector<16xi32>], vector<16xf32>,
        %broadcast_in_dim3A_201 = arith.constant 1 : i32
        %broadcast_in_dim3A_202 = vector.broadcast %broadcast_in_dim3A_201 : i32 to vector<16xi32>
        %mul3A_203 = arith.mulf %exp3A, %gather3A_200 : vector<16xf32>
        tpu.vector_store_idx %arg20[%add3A_138, %broadcast_in_dim3A_202], %mul3A_203 : memref<256x24xf32, #tpu.memory_space<vmem>>[vector<16xi32>, vector<16xi32>], vector<16xf32>,
        %broadcast_in_dim3A_204 = arith.constant 2 : i32
        %broadcast_in_dim3A_205 = vector.broadcast %broadcast_in_dim3A_204 : i32 to vector<16xi32>
        %mul3A_206 = arith.constant 8 : i32
        %mul3A_207 = arith.muli %add3A_152, %mul3A_206 : i32
        %add3A_208 = vector.broadcast %mul3A_207 : i32 to vector<16xi32>
        %add3A_209 = arith.addi %broadcast_in_dim3A_205, %add3A_208 : vector<16xi32>
        %gather3A_210 = tpu.vector_load_idx %arg16[%add3A_138, %add3A_209] : memref<256x40xf32, #tpu.memory_space<vmem>>[vector<16xi32>, vector<16xi32>], vector<16xf32>,
        %broadcast_in_dim3A_211 = arith.constant 2 : i32
        %broadcast_in_dim3A_212 = vector.broadcast %broadcast_in_dim3A_211 : i32 to vector<16xi32>
        %mul3A_213 = arith.mulf %exp3A, %gather3A_210 : vector<16xf32>
        tpu.vector_store_idx %arg20[%add3A_138, %broadcast_in_dim3A_212], %mul3A_213 : memref<256x24xf32, #tpu.memory_space<vmem>>[vector<16xi32>, vector<16xi32>], vector<16xf32>,
        %broadcast_in_dim3A_214 = arith.constant 3 : i32
        %broadcast_in_dim3A_215 = vector.broadcast %broadcast_in_dim3A_214 : i32 to vector<16xi32>
        %mul3A_216 = arith.constant 8 : i32
        %mul3A_217 = arith.muli %add3A_152, %mul3A_216 : i32
        %add3A_218 = vector.broadcast %mul3A_217 : i32 to vector<16xi32>
        %add3A_219 = arith.addi %broadcast_in_dim3A_215, %add3A_218 : vector<16xi32>
        %gather3A_220 = tpu.vector_load_idx %arg16[%add3A_138, %add3A_219] : memref<256x40xf32, #tpu.memory_space<vmem>>[vector<16xi32>, vector<16xi32>], vector<16xf32>,
        %broadcast_in_dim3A_221 = arith.constant 3 : i32
        %broadcast_in_dim3A_222 = vector.broadcast %broadcast_in_dim3A_221 : i32 to vector<16xi32>
        %mul3A_223 = arith.mulf %exp3A, %gather3A_220 : vector<16xf32>
        tpu.vector_store_idx %arg20[%add3A_138, %broadcast_in_dim3A_222], %mul3A_223 : memref<256x24xf32, #tpu.memory_space<vmem>>[vector<16xi32>, vector<16xi32>], vector<16xf32>,
        %broadcast_in_dim3A_224 = arith.constant 4 : i32
        %broadcast_in_dim3A_225 = vector.broadcast %broadcast_in_dim3A_224 : i32 to vector<16xi32>
        %mul3A_226 = arith.constant 8 : i32
        %mul3A_227 = arith.muli %add3A_152, %mul3A_226 : i32
        %add3A_228 = vector.broadcast %mul3A_227 : i32 to vector<16xi32>
        %add3A_229 = arith.addi %broadcast_in_dim3A_225, %add3A_228 : vector<16xi32>
        %gather3A_230 = tpu.vector_load_idx %arg16[%add3A_138, %add3A_229] : memref<256x40xf32, #tpu.memory_space<vmem>>[vector<16xi32>, vector<16xi32>], vector<16xf32>,
        %broadcast_in_dim3A_231 = arith.constant 4 : i32
        %broadcast_in_dim3A_232 = vector.broadcast %broadcast_in_dim3A_231 : i32 to vector<16xi32>
        %mul3A_233 = arith.mulf %exp3A, %gather3A_230 : vector<16xf32>
        tpu.vector_store_idx %arg20[%add3A_138, %broadcast_in_dim3A_232], %mul3A_233 : memref<256x24xf32, #tpu.memory_space<vmem>>[vector<16xi32>, vector<16xi32>], vector<16xf32>,
        %broadcast_in_dim3A_234 = arith.constant 5 : i32
        %broadcast_in_dim3A_235 = vector.broadcast %broadcast_in_dim3A_234 : i32 to vector<16xi32>
        %mul3A_236 = arith.constant 8 : i32
        %mul3A_237 = arith.muli %add3A_152, %mul3A_236 : i32
        %add3A_238 = vector.broadcast %mul3A_237 : i32 to vector<16xi32>
        %add3A_239 = arith.addi %broadcast_in_dim3A_235, %add3A_238 : vector<16xi32>
        %gather3A_240 = tpu.vector_load_idx %arg16[%add3A_138, %add3A_239] : memref<256x40xf32, #tpu.memory_space<vmem>>[vector<16xi32>, vector<16xi32>], vector<16xf32>,
        %broadcast_in_dim3A_241 = arith.constant 5 : i32
        %broadcast_in_dim3A_242 = vector.broadcast %broadcast_in_dim3A_241 : i32 to vector<16xi32>
        %mul3A_243 = arith.mulf %exp3A, %gather3A_240 : vector<16xf32>
        tpu.vector_store_idx %arg20[%add3A_138, %broadcast_in_dim3A_242], %mul3A_243 : memref<256x24xf32, #tpu.memory_space<vmem>>[vector<16xi32>, vector<16xi32>], vector<16xf32>,
        %broadcast_in_dim3A_244 = arith.constant 6 : i32
        %broadcast_in_dim3A_245 = vector.broadcast %broadcast_in_dim3A_244 : i32 to vector<16xi32>
        %mul3A_246 = arith.constant 8 : i32
        %mul3A_247 = arith.muli %add3A_152, %mul3A_246 : i32
        %add3A_248 = vector.broadcast %mul3A_247 : i32 to vector<16xi32>
        %add3A_249 = arith.addi %broadcast_in_dim3A_245, %add3A_248 : vector<16xi32>
        %gather3A_250 = tpu.vector_load_idx %arg16[%add3A_138, %add3A_249] : memref<256x40xf32, #tpu.memory_space<vmem>>[vector<16xi32>, vector<16xi32>], vector<16xf32>,
        %broadcast_in_dim3A_251 = arith.constant 6 : i32
        %broadcast_in_dim3A_252 = vector.broadcast %broadcast_in_dim3A_251 : i32 to vector<16xi32>
        %mul3A_253 = arith.mulf %exp3A, %gather3A_250 : vector<16xf32>
        tpu.vector_store_idx %arg20[%add3A_138, %broadcast_in_dim3A_252], %mul3A_253 : memref<256x24xf32, #tpu.memory_space<vmem>>[vector<16xi32>, vector<16xi32>], vector<16xf32>,
        %broadcast_in_dim3A_254 = arith.constant 7 : i32
        %broadcast_in_dim3A_255 = vector.broadcast %broadcast_in_dim3A_254 : i32 to vector<16xi32>
        %mul3A_256 = arith.constant 8 : i32
        %mul3A_257 = arith.muli %add3A_152, %mul3A_256 : i32
        %add3A_258 = vector.broadcast %mul3A_257 : i32 to vector<16xi32>
        %add3A_259 = arith.addi %broadcast_in_dim3A_255, %add3A_258 : vector<16xi32>
        %gather3A_260 = tpu.vector_load_idx %arg16[%add3A_138, %add3A_259] : memref<256x40xf32, #tpu.memory_space<vmem>>[vector<16xi32>, vector<16xi32>], vector<16xf32>,
        %broadcast_in_dim3A_261 = arith.constant 7 : i32
        %broadcast_in_dim3A_262 = vector.broadcast %broadcast_in_dim3A_261 : i32 to vector<16xi32>
        %mul3A_263 = arith.mulf %exp3A, %gather3A_260 : vector<16xf32>
        tpu.vector_store_idx %arg20[%add3A_138, %broadcast_in_dim3A_262], %mul3A_263 : memref<256x24xf32, #tpu.memory_space<vmem>>[vector<16xi32>, vector<16xi32>], vector<16xf32>,
        %add3A_264 = arith.constant 1 : i32
        %add3A_265 = arith.addi %mul3A_10, %add3A_264 : i32
        %broadcast_in_dim3A_266 = arith.constant 32 : i32
        %broadcast_in_dim3A_267 = vector.broadcast %broadcast_in_dim3A_266 : i32 to vector<16xi32>
        %add3A_268 = vector.broadcast %add3A_265 : i32 to vector<16xi32>
        %add3A_269 = arith.addi %broadcast_in_dim3A_267, %add3A_268 : vector<16xi32>
        %gather3A_270 = tpu.vector_load_idx %arg16[%add3A_138, %add3A_269] : memref<256x40xf32, #tpu.memory_space<vmem>>[vector<16xi32>, vector<16xi32>], vector<16xf32>,
        %broadcast_in_dim3A_271 = arith.constant 0 : i32
        %broadcast_in_dim3A_272 = vector.broadcast %broadcast_in_dim3A_271 : i32 to vector<16xi32>
        %add3A_273 = vector.broadcast %add3A_265 : i32 to vector<16xi32>
        %add3A_274 = arith.addi %broadcast_in_dim3A_272, %add3A_273 : vector<16xi32>
        %gather3A_275 = tpu.vector_load_idx %arg18[%add3A_138, %add3A_274] : memref<256x8xf32, #tpu.memory_space<vmem>>[vector<16xi32>, vector<16xi32>], vector<16xf32>,
        %broadcast_in_dim3A_276 = arith.constant 4 : i32
        %broadcast_in_dim3A_277 = vector.broadcast %broadcast_in_dim3A_276 : i32 to vector<16xi32>
        %add3A_278 = vector.broadcast %add3A_265 : i32 to vector<16xi32>
        %add3A_279 = arith.addi %broadcast_in_dim3A_277, %add3A_278 : vector<16xi32>
        %gather3A_280 = tpu.vector_load_idx %arg18[%add3A_138, %add3A_279] : memref<256x8xf32, #tpu.memory_space<vmem>>[vector<16xi32>, vector<16xi32>], vector<16xf32>,
        %mul3A_281 = arith.mulf %gather3A_141, %gather3A_42 : vector<16xf32>
        %mul3A_282 = arith.mulf %gather3A_144, %gather3A_49 : vector<16xf32>
        %add3A_283 = arith.addf %mul3A_281, %mul3A_282 : vector<16xf32>
        %mul3A_284 = arith.mulf %gather3A_147, %gather3A_56 : vector<16xf32>
        %add3A_285 = arith.addf %add3A_283, %mul3A_284 : vector<16xf32>
        %mul3A_286 = arith.mulf %gather3A_150, %gather3A_63 : vector<16xf32>
        %add3A_287 = arith.addf %add3A_285, %mul3A_286 : vector<16xf32>
        %add3A_288 = arith.addf %gather3A_270, %gather3A_275 : vector<16xf32>
        %add3A_289 = arith.addf %add3A_288, %add3A_287 : vector<16xf32>
        %gt3A_290 = arith.constant 0.000000e+00 : f32
        %gt3A_291 = vector.broadcast %gt3A_290 : f32 to vector<16xf32>
        %gt3A_292 = arith.cmpf ogt, %add3A_289, %gt3A_291 : vector<16xf32>
        %mul3A_293 = arith.constant 2.000000e-01 : f32
        %mul3A_294 = vector.broadcast %mul3A_293 : f32 to vector<16xf32>
        %mul3A_295 = arith.mulf %mul3A_294, %add3A_289 : vector<16xf32>
        %select_n3A_296 = arith.select %gt3A_292, %add3A_289, %mul3A_295 : vector<16xi1>, vector<16xf32>
        %sub3A_297 = arith.subf %select_n3A_296, %gather3A_280 : vector<16xf32>
        %exp3A_298 = math.exp %sub3A_297 : vector<16xf32>
        %broadcast_in_dim3A_299 = arith.constant 17 : i32
        %broadcast_in_dim3A_300 = vector.broadcast %broadcast_in_dim3A_299 : i32 to vector<16xi32>
        tpu.vector_store_idx %arg20[%add3A_138, %broadcast_in_dim3A_300], %exp3A_298 : memref<256x24xf32, #tpu.memory_space<vmem>>[vector<16xi32>, vector<16xi32>], vector<16xf32>,
        %broadcast_in_dim3A_301 = arith.constant 0 : i32
        %broadcast_in_dim3A_302 = vector.broadcast %broadcast_in_dim3A_301 : i32 to vector<16xi32>
        %mul3A_303 = arith.constant 8 : i32
        %mul3A_304 = arith.muli %add3A_265, %mul3A_303 : i32
        %add3A_305 = vector.broadcast %mul3A_304 : i32 to vector<16xi32>
        %add3A_306 = arith.addi %broadcast_in_dim3A_302, %add3A_305 : vector<16xi32>
        %gather3A_307 = tpu.vector_load_idx %arg16[%add3A_138, %add3A_306] : memref<256x40xf32, #tpu.memory_space<vmem>>[vector<16xi32>, vector<16xi32>], vector<16xf32>,
        %broadcast_in_dim3A_308 = arith.constant 8 : i32
        %broadcast_in_dim3A_309 = vector.broadcast %broadcast_in_dim3A_308 : i32 to vector<16xi32>
        %mul3A_310 = arith.mulf %exp3A_298, %gather3A_307 : vector<16xf32>
        tpu.vector_store_idx %arg20[%add3A_138, %broadcast_in_dim3A_309], %mul3A_310 : memref<256x24xf32, #tpu.memory_space<vmem>>[vector<16xi32>, vector<16xi32>], vector<16xf32>,
        %broadcast_in_dim3A_311 = arith.constant 1 : i32
        %broadcast_in_dim3A_312 = vector.broadcast %broadcast_in_dim3A_311 : i32 to vector<16xi32>
        %mul3A_313 = arith.constant 8 : i32
        %mul3A_314 = arith.muli %add3A_265, %mul3A_313 : i32
        %add3A_315 = vector.broadcast %mul3A_314 : i32 to vector<16xi32>
        %add3A_316 = arith.addi %broadcast_in_dim3A_312, %add3A_315 : vector<16xi32>
        %gather3A_317 = tpu.vector_load_idx %arg16[%add3A_138, %add3A_316] : memref<256x40xf32, #tpu.memory_space<vmem>>[vector<16xi32>, vector<16xi32>], vector<16xf32>,
        %broadcast_in_dim3A_318 = arith.constant 9 : i32
        %broadcast_in_dim3A_319 = vector.broadcast %broadcast_in_dim3A_318 : i32 to vector<16xi32>
        %mul3A_320 = arith.mulf %exp3A_298, %gather3A_317 : vector<16xf32>
        tpu.vector_store_idx %arg20[%add3A_138, %broadcast_in_dim3A_319], %mul3A_320 : memref<256x24xf32, #tpu.memory_space<vmem>>[vector<16xi32>, vector<16xi32>], vector<16xf32>,
        %broadcast_in_dim3A_321 = arith.constant 2 : i32
        %broadcast_in_dim3A_322 = vector.broadcast %broadcast_in_dim3A_321 : i32 to vector<16xi32>
        %mul3A_323 = arith.constant 8 : i32
        %mul3A_324 = arith.muli %add3A_265, %mul3A_323 : i32
        %add3A_325 = vector.broadcast %mul3A_324 : i32 to vector<16xi32>
        %add3A_326 = arith.addi %broadcast_in_dim3A_322, %add3A_325 : vector<16xi32>
        %gather3A_327 = tpu.vector_load_idx %arg16[%add3A_138, %add3A_326] : memref<256x40xf32, #tpu.memory_space<vmem>>[vector<16xi32>, vector<16xi32>], vector<16xf32>,
        %broadcast_in_dim3A_328 = arith.constant 10 : i32
        %broadcast_in_dim3A_329 = vector.broadcast %broadcast_in_dim3A_328 : i32 to vector<16xi32>
        %mul3A_330 = arith.mulf %exp3A_298, %gather3A_327 : vector<16xf32>
        tpu.vector_store_idx %arg20[%add3A_138, %broadcast_in_dim3A_329], %mul3A_330 : memref<256x24xf32, #tpu.memory_space<vmem>>[vector<16xi32>, vector<16xi32>], vector<16xf32>,
        %broadcast_in_dim3A_331 = arith.constant 3 : i32
        %broadcast_in_dim3A_332 = vector.broadcast %broadcast_in_dim3A_331 : i32 to vector<16xi32>
        %mul3A_333 = arith.constant 8 : i32
        %mul3A_334 = arith.muli %add3A_265, %mul3A_333 : i32
        %add3A_335 = vector.broadcast %mul3A_334 : i32 to vector<16xi32>
        %add3A_336 = arith.addi %broadcast_in_dim3A_332, %add3A_335 : vector<16xi32>
        %gather3A_337 = tpu.vector_load_idx %arg16[%add3A_138, %add3A_336] : memref<256x40xf32, #tpu.memory_space<vmem>>[vector<16xi32>, vector<16xi32>], vector<16xf32>,
        %broadcast_in_dim3A_338 = arith.constant 11 : i32
        %broadcast_in_dim3A_339 = vector.broadcast %broadcast_in_dim3A_338 : i32 to vector<16xi32>
        %mul3A_340 = arith.mulf %exp3A_298, %gather3A_337 : vector<16xf32>
        tpu.vector_store_idx %arg20[%add3A_138, %broadcast_in_dim3A_339], %mul3A_340 : memref<256x24xf32, #tpu.memory_space<vmem>>[vector<16xi32>, vector<16xi32>], vector<16xf32>,
        %broadcast_in_dim3A_341 = arith.constant 4 : i32
        %broadcast_in_dim3A_342 = vector.broadcast %broadcast_in_dim3A_341 : i32 to vector<16xi32>
        %mul3A_343 = arith.constant 8 : i32
        %mul3A_344 = arith.muli %add3A_265, %mul3A_343 : i32
        %add3A_345 = vector.broadcast %mul3A_344 : i32 to vector<16xi32>
        %add3A_346 = arith.addi %broadcast_in_dim3A_342, %add3A_345 : vector<16xi32>
        %gather3A_347 = tpu.vector_load_idx %arg16[%add3A_138, %add3A_346] : memref<256x40xf32, #tpu.memory_space<vmem>>[vector<16xi32>, vector<16xi32>], vector<16xf32>,
        %broadcast_in_dim3A_348 = arith.constant 12 : i32
        %broadcast_in_dim3A_349 = vector.broadcast %broadcast_in_dim3A_348 : i32 to vector<16xi32>
        %mul3A_350 = arith.mulf %exp3A_298, %gather3A_347 : vector<16xf32>
        tpu.vector_store_idx %arg20[%add3A_138, %broadcast_in_dim3A_349], %mul3A_350 : memref<256x24xf32, #tpu.memory_space<vmem>>[vector<16xi32>, vector<16xi32>], vector<16xf32>,
        %broadcast_in_dim3A_351 = arith.constant 5 : i32
        %broadcast_in_dim3A_352 = vector.broadcast %broadcast_in_dim3A_351 : i32 to vector<16xi32>
        %mul3A_353 = arith.constant 8 : i32
        %mul3A_354 = arith.muli %add3A_265, %mul3A_353 : i32
        %add3A_355 = vector.broadcast %mul3A_354 : i32 to vector<16xi32>
        %add3A_356 = arith.addi %broadcast_in_dim3A_352, %add3A_355 : vector<16xi32>
        %gather3A_357 = tpu.vector_load_idx %arg16[%add3A_138, %add3A_356] : memref<256x40xf32, #tpu.memory_space<vmem>>[vector<16xi32>, vector<16xi32>], vector<16xf32>,
        %broadcast_in_dim3A_358 = arith.constant 13 : i32
        %broadcast_in_dim3A_359 = vector.broadcast %broadcast_in_dim3A_358 : i32 to vector<16xi32>
        %mul3A_360 = arith.mulf %exp3A_298, %gather3A_357 : vector<16xf32>
        tpu.vector_store_idx %arg20[%add3A_138, %broadcast_in_dim3A_359], %mul3A_360 : memref<256x24xf32, #tpu.memory_space<vmem>>[vector<16xi32>, vector<16xi32>], vector<16xf32>,
        %broadcast_in_dim3A_361 = arith.constant 6 : i32
        %broadcast_in_dim3A_362 = vector.broadcast %broadcast_in_dim3A_361 : i32 to vector<16xi32>
        %mul3A_363 = arith.constant 8 : i32
        %mul3A_364 = arith.muli %add3A_265, %mul3A_363 : i32
        %add3A_365 = vector.broadcast %mul3A_364 : i32 to vector<16xi32>
        %add3A_366 = arith.addi %broadcast_in_dim3A_362, %add3A_365 : vector<16xi32>
        %gather3A_367 = tpu.vector_load_idx %arg16[%add3A_138, %add3A_366] : memref<256x40xf32, #tpu.memory_space<vmem>>[vector<16xi32>, vector<16xi32>], vector<16xf32>,
        %broadcast_in_dim3A_368 = arith.constant 14 : i32
        %broadcast_in_dim3A_369 = vector.broadcast %broadcast_in_dim3A_368 : i32 to vector<16xi32>
        %mul3A_370 = arith.mulf %exp3A_298, %gather3A_367 : vector<16xf32>
        tpu.vector_store_idx %arg20[%add3A_138, %broadcast_in_dim3A_369], %mul3A_370 : memref<256x24xf32, #tpu.memory_space<vmem>>[vector<16xi32>, vector<16xi32>], vector<16xf32>,
        %broadcast_in_dim3A_371 = arith.constant 7 : i32
        %broadcast_in_dim3A_372 = vector.broadcast %broadcast_in_dim3A_371 : i32 to vector<16xi32>
        %mul3A_373 = arith.constant 8 : i32
        %mul3A_374 = arith.muli %add3A_265, %mul3A_373 : i32
        %add3A_375 = vector.broadcast %mul3A_374 : i32 to vector<16xi32>
        %add3A_376 = arith.addi %broadcast_in_dim3A_372, %add3A_375 : vector<16xi32>
        %gather3A_377 = tpu.vector_load_idx %arg16[%add3A_138, %add3A_376] : memref<256x40xf32, #tpu.memory_space<vmem>>[vector<16xi32>, vector<16xi32>], vector<16xf32>,
        %broadcast_in_dim3A_378 = arith.constant 15 : i32
        %broadcast_in_dim3A_379 = vector.broadcast %broadcast_in_dim3A_378 : i32 to vector<16xi32>
        %mul3A_380 = arith.mulf %exp3A_298, %gather3A_377 : vector<16xf32>
        tpu.vector_store_idx %arg20[%add3A_138, %broadcast_in_dim3A_379], %mul3A_380 : memref<256x24xf32, #tpu.memory_space<vmem>>[vector<16xi32>, vector<16xi32>], vector<16xf32>,
        %scan3A_381 = arith.constant 0 : i32
        scf.yield %scan3A_381 : i32
      }
      %scan3A_118 = arith.constant 16 : i32
      "tpu.region"() ({
        %run_scoped3A = tpu.sem_alloc : memref<!tpu.dma_semaphore, #tpu.memory_space<semaphore_mem>>
        %dma_start3A_133 = arith.constant 0 : i32
        %dma_start3A_134 = arith.constant 0 : i32
        %dma_start3A_135 = tpu.memref_slice %arg23[%dma_start3A_133, %dma_start3A_134] : memref<50048x24xf32, #tpu.memory_space<vmem_shared>> -> memref<50048x24xf32, #tpu.memory_space<vmem_shared>>
        tpu.enqueue_indirect_dma source(%arg20 : memref<256x24xf32, #tpu.memory_space<vmem>>) target(%dma_start3A_135 : memref<50048x24xf32, #tpu.memory_space<vmem_shared>>) offsets(%arg12 : memref<256xi32, #tpu.memory_space<vmem>>) semaphore(%run_scoped3A : memref<!tpu.dma_semaphore, #tpu.memory_space<semaphore_mem>>) {add = true}
        %dma_wait3A_136 = arith.constant 0 : i32
        %dma_wait3A_137 = arith.constant 0 : i32
        %dma_wait3A_138 = tpu.memref_slice %arg23[%dma_wait3A_136, %dma_wait3A_137] : memref<50048x24xf32, #tpu.memory_space<vmem_shared>> -> memref<50048x24xf32, #tpu.memory_space<vmem_shared>>
        tpu.wait_indirect_dma semaphore(%run_scoped3A : memref<!tpu.dma_semaphore, #tpu.memory_space<semaphore_mem>>) src(%arg20 : memref<256x24xf32, #tpu.memory_space<vmem>>) dst(%dma_wait3A_138 : memref<50048x24xf32, #tpu.memory_space<vmem_shared>>)
        tpu.yield
      }) : () -> ()
      %dma_wait3A_119 = arith.constant 0 : i32
      %dma_wait3A_120 = arith.constant 0 : i32
      %dma_wait3A_121 = tpu.memref_slice %arg5[%dma_wait3A_119, %dma_wait3A_120] : memref<50000x40xf32, #tpu.memory_space<hbm>> -> memref<50000x40xf32, #tpu.memory_space<hbm>>
      tpu.wait_indirect_dma semaphore(%arg25 : memref<!tpu.dma_semaphore, #tpu.memory_space<semaphore_mem>>) src(%dma_wait3A_121 : memref<50000x40xf32, #tpu.memory_space<hbm>>) dst(%arg17 : memref<256x40xf32, #tpu.memory_space<vmem>>)
      %dma_wait3A_122 = arith.constant 0 : i32
      %dma_wait3A_123 = arith.constant 0 : i32
      %dma_wait3A_124 = tpu.memref_slice %arg6[%dma_wait3A_122, %dma_wait3A_123] : memref<50048x8xf32, #tpu.memory_space<hbm>> -> memref<50048x8xf32, #tpu.memory_space<hbm>>
      tpu.wait_indirect_dma semaphore(%arg27 : memref<!tpu.dma_semaphore, #tpu.memory_space<semaphore_mem>>) src(%dma_wait3A_124 : memref<50048x8xf32, #tpu.memory_space<hbm>>) dst(%arg19 : memref<256x8xf32, #tpu.memory_space<vmem>>)
      %scan3A_125 = arith.constant 0 : i32
      %scan3A_126 = arith.constant 0 : i32
      %scan3A_127 = arith.constant 16 : i32
      %scan3A_128 = arith.addi %scan3A_126, %scan3A_127 : i32
      %scan3A_129 = arith.constant 1 : i32
      %scan3A_130 = scf.for %scan3A_133 = %scan3A_126 to %scan3A_128 step %scan3A_129 iter_args(%scan3A_134 = %scan3A_125) -> (i32)  : i32 {
        %mul3A_135 = arith.constant 16 : i32
        %mul3A_136 = arith.muli %scan3A_133, %mul3A_135 : i32
        %add3A_137 = vector.broadcast %mul3A_136 : i32 to vector<16xi32>
        %add3A_138 = arith.addi %iota3A, %add3A_137 : vector<16xi32>
        %broadcast_in_dim3A_139 = arith.constant 0 : i32
        %broadcast_in_dim3A_140 = vector.broadcast %broadcast_in_dim3A_139 : i32 to vector<16xi32>
        %gather3A_141 = tpu.vector_load_idx %arg15[%add3A_138, %broadcast_in_dim3A_140] : memref<256x4xf32, #tpu.memory_space<vmem>>[vector<16xi32>, vector<16xi32>], vector<16xf32>,
        %broadcast_in_dim3A_142 = arith.constant 1 : i32
        %broadcast_in_dim3A_143 = vector.broadcast %broadcast_in_dim3A_142 : i32 to vector<16xi32>
        %gather3A_144 = tpu.vector_load_idx %arg15[%add3A_138, %broadcast_in_dim3A_143] : memref<256x4xf32, #tpu.memory_space<vmem>>[vector<16xi32>, vector<16xi32>], vector<16xf32>,
        %broadcast_in_dim3A_145 = arith.constant 2 : i32
        %broadcast_in_dim3A_146 = vector.broadcast %broadcast_in_dim3A_145 : i32 to vector<16xi32>
        %gather3A_147 = tpu.vector_load_idx %arg15[%add3A_138, %broadcast_in_dim3A_146] : memref<256x4xf32, #tpu.memory_space<vmem>>[vector<16xi32>, vector<16xi32>], vector<16xf32>,
        %broadcast_in_dim3A_148 = arith.constant 3 : i32
        %broadcast_in_dim3A_149 = vector.broadcast %broadcast_in_dim3A_148 : i32 to vector<16xi32>
        %gather3A_150 = tpu.vector_load_idx %arg15[%add3A_138, %broadcast_in_dim3A_149] : memref<256x4xf32, #tpu.memory_space<vmem>>[vector<16xi32>, vector<16xi32>], vector<16xf32>,
        %add3A_151 = arith.constant 0 : i32
        %add3A_152 = arith.addi %mul3A_10, %add3A_151 : i32
        %broadcast_in_dim3A_153 = arith.constant 32 : i32
        %broadcast_in_dim3A_154 = vector.broadcast %broadcast_in_dim3A_153 : i32 to vector<16xi32>
        %add3A_155 = vector.broadcast %add3A_152 : i32 to vector<16xi32>
        %add3A_156 = arith.addi %broadcast_in_dim3A_154, %add3A_155 : vector<16xi32>
        %gather3A_157 = tpu.vector_load_idx %arg17[%add3A_138, %add3A_156] : memref<256x40xf32, #tpu.memory_space<vmem>>[vector<16xi32>, vector<16xi32>], vector<16xf32>,
        %broadcast_in_dim3A_158 = arith.constant 0 : i32
        %broadcast_in_dim3A_159 = vector.broadcast %broadcast_in_dim3A_158 : i32 to vector<16xi32>
        %add3A_160 = vector.broadcast %add3A_152 : i32 to vector<16xi32>
        %add3A_161 = arith.addi %broadcast_in_dim3A_159, %add3A_160 : vector<16xi32>
        %gather3A_162 = tpu.vector_load_idx %arg19[%add3A_138, %add3A_161] : memref<256x8xf32, #tpu.memory_space<vmem>>[vector<16xi32>, vector<16xi32>], vector<16xf32>,
        %broadcast_in_dim3A_163 = arith.constant 4 : i32
        %broadcast_in_dim3A_164 = vector.broadcast %broadcast_in_dim3A_163 : i32 to vector<16xi32>
        %add3A_165 = vector.broadcast %add3A_152 : i32 to vector<16xi32>
        %add3A_166 = arith.addi %broadcast_in_dim3A_164, %add3A_165 : vector<16xi32>
        %gather3A_167 = tpu.vector_load_idx %arg19[%add3A_138, %add3A_166] : memref<256x8xf32, #tpu.memory_space<vmem>>[vector<16xi32>, vector<16xi32>], vector<16xf32>,
        %mul3A_168 = arith.mulf %gather3A_141, %gather3A : vector<16xf32>
        %mul3A_169 = arith.mulf %gather3A_144, %gather3A_21 : vector<16xf32>
        %add3A_170 = arith.addf %mul3A_168, %mul3A_169 : vector<16xf32>
        %mul3A_171 = arith.mulf %gather3A_147, %gather3A_28 : vector<16xf32>
        %add3A_172 = arith.addf %add3A_170, %mul3A_171 : vector<16xf32>
        %mul3A_173 = arith.mulf %gather3A_150, %gather3A_35 : vector<16xf32>
        %add3A_174 = arith.addf %add3A_172, %mul3A_173 : vector<16xf32>
        %add3A_175 = arith.addf %gather3A_157, %gather3A_162 : vector<16xf32>
        %add3A_176 = arith.addf %add3A_175, %add3A_174 : vector<16xf32>
        %gt3A = arith.constant 0.000000e+00 : f32
        %gt3A_177 = vector.broadcast %gt3A : f32 to vector<16xf32>
        %gt3A_178 = arith.cmpf ogt, %add3A_176, %gt3A_177 : vector<16xf32>
        %mul3A_179 = arith.constant 2.000000e-01 : f32
        %mul3A_180 = vector.broadcast %mul3A_179 : f32 to vector<16xf32>
        %mul3A_181 = arith.mulf %mul3A_180, %add3A_176 : vector<16xf32>
        %select_n3A = arith.select %gt3A_178, %add3A_176, %mul3A_181 : vector<16xi1>, vector<16xf32>
        %sub3A = arith.subf %select_n3A, %gather3A_167 : vector<16xf32>
        %exp3A = math.exp %sub3A : vector<16xf32>
        %broadcast_in_dim3A_182 = arith.constant 16 : i32
        %broadcast_in_dim3A_183 = vector.broadcast %broadcast_in_dim3A_182 : i32 to vector<16xi32>
        tpu.vector_store_idx %arg21[%add3A_138, %broadcast_in_dim3A_183], %exp3A : memref<256x24xf32, #tpu.memory_space<vmem>>[vector<16xi32>, vector<16xi32>], vector<16xf32>,
        %broadcast_in_dim3A_184 = arith.constant 0 : i32
        %broadcast_in_dim3A_185 = vector.broadcast %broadcast_in_dim3A_184 : i32 to vector<16xi32>
        %mul3A_186 = arith.constant 8 : i32
        %mul3A_187 = arith.muli %add3A_152, %mul3A_186 : i32
        %add3A_188 = vector.broadcast %mul3A_187 : i32 to vector<16xi32>
        %add3A_189 = arith.addi %broadcast_in_dim3A_185, %add3A_188 : vector<16xi32>
        %gather3A_190 = tpu.vector_load_idx %arg17[%add3A_138, %add3A_189] : memref<256x40xf32, #tpu.memory_space<vmem>>[vector<16xi32>, vector<16xi32>], vector<16xf32>,
        %broadcast_in_dim3A_191 = arith.constant 0 : i32
        %broadcast_in_dim3A_192 = vector.broadcast %broadcast_in_dim3A_191 : i32 to vector<16xi32>
        %mul3A_193 = arith.mulf %exp3A, %gather3A_190 : vector<16xf32>
        tpu.vector_store_idx %arg21[%add3A_138, %broadcast_in_dim3A_192], %mul3A_193 : memref<256x24xf32, #tpu.memory_space<vmem>>[vector<16xi32>, vector<16xi32>], vector<16xf32>,
        %broadcast_in_dim3A_194 = arith.constant 1 : i32
        %broadcast_in_dim3A_195 = vector.broadcast %broadcast_in_dim3A_194 : i32 to vector<16xi32>
        %mul3A_196 = arith.constant 8 : i32
        %mul3A_197 = arith.muli %add3A_152, %mul3A_196 : i32
        %add3A_198 = vector.broadcast %mul3A_197 : i32 to vector<16xi32>
        %add3A_199 = arith.addi %broadcast_in_dim3A_195, %add3A_198 : vector<16xi32>
        %gather3A_200 = tpu.vector_load_idx %arg17[%add3A_138, %add3A_199] : memref<256x40xf32, #tpu.memory_space<vmem>>[vector<16xi32>, vector<16xi32>], vector<16xf32>,
        %broadcast_in_dim3A_201 = arith.constant 1 : i32
        %broadcast_in_dim3A_202 = vector.broadcast %broadcast_in_dim3A_201 : i32 to vector<16xi32>
        %mul3A_203 = arith.mulf %exp3A, %gather3A_200 : vector<16xf32>
        tpu.vector_store_idx %arg21[%add3A_138, %broadcast_in_dim3A_202], %mul3A_203 : memref<256x24xf32, #tpu.memory_space<vmem>>[vector<16xi32>, vector<16xi32>], vector<16xf32>,
        %broadcast_in_dim3A_204 = arith.constant 2 : i32
        %broadcast_in_dim3A_205 = vector.broadcast %broadcast_in_dim3A_204 : i32 to vector<16xi32>
        %mul3A_206 = arith.constant 8 : i32
        %mul3A_207 = arith.muli %add3A_152, %mul3A_206 : i32
        %add3A_208 = vector.broadcast %mul3A_207 : i32 to vector<16xi32>
        %add3A_209 = arith.addi %broadcast_in_dim3A_205, %add3A_208 : vector<16xi32>
        %gather3A_210 = tpu.vector_load_idx %arg17[%add3A_138, %add3A_209] : memref<256x40xf32, #tpu.memory_space<vmem>>[vector<16xi32>, vector<16xi32>], vector<16xf32>,
        %broadcast_in_dim3A_211 = arith.constant 2 : i32
        %broadcast_in_dim3A_212 = vector.broadcast %broadcast_in_dim3A_211 : i32 to vector<16xi32>
        %mul3A_213 = arith.mulf %exp3A, %gather3A_210 : vector<16xf32>
        tpu.vector_store_idx %arg21[%add3A_138, %broadcast_in_dim3A_212], %mul3A_213 : memref<256x24xf32, #tpu.memory_space<vmem>>[vector<16xi32>, vector<16xi32>], vector<16xf32>,
        %broadcast_in_dim3A_214 = arith.constant 3 : i32
        %broadcast_in_dim3A_215 = vector.broadcast %broadcast_in_dim3A_214 : i32 to vector<16xi32>
        %mul3A_216 = arith.constant 8 : i32
        %mul3A_217 = arith.muli %add3A_152, %mul3A_216 : i32
        %add3A_218 = vector.broadcast %mul3A_217 : i32 to vector<16xi32>
        %add3A_219 = arith.addi %broadcast_in_dim3A_215, %add3A_218 : vector<16xi32>
        %gather3A_220 = tpu.vector_load_idx %arg17[%add3A_138, %add3A_219] : memref<256x40xf32, #tpu.memory_space<vmem>>[vector<16xi32>, vector<16xi32>], vector<16xf32>,
        %broadcast_in_dim3A_221 = arith.constant 3 : i32
        %broadcast_in_dim3A_222 = vector.broadcast %broadcast_in_dim3A_221 : i32 to vector<16xi32>
        %mul3A_223 = arith.mulf %exp3A, %gather3A_220 : vector<16xf32>
        tpu.vector_store_idx %arg21[%add3A_138, %broadcast_in_dim3A_222], %mul3A_223 : memref<256x24xf32, #tpu.memory_space<vmem>>[vector<16xi32>, vector<16xi32>], vector<16xf32>,
        %broadcast_in_dim3A_224 = arith.constant 4 : i32
        %broadcast_in_dim3A_225 = vector.broadcast %broadcast_in_dim3A_224 : i32 to vector<16xi32>
        %mul3A_226 = arith.constant 8 : i32
        %mul3A_227 = arith.muli %add3A_152, %mul3A_226 : i32
        %add3A_228 = vector.broadcast %mul3A_227 : i32 to vector<16xi32>
        %add3A_229 = arith.addi %broadcast_in_dim3A_225, %add3A_228 : vector<16xi32>
        %gather3A_230 = tpu.vector_load_idx %arg17[%add3A_138, %add3A_229] : memref<256x40xf32, #tpu.memory_space<vmem>>[vector<16xi32>, vector<16xi32>], vector<16xf32>,
        %broadcast_in_dim3A_231 = arith.constant 4 : i32
        %broadcast_in_dim3A_232 = vector.broadcast %broadcast_in_dim3A_231 : i32 to vector<16xi32>
        %mul3A_233 = arith.mulf %exp3A, %gather3A_230 : vector<16xf32>
        tpu.vector_store_idx %arg21[%add3A_138, %broadcast_in_dim3A_232], %mul3A_233 : memref<256x24xf32, #tpu.memory_space<vmem>>[vector<16xi32>, vector<16xi32>], vector<16xf32>,
        %broadcast_in_dim3A_234 = arith.constant 5 : i32
        %broadcast_in_dim3A_235 = vector.broadcast %broadcast_in_dim3A_234 : i32 to vector<16xi32>
        %mul3A_236 = arith.constant 8 : i32
        %mul3A_237 = arith.muli %add3A_152, %mul3A_236 : i32
        %add3A_238 = vector.broadcast %mul3A_237 : i32 to vector<16xi32>
        %add3A_239 = arith.addi %broadcast_in_dim3A_235, %add3A_238 : vector<16xi32>
        %gather3A_240 = tpu.vector_load_idx %arg17[%add3A_138, %add3A_239] : memref<256x40xf32, #tpu.memory_space<vmem>>[vector<16xi32>, vector<16xi32>], vector<16xf32>,
        %broadcast_in_dim3A_241 = arith.constant 5 : i32
        %broadcast_in_dim3A_242 = vector.broadcast %broadcast_in_dim3A_241 : i32 to vector<16xi32>
        %mul3A_243 = arith.mulf %exp3A, %gather3A_240 : vector<16xf32>
        tpu.vector_store_idx %arg21[%add3A_138, %broadcast_in_dim3A_242], %mul3A_243 : memref<256x24xf32, #tpu.memory_space<vmem>>[vector<16xi32>, vector<16xi32>], vector<16xf32>,
        %broadcast_in_dim3A_244 = arith.constant 6 : i32
        %broadcast_in_dim3A_245 = vector.broadcast %broadcast_in_dim3A_244 : i32 to vector<16xi32>
        %mul3A_246 = arith.constant 8 : i32
        %mul3A_247 = arith.muli %add3A_152, %mul3A_246 : i32
        %add3A_248 = vector.broadcast %mul3A_247 : i32 to vector<16xi32>
        %add3A_249 = arith.addi %broadcast_in_dim3A_245, %add3A_248 : vector<16xi32>
        %gather3A_250 = tpu.vector_load_idx %arg17[%add3A_138, %add3A_249] : memref<256x40xf32, #tpu.memory_space<vmem>>[vector<16xi32>, vector<16xi32>], vector<16xf32>,
        %broadcast_in_dim3A_251 = arith.constant 6 : i32
        %broadcast_in_dim3A_252 = vector.broadcast %broadcast_in_dim3A_251 : i32 to vector<16xi32>
        %mul3A_253 = arith.mulf %exp3A, %gather3A_250 : vector<16xf32>
        tpu.vector_store_idx %arg21[%add3A_138, %broadcast_in_dim3A_252], %mul3A_253 : memref<256x24xf32, #tpu.memory_space<vmem>>[vector<16xi32>, vector<16xi32>], vector<16xf32>,
        %broadcast_in_dim3A_254 = arith.constant 7 : i32
        %broadcast_in_dim3A_255 = vector.broadcast %broadcast_in_dim3A_254 : i32 to vector<16xi32>
        %mul3A_256 = arith.constant 8 : i32
        %mul3A_257 = arith.muli %add3A_152, %mul3A_256 : i32
        %add3A_258 = vector.broadcast %mul3A_257 : i32 to vector<16xi32>
        %add3A_259 = arith.addi %broadcast_in_dim3A_255, %add3A_258 : vector<16xi32>
        %gather3A_260 = tpu.vector_load_idx %arg17[%add3A_138, %add3A_259] : memref<256x40xf32, #tpu.memory_space<vmem>>[vector<16xi32>, vector<16xi32>], vector<16xf32>,
        %broadcast_in_dim3A_261 = arith.constant 7 : i32
        %broadcast_in_dim3A_262 = vector.broadcast %broadcast_in_dim3A_261 : i32 to vector<16xi32>
        %mul3A_263 = arith.mulf %exp3A, %gather3A_260 : vector<16xf32>
        tpu.vector_store_idx %arg21[%add3A_138, %broadcast_in_dim3A_262], %mul3A_263 : memref<256x24xf32, #tpu.memory_space<vmem>>[vector<16xi32>, vector<16xi32>], vector<16xf32>,
        %add3A_264 = arith.constant 1 : i32
        %add3A_265 = arith.addi %mul3A_10, %add3A_264 : i32
        %broadcast_in_dim3A_266 = arith.constant 32 : i32
        %broadcast_in_dim3A_267 = vector.broadcast %broadcast_in_dim3A_266 : i32 to vector<16xi32>
        %add3A_268 = vector.broadcast %add3A_265 : i32 to vector<16xi32>
        %add3A_269 = arith.addi %broadcast_in_dim3A_267, %add3A_268 : vector<16xi32>
        %gather3A_270 = tpu.vector_load_idx %arg17[%add3A_138, %add3A_269] : memref<256x40xf32, #tpu.memory_space<vmem>>[vector<16xi32>, vector<16xi32>], vector<16xf32>,
        %broadcast_in_dim3A_271 = arith.constant 0 : i32
        %broadcast_in_dim3A_272 = vector.broadcast %broadcast_in_dim3A_271 : i32 to vector<16xi32>
        %add3A_273 = vector.broadcast %add3A_265 : i32 to vector<16xi32>
        %add3A_274 = arith.addi %broadcast_in_dim3A_272, %add3A_273 : vector<16xi32>
        %gather3A_275 = tpu.vector_load_idx %arg19[%add3A_138, %add3A_274] : memref<256x8xf32, #tpu.memory_space<vmem>>[vector<16xi32>, vector<16xi32>], vector<16xf32>,
        %broadcast_in_dim3A_276 = arith.constant 4 : i32
        %broadcast_in_dim3A_277 = vector.broadcast %broadcast_in_dim3A_276 : i32 to vector<16xi32>
        %add3A_278 = vector.broadcast %add3A_265 : i32 to vector<16xi32>
        %add3A_279 = arith.addi %broadcast_in_dim3A_277, %add3A_278 : vector<16xi32>
        %gather3A_280 = tpu.vector_load_idx %arg19[%add3A_138, %add3A_279] : memref<256x8xf32, #tpu.memory_space<vmem>>[vector<16xi32>, vector<16xi32>], vector<16xf32>,
        %mul3A_281 = arith.mulf %gather3A_141, %gather3A_42 : vector<16xf32>
        %mul3A_282 = arith.mulf %gather3A_144, %gather3A_49 : vector<16xf32>
        %add3A_283 = arith.addf %mul3A_281, %mul3A_282 : vector<16xf32>
        %mul3A_284 = arith.mulf %gather3A_147, %gather3A_56 : vector<16xf32>
        %add3A_285 = arith.addf %add3A_283, %mul3A_284 : vector<16xf32>
        %mul3A_286 = arith.mulf %gather3A_150, %gather3A_63 : vector<16xf32>
        %add3A_287 = arith.addf %add3A_285, %mul3A_286 : vector<16xf32>
        %add3A_288 = arith.addf %gather3A_270, %gather3A_275 : vector<16xf32>
        %add3A_289 = arith.addf %add3A_288, %add3A_287 : vector<16xf32>
        %gt3A_290 = arith.constant 0.000000e+00 : f32
        %gt3A_291 = vector.broadcast %gt3A_290 : f32 to vector<16xf32>
        %gt3A_292 = arith.cmpf ogt, %add3A_289, %gt3A_291 : vector<16xf32>
        %mul3A_293 = arith.constant 2.000000e-01 : f32
        %mul3A_294 = vector.broadcast %mul3A_293 : f32 to vector<16xf32>
        %mul3A_295 = arith.mulf %mul3A_294, %add3A_289 : vector<16xf32>
        %select_n3A_296 = arith.select %gt3A_292, %add3A_289, %mul3A_295 : vector<16xi1>, vector<16xf32>
        %sub3A_297 = arith.subf %select_n3A_296, %gather3A_280 : vector<16xf32>
        %exp3A_298 = math.exp %sub3A_297 : vector<16xf32>
        %broadcast_in_dim3A_299 = arith.constant 17 : i32
        %broadcast_in_dim3A_300 = vector.broadcast %broadcast_in_dim3A_299 : i32 to vector<16xi32>
        tpu.vector_store_idx %arg21[%add3A_138, %broadcast_in_dim3A_300], %exp3A_298 : memref<256x24xf32, #tpu.memory_space<vmem>>[vector<16xi32>, vector<16xi32>], vector<16xf32>,
        %broadcast_in_dim3A_301 = arith.constant 0 : i32
        %broadcast_in_dim3A_302 = vector.broadcast %broadcast_in_dim3A_301 : i32 to vector<16xi32>
        %mul3A_303 = arith.constant 8 : i32
        %mul3A_304 = arith.muli %add3A_265, %mul3A_303 : i32
        %add3A_305 = vector.broadcast %mul3A_304 : i32 to vector<16xi32>
        %add3A_306 = arith.addi %broadcast_in_dim3A_302, %add3A_305 : vector<16xi32>
        %gather3A_307 = tpu.vector_load_idx %arg17[%add3A_138, %add3A_306] : memref<256x40xf32, #tpu.memory_space<vmem>>[vector<16xi32>, vector<16xi32>], vector<16xf32>,
        %broadcast_in_dim3A_308 = arith.constant 8 : i32
        %broadcast_in_dim3A_309 = vector.broadcast %broadcast_in_dim3A_308 : i32 to vector<16xi32>
        %mul3A_310 = arith.mulf %exp3A_298, %gather3A_307 : vector<16xf32>
        tpu.vector_store_idx %arg21[%add3A_138, %broadcast_in_dim3A_309], %mul3A_310 : memref<256x24xf32, #tpu.memory_space<vmem>>[vector<16xi32>, vector<16xi32>], vector<16xf32>,
        %broadcast_in_dim3A_311 = arith.constant 1 : i32
        %broadcast_in_dim3A_312 = vector.broadcast %broadcast_in_dim3A_311 : i32 to vector<16xi32>
        %mul3A_313 = arith.constant 8 : i32
        %mul3A_314 = arith.muli %add3A_265, %mul3A_313 : i32
        %add3A_315 = vector.broadcast %mul3A_314 : i32 to vector<16xi32>
        %add3A_316 = arith.addi %broadcast_in_dim3A_312, %add3A_315 : vector<16xi32>
        %gather3A_317 = tpu.vector_load_idx %arg17[%add3A_138, %add3A_316] : memref<256x40xf32, #tpu.memory_space<vmem>>[vector<16xi32>, vector<16xi32>], vector<16xf32>,
        %broadcast_in_dim3A_318 = arith.constant 9 : i32
        %broadcast_in_dim3A_319 = vector.broadcast %broadcast_in_dim3A_318 : i32 to vector<16xi32>
        %mul3A_320 = arith.mulf %exp3A_298, %gather3A_317 : vector<16xf32>
        tpu.vector_store_idx %arg21[%add3A_138, %broadcast_in_dim3A_319], %mul3A_320 : memref<256x24xf32, #tpu.memory_space<vmem>>[vector<16xi32>, vector<16xi32>], vector<16xf32>,
        %broadcast_in_dim3A_321 = arith.constant 2 : i32
        %broadcast_in_dim3A_322 = vector.broadcast %broadcast_in_dim3A_321 : i32 to vector<16xi32>
        %mul3A_323 = arith.constant 8 : i32
        %mul3A_324 = arith.muli %add3A_265, %mul3A_323 : i32
        %add3A_325 = vector.broadcast %mul3A_324 : i32 to vector<16xi32>
        %add3A_326 = arith.addi %broadcast_in_dim3A_322, %add3A_325 : vector<16xi32>
        %gather3A_327 = tpu.vector_load_idx %arg17[%add3A_138, %add3A_326] : memref<256x40xf32, #tpu.memory_space<vmem>>[vector<16xi32>, vector<16xi32>], vector<16xf32>,
        %broadcast_in_dim3A_328 = arith.constant 10 : i32
        %broadcast_in_dim3A_329 = vector.broadcast %broadcast_in_dim3A_328 : i32 to vector<16xi32>
        %mul3A_330 = arith.mulf %exp3A_298, %gather3A_327 : vector<16xf32>
        tpu.vector_store_idx %arg21[%add3A_138, %broadcast_in_dim3A_329], %mul3A_330 : memref<256x24xf32, #tpu.memory_space<vmem>>[vector<16xi32>, vector<16xi32>], vector<16xf32>,
        %broadcast_in_dim3A_331 = arith.constant 3 : i32
        %broadcast_in_dim3A_332 = vector.broadcast %broadcast_in_dim3A_331 : i32 to vector<16xi32>
        %mul3A_333 = arith.constant 8 : i32
        %mul3A_334 = arith.muli %add3A_265, %mul3A_333 : i32
        %add3A_335 = vector.broadcast %mul3A_334 : i32 to vector<16xi32>
        %add3A_336 = arith.addi %broadcast_in_dim3A_332, %add3A_335 : vector<16xi32>
        %gather3A_337 = tpu.vector_load_idx %arg17[%add3A_138, %add3A_336] : memref<256x40xf32, #tpu.memory_space<vmem>>[vector<16xi32>, vector<16xi32>], vector<16xf32>,
        %broadcast_in_dim3A_338 = arith.constant 11 : i32
        %broadcast_in_dim3A_339 = vector.broadcast %broadcast_in_dim3A_338 : i32 to vector<16xi32>
        %mul3A_340 = arith.mulf %exp3A_298, %gather3A_337 : vector<16xf32>
        tpu.vector_store_idx %arg21[%add3A_138, %broadcast_in_dim3A_339], %mul3A_340 : memref<256x24xf32, #tpu.memory_space<vmem>>[vector<16xi32>, vector<16xi32>], vector<16xf32>,
        %broadcast_in_dim3A_341 = arith.constant 4 : i32
        %broadcast_in_dim3A_342 = vector.broadcast %broadcast_in_dim3A_341 : i32 to vector<16xi32>
        %mul3A_343 = arith.constant 8 : i32
        %mul3A_344 = arith.muli %add3A_265, %mul3A_343 : i32
        %add3A_345 = vector.broadcast %mul3A_344 : i32 to vector<16xi32>
        %add3A_346 = arith.addi %broadcast_in_dim3A_342, %add3A_345 : vector<16xi32>
        %gather3A_347 = tpu.vector_load_idx %arg17[%add3A_138, %add3A_346] : memref<256x40xf32, #tpu.memory_space<vmem>>[vector<16xi32>, vector<16xi32>], vector<16xf32>,
        %broadcast_in_dim3A_348 = arith.constant 12 : i32
        %broadcast_in_dim3A_349 = vector.broadcast %broadcast_in_dim3A_348 : i32 to vector<16xi32>
        %mul3A_350 = arith.mulf %exp3A_298, %gather3A_347 : vector<16xf32>
        tpu.vector_store_idx %arg21[%add3A_138, %broadcast_in_dim3A_349], %mul3A_350 : memref<256x24xf32, #tpu.memory_space<vmem>>[vector<16xi32>, vector<16xi32>], vector<16xf32>,
        %broadcast_in_dim3A_351 = arith.constant 5 : i32
        %broadcast_in_dim3A_352 = vector.broadcast %broadcast_in_dim3A_351 : i32 to vector<16xi32>
        %mul3A_353 = arith.constant 8 : i32
        %mul3A_354 = arith.muli %add3A_265, %mul3A_353 : i32
        %add3A_355 = vector.broadcast %mul3A_354 : i32 to vector<16xi32>
        %add3A_356 = arith.addi %broadcast_in_dim3A_352, %add3A_355 : vector<16xi32>
        %gather3A_357 = tpu.vector_load_idx %arg17[%add3A_138, %add3A_356] : memref<256x40xf32, #tpu.memory_space<vmem>>[vector<16xi32>, vector<16xi32>], vector<16xf32>,
        %broadcast_in_dim3A_358 = arith.constant 13 : i32
        %broadcast_in_dim3A_359 = vector.broadcast %broadcast_in_dim3A_358 : i32 to vector<16xi32>
        %mul3A_360 = arith.mulf %exp3A_298, %gather3A_357 : vector<16xf32>
        tpu.vector_store_idx %arg21[%add3A_138, %broadcast_in_dim3A_359], %mul3A_360 : memref<256x24xf32, #tpu.memory_space<vmem>>[vector<16xi32>, vector<16xi32>], vector<16xf32>,
        %broadcast_in_dim3A_361 = arith.constant 6 : i32
        %broadcast_in_dim3A_362 = vector.broadcast %broadcast_in_dim3A_361 : i32 to vector<16xi32>
        %mul3A_363 = arith.constant 8 : i32
        %mul3A_364 = arith.muli %add3A_265, %mul3A_363 : i32
        %add3A_365 = vector.broadcast %mul3A_364 : i32 to vector<16xi32>
        %add3A_366 = arith.addi %broadcast_in_dim3A_362, %add3A_365 : vector<16xi32>
        %gather3A_367 = tpu.vector_load_idx %arg17[%add3A_138, %add3A_366] : memref<256x40xf32, #tpu.memory_space<vmem>>[vector<16xi32>, vector<16xi32>], vector<16xf32>,
        %broadcast_in_dim3A_368 = arith.constant 14 : i32
        %broadcast_in_dim3A_369 = vector.broadcast %broadcast_in_dim3A_368 : i32 to vector<16xi32>
        %mul3A_370 = arith.mulf %exp3A_298, %gather3A_367 : vector<16xf32>
        tpu.vector_store_idx %arg21[%add3A_138, %broadcast_in_dim3A_369], %mul3A_370 : memref<256x24xf32, #tpu.memory_space<vmem>>[vector<16xi32>, vector<16xi32>], vector<16xf32>,
        %broadcast_in_dim3A_371 = arith.constant 7 : i32
        %broadcast_in_dim3A_372 = vector.broadcast %broadcast_in_dim3A_371 : i32 to vector<16xi32>
        %mul3A_373 = arith.constant 8 : i32
        %mul3A_374 = arith.muli %add3A_265, %mul3A_373 : i32
        %add3A_375 = vector.broadcast %mul3A_374 : i32 to vector<16xi32>
        %add3A_376 = arith.addi %broadcast_in_dim3A_372, %add3A_375 : vector<16xi32>
        %gather3A_377 = tpu.vector_load_idx %arg17[%add3A_138, %add3A_376] : memref<256x40xf32, #tpu.memory_space<vmem>>[vector<16xi32>, vector<16xi32>], vector<16xf32>,
        %broadcast_in_dim3A_378 = arith.constant 15 : i32
        %broadcast_in_dim3A_379 = vector.broadcast %broadcast_in_dim3A_378 : i32 to vector<16xi32>
        %mul3A_380 = arith.mulf %exp3A_298, %gather3A_377 : vector<16xf32>
        tpu.vector_store_idx %arg21[%add3A_138, %broadcast_in_dim3A_379], %mul3A_380 : memref<256x24xf32, #tpu.memory_space<vmem>>[vector<16xi32>, vector<16xi32>], vector<16xf32>,
        %scan3A_381 = arith.constant 0 : i32
        scf.yield %scan3A_381 : i32
      }
      %scan3A_131 = arith.constant 16 : i32
      "tpu.region"() ({
        %run_scoped3A = tpu.sem_alloc : memref<!tpu.dma_semaphore, #tpu.memory_space<semaphore_mem>>
        %dma_start3A_133 = arith.constant 0 : i32
        %dma_start3A_134 = arith.constant 0 : i32
        %dma_start3A_135 = tpu.memref_slice %arg23[%dma_start3A_133, %dma_start3A_134] : memref<50048x24xf32, #tpu.memory_space<vmem_shared>> -> memref<50048x24xf32, #tpu.memory_space<vmem_shared>>
        tpu.enqueue_indirect_dma source(%arg21 : memref<256x24xf32, #tpu.memory_space<vmem>>) target(%dma_start3A_135 : memref<50048x24xf32, #tpu.memory_space<vmem_shared>>) offsets(%arg13 : memref<256xi32, #tpu.memory_space<vmem>>) semaphore(%run_scoped3A : memref<!tpu.dma_semaphore, #tpu.memory_space<semaphore_mem>>) {add = true}
        %dma_wait3A_136 = arith.constant 0 : i32
        %dma_wait3A_137 = arith.constant 0 : i32
        %dma_wait3A_138 = tpu.memref_slice %arg23[%dma_wait3A_136, %dma_wait3A_137] : memref<50048x24xf32, #tpu.memory_space<vmem_shared>> -> memref<50048x24xf32, #tpu.memory_space<vmem_shared>>
        tpu.wait_indirect_dma semaphore(%run_scoped3A : memref<!tpu.dma_semaphore, #tpu.memory_space<semaphore_mem>>) src(%arg21 : memref<256x24xf32, #tpu.memory_space<vmem>>) dst(%dma_wait3A_138 : memref<50048x24xf32, #tpu.memory_space<vmem_shared>>)
        tpu.yield
      }) : () -> ()
      %scan3A_132 = arith.constant 0 : i32
      scf.yield %scan3A_132 : i32
    }
    %scan3A_70 = arith.constant 98 : i32
    %barrier3A_71 = arith.constant 0 : index
    tpu.barrier barrier_id(%barrier3A_71)
    %mul3A_72 = arith.constant 3128 : i32
    %mul3A_73 = arith.muli %arg1, %mul3A_72 : i32
    %mul3A_74 = arith.constant 3128 : i32
    %mul3A_75 = arith.muli %arg1, %mul3A_74 : i32
    "tpu.region"() ({
      %run_scoped3A = tpu.sem_alloc : memref<!tpu.dma_semaphore, #tpu.memory_space<semaphore_mem>>
      %dma_start3A = arith.constant 0 : i32
      %dma_start3A_76 = tpu.memref_slice %arg9[%arg0, %mul3A_75, %dma_start3A] : memref<2x50048x24xf32, #tpu.memory_space<hbm>> -> memref<1x3128x24xf32, #tpu.memory_space<hbm>>
      %dma_start3A_77 = tpu.memref_squeeze %dma_start3A_76 : memref<1x3128x24xf32, #tpu.memory_space<hbm>> -> memref<3128x24xf32, #tpu.memory_space<hbm>>
      %dma_start3A_78 = arith.constant 0 : i32
      %dma_start3A_79 = tpu.memref_slice %arg23[%mul3A_73, %dma_start3A_78] : memref<50048x24xf32, #tpu.memory_space<vmem_shared>> -> memref<3128x24xf32, #tpu.memory_space<vmem_shared>>
      tpu.enqueue_dma source(%dma_start3A_79 : memref<3128x24xf32, #tpu.memory_space<vmem_shared>>) target(%dma_start3A_77 : memref<3128x24xf32, #tpu.memory_space<hbm>>) target_semaphore(%run_scoped3A : memref<!tpu.dma_semaphore, #tpu.memory_space<semaphore_mem>>)
      %dma_wait3A = arith.constant 0 : i32
      %dma_wait3A_80 = tpu.memref_slice %arg9[%arg0, %mul3A_75, %dma_wait3A] : memref<2x50048x24xf32, #tpu.memory_space<hbm>> -> memref<1x3128x24xf32, #tpu.memory_space<hbm>>
      %dma_wait3A_81 = tpu.memref_squeeze %dma_wait3A_80 : memref<1x3128x24xf32, #tpu.memory_space<hbm>> -> memref<3128x24xf32, #tpu.memory_space<hbm>>
      %dma_wait3A_82 = arith.constant 0 : i32
      %dma_wait3A_83 = tpu.memref_slice %arg23[%mul3A_73, %dma_wait3A_82] : memref<50048x24xf32, #tpu.memory_space<vmem_shared>> -> memref<3128x24xf32, #tpu.memory_space<vmem_shared>>
      tpu.wait_dma2 semaphore(%run_scoped3A : memref<!tpu.dma_semaphore, #tpu.memory_space<semaphore_mem>>) src(%dma_wait3A_83 : memref<3128x24xf32, #tpu.memory_space<vmem_shared>>) dst(%dma_wait3A_81 : memref<3128x24xf32, #tpu.memory_space<hbm>>)
      tpu.yield
    }) : () -> ()
    return
  }
}

#map = affine_map<(d0, d1) -> (0)>
#map1 = affine_map<(d0, d1) -> (0, 0)>
#map2 = affine_map<(d0, d1) -> (0, 0, 0)>
module attributes {stable_mosaic.version = 14 : i64} {
  func.func @_pass_b_body(%arg0: i32, %arg1: i32, %arg2: memref<802816xi32, #tpu.memory_space<hbm>>, %arg3: memref<802816xi32, #tpu.memory_space<hbm>>, %arg4: memref<802816x4xf32, #tpu.memory_space<hbm>>, %arg5: memref<50000x40xf32, #tpu.memory_space<hbm>>, %arg6: memref<50048x8xf32, #tpu.memory_space<hbm>>, %arg7: memref<32xf32, #tpu.memory_space<hbm>>, %arg8: memref<50048x24xf32, #tpu.memory_space<hbm>>, %arg9: memref<2x50048x24xf32, #tpu.memory_space<hbm>>, %arg10: memref<256xi32, #tpu.memory_space<vmem>>, %arg11: memref<256xi32, #tpu.memory_space<vmem>>, %arg12: memref<256xi32, #tpu.memory_space<vmem>>, %arg13: memref<256xi32, #tpu.memory_space<vmem>>, %arg14: memref<256x4xf32, #tpu.memory_space<vmem>>, %arg15: memref<256x4xf32, #tpu.memory_space<vmem>>, %arg16: memref<256x40xf32, #tpu.memory_space<vmem>>, %arg17: memref<256x40xf32, #tpu.memory_space<vmem>>, %arg18: memref<256x8xf32, #tpu.memory_space<vmem>>, %arg19: memref<256x8xf32, #tpu.memory_space<vmem>>, %arg20: memref<256x24xf32, #tpu.memory_space<vmem>>, %arg21: memref<256x24xf32, #tpu.memory_space<vmem>>, %arg22: memref<32xf32, #tpu.memory_space<vmem>>, %arg23: memref<50048x24xf32, #tpu.memory_space<vmem_shared>>, %arg24: memref<!tpu.dma_semaphore, #tpu.memory_space<semaphore_mem>>, %arg25: memref<!tpu.dma_semaphore, #tpu.memory_space<semaphore_mem>>, %arg26: memref<!tpu.dma_semaphore, #tpu.memory_space<semaphore_mem>>, %arg27: memref<!tpu.dma_semaphore, #tpu.memory_space<semaphore_mem>>, %arg28: memref<!tpu.dma_semaphore, #tpu.memory_space<semaphore_mem>>, %arg29: memref<!tpu.dma_semaphore, #tpu.memory_space<semaphore_mem>>) attributes {dimension_semantics = [#tpu.dimension_semantics<core_parallel>, #tpu.dimension_semantics<subcore_parallel>], iteration_bounds = array<i64: 2, 16>, scalar_prefetch = 0 : i64, scratch_operands = 20 : i64, tpu.core_type = #tpu.core_type<sc_vector_subcore>, window_params = [{transform_indices = #map}, {transform_indices = #map}, {transform_indices = #map1}, {transform_indices = #map1}, {transform_indices = #map1}, {transform_indices = #map}, {transform_indices = #map1}, {transform_indices = #map2}]} {
    %mul3A = arith.constant 3128 : i32
    %mul3A_0 = arith.muli %arg1, %mul3A : i32
    %mul3A_1 = arith.constant 3128 : i32
    %mul3A_2 = arith.muli %arg1, %mul3A_1 : i32
    "tpu.region"() ({
      %run_scoped3A = tpu.sem_alloc : memref<!tpu.dma_semaphore, #tpu.memory_space<semaphore_mem>>
      %dma_start3A = arith.constant 0 : i32
      %dma_start3A_76 = tpu.memref_slice %arg23[%mul3A_2, %dma_start3A] : memref<50048x24xf32, #tpu.memory_space<vmem_shared>> -> memref<3128x24xf32, #tpu.memory_space<vmem_shared>>
      %dma_start3A_77 = arith.constant 0 : i32
      %dma_start3A_78 = tpu.memref_slice %arg8[%mul3A_0, %dma_start3A_77] : memref<50048x24xf32, #tpu.memory_space<hbm>> -> memref<3128x24xf32, #tpu.memory_space<hbm>>
      tpu.enqueue_dma source(%dma_start3A_78 : memref<3128x24xf32, #tpu.memory_space<hbm>>) target(%dma_start3A_76 : memref<3128x24xf32, #tpu.memory_space<vmem_shared>>) target_semaphore(%run_scoped3A : memref<!tpu.dma_semaphore, #tpu.memory_space<semaphore_mem>>)
      %dma_wait3A = arith.constant 0 : i32
      %dma_wait3A_79 = tpu.memref_slice %arg23[%mul3A_2, %dma_wait3A] : memref<50048x24xf32, #tpu.memory_space<vmem_shared>> -> memref<3128x24xf32, #tpu.memory_space<vmem_shared>>
      %dma_wait3A_80 = arith.constant 0 : i32
      %dma_wait3A_81 = tpu.memref_slice %arg8[%mul3A_0, %dma_wait3A_80] : memref<50048x24xf32, #tpu.memory_space<hbm>> -> memref<3128x24xf32, #tpu.memory_space<hbm>>
      tpu.wait_dma2 semaphore(%run_scoped3A : memref<!tpu.dma_semaphore, #tpu.memory_space<semaphore_mem>>) src(%dma_wait3A_81 : memref<3128x24xf32, #tpu.memory_space<hbm>>) dst(%dma_wait3A_79 : memref<3128x24xf32, #tpu.memory_space<vmem_shared>>)
      tpu.yield
    }) : () -> ()
    "tpu.region"() ({
      %run_scoped3A = tpu.sem_alloc : memref<!tpu.dma_semaphore, #tpu.memory_space<semaphore_mem>>
      tpu.enqueue_dma source(%arg7 : memref<32xf32, #tpu.memory_space<hbm>>) target(%arg22 : memref<32xf32, #tpu.memory_space<vmem>>) target_semaphore(%run_scoped3A : memref<!tpu.dma_semaphore, #tpu.memory_space<semaphore_mem>>)
      tpu.wait_dma2 semaphore(%run_scoped3A : memref<!tpu.dma_semaphore, #tpu.memory_space<semaphore_mem>>) src(%arg7 : memref<32xf32, #tpu.memory_space<hbm>>) dst(%arg22 : memref<32xf32, #tpu.memory_space<vmem>>)
      tpu.yield
    }) : () -> ()
    %scan3A = arith.constant 0 : i32
    %scan3A_3 = arith.constant 0 : i32
    %scan3A_4 = arith.constant 256 : i32
    %scan3A_5 = arith.addi %scan3A_3, %scan3A_4 : i32
    %scan3A_6 = arith.constant 1 : i32
    %scan3A_7 = scf.for %scan3A_76 = %scan3A_3 to %scan3A_5 step %scan3A_6 iter_args(%scan3A_77 = %scan3A) -> (i32)  : i32 {
      %broadcast_in_dim3A_78 = arith.constant 0.000000e+00 : f32
      %broadcast_in_dim3A_79 = vector.broadcast %broadcast_in_dim3A_78 : f32 to vector<16xf32>
      %swap3A = arith.index_cast %scan3A_76 : i32 to index
      %swap3A_80 = arith.constant 0 : index
      %swap3A_81 = tpu.vector_load %arg20[%swap3A, %swap3A_80] {strides = array<i32>} : memref<256x24xf32, #tpu.memory_space<vmem>>, vector<16xf32>,
      tpu.vector_store %arg20[%swap3A, %swap3A_80], %broadcast_in_dim3A_79 {strides = array<i32>} : memref<256x24xf32, #tpu.memory_space<vmem>>, vector<16xf32>,
      %broadcast_in_dim3A_82 = arith.constant 0.000000e+00 : f32
      %broadcast_in_dim3A_83 = vector.broadcast %broadcast_in_dim3A_82 : f32 to vector<16xf32>
      %swap3A_84 = arith.index_cast %scan3A_76 : i32 to index
      %swap3A_85 = arith.constant 8 : index
      %swap3A_86 = tpu.vector_load %arg20[%swap3A_84, %swap3A_85] {strides = array<i32>} : memref<256x24xf32, #tpu.memory_space<vmem>>, vector<16xf32>,
      tpu.vector_store %arg20[%swap3A_84, %swap3A_85], %broadcast_in_dim3A_83 {strides = array<i32>} : memref<256x24xf32, #tpu.memory_space<vmem>>, vector<16xf32>,
      %broadcast_in_dim3A_87 = arith.constant 0.000000e+00 : f32
      %broadcast_in_dim3A_88 = vector.broadcast %broadcast_in_dim3A_87 : f32 to vector<16xf32>
      %swap3A_89 = arith.index_cast %scan3A_76 : i32 to index
      %swap3A_90 = arith.constant 0 : index
      %swap3A_91 = tpu.vector_load %arg21[%swap3A_89, %swap3A_90] {strides = array<i32>} : memref<256x24xf32, #tpu.memory_space<vmem>>, vector<16xf32>,
      tpu.vector_store %arg21[%swap3A_89, %swap3A_90], %broadcast_in_dim3A_88 {strides = array<i32>} : memref<256x24xf32, #tpu.memory_space<vmem>>, vector<16xf32>,
      %broadcast_in_dim3A_92 = arith.constant 0.000000e+00 : f32
      %broadcast_in_dim3A_93 = vector.broadcast %broadcast_in_dim3A_92 : f32 to vector<16xf32>
      %swap3A_94 = arith.index_cast %scan3A_76 : i32 to index
      %swap3A_95 = arith.constant 8 : index
      %swap3A_96 = tpu.vector_load %arg21[%swap3A_94, %swap3A_95] {strides = array<i32>} : memref<256x24xf32, #tpu.memory_space<vmem>>, vector<16xf32>,
      tpu.vector_store %arg21[%swap3A_94, %swap3A_95], %broadcast_in_dim3A_93 {strides = array<i32>} : memref<256x24xf32, #tpu.memory_space<vmem>>, vector<16xf32>,
      %scan3A_97 = arith.constant 0 : i32
      scf.yield %scan3A_97 : i32
    }
    %scan3A_8 = arith.constant 256 : i32
    %barrier3A = arith.constant 0 : index
    tpu.barrier barrier_id(%barrier3A)
    %iota3A = tpu.iota {dimensions = array<i32: 0>} : vector<16xi32>
    %mul3A_9 = arith.constant 2 : i32
    %mul3A_10 = arith.muli %arg0, %mul3A_9 : i32
    %add3A = arith.constant 0 : i32
    %add3A_11 = arith.addi %mul3A_10, %add3A : i32
    %broadcast_in_dim3A = arith.constant 0 : i32
    %broadcast_in_dim3A_12 = vector.broadcast %broadcast_in_dim3A : i32 to vector<16xi32>
    %add3A_13 = vector.broadcast %add3A_11 : i32 to vector<16xi32>
    %add3A_14 = arith.addi %broadcast_in_dim3A_12, %add3A_13 : vector<16xi32>
    %gather3A = tpu.vector_load_idx %arg22[%add3A_14] : memref<32xf32, #tpu.memory_space<vmem>>[vector<16xi32>], vector<16xf32>,
    %add3A_15 = arith.constant 0 : i32
    %add3A_16 = arith.addi %mul3A_10, %add3A_15 : i32
    %broadcast_in_dim3A_17 = arith.constant 4 : i32
    %broadcast_in_dim3A_18 = vector.broadcast %broadcast_in_dim3A_17 : i32 to vector<16xi32>
    %add3A_19 = vector.broadcast %add3A_16 : i32 to vector<16xi32>
    %add3A_20 = arith.addi %broadcast_in_dim3A_18, %add3A_19 : vector<16xi32>
    %gather3A_21 = tpu.vector_load_idx %arg22[%add3A_20] : memref<32xf32, #tpu.memory_space<vmem>>[vector<16xi32>], vector<16xf32>,
    %add3A_22 = arith.constant 0 : i32
    %add3A_23 = arith.addi %mul3A_10, %add3A_22 : i32
    %broadcast_in_dim3A_24 = arith.constant 8 : i32
    %broadcast_in_dim3A_25 = vector.broadcast %broadcast_in_dim3A_24 : i32 to vector<16xi32>
    %add3A_26 = vector.broadcast %add3A_23 : i32 to vector<16xi32>
    %add3A_27 = arith.addi %broadcast_in_dim3A_25, %add3A_26 : vector<16xi32>
    %gather3A_28 = tpu.vector_load_idx %arg22[%add3A_27] : memref<32xf32, #tpu.memory_space<vmem>>[vector<16xi32>], vector<16xf32>,
    %add3A_29 = arith.constant 0 : i32
    %add3A_30 = arith.addi %mul3A_10, %add3A_29 : i32
    %broadcast_in_dim3A_31 = arith.constant 12 : i32
    %broadcast_in_dim3A_32 = vector.broadcast %broadcast_in_dim3A_31 : i32 to vector<16xi32>
    %add3A_33 = vector.broadcast %add3A_30 : i32 to vector<16xi32>
    %add3A_34 = arith.addi %broadcast_in_dim3A_32, %add3A_33 : vector<16xi32>
    %gather3A_35 = tpu.vector_load_idx %arg22[%add3A_34] : memref<32xf32, #tpu.memory_space<vmem>>[vector<16xi32>], vector<16xf32>,
    %add3A_36 = arith.constant 1 : i32
    %add3A_37 = arith.addi %mul3A_10, %add3A_36 : i32
    %broadcast_in_dim3A_38 = arith.constant 0 : i32
    %broadcast_in_dim3A_39 = vector.broadcast %broadcast_in_dim3A_38 : i32 to vector<16xi32>
    %add3A_40 = vector.broadcast %add3A_37 : i32 to vector<16xi32>
    %add3A_41 = arith.addi %broadcast_in_dim3A_39, %add3A_40 : vector<16xi32>
    %gather3A_42 = tpu.vector_load_idx %arg22[%add3A_41] : memref<32xf32, #tpu.memory_space<vmem>>[vector<16xi32>], vector<16xf32>,
    %add3A_43 = arith.constant 1 : i32
    %add3A_44 = arith.addi %mul3A_10, %add3A_43 : i32
    %broadcast_in_dim3A_45 = arith.constant 4 : i32
    %broadcast_in_dim3A_46 = vector.broadcast %broadcast_in_dim3A_45 : i32 to vector<16xi32>
    %add3A_47 = vector.broadcast %add3A_44 : i32 to vector<16xi32>
    %add3A_48 = arith.addi %broadcast_in_dim3A_46, %add3A_47 : vector<16xi32>
    %gather3A_49 = tpu.vector_load_idx %arg22[%add3A_48] : memref<32xf32, #tpu.memory_space<vmem>>[vector<16xi32>], vector<16xf32>,
    %add3A_50 = arith.constant 1 : i32
    %add3A_51 = arith.addi %mul3A_10, %add3A_50 : i32
    %broadcast_in_dim3A_52 = arith.constant 8 : i32
    %broadcast_in_dim3A_53 = vector.broadcast %broadcast_in_dim3A_52 : i32 to vector<16xi32>
    %add3A_54 = vector.broadcast %add3A_51 : i32 to vector<16xi32>
    %add3A_55 = arith.addi %broadcast_in_dim3A_53, %add3A_54 : vector<16xi32>
    %gather3A_56 = tpu.vector_load_idx %arg22[%add3A_55] : memref<32xf32, #tpu.memory_space<vmem>>[vector<16xi32>], vector<16xf32>,
    %add3A_57 = arith.constant 1 : i32
    %add3A_58 = arith.addi %mul3A_10, %add3A_57 : i32
    %broadcast_in_dim3A_59 = arith.constant 12 : i32
    %broadcast_in_dim3A_60 = vector.broadcast %broadcast_in_dim3A_59 : i32 to vector<16xi32>
    %add3A_61 = vector.broadcast %add3A_58 : i32 to vector<16xi32>
    %add3A_62 = arith.addi %broadcast_in_dim3A_60, %add3A_61 : vector<16xi32>
    %gather3A_63 = tpu.vector_load_idx %arg22[%add3A_62] : memref<32xf32, #tpu.memory_space<vmem>>[vector<16xi32>], vector<16xf32>,
    %scan3A_64 = arith.constant 0 : i32
    %scan3A_65 = arith.constant 0 : i32
    %scan3A_66 = arith.constant 98 : i32
    %scan3A_67 = arith.addi %scan3A_65, %scan3A_66 : i32
    %scan3A_68 = arith.constant 1 : i32
    %scan3A_69 = scf.for %scan3A_76 = %scan3A_65 to %scan3A_67 step %scan3A_68 iter_args(%scan3A_77 = %scan3A_64) -> (i32)  : i32 {
      %mul3A_78 = arith.constant 196 : i32
      %mul3A_79 = arith.muli %arg1, %mul3A_78 : i32
      %mul3A_80 = arith.constant 2 : i32
      %mul3A_81 = arith.muli %scan3A_76, %mul3A_80 : i32
      %add3A_82 = arith.addi %mul3A_79, %mul3A_81 : i32
      %add3A_83 = arith.constant 0 : i32
      %add3A_84 = arith.addi %add3A_82, %add3A_83 : i32
      %mul3A_85 = arith.constant 256 : i32
      %mul3A_86 = arith.muli %add3A_84, %mul3A_85 : i32
      "tpu.region"() ({
        %run_scoped3A = tpu.sem_alloc : memref<!tpu.dma_semaphore, #tpu.memory_space<semaphore_mem>>
        %dma_start3A_133 = tpu.memref_slice %arg2[%mul3A_86] : memref<802816xi32, #tpu.memory_space<hbm>> -> memref<256xi32, #tpu.memory_space<hbm>>
        %dma_start3A_134 = tpu.memref_slice %arg2[%mul3A_86] : memref<802816xi32, #tpu.memory_space<hbm>> -> memref<256xi32, #tpu.memory_space<hbm>>
        tpu.enqueue_dma source(%dma_start3A_134 : memref<256xi32, #tpu.memory_space<hbm>>) target(%arg10 : memref<256xi32, #tpu.memory_space<vmem>>) target_semaphore(%run_scoped3A : memref<!tpu.dma_semaphore, #tpu.memory_space<semaphore_mem>>)
        %dma_wait3A_135 = tpu.memref_slice %arg2[%mul3A_86] : memref<802816xi32, #tpu.memory_space<hbm>> -> memref<256xi32, #tpu.memory_space<hbm>>
        %dma_wait3A_136 = tpu.memref_slice %arg2[%mul3A_86] : memref<802816xi32, #tpu.memory_space<hbm>> -> memref<256xi32, #tpu.memory_space<hbm>>
        tpu.wait_dma2 semaphore(%run_scoped3A : memref<!tpu.dma_semaphore, #tpu.memory_space<semaphore_mem>>) src(%dma_wait3A_136 : memref<256xi32, #tpu.memory_space<hbm>>) dst(%arg10 : memref<256xi32, #tpu.memory_space<vmem>>)
        tpu.yield
      }) : () -> ()
      "tpu.region"() ({
        %run_scoped3A = tpu.sem_alloc : memref<!tpu.dma_semaphore, #tpu.memory_space<semaphore_mem>>
        %dma_start3A_133 = tpu.memref_slice %arg3[%mul3A_86] : memref<802816xi32, #tpu.memory_space<hbm>> -> memref<256xi32, #tpu.memory_space<hbm>>
        %dma_start3A_134 = tpu.memref_slice %arg3[%mul3A_86] : memref<802816xi32, #tpu.memory_space<hbm>> -> memref<256xi32, #tpu.memory_space<hbm>>
        tpu.enqueue_dma source(%dma_start3A_134 : memref<256xi32, #tpu.memory_space<hbm>>) target(%arg12 : memref<256xi32, #tpu.memory_space<vmem>>) target_semaphore(%run_scoped3A : memref<!tpu.dma_semaphore, #tpu.memory_space<semaphore_mem>>)
        %dma_wait3A_135 = tpu.memref_slice %arg3[%mul3A_86] : memref<802816xi32, #tpu.memory_space<hbm>> -> memref<256xi32, #tpu.memory_space<hbm>>
        %dma_wait3A_136 = tpu.memref_slice %arg3[%mul3A_86] : memref<802816xi32, #tpu.memory_space<hbm>> -> memref<256xi32, #tpu.memory_space<hbm>>
        tpu.wait_dma2 semaphore(%run_scoped3A : memref<!tpu.dma_semaphore, #tpu.memory_space<semaphore_mem>>) src(%dma_wait3A_136 : memref<256xi32, #tpu.memory_space<hbm>>) dst(%arg12 : memref<256xi32, #tpu.memory_space<vmem>>)
        tpu.yield
      }) : () -> ()
      "tpu.region"() ({
        %run_scoped3A = tpu.sem_alloc : memref<!tpu.dma_semaphore, #tpu.memory_space<semaphore_mem>>
        %dma_start3A_133 = arith.constant 0 : i32
        %dma_start3A_134 = tpu.memref_slice %arg4[%mul3A_86, %dma_start3A_133] : memref<802816x4xf32, #tpu.memory_space<hbm>> -> memref<256x4xf32, #tpu.memory_space<hbm>>
        %dma_start3A_135 = arith.constant 0 : i32
        %dma_start3A_136 = tpu.memref_slice %arg4[%mul3A_86, %dma_start3A_135] : memref<802816x4xf32, #tpu.memory_space<hbm>> -> memref<256x4xf32, #tpu.memory_space<hbm>>
        tpu.enqueue_dma source(%dma_start3A_136 : memref<256x4xf32, #tpu.memory_space<hbm>>) target(%arg14 : memref<256x4xf32, #tpu.memory_space<vmem>>) target_semaphore(%run_scoped3A : memref<!tpu.dma_semaphore, #tpu.memory_space<semaphore_mem>>)
        %dma_wait3A_137 = arith.constant 0 : i32
        %dma_wait3A_138 = tpu.memref_slice %arg4[%mul3A_86, %dma_wait3A_137] : memref<802816x4xf32, #tpu.memory_space<hbm>> -> memref<256x4xf32, #tpu.memory_space<hbm>>
        %dma_wait3A_139 = arith.constant 0 : i32
        %dma_wait3A_140 = tpu.memref_slice %arg4[%mul3A_86, %dma_wait3A_139] : memref<802816x4xf32, #tpu.memory_space<hbm>> -> memref<256x4xf32, #tpu.memory_space<hbm>>
        tpu.wait_dma2 semaphore(%run_scoped3A : memref<!tpu.dma_semaphore, #tpu.memory_space<semaphore_mem>>) src(%dma_wait3A_140 : memref<256x4xf32, #tpu.memory_space<hbm>>) dst(%arg14 : memref<256x4xf32, #tpu.memory_space<vmem>>)
        tpu.yield
      }) : () -> ()
      %dma_start3A = arith.constant 0 : i32
      %dma_start3A_87 = arith.constant 0 : i32
      %dma_start3A_88 = tpu.memref_slice %arg5[%dma_start3A, %dma_start3A_87] : memref<50000x40xf32, #tpu.memory_space<hbm>> -> memref<50000x40xf32, #tpu.memory_space<hbm>>
      tpu.enqueue_indirect_dma source(%dma_start3A_88 : memref<50000x40xf32, #tpu.memory_space<hbm>>) target(%arg16 : memref<256x40xf32, #tpu.memory_space<vmem>>) offsets(%arg10 : memref<256xi32, #tpu.memory_space<vmem>>) semaphore(%arg24 : memref<!tpu.dma_semaphore, #tpu.memory_space<semaphore_mem>>)
      %dma_start3A_89 = arith.constant 0 : i32
      %dma_start3A_90 = arith.constant 0 : i32
      %dma_start3A_91 = tpu.memref_slice %arg6[%dma_start3A_89, %dma_start3A_90] : memref<50048x8xf32, #tpu.memory_space<hbm>> -> memref<50048x8xf32, #tpu.memory_space<hbm>>
      tpu.enqueue_indirect_dma source(%dma_start3A_91 : memref<50048x8xf32, #tpu.memory_space<hbm>>) target(%arg18 : memref<256x8xf32, #tpu.memory_space<vmem>>) offsets(%arg12 : memref<256xi32, #tpu.memory_space<vmem>>) semaphore(%arg26 : memref<!tpu.dma_semaphore, #tpu.memory_space<semaphore_mem>>)
      %mul3A_92 = arith.constant 196 : i32
      %mul3A_93 = arith.muli %arg1, %mul3A_92 : i32
      %mul3A_94 = arith.constant 2 : i32
      %mul3A_95 = arith.muli %scan3A_76, %mul3A_94 : i32
      %add3A_96 = arith.addi %mul3A_93, %mul3A_95 : i32
      %add3A_97 = arith.constant 1 : i32
      %add3A_98 = arith.addi %add3A_96, %add3A_97 : i32
      %mul3A_99 = arith.constant 256 : i32
      %mul3A_100 = arith.muli %add3A_98, %mul3A_99 : i32
      "tpu.region"() ({
        %run_scoped3A = tpu.sem_alloc : memref<!tpu.dma_semaphore, #tpu.memory_space<semaphore_mem>>
        %dma_start3A_133 = tpu.memref_slice %arg2[%mul3A_100] : memref<802816xi32, #tpu.memory_space<hbm>> -> memref<256xi32, #tpu.memory_space<hbm>>
        %dma_start3A_134 = tpu.memref_slice %arg2[%mul3A_100] : memref<802816xi32, #tpu.memory_space<hbm>> -> memref<256xi32, #tpu.memory_space<hbm>>
        tpu.enqueue_dma source(%dma_start3A_134 : memref<256xi32, #tpu.memory_space<hbm>>) target(%arg11 : memref<256xi32, #tpu.memory_space<vmem>>) target_semaphore(%run_scoped3A : memref<!tpu.dma_semaphore, #tpu.memory_space<semaphore_mem>>)
        %dma_wait3A_135 = tpu.memref_slice %arg2[%mul3A_100] : memref<802816xi32, #tpu.memory_space<hbm>> -> memref<256xi32, #tpu.memory_space<hbm>>
        %dma_wait3A_136 = tpu.memref_slice %arg2[%mul3A_100] : memref<802816xi32, #tpu.memory_space<hbm>> -> memref<256xi32, #tpu.memory_space<hbm>>
        tpu.wait_dma2 semaphore(%run_scoped3A : memref<!tpu.dma_semaphore, #tpu.memory_space<semaphore_mem>>) src(%dma_wait3A_136 : memref<256xi32, #tpu.memory_space<hbm>>) dst(%arg11 : memref<256xi32, #tpu.memory_space<vmem>>)
        tpu.yield
      }) : () -> ()
      "tpu.region"() ({
        %run_scoped3A = tpu.sem_alloc : memref<!tpu.dma_semaphore, #tpu.memory_space<semaphore_mem>>
        %dma_start3A_133 = tpu.memref_slice %arg3[%mul3A_100] : memref<802816xi32, #tpu.memory_space<hbm>> -> memref<256xi32, #tpu.memory_space<hbm>>
        %dma_start3A_134 = tpu.memref_slice %arg3[%mul3A_100] : memref<802816xi32, #tpu.memory_space<hbm>> -> memref<256xi32, #tpu.memory_space<hbm>>
        tpu.enqueue_dma source(%dma_start3A_134 : memref<256xi32, #tpu.memory_space<hbm>>) target(%arg13 : memref<256xi32, #tpu.memory_space<vmem>>) target_semaphore(%run_scoped3A : memref<!tpu.dma_semaphore, #tpu.memory_space<semaphore_mem>>)
        %dma_wait3A_135 = tpu.memref_slice %arg3[%mul3A_100] : memref<802816xi32, #tpu.memory_space<hbm>> -> memref<256xi32, #tpu.memory_space<hbm>>
        %dma_wait3A_136 = tpu.memref_slice %arg3[%mul3A_100] : memref<802816xi32, #tpu.memory_space<hbm>> -> memref<256xi32, #tpu.memory_space<hbm>>
        tpu.wait_dma2 semaphore(%run_scoped3A : memref<!tpu.dma_semaphore, #tpu.memory_space<semaphore_mem>>) src(%dma_wait3A_136 : memref<256xi32, #tpu.memory_space<hbm>>) dst(%arg13 : memref<256xi32, #tpu.memory_space<vmem>>)
        tpu.yield
      }) : () -> ()
      "tpu.region"() ({
        %run_scoped3A = tpu.sem_alloc : memref<!tpu.dma_semaphore, #tpu.memory_space<semaphore_mem>>
        %dma_start3A_133 = arith.constant 0 : i32
        %dma_start3A_134 = tpu.memref_slice %arg4[%mul3A_100, %dma_start3A_133] : memref<802816x4xf32, #tpu.memory_space<hbm>> -> memref<256x4xf32, #tpu.memory_space<hbm>>
        %dma_start3A_135 = arith.constant 0 : i32
        %dma_start3A_136 = tpu.memref_slice %arg4[%mul3A_100, %dma_start3A_135] : memref<802816x4xf32, #tpu.memory_space<hbm>> -> memref<256x4xf32, #tpu.memory_space<hbm>>
        tpu.enqueue_dma source(%dma_start3A_136 : memref<256x4xf32, #tpu.memory_space<hbm>>) target(%arg15 : memref<256x4xf32, #tpu.memory_space<vmem>>) target_semaphore(%run_scoped3A : memref<!tpu.dma_semaphore, #tpu.memory_space<semaphore_mem>>)
        %dma_wait3A_137 = arith.constant 0 : i32
        %dma_wait3A_138 = tpu.memref_slice %arg4[%mul3A_100, %dma_wait3A_137] : memref<802816x4xf32, #tpu.memory_space<hbm>> -> memref<256x4xf32, #tpu.memory_space<hbm>>
        %dma_wait3A_139 = arith.constant 0 : i32
        %dma_wait3A_140 = tpu.memref_slice %arg4[%mul3A_100, %dma_wait3A_139] : memref<802816x4xf32, #tpu.memory_space<hbm>> -> memref<256x4xf32, #tpu.memory_space<hbm>>
        tpu.wait_dma2 semaphore(%run_scoped3A : memref<!tpu.dma_semaphore, #tpu.memory_space<semaphore_mem>>) src(%dma_wait3A_140 : memref<256x4xf32, #tpu.memory_space<hbm>>) dst(%arg15 : memref<256x4xf32, #tpu.memory_space<vmem>>)
        tpu.yield
      }) : () -> ()
      %dma_start3A_101 = arith.constant 0 : i32
      %dma_start3A_102 = arith.constant 0 : i32
      %dma_start3A_103 = tpu.memref_slice %arg5[%dma_start3A_101, %dma_start3A_102] : memref<50000x40xf32, #tpu.memory_space<hbm>> -> memref<50000x40xf32, #tpu.memory_space<hbm>>
      tpu.enqueue_indirect_dma source(%dma_start3A_103 : memref<50000x40xf32, #tpu.memory_space<hbm>>) target(%arg17 : memref<256x40xf32, #tpu.memory_space<vmem>>) offsets(%arg11 : memref<256xi32, #tpu.memory_space<vmem>>) semaphore(%arg25 : memref<!tpu.dma_semaphore, #tpu.memory_space<semaphore_mem>>)
      %dma_start3A_104 = arith.constant 0 : i32
      %dma_start3A_105 = arith.constant 0 : i32
      %dma_start3A_106 = tpu.memref_slice %arg6[%dma_start3A_104, %dma_start3A_105] : memref<50048x8xf32, #tpu.memory_space<hbm>> -> memref<50048x8xf32, #tpu.memory_space<hbm>>
      tpu.enqueue_indirect_dma source(%dma_start3A_106 : memref<50048x8xf32, #tpu.memory_space<hbm>>) target(%arg19 : memref<256x8xf32, #tpu.memory_space<vmem>>) offsets(%arg13 : memref<256xi32, #tpu.memory_space<vmem>>) semaphore(%arg27 : memref<!tpu.dma_semaphore, #tpu.memory_space<semaphore_mem>>)
      %dma_wait3A = arith.constant 0 : i32
      %dma_wait3A_107 = arith.constant 0 : i32
      %dma_wait3A_108 = tpu.memref_slice %arg5[%dma_wait3A, %dma_wait3A_107] : memref<50000x40xf32, #tpu.memory_space<hbm>> -> memref<50000x40xf32, #tpu.memory_space<hbm>>
      tpu.wait_indirect_dma semaphore(%arg24 : memref<!tpu.dma_semaphore, #tpu.memory_space<semaphore_mem>>) src(%dma_wait3A_108 : memref<50000x40xf32, #tpu.memory_space<hbm>>) dst(%arg16 : memref<256x40xf32, #tpu.memory_space<vmem>>)
      %dma_wait3A_109 = arith.constant 0 : i32
      %dma_wait3A_110 = arith.constant 0 : i32
      %dma_wait3A_111 = tpu.memref_slice %arg6[%dma_wait3A_109, %dma_wait3A_110] : memref<50048x8xf32, #tpu.memory_space<hbm>> -> memref<50048x8xf32, #tpu.memory_space<hbm>>
      tpu.wait_indirect_dma semaphore(%arg26 : memref<!tpu.dma_semaphore, #tpu.memory_space<semaphore_mem>>) src(%dma_wait3A_111 : memref<50048x8xf32, #tpu.memory_space<hbm>>) dst(%arg18 : memref<256x8xf32, #tpu.memory_space<vmem>>)
      %scan3A_112 = arith.constant 0 : i32
      %scan3A_113 = arith.constant 0 : i32
      %scan3A_114 = arith.constant 16 : i32
      %scan3A_115 = arith.addi %scan3A_113, %scan3A_114 : i32
      %scan3A_116 = arith.constant 1 : i32
      %scan3A_117 = scf.for %scan3A_133 = %scan3A_113 to %scan3A_115 step %scan3A_116 iter_args(%scan3A_134 = %scan3A_112) -> (i32)  : i32 {
        %mul3A_135 = arith.constant 16 : i32
        %mul3A_136 = arith.muli %scan3A_133, %mul3A_135 : i32
        %add3A_137 = vector.broadcast %mul3A_136 : i32 to vector<16xi32>
        %add3A_138 = arith.addi %iota3A, %add3A_137 : vector<16xi32>
        %broadcast_in_dim3A_139 = arith.constant 0 : i32
        %broadcast_in_dim3A_140 = vector.broadcast %broadcast_in_dim3A_139 : i32 to vector<16xi32>
        %gather3A_141 = tpu.vector_load_idx %arg14[%add3A_138, %broadcast_in_dim3A_140] : memref<256x4xf32, #tpu.memory_space<vmem>>[vector<16xi32>, vector<16xi32>], vector<16xf32>,
        %broadcast_in_dim3A_142 = arith.constant 1 : i32
        %broadcast_in_dim3A_143 = vector.broadcast %broadcast_in_dim3A_142 : i32 to vector<16xi32>
        %gather3A_144 = tpu.vector_load_idx %arg14[%add3A_138, %broadcast_in_dim3A_143] : memref<256x4xf32, #tpu.memory_space<vmem>>[vector<16xi32>, vector<16xi32>], vector<16xf32>,
        %broadcast_in_dim3A_145 = arith.constant 2 : i32
        %broadcast_in_dim3A_146 = vector.broadcast %broadcast_in_dim3A_145 : i32 to vector<16xi32>
        %gather3A_147 = tpu.vector_load_idx %arg14[%add3A_138, %broadcast_in_dim3A_146] : memref<256x4xf32, #tpu.memory_space<vmem>>[vector<16xi32>, vector<16xi32>], vector<16xf32>,
        %broadcast_in_dim3A_148 = arith.constant 3 : i32
        %broadcast_in_dim3A_149 = vector.broadcast %broadcast_in_dim3A_148 : i32 to vector<16xi32>
        %gather3A_150 = tpu.vector_load_idx %arg14[%add3A_138, %broadcast_in_dim3A_149] : memref<256x4xf32, #tpu.memory_space<vmem>>[vector<16xi32>, vector<16xi32>], vector<16xf32>,
        %add3A_151 = arith.constant 0 : i32
        %add3A_152 = arith.addi %mul3A_10, %add3A_151 : i32
        %broadcast_in_dim3A_153 = arith.constant 32 : i32
        %broadcast_in_dim3A_154 = vector.broadcast %broadcast_in_dim3A_153 : i32 to vector<16xi32>
        %add3A_155 = vector.broadcast %add3A_152 : i32 to vector<16xi32>
        %add3A_156 = arith.addi %broadcast_in_dim3A_154, %add3A_155 : vector<16xi32>
        %gather3A_157 = tpu.vector_load_idx %arg16[%add3A_138, %add3A_156] : memref<256x40xf32, #tpu.memory_space<vmem>>[vector<16xi32>, vector<16xi32>], vector<16xf32>,
        %broadcast_in_dim3A_158 = arith.constant 0 : i32
        %broadcast_in_dim3A_159 = vector.broadcast %broadcast_in_dim3A_158 : i32 to vector<16xi32>
        %add3A_160 = vector.broadcast %add3A_152 : i32 to vector<16xi32>
        %add3A_161 = arith.addi %broadcast_in_dim3A_159, %add3A_160 : vector<16xi32>
        %gather3A_162 = tpu.vector_load_idx %arg18[%add3A_138, %add3A_161] : memref<256x8xf32, #tpu.memory_space<vmem>>[vector<16xi32>, vector<16xi32>], vector<16xf32>,
        %broadcast_in_dim3A_163 = arith.constant 4 : i32
        %broadcast_in_dim3A_164 = vector.broadcast %broadcast_in_dim3A_163 : i32 to vector<16xi32>
        %add3A_165 = vector.broadcast %add3A_152 : i32 to vector<16xi32>
        %add3A_166 = arith.addi %broadcast_in_dim3A_164, %add3A_165 : vector<16xi32>
        %gather3A_167 = tpu.vector_load_idx %arg18[%add3A_138, %add3A_166] : memref<256x8xf32, #tpu.memory_space<vmem>>[vector<16xi32>, vector<16xi32>], vector<16xf32>,
        %mul3A_168 = arith.mulf %gather3A_141, %gather3A : vector<16xf32>
        %mul3A_169 = arith.mulf %gather3A_144, %gather3A_21 : vector<16xf32>
        %add3A_170 = arith.addf %mul3A_168, %mul3A_169 : vector<16xf32>
        %mul3A_171 = arith.mulf %gather3A_147, %gather3A_28 : vector<16xf32>
        %add3A_172 = arith.addf %add3A_170, %mul3A_171 : vector<16xf32>
        %mul3A_173 = arith.mulf %gather3A_150, %gather3A_35 : vector<16xf32>
        %add3A_174 = arith.addf %add3A_172, %mul3A_173 : vector<16xf32>
        %add3A_175 = arith.addf %gather3A_157, %gather3A_162 : vector<16xf32>
        %add3A_176 = arith.addf %add3A_175, %add3A_174 : vector<16xf32>
        %gt3A = arith.constant 0.000000e+00 : f32
        %gt3A_177 = vector.broadcast %gt3A : f32 to vector<16xf32>
        %gt3A_178 = arith.cmpf ogt, %add3A_176, %gt3A_177 : vector<16xf32>
        %mul3A_179 = arith.constant 2.000000e-01 : f32
        %mul3A_180 = vector.broadcast %mul3A_179 : f32 to vector<16xf32>
        %mul3A_181 = arith.mulf %mul3A_180, %add3A_176 : vector<16xf32>
        %select_n3A = arith.select %gt3A_178, %add3A_176, %mul3A_181 : vector<16xi1>, vector<16xf32>
        %sub3A = arith.subf %select_n3A, %gather3A_167 : vector<16xf32>
        %exp3A = math.exp %sub3A : vector<16xf32>
        %broadcast_in_dim3A_182 = arith.constant 16 : i32
        %broadcast_in_dim3A_183 = vector.broadcast %broadcast_in_dim3A_182 : i32 to vector<16xi32>
        tpu.vector_store_idx %arg20[%add3A_138, %broadcast_in_dim3A_183], %exp3A : memref<256x24xf32, #tpu.memory_space<vmem>>[vector<16xi32>, vector<16xi32>], vector<16xf32>,
        %broadcast_in_dim3A_184 = arith.constant 0 : i32
        %broadcast_in_dim3A_185 = vector.broadcast %broadcast_in_dim3A_184 : i32 to vector<16xi32>
        %mul3A_186 = arith.constant 8 : i32
        %mul3A_187 = arith.muli %add3A_152, %mul3A_186 : i32
        %add3A_188 = vector.broadcast %mul3A_187 : i32 to vector<16xi32>
        %add3A_189 = arith.addi %broadcast_in_dim3A_185, %add3A_188 : vector<16xi32>
        %gather3A_190 = tpu.vector_load_idx %arg16[%add3A_138, %add3A_189] : memref<256x40xf32, #tpu.memory_space<vmem>>[vector<16xi32>, vector<16xi32>], vector<16xf32>,
        %broadcast_in_dim3A_191 = arith.constant 0 : i32
        %broadcast_in_dim3A_192 = vector.broadcast %broadcast_in_dim3A_191 : i32 to vector<16xi32>
        %mul3A_193 = arith.mulf %exp3A, %gather3A_190 : vector<16xf32>
        tpu.vector_store_idx %arg20[%add3A_138, %broadcast_in_dim3A_192], %mul3A_193 : memref<256x24xf32, #tpu.memory_space<vmem>>[vector<16xi32>, vector<16xi32>], vector<16xf32>,
        %broadcast_in_dim3A_194 = arith.constant 1 : i32
        %broadcast_in_dim3A_195 = vector.broadcast %broadcast_in_dim3A_194 : i32 to vector<16xi32>
        %mul3A_196 = arith.constant 8 : i32
        %mul3A_197 = arith.muli %add3A_152, %mul3A_196 : i32
        %add3A_198 = vector.broadcast %mul3A_197 : i32 to vector<16xi32>
        %add3A_199 = arith.addi %broadcast_in_dim3A_195, %add3A_198 : vector<16xi32>
        %gather3A_200 = tpu.vector_load_idx %arg16[%add3A_138, %add3A_199] : memref<256x40xf32, #tpu.memory_space<vmem>>[vector<16xi32>, vector<16xi32>], vector<16xf32>,
        %broadcast_in_dim3A_201 = arith.constant 1 : i32
        %broadcast_in_dim3A_202 = vector.broadcast %broadcast_in_dim3A_201 : i32 to vector<16xi32>
        %mul3A_203 = arith.mulf %exp3A, %gather3A_200 : vector<16xf32>
        tpu.vector_store_idx %arg20[%add3A_138, %broadcast_in_dim3A_202], %mul3A_203 : memref<256x24xf32, #tpu.memory_space<vmem>>[vector<16xi32>, vector<16xi32>], vector<16xf32>,
        %broadcast_in_dim3A_204 = arith.constant 2 : i32
        %broadcast_in_dim3A_205 = vector.broadcast %broadcast_in_dim3A_204 : i32 to vector<16xi32>
        %mul3A_206 = arith.constant 8 : i32
        %mul3A_207 = arith.muli %add3A_152, %mul3A_206 : i32
        %add3A_208 = vector.broadcast %mul3A_207 : i32 to vector<16xi32>
        %add3A_209 = arith.addi %broadcast_in_dim3A_205, %add3A_208 : vector<16xi32>
        %gather3A_210 = tpu.vector_load_idx %arg16[%add3A_138, %add3A_209] : memref<256x40xf32, #tpu.memory_space<vmem>>[vector<16xi32>, vector<16xi32>], vector<16xf32>,
        %broadcast_in_dim3A_211 = arith.constant 2 : i32
        %broadcast_in_dim3A_212 = vector.broadcast %broadcast_in_dim3A_211 : i32 to vector<16xi32>
        %mul3A_213 = arith.mulf %exp3A, %gather3A_210 : vector<16xf32>
        tpu.vector_store_idx %arg20[%add3A_138, %broadcast_in_dim3A_212], %mul3A_213 : memref<256x24xf32, #tpu.memory_space<vmem>>[vector<16xi32>, vector<16xi32>], vector<16xf32>,
        %broadcast_in_dim3A_214 = arith.constant 3 : i32
        %broadcast_in_dim3A_215 = vector.broadcast %broadcast_in_dim3A_214 : i32 to vector<16xi32>
        %mul3A_216 = arith.constant 8 : i32
        %mul3A_217 = arith.muli %add3A_152, %mul3A_216 : i32
        %add3A_218 = vector.broadcast %mul3A_217 : i32 to vector<16xi32>
        %add3A_219 = arith.addi %broadcast_in_dim3A_215, %add3A_218 : vector<16xi32>
        %gather3A_220 = tpu.vector_load_idx %arg16[%add3A_138, %add3A_219] : memref<256x40xf32, #tpu.memory_space<vmem>>[vector<16xi32>, vector<16xi32>], vector<16xf32>,
        %broadcast_in_dim3A_221 = arith.constant 3 : i32
        %broadcast_in_dim3A_222 = vector.broadcast %broadcast_in_dim3A_221 : i32 to vector<16xi32>
        %mul3A_223 = arith.mulf %exp3A, %gather3A_220 : vector<16xf32>
        tpu.vector_store_idx %arg20[%add3A_138, %broadcast_in_dim3A_222], %mul3A_223 : memref<256x24xf32, #tpu.memory_space<vmem>>[vector<16xi32>, vector<16xi32>], vector<16xf32>,
        %broadcast_in_dim3A_224 = arith.constant 4 : i32
        %broadcast_in_dim3A_225 = vector.broadcast %broadcast_in_dim3A_224 : i32 to vector<16xi32>
        %mul3A_226 = arith.constant 8 : i32
        %mul3A_227 = arith.muli %add3A_152, %mul3A_226 : i32
        %add3A_228 = vector.broadcast %mul3A_227 : i32 to vector<16xi32>
        %add3A_229 = arith.addi %broadcast_in_dim3A_225, %add3A_228 : vector<16xi32>
        %gather3A_230 = tpu.vector_load_idx %arg16[%add3A_138, %add3A_229] : memref<256x40xf32, #tpu.memory_space<vmem>>[vector<16xi32>, vector<16xi32>], vector<16xf32>,
        %broadcast_in_dim3A_231 = arith.constant 4 : i32
        %broadcast_in_dim3A_232 = vector.broadcast %broadcast_in_dim3A_231 : i32 to vector<16xi32>
        %mul3A_233 = arith.mulf %exp3A, %gather3A_230 : vector<16xf32>
        tpu.vector_store_idx %arg20[%add3A_138, %broadcast_in_dim3A_232], %mul3A_233 : memref<256x24xf32, #tpu.memory_space<vmem>>[vector<16xi32>, vector<16xi32>], vector<16xf32>,
        %broadcast_in_dim3A_234 = arith.constant 5 : i32
        %broadcast_in_dim3A_235 = vector.broadcast %broadcast_in_dim3A_234 : i32 to vector<16xi32>
        %mul3A_236 = arith.constant 8 : i32
        %mul3A_237 = arith.muli %add3A_152, %mul3A_236 : i32
        %add3A_238 = vector.broadcast %mul3A_237 : i32 to vector<16xi32>
        %add3A_239 = arith.addi %broadcast_in_dim3A_235, %add3A_238 : vector<16xi32>
        %gather3A_240 = tpu.vector_load_idx %arg16[%add3A_138, %add3A_239] : memref<256x40xf32, #tpu.memory_space<vmem>>[vector<16xi32>, vector<16xi32>], vector<16xf32>,
        %broadcast_in_dim3A_241 = arith.constant 5 : i32
        %broadcast_in_dim3A_242 = vector.broadcast %broadcast_in_dim3A_241 : i32 to vector<16xi32>
        %mul3A_243 = arith.mulf %exp3A, %gather3A_240 : vector<16xf32>
        tpu.vector_store_idx %arg20[%add3A_138, %broadcast_in_dim3A_242], %mul3A_243 : memref<256x24xf32, #tpu.memory_space<vmem>>[vector<16xi32>, vector<16xi32>], vector<16xf32>,
        %broadcast_in_dim3A_244 = arith.constant 6 : i32
        %broadcast_in_dim3A_245 = vector.broadcast %broadcast_in_dim3A_244 : i32 to vector<16xi32>
        %mul3A_246 = arith.constant 8 : i32
        %mul3A_247 = arith.muli %add3A_152, %mul3A_246 : i32
        %add3A_248 = vector.broadcast %mul3A_247 : i32 to vector<16xi32>
        %add3A_249 = arith.addi %broadcast_in_dim3A_245, %add3A_248 : vector<16xi32>
        %gather3A_250 = tpu.vector_load_idx %arg16[%add3A_138, %add3A_249] : memref<256x40xf32, #tpu.memory_space<vmem>>[vector<16xi32>, vector<16xi32>], vector<16xf32>,
        %broadcast_in_dim3A_251 = arith.constant 6 : i32
        %broadcast_in_dim3A_252 = vector.broadcast %broadcast_in_dim3A_251 : i32 to vector<16xi32>
        %mul3A_253 = arith.mulf %exp3A, %gather3A_250 : vector<16xf32>
        tpu.vector_store_idx %arg20[%add3A_138, %broadcast_in_dim3A_252], %mul3A_253 : memref<256x24xf32, #tpu.memory_space<vmem>>[vector<16xi32>, vector<16xi32>], vector<16xf32>,
        %broadcast_in_dim3A_254 = arith.constant 7 : i32
        %broadcast_in_dim3A_255 = vector.broadcast %broadcast_in_dim3A_254 : i32 to vector<16xi32>
        %mul3A_256 = arith.constant 8 : i32
        %mul3A_257 = arith.muli %add3A_152, %mul3A_256 : i32
        %add3A_258 = vector.broadcast %mul3A_257 : i32 to vector<16xi32>
        %add3A_259 = arith.addi %broadcast_in_dim3A_255, %add3A_258 : vector<16xi32>
        %gather3A_260 = tpu.vector_load_idx %arg16[%add3A_138, %add3A_259] : memref<256x40xf32, #tpu.memory_space<vmem>>[vector<16xi32>, vector<16xi32>], vector<16xf32>,
        %broadcast_in_dim3A_261 = arith.constant 7 : i32
        %broadcast_in_dim3A_262 = vector.broadcast %broadcast_in_dim3A_261 : i32 to vector<16xi32>
        %mul3A_263 = arith.mulf %exp3A, %gather3A_260 : vector<16xf32>
        tpu.vector_store_idx %arg20[%add3A_138, %broadcast_in_dim3A_262], %mul3A_263 : memref<256x24xf32, #tpu.memory_space<vmem>>[vector<16xi32>, vector<16xi32>], vector<16xf32>,
        %add3A_264 = arith.constant 1 : i32
        %add3A_265 = arith.addi %mul3A_10, %add3A_264 : i32
        %broadcast_in_dim3A_266 = arith.constant 32 : i32
        %broadcast_in_dim3A_267 = vector.broadcast %broadcast_in_dim3A_266 : i32 to vector<16xi32>
        %add3A_268 = vector.broadcast %add3A_265 : i32 to vector<16xi32>
        %add3A_269 = arith.addi %broadcast_in_dim3A_267, %add3A_268 : vector<16xi32>
        %gather3A_270 = tpu.vector_load_idx %arg16[%add3A_138, %add3A_269] : memref<256x40xf32, #tpu.memory_space<vmem>>[vector<16xi32>, vector<16xi32>], vector<16xf32>,
        %broadcast_in_dim3A_271 = arith.constant 0 : i32
        %broadcast_in_dim3A_272 = vector.broadcast %broadcast_in_dim3A_271 : i32 to vector<16xi32>
        %add3A_273 = vector.broadcast %add3A_265 : i32 to vector<16xi32>
        %add3A_274 = arith.addi %broadcast_in_dim3A_272, %add3A_273 : vector<16xi32>
        %gather3A_275 = tpu.vector_load_idx %arg18[%add3A_138, %add3A_274] : memref<256x8xf32, #tpu.memory_space<vmem>>[vector<16xi32>, vector<16xi32>], vector<16xf32>,
        %broadcast_in_dim3A_276 = arith.constant 4 : i32
        %broadcast_in_dim3A_277 = vector.broadcast %broadcast_in_dim3A_276 : i32 to vector<16xi32>
        %add3A_278 = vector.broadcast %add3A_265 : i32 to vector<16xi32>
        %add3A_279 = arith.addi %broadcast_in_dim3A_277, %add3A_278 : vector<16xi32>
        %gather3A_280 = tpu.vector_load_idx %arg18[%add3A_138, %add3A_279] : memref<256x8xf32, #tpu.memory_space<vmem>>[vector<16xi32>, vector<16xi32>], vector<16xf32>,
        %mul3A_281 = arith.mulf %gather3A_141, %gather3A_42 : vector<16xf32>
        %mul3A_282 = arith.mulf %gather3A_144, %gather3A_49 : vector<16xf32>
        %add3A_283 = arith.addf %mul3A_281, %mul3A_282 : vector<16xf32>
        %mul3A_284 = arith.mulf %gather3A_147, %gather3A_56 : vector<16xf32>
        %add3A_285 = arith.addf %add3A_283, %mul3A_284 : vector<16xf32>
        %mul3A_286 = arith.mulf %gather3A_150, %gather3A_63 : vector<16xf32>
        %add3A_287 = arith.addf %add3A_285, %mul3A_286 : vector<16xf32>
        %add3A_288 = arith.addf %gather3A_270, %gather3A_275 : vector<16xf32>
        %add3A_289 = arith.addf %add3A_288, %add3A_287 : vector<16xf32>
        %gt3A_290 = arith.constant 0.000000e+00 : f32
        %gt3A_291 = vector.broadcast %gt3A_290 : f32 to vector<16xf32>
        %gt3A_292 = arith.cmpf ogt, %add3A_289, %gt3A_291 : vector<16xf32>
        %mul3A_293 = arith.constant 2.000000e-01 : f32
        %mul3A_294 = vector.broadcast %mul3A_293 : f32 to vector<16xf32>
        %mul3A_295 = arith.mulf %mul3A_294, %add3A_289 : vector<16xf32>
        %select_n3A_296 = arith.select %gt3A_292, %add3A_289, %mul3A_295 : vector<16xi1>, vector<16xf32>
        %sub3A_297 = arith.subf %select_n3A_296, %gather3A_280 : vector<16xf32>
        %exp3A_298 = math.exp %sub3A_297 : vector<16xf32>
        %broadcast_in_dim3A_299 = arith.constant 17 : i32
        %broadcast_in_dim3A_300 = vector.broadcast %broadcast_in_dim3A_299 : i32 to vector<16xi32>
        tpu.vector_store_idx %arg20[%add3A_138, %broadcast_in_dim3A_300], %exp3A_298 : memref<256x24xf32, #tpu.memory_space<vmem>>[vector<16xi32>, vector<16xi32>], vector<16xf32>,
        %broadcast_in_dim3A_301 = arith.constant 0 : i32
        %broadcast_in_dim3A_302 = vector.broadcast %broadcast_in_dim3A_301 : i32 to vector<16xi32>
        %mul3A_303 = arith.constant 8 : i32
        %mul3A_304 = arith.muli %add3A_265, %mul3A_303 : i32
        %add3A_305 = vector.broadcast %mul3A_304 : i32 to vector<16xi32>
        %add3A_306 = arith.addi %broadcast_in_dim3A_302, %add3A_305 : vector<16xi32>
        %gather3A_307 = tpu.vector_load_idx %arg16[%add3A_138, %add3A_306] : memref<256x40xf32, #tpu.memory_space<vmem>>[vector<16xi32>, vector<16xi32>], vector<16xf32>,
        %broadcast_in_dim3A_308 = arith.constant 8 : i32
        %broadcast_in_dim3A_309 = vector.broadcast %broadcast_in_dim3A_308 : i32 to vector<16xi32>
        %mul3A_310 = arith.mulf %exp3A_298, %gather3A_307 : vector<16xf32>
        tpu.vector_store_idx %arg20[%add3A_138, %broadcast_in_dim3A_309], %mul3A_310 : memref<256x24xf32, #tpu.memory_space<vmem>>[vector<16xi32>, vector<16xi32>], vector<16xf32>,
        %broadcast_in_dim3A_311 = arith.constant 1 : i32
        %broadcast_in_dim3A_312 = vector.broadcast %broadcast_in_dim3A_311 : i32 to vector<16xi32>
        %mul3A_313 = arith.constant 8 : i32
        %mul3A_314 = arith.muli %add3A_265, %mul3A_313 : i32
        %add3A_315 = vector.broadcast %mul3A_314 : i32 to vector<16xi32>
        %add3A_316 = arith.addi %broadcast_in_dim3A_312, %add3A_315 : vector<16xi32>
        %gather3A_317 = tpu.vector_load_idx %arg16[%add3A_138, %add3A_316] : memref<256x40xf32, #tpu.memory_space<vmem>>[vector<16xi32>, vector<16xi32>], vector<16xf32>,
        %broadcast_in_dim3A_318 = arith.constant 9 : i32
        %broadcast_in_dim3A_319 = vector.broadcast %broadcast_in_dim3A_318 : i32 to vector<16xi32>
        %mul3A_320 = arith.mulf %exp3A_298, %gather3A_317 : vector<16xf32>
        tpu.vector_store_idx %arg20[%add3A_138, %broadcast_in_dim3A_319], %mul3A_320 : memref<256x24xf32, #tpu.memory_space<vmem>>[vector<16xi32>, vector<16xi32>], vector<16xf32>,
        %broadcast_in_dim3A_321 = arith.constant 2 : i32
        %broadcast_in_dim3A_322 = vector.broadcast %broadcast_in_dim3A_321 : i32 to vector<16xi32>
        %mul3A_323 = arith.constant 8 : i32
        %mul3A_324 = arith.muli %add3A_265, %mul3A_323 : i32
        %add3A_325 = vector.broadcast %mul3A_324 : i32 to vector<16xi32>
        %add3A_326 = arith.addi %broadcast_in_dim3A_322, %add3A_325 : vector<16xi32>
        %gather3A_327 = tpu.vector_load_idx %arg16[%add3A_138, %add3A_326] : memref<256x40xf32, #tpu.memory_space<vmem>>[vector<16xi32>, vector<16xi32>], vector<16xf32>,
        %broadcast_in_dim3A_328 = arith.constant 10 : i32
        %broadcast_in_dim3A_329 = vector.broadcast %broadcast_in_dim3A_328 : i32 to vector<16xi32>
        %mul3A_330 = arith.mulf %exp3A_298, %gather3A_327 : vector<16xf32>
        tpu.vector_store_idx %arg20[%add3A_138, %broadcast_in_dim3A_329], %mul3A_330 : memref<256x24xf32, #tpu.memory_space<vmem>>[vector<16xi32>, vector<16xi32>], vector<16xf32>,
        %broadcast_in_dim3A_331 = arith.constant 3 : i32
        %broadcast_in_dim3A_332 = vector.broadcast %broadcast_in_dim3A_331 : i32 to vector<16xi32>
        %mul3A_333 = arith.constant 8 : i32
        %mul3A_334 = arith.muli %add3A_265, %mul3A_333 : i32
        %add3A_335 = vector.broadcast %mul3A_334 : i32 to vector<16xi32>
        %add3A_336 = arith.addi %broadcast_in_dim3A_332, %add3A_335 : vector<16xi32>
        %gather3A_337 = tpu.vector_load_idx %arg16[%add3A_138, %add3A_336] : memref<256x40xf32, #tpu.memory_space<vmem>>[vector<16xi32>, vector<16xi32>], vector<16xf32>,
        %broadcast_in_dim3A_338 = arith.constant 11 : i32
        %broadcast_in_dim3A_339 = vector.broadcast %broadcast_in_dim3A_338 : i32 to vector<16xi32>
        %mul3A_340 = arith.mulf %exp3A_298, %gather3A_337 : vector<16xf32>
        tpu.vector_store_idx %arg20[%add3A_138, %broadcast_in_dim3A_339], %mul3A_340 : memref<256x24xf32, #tpu.memory_space<vmem>>[vector<16xi32>, vector<16xi32>], vector<16xf32>,
        %broadcast_in_dim3A_341 = arith.constant 4 : i32
        %broadcast_in_dim3A_342 = vector.broadcast %broadcast_in_dim3A_341 : i32 to vector<16xi32>
        %mul3A_343 = arith.constant 8 : i32
        %mul3A_344 = arith.muli %add3A_265, %mul3A_343 : i32
        %add3A_345 = vector.broadcast %mul3A_344 : i32 to vector<16xi32>
        %add3A_346 = arith.addi %broadcast_in_dim3A_342, %add3A_345 : vector<16xi32>
        %gather3A_347 = tpu.vector_load_idx %arg16[%add3A_138, %add3A_346] : memref<256x40xf32, #tpu.memory_space<vmem>>[vector<16xi32>, vector<16xi32>], vector<16xf32>,
        %broadcast_in_dim3A_348 = arith.constant 12 : i32
        %broadcast_in_dim3A_349 = vector.broadcast %broadcast_in_dim3A_348 : i32 to vector<16xi32>
        %mul3A_350 = arith.mulf %exp3A_298, %gather3A_347 : vector<16xf32>
        tpu.vector_store_idx %arg20[%add3A_138, %broadcast_in_dim3A_349], %mul3A_350 : memref<256x24xf32, #tpu.memory_space<vmem>>[vector<16xi32>, vector<16xi32>], vector<16xf32>,
        %broadcast_in_dim3A_351 = arith.constant 5 : i32
        %broadcast_in_dim3A_352 = vector.broadcast %broadcast_in_dim3A_351 : i32 to vector<16xi32>
        %mul3A_353 = arith.constant 8 : i32
        %mul3A_354 = arith.muli %add3A_265, %mul3A_353 : i32
        %add3A_355 = vector.broadcast %mul3A_354 : i32 to vector<16xi32>
        %add3A_356 = arith.addi %broadcast_in_dim3A_352, %add3A_355 : vector<16xi32>
        %gather3A_357 = tpu.vector_load_idx %arg16[%add3A_138, %add3A_356] : memref<256x40xf32, #tpu.memory_space<vmem>>[vector<16xi32>, vector<16xi32>], vector<16xf32>,
        %broadcast_in_dim3A_358 = arith.constant 13 : i32
        %broadcast_in_dim3A_359 = vector.broadcast %broadcast_in_dim3A_358 : i32 to vector<16xi32>
        %mul3A_360 = arith.mulf %exp3A_298, %gather3A_357 : vector<16xf32>
        tpu.vector_store_idx %arg20[%add3A_138, %broadcast_in_dim3A_359], %mul3A_360 : memref<256x24xf32, #tpu.memory_space<vmem>>[vector<16xi32>, vector<16xi32>], vector<16xf32>,
        %broadcast_in_dim3A_361 = arith.constant 6 : i32
        %broadcast_in_dim3A_362 = vector.broadcast %broadcast_in_dim3A_361 : i32 to vector<16xi32>
        %mul3A_363 = arith.constant 8 : i32
        %mul3A_364 = arith.muli %add3A_265, %mul3A_363 : i32
        %add3A_365 = vector.broadcast %mul3A_364 : i32 to vector<16xi32>
        %add3A_366 = arith.addi %broadcast_in_dim3A_362, %add3A_365 : vector<16xi32>
        %gather3A_367 = tpu.vector_load_idx %arg16[%add3A_138, %add3A_366] : memref<256x40xf32, #tpu.memory_space<vmem>>[vector<16xi32>, vector<16xi32>], vector<16xf32>,
        %broadcast_in_dim3A_368 = arith.constant 14 : i32
        %broadcast_in_dim3A_369 = vector.broadcast %broadcast_in_dim3A_368 : i32 to vector<16xi32>
        %mul3A_370 = arith.mulf %exp3A_298, %gather3A_367 : vector<16xf32>
        tpu.vector_store_idx %arg20[%add3A_138, %broadcast_in_dim3A_369], %mul3A_370 : memref<256x24xf32, #tpu.memory_space<vmem>>[vector<16xi32>, vector<16xi32>], vector<16xf32>,
        %broadcast_in_dim3A_371 = arith.constant 7 : i32
        %broadcast_in_dim3A_372 = vector.broadcast %broadcast_in_dim3A_371 : i32 to vector<16xi32>
        %mul3A_373 = arith.constant 8 : i32
        %mul3A_374 = arith.muli %add3A_265, %mul3A_373 : i32
        %add3A_375 = vector.broadcast %mul3A_374 : i32 to vector<16xi32>
        %add3A_376 = arith.addi %broadcast_in_dim3A_372, %add3A_375 : vector<16xi32>
        %gather3A_377 = tpu.vector_load_idx %arg16[%add3A_138, %add3A_376] : memref<256x40xf32, #tpu.memory_space<vmem>>[vector<16xi32>, vector<16xi32>], vector<16xf32>,
        %broadcast_in_dim3A_378 = arith.constant 15 : i32
        %broadcast_in_dim3A_379 = vector.broadcast %broadcast_in_dim3A_378 : i32 to vector<16xi32>
        %mul3A_380 = arith.mulf %exp3A_298, %gather3A_377 : vector<16xf32>
        tpu.vector_store_idx %arg20[%add3A_138, %broadcast_in_dim3A_379], %mul3A_380 : memref<256x24xf32, #tpu.memory_space<vmem>>[vector<16xi32>, vector<16xi32>], vector<16xf32>,
        %scan3A_381 = arith.constant 0 : i32
        scf.yield %scan3A_381 : i32
      }
      %scan3A_118 = arith.constant 16 : i32
      "tpu.region"() ({
        %run_scoped3A = tpu.sem_alloc : memref<!tpu.dma_semaphore, #tpu.memory_space<semaphore_mem>>
        %dma_start3A_133 = arith.constant 0 : i32
        %dma_start3A_134 = arith.constant 0 : i32
        %dma_start3A_135 = tpu.memref_slice %arg23[%dma_start3A_133, %dma_start3A_134] : memref<50048x24xf32, #tpu.memory_space<vmem_shared>> -> memref<50048x24xf32, #tpu.memory_space<vmem_shared>>
        tpu.enqueue_indirect_dma source(%arg20 : memref<256x24xf32, #tpu.memory_space<vmem>>) target(%dma_start3A_135 : memref<50048x24xf32, #tpu.memory_space<vmem_shared>>) offsets(%arg12 : memref<256xi32, #tpu.memory_space<vmem>>) semaphore(%run_scoped3A : memref<!tpu.dma_semaphore, #tpu.memory_space<semaphore_mem>>) {add = true}
        %dma_wait3A_136 = arith.constant 0 : i32
        %dma_wait3A_137 = arith.constant 0 : i32
        %dma_wait3A_138 = tpu.memref_slice %arg23[%dma_wait3A_136, %dma_wait3A_137] : memref<50048x24xf32, #tpu.memory_space<vmem_shared>> -> memref<50048x24xf32, #tpu.memory_space<vmem_shared>>
        tpu.wait_indirect_dma semaphore(%run_scoped3A : memref<!tpu.dma_semaphore, #tpu.memory_space<semaphore_mem>>) src(%arg20 : memref<256x24xf32, #tpu.memory_space<vmem>>) dst(%dma_wait3A_138 : memref<50048x24xf32, #tpu.memory_space<vmem_shared>>)
        tpu.yield
      }) : () -> ()
      %dma_wait3A_119 = arith.constant 0 : i32
      %dma_wait3A_120 = arith.constant 0 : i32
      %dma_wait3A_121 = tpu.memref_slice %arg5[%dma_wait3A_119, %dma_wait3A_120] : memref<50000x40xf32, #tpu.memory_space<hbm>> -> memref<50000x40xf32, #tpu.memory_space<hbm>>
      tpu.wait_indirect_dma semaphore(%arg25 : memref<!tpu.dma_semaphore, #tpu.memory_space<semaphore_mem>>) src(%dma_wait3A_121 : memref<50000x40xf32, #tpu.memory_space<hbm>>) dst(%arg17 : memref<256x40xf32, #tpu.memory_space<vmem>>)
      %dma_wait3A_122 = arith.constant 0 : i32
      %dma_wait3A_123 = arith.constant 0 : i32
      %dma_wait3A_124 = tpu.memref_slice %arg6[%dma_wait3A_122, %dma_wait3A_123] : memref<50048x8xf32, #tpu.memory_space<hbm>> -> memref<50048x8xf32, #tpu.memory_space<hbm>>
      tpu.wait_indirect_dma semaphore(%arg27 : memref<!tpu.dma_semaphore, #tpu.memory_space<semaphore_mem>>) src(%dma_wait3A_124 : memref<50048x8xf32, #tpu.memory_space<hbm>>) dst(%arg19 : memref<256x8xf32, #tpu.memory_space<vmem>>)
      %scan3A_125 = arith.constant 0 : i32
      %scan3A_126 = arith.constant 0 : i32
      %scan3A_127 = arith.constant 16 : i32
      %scan3A_128 = arith.addi %scan3A_126, %scan3A_127 : i32
      %scan3A_129 = arith.constant 1 : i32
      %scan3A_130 = scf.for %scan3A_133 = %scan3A_126 to %scan3A_128 step %scan3A_129 iter_args(%scan3A_134 = %scan3A_125) -> (i32)  : i32 {
        %mul3A_135 = arith.constant 16 : i32
        %mul3A_136 = arith.muli %scan3A_133, %mul3A_135 : i32
        %add3A_137 = vector.broadcast %mul3A_136 : i32 to vector<16xi32>
        %add3A_138 = arith.addi %iota3A, %add3A_137 : vector<16xi32>
        %broadcast_in_dim3A_139 = arith.constant 0 : i32
        %broadcast_in_dim3A_140 = vector.broadcast %broadcast_in_dim3A_139 : i32 to vector<16xi32>
        %gather3A_141 = tpu.vector_load_idx %arg15[%add3A_138, %broadcast_in_dim3A_140] : memref<256x4xf32, #tpu.memory_space<vmem>>[vector<16xi32>, vector<16xi32>], vector<16xf32>,
        %broadcast_in_dim3A_142 = arith.constant 1 : i32
        %broadcast_in_dim3A_143 = vector.broadcast %broadcast_in_dim3A_142 : i32 to vector<16xi32>
        %gather3A_144 = tpu.vector_load_idx %arg15[%add3A_138, %broadcast_in_dim3A_143] : memref<256x4xf32, #tpu.memory_space<vmem>>[vector<16xi32>, vector<16xi32>], vector<16xf32>,
        %broadcast_in_dim3A_145 = arith.constant 2 : i32
        %broadcast_in_dim3A_146 = vector.broadcast %broadcast_in_dim3A_145 : i32 to vector<16xi32>
        %gather3A_147 = tpu.vector_load_idx %arg15[%add3A_138, %broadcast_in_dim3A_146] : memref<256x4xf32, #tpu.memory_space<vmem>>[vector<16xi32>, vector<16xi32>], vector<16xf32>,
        %broadcast_in_dim3A_148 = arith.constant 3 : i32
        %broadcast_in_dim3A_149 = vector.broadcast %broadcast_in_dim3A_148 : i32 to vector<16xi32>
        %gather3A_150 = tpu.vector_load_idx %arg15[%add3A_138, %broadcast_in_dim3A_149] : memref<256x4xf32, #tpu.memory_space<vmem>>[vector<16xi32>, vector<16xi32>], vector<16xf32>,
        %add3A_151 = arith.constant 0 : i32
        %add3A_152 = arith.addi %mul3A_10, %add3A_151 : i32
        %broadcast_in_dim3A_153 = arith.constant 32 : i32
        %broadcast_in_dim3A_154 = vector.broadcast %broadcast_in_dim3A_153 : i32 to vector<16xi32>
        %add3A_155 = vector.broadcast %add3A_152 : i32 to vector<16xi32>
        %add3A_156 = arith.addi %broadcast_in_dim3A_154, %add3A_155 : vector<16xi32>
        %gather3A_157 = tpu.vector_load_idx %arg17[%add3A_138, %add3A_156] : memref<256x40xf32, #tpu.memory_space<vmem>>[vector<16xi32>, vector<16xi32>], vector<16xf32>,
        %broadcast_in_dim3A_158 = arith.constant 0 : i32
        %broadcast_in_dim3A_159 = vector.broadcast %broadcast_in_dim3A_158 : i32 to vector<16xi32>
        %add3A_160 = vector.broadcast %add3A_152 : i32 to vector<16xi32>
        %add3A_161 = arith.addi %broadcast_in_dim3A_159, %add3A_160 : vector<16xi32>
        %gather3A_162 = tpu.vector_load_idx %arg19[%add3A_138, %add3A_161] : memref<256x8xf32, #tpu.memory_space<vmem>>[vector<16xi32>, vector<16xi32>], vector<16xf32>,
        %broadcast_in_dim3A_163 = arith.constant 4 : i32
        %broadcast_in_dim3A_164 = vector.broadcast %broadcast_in_dim3A_163 : i32 to vector<16xi32>
        %add3A_165 = vector.broadcast %add3A_152 : i32 to vector<16xi32>
        %add3A_166 = arith.addi %broadcast_in_dim3A_164, %add3A_165 : vector<16xi32>
        %gather3A_167 = tpu.vector_load_idx %arg19[%add3A_138, %add3A_166] : memref<256x8xf32, #tpu.memory_space<vmem>>[vector<16xi32>, vector<16xi32>], vector<16xf32>,
        %mul3A_168 = arith.mulf %gather3A_141, %gather3A : vector<16xf32>
        %mul3A_169 = arith.mulf %gather3A_144, %gather3A_21 : vector<16xf32>
        %add3A_170 = arith.addf %mul3A_168, %mul3A_169 : vector<16xf32>
        %mul3A_171 = arith.mulf %gather3A_147, %gather3A_28 : vector<16xf32>
        %add3A_172 = arith.addf %add3A_170, %mul3A_171 : vector<16xf32>
        %mul3A_173 = arith.mulf %gather3A_150, %gather3A_35 : vector<16xf32>
        %add3A_174 = arith.addf %add3A_172, %mul3A_173 : vector<16xf32>
        %add3A_175 = arith.addf %gather3A_157, %gather3A_162 : vector<16xf32>
        %add3A_176 = arith.addf %add3A_175, %add3A_174 : vector<16xf32>
        %gt3A = arith.constant 0.000000e+00 : f32
        %gt3A_177 = vector.broadcast %gt3A : f32 to vector<16xf32>
        %gt3A_178 = arith.cmpf ogt, %add3A_176, %gt3A_177 : vector<16xf32>
        %mul3A_179 = arith.constant 2.000000e-01 : f32
        %mul3A_180 = vector.broadcast %mul3A_179 : f32 to vector<16xf32>
        %mul3A_181 = arith.mulf %mul3A_180, %add3A_176 : vector<16xf32>
        %select_n3A = arith.select %gt3A_178, %add3A_176, %mul3A_181 : vector<16xi1>, vector<16xf32>
        %sub3A = arith.subf %select_n3A, %gather3A_167 : vector<16xf32>
        %exp3A = math.exp %sub3A : vector<16xf32>
        %broadcast_in_dim3A_182 = arith.constant 16 : i32
        %broadcast_in_dim3A_183 = vector.broadcast %broadcast_in_dim3A_182 : i32 to vector<16xi32>
        tpu.vector_store_idx %arg21[%add3A_138, %broadcast_in_dim3A_183], %exp3A : memref<256x24xf32, #tpu.memory_space<vmem>>[vector<16xi32>, vector<16xi32>], vector<16xf32>,
        %broadcast_in_dim3A_184 = arith.constant 0 : i32
        %broadcast_in_dim3A_185 = vector.broadcast %broadcast_in_dim3A_184 : i32 to vector<16xi32>
        %mul3A_186 = arith.constant 8 : i32
        %mul3A_187 = arith.muli %add3A_152, %mul3A_186 : i32
        %add3A_188 = vector.broadcast %mul3A_187 : i32 to vector<16xi32>
        %add3A_189 = arith.addi %broadcast_in_dim3A_185, %add3A_188 : vector<16xi32>
        %gather3A_190 = tpu.vector_load_idx %arg17[%add3A_138, %add3A_189] : memref<256x40xf32, #tpu.memory_space<vmem>>[vector<16xi32>, vector<16xi32>], vector<16xf32>,
        %broadcast_in_dim3A_191 = arith.constant 0 : i32
        %broadcast_in_dim3A_192 = vector.broadcast %broadcast_in_dim3A_191 : i32 to vector<16xi32>
        %mul3A_193 = arith.mulf %exp3A, %gather3A_190 : vector<16xf32>
        tpu.vector_store_idx %arg21[%add3A_138, %broadcast_in_dim3A_192], %mul3A_193 : memref<256x24xf32, #tpu.memory_space<vmem>>[vector<16xi32>, vector<16xi32>], vector<16xf32>,
        %broadcast_in_dim3A_194 = arith.constant 1 : i32
        %broadcast_in_dim3A_195 = vector.broadcast %broadcast_in_dim3A_194 : i32 to vector<16xi32>
        %mul3A_196 = arith.constant 8 : i32
        %mul3A_197 = arith.muli %add3A_152, %mul3A_196 : i32
        %add3A_198 = vector.broadcast %mul3A_197 : i32 to vector<16xi32>
        %add3A_199 = arith.addi %broadcast_in_dim3A_195, %add3A_198 : vector<16xi32>
        %gather3A_200 = tpu.vector_load_idx %arg17[%add3A_138, %add3A_199] : memref<256x40xf32, #tpu.memory_space<vmem>>[vector<16xi32>, vector<16xi32>], vector<16xf32>,
        %broadcast_in_dim3A_201 = arith.constant 1 : i32
        %broadcast_in_dim3A_202 = vector.broadcast %broadcast_in_dim3A_201 : i32 to vector<16xi32>
        %mul3A_203 = arith.mulf %exp3A, %gather3A_200 : vector<16xf32>
        tpu.vector_store_idx %arg21[%add3A_138, %broadcast_in_dim3A_202], %mul3A_203 : memref<256x24xf32, #tpu.memory_space<vmem>>[vector<16xi32>, vector<16xi32>], vector<16xf32>,
        %broadcast_in_dim3A_204 = arith.constant 2 : i32
        %broadcast_in_dim3A_205 = vector.broadcast %broadcast_in_dim3A_204 : i32 to vector<16xi32>
        %mul3A_206 = arith.constant 8 : i32
        %mul3A_207 = arith.muli %add3A_152, %mul3A_206 : i32
        %add3A_208 = vector.broadcast %mul3A_207 : i32 to vector<16xi32>
        %add3A_209 = arith.addi %broadcast_in_dim3A_205, %add3A_208 : vector<16xi32>
        %gather3A_210 = tpu.vector_load_idx %arg17[%add3A_138, %add3A_209] : memref<256x40xf32, #tpu.memory_space<vmem>>[vector<16xi32>, vector<16xi32>], vector<16xf32>,
        %broadcast_in_dim3A_211 = arith.constant 2 : i32
        %broadcast_in_dim3A_212 = vector.broadcast %broadcast_in_dim3A_211 : i32 to vector<16xi32>
        %mul3A_213 = arith.mulf %exp3A, %gather3A_210 : vector<16xf32>
        tpu.vector_store_idx %arg21[%add3A_138, %broadcast_in_dim3A_212], %mul3A_213 : memref<256x24xf32, #tpu.memory_space<vmem>>[vector<16xi32>, vector<16xi32>], vector<16xf32>,
        %broadcast_in_dim3A_214 = arith.constant 3 : i32
        %broadcast_in_dim3A_215 = vector.broadcast %broadcast_in_dim3A_214 : i32 to vector<16xi32>
        %mul3A_216 = arith.constant 8 : i32
        %mul3A_217 = arith.muli %add3A_152, %mul3A_216 : i32
        %add3A_218 = vector.broadcast %mul3A_217 : i32 to vector<16xi32>
        %add3A_219 = arith.addi %broadcast_in_dim3A_215, %add3A_218 : vector<16xi32>
        %gather3A_220 = tpu.vector_load_idx %arg17[%add3A_138, %add3A_219] : memref<256x40xf32, #tpu.memory_space<vmem>>[vector<16xi32>, vector<16xi32>], vector<16xf32>,
        %broadcast_in_dim3A_221 = arith.constant 3 : i32
        %broadcast_in_dim3A_222 = vector.broadcast %broadcast_in_dim3A_221 : i32 to vector<16xi32>
        %mul3A_223 = arith.mulf %exp3A, %gather3A_220 : vector<16xf32>
        tpu.vector_store_idx %arg21[%add3A_138, %broadcast_in_dim3A_222], %mul3A_223 : memref<256x24xf32, #tpu.memory_space<vmem>>[vector<16xi32>, vector<16xi32>], vector<16xf32>,
        %broadcast_in_dim3A_224 = arith.constant 4 : i32
        %broadcast_in_dim3A_225 = vector.broadcast %broadcast_in_dim3A_224 : i32 to vector<16xi32>
        %mul3A_226 = arith.constant 8 : i32
        %mul3A_227 = arith.muli %add3A_152, %mul3A_226 : i32
        %add3A_228 = vector.broadcast %mul3A_227 : i32 to vector<16xi32>
        %add3A_229 = arith.addi %broadcast_in_dim3A_225, %add3A_228 : vector<16xi32>
        %gather3A_230 = tpu.vector_load_idx %arg17[%add3A_138, %add3A_229] : memref<256x40xf32, #tpu.memory_space<vmem>>[vector<16xi32>, vector<16xi32>], vector<16xf32>,
        %broadcast_in_dim3A_231 = arith.constant 4 : i32
        %broadcast_in_dim3A_232 = vector.broadcast %broadcast_in_dim3A_231 : i32 to vector<16xi32>
        %mul3A_233 = arith.mulf %exp3A, %gather3A_230 : vector<16xf32>
        tpu.vector_store_idx %arg21[%add3A_138, %broadcast_in_dim3A_232], %mul3A_233 : memref<256x24xf32, #tpu.memory_space<vmem>>[vector<16xi32>, vector<16xi32>], vector<16xf32>,
        %broadcast_in_dim3A_234 = arith.constant 5 : i32
        %broadcast_in_dim3A_235 = vector.broadcast %broadcast_in_dim3A_234 : i32 to vector<16xi32>
        %mul3A_236 = arith.constant 8 : i32
        %mul3A_237 = arith.muli %add3A_152, %mul3A_236 : i32
        %add3A_238 = vector.broadcast %mul3A_237 : i32 to vector<16xi32>
        %add3A_239 = arith.addi %broadcast_in_dim3A_235, %add3A_238 : vector<16xi32>
        %gather3A_240 = tpu.vector_load_idx %arg17[%add3A_138, %add3A_239] : memref<256x40xf32, #tpu.memory_space<vmem>>[vector<16xi32>, vector<16xi32>], vector<16xf32>,
        %broadcast_in_dim3A_241 = arith.constant 5 : i32
        %broadcast_in_dim3A_242 = vector.broadcast %broadcast_in_dim3A_241 : i32 to vector<16xi32>
        %mul3A_243 = arith.mulf %exp3A, %gather3A_240 : vector<16xf32>
        tpu.vector_store_idx %arg21[%add3A_138, %broadcast_in_dim3A_242], %mul3A_243 : memref<256x24xf32, #tpu.memory_space<vmem>>[vector<16xi32>, vector<16xi32>], vector<16xf32>,
        %broadcast_in_dim3A_244 = arith.constant 6 : i32
        %broadcast_in_dim3A_245 = vector.broadcast %broadcast_in_dim3A_244 : i32 to vector<16xi32>
        %mul3A_246 = arith.constant 8 : i32
        %mul3A_247 = arith.muli %add3A_152, %mul3A_246 : i32
        %add3A_248 = vector.broadcast %mul3A_247 : i32 to vector<16xi32>
        %add3A_249 = arith.addi %broadcast_in_dim3A_245, %add3A_248 : vector<16xi32>
        %gather3A_250 = tpu.vector_load_idx %arg17[%add3A_138, %add3A_249] : memref<256x40xf32, #tpu.memory_space<vmem>>[vector<16xi32>, vector<16xi32>], vector<16xf32>,
        %broadcast_in_dim3A_251 = arith.constant 6 : i32
        %broadcast_in_dim3A_252 = vector.broadcast %broadcast_in_dim3A_251 : i32 to vector<16xi32>
        %mul3A_253 = arith.mulf %exp3A, %gather3A_250 : vector<16xf32>
        tpu.vector_store_idx %arg21[%add3A_138, %broadcast_in_dim3A_252], %mul3A_253 : memref<256x24xf32, #tpu.memory_space<vmem>>[vector<16xi32>, vector<16xi32>], vector<16xf32>,
        %broadcast_in_dim3A_254 = arith.constant 7 : i32
        %broadcast_in_dim3A_255 = vector.broadcast %broadcast_in_dim3A_254 : i32 to vector<16xi32>
        %mul3A_256 = arith.constant 8 : i32
        %mul3A_257 = arith.muli %add3A_152, %mul3A_256 : i32
        %add3A_258 = vector.broadcast %mul3A_257 : i32 to vector<16xi32>
        %add3A_259 = arith.addi %broadcast_in_dim3A_255, %add3A_258 : vector<16xi32>
        %gather3A_260 = tpu.vector_load_idx %arg17[%add3A_138, %add3A_259] : memref<256x40xf32, #tpu.memory_space<vmem>>[vector<16xi32>, vector<16xi32>], vector<16xf32>,
        %broadcast_in_dim3A_261 = arith.constant 7 : i32
        %broadcast_in_dim3A_262 = vector.broadcast %broadcast_in_dim3A_261 : i32 to vector<16xi32>
        %mul3A_263 = arith.mulf %exp3A, %gather3A_260 : vector<16xf32>
        tpu.vector_store_idx %arg21[%add3A_138, %broadcast_in_dim3A_262], %mul3A_263 : memref<256x24xf32, #tpu.memory_space<vmem>>[vector<16xi32>, vector<16xi32>], vector<16xf32>,
        %add3A_264 = arith.constant 1 : i32
        %add3A_265 = arith.addi %mul3A_10, %add3A_264 : i32
        %broadcast_in_dim3A_266 = arith.constant 32 : i32
        %broadcast_in_dim3A_267 = vector.broadcast %broadcast_in_dim3A_266 : i32 to vector<16xi32>
        %add3A_268 = vector.broadcast %add3A_265 : i32 to vector<16xi32>
        %add3A_269 = arith.addi %broadcast_in_dim3A_267, %add3A_268 : vector<16xi32>
        %gather3A_270 = tpu.vector_load_idx %arg17[%add3A_138, %add3A_269] : memref<256x40xf32, #tpu.memory_space<vmem>>[vector<16xi32>, vector<16xi32>], vector<16xf32>,
        %broadcast_in_dim3A_271 = arith.constant 0 : i32
        %broadcast_in_dim3A_272 = vector.broadcast %broadcast_in_dim3A_271 : i32 to vector<16xi32>
        %add3A_273 = vector.broadcast %add3A_265 : i32 to vector<16xi32>
        %add3A_274 = arith.addi %broadcast_in_dim3A_272, %add3A_273 : vector<16xi32>
        %gather3A_275 = tpu.vector_load_idx %arg19[%add3A_138, %add3A_274] : memref<256x8xf32, #tpu.memory_space<vmem>>[vector<16xi32>, vector<16xi32>], vector<16xf32>,
        %broadcast_in_dim3A_276 = arith.constant 4 : i32
        %broadcast_in_dim3A_277 = vector.broadcast %broadcast_in_dim3A_276 : i32 to vector<16xi32>
        %add3A_278 = vector.broadcast %add3A_265 : i32 to vector<16xi32>
        %add3A_279 = arith.addi %broadcast_in_dim3A_277, %add3A_278 : vector<16xi32>
        %gather3A_280 = tpu.vector_load_idx %arg19[%add3A_138, %add3A_279] : memref<256x8xf32, #tpu.memory_space<vmem>>[vector<16xi32>, vector<16xi32>], vector<16xf32>,
        %mul3A_281 = arith.mulf %gather3A_141, %gather3A_42 : vector<16xf32>
        %mul3A_282 = arith.mulf %gather3A_144, %gather3A_49 : vector<16xf32>
        %add3A_283 = arith.addf %mul3A_281, %mul3A_282 : vector<16xf32>
        %mul3A_284 = arith.mulf %gather3A_147, %gather3A_56 : vector<16xf32>
        %add3A_285 = arith.addf %add3A_283, %mul3A_284 : vector<16xf32>
        %mul3A_286 = arith.mulf %gather3A_150, %gather3A_63 : vector<16xf32>
        %add3A_287 = arith.addf %add3A_285, %mul3A_286 : vector<16xf32>
        %add3A_288 = arith.addf %gather3A_270, %gather3A_275 : vector<16xf32>
        %add3A_289 = arith.addf %add3A_288, %add3A_287 : vector<16xf32>
        %gt3A_290 = arith.constant 0.000000e+00 : f32
        %gt3A_291 = vector.broadcast %gt3A_290 : f32 to vector<16xf32>
        %gt3A_292 = arith.cmpf ogt, %add3A_289, %gt3A_291 : vector<16xf32>
        %mul3A_293 = arith.constant 2.000000e-01 : f32
        %mul3A_294 = vector.broadcast %mul3A_293 : f32 to vector<16xf32>
        %mul3A_295 = arith.mulf %mul3A_294, %add3A_289 : vector<16xf32>
        %select_n3A_296 = arith.select %gt3A_292, %add3A_289, %mul3A_295 : vector<16xi1>, vector<16xf32>
        %sub3A_297 = arith.subf %select_n3A_296, %gather3A_280 : vector<16xf32>
        %exp3A_298 = math.exp %sub3A_297 : vector<16xf32>
        %broadcast_in_dim3A_299 = arith.constant 17 : i32
        %broadcast_in_dim3A_300 = vector.broadcast %broadcast_in_dim3A_299 : i32 to vector<16xi32>
        tpu.vector_store_idx %arg21[%add3A_138, %broadcast_in_dim3A_300], %exp3A_298 : memref<256x24xf32, #tpu.memory_space<vmem>>[vector<16xi32>, vector<16xi32>], vector<16xf32>,
        %broadcast_in_dim3A_301 = arith.constant 0 : i32
        %broadcast_in_dim3A_302 = vector.broadcast %broadcast_in_dim3A_301 : i32 to vector<16xi32>
        %mul3A_303 = arith.constant 8 : i32
        %mul3A_304 = arith.muli %add3A_265, %mul3A_303 : i32
        %add3A_305 = vector.broadcast %mul3A_304 : i32 to vector<16xi32>
        %add3A_306 = arith.addi %broadcast_in_dim3A_302, %add3A_305 : vector<16xi32>
        %gather3A_307 = tpu.vector_load_idx %arg17[%add3A_138, %add3A_306] : memref<256x40xf32, #tpu.memory_space<vmem>>[vector<16xi32>, vector<16xi32>], vector<16xf32>,
        %broadcast_in_dim3A_308 = arith.constant 8 : i32
        %broadcast_in_dim3A_309 = vector.broadcast %broadcast_in_dim3A_308 : i32 to vector<16xi32>
        %mul3A_310 = arith.mulf %exp3A_298, %gather3A_307 : vector<16xf32>
        tpu.vector_store_idx %arg21[%add3A_138, %broadcast_in_dim3A_309], %mul3A_310 : memref<256x24xf32, #tpu.memory_space<vmem>>[vector<16xi32>, vector<16xi32>], vector<16xf32>,
        %broadcast_in_dim3A_311 = arith.constant 1 : i32
        %broadcast_in_dim3A_312 = vector.broadcast %broadcast_in_dim3A_311 : i32 to vector<16xi32>
        %mul3A_313 = arith.constant 8 : i32
        %mul3A_314 = arith.muli %add3A_265, %mul3A_313 : i32
        %add3A_315 = vector.broadcast %mul3A_314 : i32 to vector<16xi32>
        %add3A_316 = arith.addi %broadcast_in_dim3A_312, %add3A_315 : vector<16xi32>
        %gather3A_317 = tpu.vector_load_idx %arg17[%add3A_138, %add3A_316] : memref<256x40xf32, #tpu.memory_space<vmem>>[vector<16xi32>, vector<16xi32>], vector<16xf32>,
        %broadcast_in_dim3A_318 = arith.constant 9 : i32
        %broadcast_in_dim3A_319 = vector.broadcast %broadcast_in_dim3A_318 : i32 to vector<16xi32>
        %mul3A_320 = arith.mulf %exp3A_298, %gather3A_317 : vector<16xf32>
        tpu.vector_store_idx %arg21[%add3A_138, %broadcast_in_dim3A_319], %mul3A_320 : memref<256x24xf32, #tpu.memory_space<vmem>>[vector<16xi32>, vector<16xi32>], vector<16xf32>,
        %broadcast_in_dim3A_321 = arith.constant 2 : i32
        %broadcast_in_dim3A_322 = vector.broadcast %broadcast_in_dim3A_321 : i32 to vector<16xi32>
        %mul3A_323 = arith.constant 8 : i32
        %mul3A_324 = arith.muli %add3A_265, %mul3A_323 : i32
        %add3A_325 = vector.broadcast %mul3A_324 : i32 to vector<16xi32>
        %add3A_326 = arith.addi %broadcast_in_dim3A_322, %add3A_325 : vector<16xi32>
        %gather3A_327 = tpu.vector_load_idx %arg17[%add3A_138, %add3A_326] : memref<256x40xf32, #tpu.memory_space<vmem>>[vector<16xi32>, vector<16xi32>], vector<16xf32>,
        %broadcast_in_dim3A_328 = arith.constant 10 : i32
        %broadcast_in_dim3A_329 = vector.broadcast %broadcast_in_dim3A_328 : i32 to vector<16xi32>
        %mul3A_330 = arith.mulf %exp3A_298, %gather3A_327 : vector<16xf32>
        tpu.vector_store_idx %arg21[%add3A_138, %broadcast_in_dim3A_329], %mul3A_330 : memref<256x24xf32, #tpu.memory_space<vmem>>[vector<16xi32>, vector<16xi32>], vector<16xf32>,
        %broadcast_in_dim3A_331 = arith.constant 3 : i32
        %broadcast_in_dim3A_332 = vector.broadcast %broadcast_in_dim3A_331 : i32 to vector<16xi32>
        %mul3A_333 = arith.constant 8 : i32
        %mul3A_334 = arith.muli %add3A_265, %mul3A_333 : i32
        %add3A_335 = vector.broadcast %mul3A_334 : i32 to vector<16xi32>
        %add3A_336 = arith.addi %broadcast_in_dim3A_332, %add3A_335 : vector<16xi32>
        %gather3A_337 = tpu.vector_load_idx %arg17[%add3A_138, %add3A_336] : memref<256x40xf32, #tpu.memory_space<vmem>>[vector<16xi32>, vector<16xi32>], vector<16xf32>,
        %broadcast_in_dim3A_338 = arith.constant 11 : i32
        %broadcast_in_dim3A_339 = vector.broadcast %broadcast_in_dim3A_338 : i32 to vector<16xi32>
        %mul3A_340 = arith.mulf %exp3A_298, %gather3A_337 : vector<16xf32>
        tpu.vector_store_idx %arg21[%add3A_138, %broadcast_in_dim3A_339], %mul3A_340 : memref<256x24xf32, #tpu.memory_space<vmem>>[vector<16xi32>, vector<16xi32>], vector<16xf32>,
        %broadcast_in_dim3A_341 = arith.constant 4 : i32
        %broadcast_in_dim3A_342 = vector.broadcast %broadcast_in_dim3A_341 : i32 to vector<16xi32>
        %mul3A_343 = arith.constant 8 : i32
        %mul3A_344 = arith.muli %add3A_265, %mul3A_343 : i32
        %add3A_345 = vector.broadcast %mul3A_344 : i32 to vector<16xi32>
        %add3A_346 = arith.addi %broadcast_in_dim3A_342, %add3A_345 : vector<16xi32>
        %gather3A_347 = tpu.vector_load_idx %arg17[%add3A_138, %add3A_346] : memref<256x40xf32, #tpu.memory_space<vmem>>[vector<16xi32>, vector<16xi32>], vector<16xf32>,
        %broadcast_in_dim3A_348 = arith.constant 12 : i32
        %broadcast_in_dim3A_349 = vector.broadcast %broadcast_in_dim3A_348 : i32 to vector<16xi32>
        %mul3A_350 = arith.mulf %exp3A_298, %gather3A_347 : vector<16xf32>
        tpu.vector_store_idx %arg21[%add3A_138, %broadcast_in_dim3A_349], %mul3A_350 : memref<256x24xf32, #tpu.memory_space<vmem>>[vector<16xi32>, vector<16xi32>], vector<16xf32>,
        %broadcast_in_dim3A_351 = arith.constant 5 : i32
        %broadcast_in_dim3A_352 = vector.broadcast %broadcast_in_dim3A_351 : i32 to vector<16xi32>
        %mul3A_353 = arith.constant 8 : i32
        %mul3A_354 = arith.muli %add3A_265, %mul3A_353 : i32
        %add3A_355 = vector.broadcast %mul3A_354 : i32 to vector<16xi32>
        %add3A_356 = arith.addi %broadcast_in_dim3A_352, %add3A_355 : vector<16xi32>
        %gather3A_357 = tpu.vector_load_idx %arg17[%add3A_138, %add3A_356] : memref<256x40xf32, #tpu.memory_space<vmem>>[vector<16xi32>, vector<16xi32>], vector<16xf32>,
        %broadcast_in_dim3A_358 = arith.constant 13 : i32
        %broadcast_in_dim3A_359 = vector.broadcast %broadcast_in_dim3A_358 : i32 to vector<16xi32>
        %mul3A_360 = arith.mulf %exp3A_298, %gather3A_357 : vector<16xf32>
        tpu.vector_store_idx %arg21[%add3A_138, %broadcast_in_dim3A_359], %mul3A_360 : memref<256x24xf32, #tpu.memory_space<vmem>>[vector<16xi32>, vector<16xi32>], vector<16xf32>,
        %broadcast_in_dim3A_361 = arith.constant 6 : i32
        %broadcast_in_dim3A_362 = vector.broadcast %broadcast_in_dim3A_361 : i32 to vector<16xi32>
        %mul3A_363 = arith.constant 8 : i32
        %mul3A_364 = arith.muli %add3A_265, %mul3A_363 : i32
        %add3A_365 = vector.broadcast %mul3A_364 : i32 to vector<16xi32>
        %add3A_366 = arith.addi %broadcast_in_dim3A_362, %add3A_365 : vector<16xi32>
        %gather3A_367 = tpu.vector_load_idx %arg17[%add3A_138, %add3A_366] : memref<256x40xf32, #tpu.memory_space<vmem>>[vector<16xi32>, vector<16xi32>], vector<16xf32>,
        %broadcast_in_dim3A_368 = arith.constant 14 : i32
        %broadcast_in_dim3A_369 = vector.broadcast %broadcast_in_dim3A_368 : i32 to vector<16xi32>
        %mul3A_370 = arith.mulf %exp3A_298, %gather3A_367 : vector<16xf32>
        tpu.vector_store_idx %arg21[%add3A_138, %broadcast_in_dim3A_369], %mul3A_370 : memref<256x24xf32, #tpu.memory_space<vmem>>[vector<16xi32>, vector<16xi32>], vector<16xf32>,
        %broadcast_in_dim3A_371 = arith.constant 7 : i32
        %broadcast_in_dim3A_372 = vector.broadcast %broadcast_in_dim3A_371 : i32 to vector<16xi32>
        %mul3A_373 = arith.constant 8 : i32
        %mul3A_374 = arith.muli %add3A_265, %mul3A_373 : i32
        %add3A_375 = vector.broadcast %mul3A_374 : i32 to vector<16xi32>
        %add3A_376 = arith.addi %broadcast_in_dim3A_372, %add3A_375 : vector<16xi32>
        %gather3A_377 = tpu.vector_load_idx %arg17[%add3A_138, %add3A_376] : memref<256x40xf32, #tpu.memory_space<vmem>>[vector<16xi32>, vector<16xi32>], vector<16xf32>,
        %broadcast_in_dim3A_378 = arith.constant 15 : i32
        %broadcast_in_dim3A_379 = vector.broadcast %broadcast_in_dim3A_378 : i32 to vector<16xi32>
        %mul3A_380 = arith.mulf %exp3A_298, %gather3A_377 : vector<16xf32>
        tpu.vector_store_idx %arg21[%add3A_138, %broadcast_in_dim3A_379], %mul3A_380 : memref<256x24xf32, #tpu.memory_space<vmem>>[vector<16xi32>, vector<16xi32>], vector<16xf32>,
        %scan3A_381 = arith.constant 0 : i32
        scf.yield %scan3A_381 : i32
      }
      %scan3A_131 = arith.constant 16 : i32
      "tpu.region"() ({
        %run_scoped3A = tpu.sem_alloc : memref<!tpu.dma_semaphore, #tpu.memory_space<semaphore_mem>>
        %dma_start3A_133 = arith.constant 0 : i32
        %dma_start3A_134 = arith.constant 0 : i32
        %dma_start3A_135 = tpu.memref_slice %arg23[%dma_start3A_133, %dma_start3A_134] : memref<50048x24xf32, #tpu.memory_space<vmem_shared>> -> memref<50048x24xf32, #tpu.memory_space<vmem_shared>>
        tpu.enqueue_indirect_dma source(%arg21 : memref<256x24xf32, #tpu.memory_space<vmem>>) target(%dma_start3A_135 : memref<50048x24xf32, #tpu.memory_space<vmem_shared>>) offsets(%arg13 : memref<256xi32, #tpu.memory_space<vmem>>) semaphore(%run_scoped3A : memref<!tpu.dma_semaphore, #tpu.memory_space<semaphore_mem>>) {add = true}
        %dma_wait3A_136 = arith.constant 0 : i32
        %dma_wait3A_137 = arith.constant 0 : i32
        %dma_wait3A_138 = tpu.memref_slice %arg23[%dma_wait3A_136, %dma_wait3A_137] : memref<50048x24xf32, #tpu.memory_space<vmem_shared>> -> memref<50048x24xf32, #tpu.memory_space<vmem_shared>>
        tpu.wait_indirect_dma semaphore(%run_scoped3A : memref<!tpu.dma_semaphore, #tpu.memory_space<semaphore_mem>>) src(%arg21 : memref<256x24xf32, #tpu.memory_space<vmem>>) dst(%dma_wait3A_138 : memref<50048x24xf32, #tpu.memory_space<vmem_shared>>)
        tpu.yield
      }) : () -> ()
      %scan3A_132 = arith.constant 0 : i32
      scf.yield %scan3A_132 : i32
    }
    %scan3A_70 = arith.constant 98 : i32
    %barrier3A_71 = arith.constant 0 : index
    tpu.barrier barrier_id(%barrier3A_71)
    %mul3A_72 = arith.constant 3128 : i32
    %mul3A_73 = arith.muli %arg1, %mul3A_72 : i32
    %mul3A_74 = arith.constant 3128 : i32
    %mul3A_75 = arith.muli %arg1, %mul3A_74 : i32
    "tpu.region"() ({
      %run_scoped3A = tpu.sem_alloc : memref<!tpu.dma_semaphore, #tpu.memory_space<semaphore_mem>>
      %dma_start3A = arith.constant 0 : i32
      %dma_start3A_76 = tpu.memref_slice %arg9[%arg0, %mul3A_75, %dma_start3A] : memref<2x50048x24xf32, #tpu.memory_space<hbm>> -> memref<1x3128x24xf32, #tpu.memory_space<hbm>>
      %dma_start3A_77 = tpu.memref_squeeze %dma_start3A_76 : memref<1x3128x24xf32, #tpu.memory_space<hbm>> -> memref<3128x24xf32, #tpu.memory_space<hbm>>
      %dma_start3A_78 = arith.constant 0 : i32
      %dma_start3A_79 = tpu.memref_slice %arg23[%mul3A_73, %dma_start3A_78] : memref<50048x24xf32, #tpu.memory_space<vmem_shared>> -> memref<3128x24xf32, #tpu.memory_space<vmem_shared>>
      tpu.enqueue_dma source(%dma_start3A_79 : memref<3128x24xf32, #tpu.memory_space<vmem_shared>>) target(%dma_start3A_77 : memref<3128x24xf32, #tpu.memory_space<hbm>>) target_semaphore(%run_scoped3A : memref<!tpu.dma_semaphore, #tpu.memory_space<semaphore_mem>>)
      %dma_wait3A = arith.constant 0 : i32
      %dma_wait3A_80 = tpu.memref_slice %arg9[%arg0, %mul3A_75, %dma_wait3A] : memref<2x50048x24xf32, #tpu.memory_space<hbm>> -> memref<1x3128x24xf32, #tpu.memory_space<hbm>>
      %dma_wait3A_81 = tpu.memref_squeeze %dma_wait3A_80 : memref<1x3128x24xf32, #tpu.memory_space<hbm>> -> memref<3128x24xf32, #tpu.memory_space<hbm>>
      %dma_wait3A_82 = arith.constant 0 : i32
      %dma_wait3A_83 = tpu.memref_slice %arg23[%mul3A_73, %dma_wait3A_82] : memref<50048x24xf32, #tpu.memory_space<vmem_shared>> -> memref<3128x24xf32, #tpu.memory_space<vmem_shared>>
      tpu.wait_dma2 semaphore(%run_scoped3A : memref<!tpu.dma_semaphore, #tpu.memory_space<semaphore_mem>>) src(%dma_wait3A_83 : memref<3128x24xf32, #tpu.memory_space<vmem_shared>>) dst(%dma_wait3A_81 : memref<3128x24xf32, #tpu.memory_space<hbm>>)
      tpu.yield
    }) : () -> ()
    return
  }
}

module attributes {stable_mosaic.version = 14 : i64} {
  func.func @_ea_stats_body(%arg0: i32, %arg1: memref<8000x4xf32, #tpu.memory_space<vmem>>, %arg2: memref<1x8xf32, #tpu.memory_space<vmem>>) attributes {dimension_semantics = [#tpu.dimension_semantics<arbitrary>], iteration_bounds = array<i64: 100>, scalar_prefetch = 0 : i64, scratch_operands = 0 : i64, tpu.core_type = #tpu.core_type<tc>, window_params = [{transform_indices = @transform_0, window_bounds = array<i64: 8000, 4>}, {pipeline_mode = #tpu.pipeline_mode<synchronous>, transform_indices = @transform_1, window_bounds = array<i64: 1, 8>}]} {
    %get3A = arith.constant 0 : index
    %get3A_0 = arith.constant 0 : index
    %get3A_1 = vector.load %arg1[%get3A, %get3A_0] : memref<8000x4xf32, #tpu.memory_space<vmem>>, vector<8000x4xf32>
    %abs3A = math.absf %get3A_1 : vector<8000x4xf32>
    %reduce_max3A = arith.constant dense<0xFF800000> : vector<4xf32>
    %reduce_max3A_2 = vector.multi_reduction <maximumf>, %abs3A, %reduce_max3A [0] : vector<8000x4xf32> to vector<4xf32>
    %broadcast_in_dim3A = vector.shape_cast %reduce_max3A_2 : vector<4xf32> to vector<1x4xf32>
    %reduce_sum3A = arith.constant dense<0.000000e+00> : vector<4xf32>
    %reduce_sum3A_3 = vector.multi_reduction <add>, %get3A_1, %reduce_sum3A [0] : vector<8000x4xf32> to vector<4xf32>
    %broadcast_in_dim3A_4 = vector.shape_cast %reduce_sum3A_3 : vector<4xf32> to vector<1x4xf32>
    %eq3A = arith.constant 0 : i32
    %eq3A_5 = arith.cmpi eq, %arg0, %eq3A : i32
    %convert_element_type3A = arith.extui %eq3A_5 : i1 to i32
    %cond3A = arith.constant 0 : i32
    %cond3A_6 = arith.cmpi ne, %convert_element_type3A, %cond3A : i32
    scf.if %cond3A_6 {
      %concatenate3A = tpu.concatenate %broadcast_in_dim3A, %broadcast_in_dim3A_4 in 1 : vector<1x4xf32>, vector<1x4xf32> -> vector<1x8xf32>
      %swap3A = arith.constant 0 : index
      %swap3A_11 = arith.constant 0 : index
      %swap3A_12 = vector.load %arg2[%swap3A, %swap3A_11] : memref<1x8xf32, #tpu.memory_space<vmem>>, vector<1x8xf32>
      tpu.vector_store %arg2[%swap3A, %swap3A_11], %concatenate3A {strides = array<i32>} : memref<1x8xf32, #tpu.memory_space<vmem>>, vector<1x8xf32>,
    } else {
    }
    %gt3A = arith.constant 0 : i32
    %gt3A_7 = arith.cmpi sgt, %arg0, %gt3A : i32
    %convert_element_type3A_8 = arith.extui %gt3A_7 : i1 to i32
    %cond3A_9 = arith.constant 0 : i32
    %cond3A_10 = arith.cmpi ne, %convert_element_type3A_8, %cond3A_9 : i32
    scf.if %cond3A_10 {
      %get3A_11 = arith.constant 0 : index
      %get3A_12 = arith.constant 0 : index
      %get3A_13 = vector.load %arg2[%get3A_11, %get3A_12] : memref<1x8xf32, #tpu.memory_space<vmem>>, vector<1x4xf32>
      %max3A = arith.maximumf %get3A_13, %broadcast_in_dim3A : vector<1x4xf32>
      %get3A_14 = arith.constant 0 : index
      %get3A_15 = arith.constant 4 : index
      %get3A_16 = vector.load %arg2[%get3A_14, %get3A_15] : memref<1x8xf32, #tpu.memory_space<vmem>>, vector<1x4xf32>
      %add3A = arith.addf %get3A_16, %broadcast_in_dim3A_4 : vector<1x4xf32>
      %concatenate3A = tpu.concatenate %max3A, %add3A in 1 : vector<1x4xf32>, vector<1x4xf32> -> vector<1x8xf32>
      %swap3A = arith.constant 0 : index
      %swap3A_17 = arith.constant 0 : index
      %swap3A_18 = vector.load %arg2[%swap3A, %swap3A_17] : memref<1x8xf32, #tpu.memory_space<vmem>>, vector<1x8xf32>
      tpu.vector_store %arg2[%swap3A, %swap3A_17], %concatenate3A {strides = array<i32>} : memref<1x8xf32, #tpu.memory_space<vmem>>, vector<1x8xf32>,
    } else {
    }
    return
  }
  func.func @transform_0(%arg0: i32) -> (i32, i32) {
    %c0_i32 = arith.constant 0 : i32
    %c0_i32_0 = arith.constant 0 : i32
    return %arg0, %c0_i32 : i32, i32
  }
  func.func @transform_1(%arg0: i32) -> (i32, i32) {
    %c0_i32 = arith.constant 0 : i32
    %c0_i32_0 = arith.constant 0 : i32
    %c0_i32_1 = arith.constant 0 : i32
    return %c0_i32, %c0_i32_0 : i32, i32
  }
}

module attributes {stable_mosaic.version = 14 : i64} {
  func.func @_prep_body(%arg0: i32, %arg1: memref<1000x112xf32, #tpu.memory_space<vmem>>, %arg2: memref<112x40xf32, #tpu.memory_space<vmem>>, %arg3: memref<1000x40xf32, #tpu.memory_space<vmem>>, %arg4: memref<1000x8xf32, #tpu.memory_space<vmem>>, %arg5: memref<1x1x8xf32, #tpu.memory_space<vmem>>) attributes {dimension_semantics = [#tpu.dimension_semantics<arbitrary>], iteration_bounds = array<i64: 50>, scalar_prefetch = 0 : i64, scratch_operands = 0 : i64, tpu.core_type = #tpu.core_type<tc>, window_params = [{transform_indices = @transform_0, window_bounds = array<i64: 1000, 112>}, {pipeline_mode = #tpu.pipeline_mode<synchronous>, transform_indices = @transform_1, window_bounds = array<i64: 112, 40>}, {transform_indices = @transform_2, window_bounds = array<i64: 1000, 40>}, {transform_indices = @transform_3, window_bounds = array<i64: 1000, 8>}, {transform_indices = @transform_4, window_bounds = array<i64: 1, 1, 8>}]} {
    %get3A = arith.constant 0 : index
    %get3A_0 = arith.constant 0 : index
    %get3A_1 = vector.load %arg1[%get3A, %get3A_0] : memref<1000x112xf32, #tpu.memory_space<vmem>>, vector<1000x112xf32>
    %get3A_2 = arith.constant 0 : index
    %get3A_3 = arith.constant 0 : index
    %get3A_4 = vector.load %arg2[%get3A_2, %get3A_3] : memref<112x40xf32, #tpu.memory_space<vmem>>, vector<112x40xf32>
    %dot_general3A = arith.constant dense<0.000000e+00> : vector<1000x40xf32>
    %dot_general3A_5 = tpu.matmul %get3A_1, %get3A_4, %dot_general3A {dimension_numbers = #tpu.dot_dimension_numbers<[1], [0], [0], [1], [0, 0, 1, 1], [], []>, transpose_lhs_hint = false} : vector<1000x112xf32>, vector<112x40xf32>, vector<1000x40xf32> -> vector<1000x40xf32>
    %swap3A = arith.constant 0 : index
    %swap3A_6 = arith.constant 0 : index
    %swap3A_7 = vector.load %arg3[%swap3A, %swap3A_6] : memref<1000x40xf32, #tpu.memory_space<vmem>>, vector<1000x40xf32>
    tpu.vector_store %arg3[%swap3A, %swap3A_6], %dot_general3A_5 {strides = array<i32>} : memref<1000x40xf32, #tpu.memory_space<vmem>>, vector<1000x40xf32>,
    %slice3A = vector.extract_strided_slice %dot_general3A_5 {offsets = [0, 32], sizes = [1000, 8], strides = [1, 1]} : vector<1000x40xf32> to vector<1000x8xf32>
    %swap3A_8 = arith.constant 0 : index
    %swap3A_9 = arith.constant 0 : index
    %swap3A_10 = vector.load %arg4[%swap3A_8, %swap3A_9] : memref<1000x8xf32, #tpu.memory_space<vmem>>, vector<1000x8xf32>
    tpu.vector_store %arg4[%swap3A_8, %swap3A_9], %slice3A {strides = array<i32>} : memref<1000x8xf32, #tpu.memory_space<vmem>>, vector<1000x8xf32>,
    %slice3A_11 = vector.extract_strided_slice %dot_general3A_5 {offsets = [0, 32], sizes = [1000, 8], strides = [1, 1]} : vector<1000x40xf32> to vector<1000x8xf32>
    %reduce_max3A = arith.constant dense<0xFF800000> : vector<8xf32>
    %reduce_max3A_12 = vector.multi_reduction <maximumf>, %slice3A_11, %reduce_max3A [0] : vector<1000x8xf32> to vector<8xf32>
    %broadcast_in_dim3A = vector.shape_cast %reduce_max3A_12 : vector<8xf32> to vector<1x8xf32>
    %broadcast_in_dim3A_13 = vector.shape_cast %broadcast_in_dim3A : vector<1x8xf32> to vector<1x1x8xf32>
    %swap3A_14 = arith.constant 0 : index
    %swap3A_15 = arith.constant 0 : index
    %swap3A_16 = arith.constant 0 : index
    %swap3A_17 = vector.load %arg5[%swap3A_14, %swap3A_15, %swap3A_16] : memref<1x1x8xf32, #tpu.memory_space<vmem>>, vector<1x1x8xf32>
    tpu.vector_store %arg5[%swap3A_14, %swap3A_15, %swap3A_16], %broadcast_in_dim3A_13 {strides = array<i32>} : memref<1x1x8xf32, #tpu.memory_space<vmem>>, vector<1x1x8xf32>,
    return
  }
  func.func @transform_0(%arg0: i32) -> (i32, i32) {
    %c0_i32 = arith.constant 0 : i32
    %c0_i32_0 = arith.constant 0 : i32
    return %arg0, %c0_i32 : i32, i32
  }
  func.func @transform_1(%arg0: i32) -> (i32, i32) {
    %c0_i32 = arith.constant 0 : i32
    %c0_i32_0 = arith.constant 0 : i32
    %c0_i32_1 = arith.constant 0 : i32
    return %c0_i32, %c0_i32_0 : i32, i32
  }
  func.func @transform_2(%arg0: i32) -> (i32, i32) {
    %c0_i32 = arith.constant 0 : i32
    %c0_i32_0 = arith.constant 0 : i32
    return %arg0, %c0_i32 : i32, i32
  }
  func.func @transform_3(%arg0: i32) -> (i32, i32) {
    %c0_i32 = arith.constant 0 : i32
    %c0_i32_0 = arith.constant 0 : i32
    return %arg0, %c0_i32 : i32, i32
  }
  func.func @transform_4(%arg0: i32) -> (i32, i32, i32) {
    %c0_i32 = arith.constant 0 : i32
    %c0_i32_0 = arith.constant 0 : i32
    %c0_i32_1 = arith.constant 0 : i32
    return %arg0, %c0_i32, %c0_i32_0 : i32, i32, i32
  }
}

module attributes {stable_mosaic.version = 14 : i64} {
  func.func @_k_body(%arg0: i32, %arg1: memref<1024x8xf32, #tpu.memory_space<vmem>>, %arg2: memref<1x16xf32, #tpu.memory_space<vmem>>, %arg3: memref<1024x8xf32, #tpu.memory_space<vmem>>, %arg4: memref<1024x8xf32, #tpu.memory_space<vmem>>) attributes {dimension_semantics = [#tpu.dimension_semantics<arbitrary>], iteration_bounds = array<i64: 49>, scalar_prefetch = 0 : i64, scratch_operands = 0 : i64, tpu.core_type = #tpu.core_type<tc>, window_params = [{transform_indices = @transform_0, window_bounds = array<i64: 1024, 8>}, {pipeline_mode = #tpu.pipeline_mode<synchronous>, transform_indices = @transform_1, window_bounds = array<i64: 1, 16>}, {transform_indices = @transform_2, window_bounds = array<i64: 1024, 8>}, {transform_indices = @transform_3, window_bounds = array<i64: 1024, 8>}]} {
    %get3A = arith.constant 0 : index
    %get3A_0 = arith.constant 0 : index
    %get3A_1 = vector.load %arg1[%get3A, %get3A_0] : memref<1024x8xf32, #tpu.memory_space<vmem>>, vector<1024x8xf32>
    %slice3A = vector.extract_strided_slice %get3A_1 {offsets = [0, 0], sizes = [1024, 4], strides = [1, 1]} : vector<1024x8xf32> to vector<1024x4xf32>
    %slice3A_2 = vector.extract_strided_slice %get3A_1 {offsets = [0, 4], sizes = [1024, 4], strides = [1, 1]} : vector<1024x8xf32> to vector<1024x4xf32>
    %get3A_3 = arith.constant 0 : index
    %get3A_4 = arith.constant 0 : index
    %get3A_5 = vector.load %arg2[%get3A_3, %get3A_4] : memref<1x16xf32, #tpu.memory_space<vmem>>, vector<1x4xf32>
    %get3A_6 = vector.shape_cast %get3A_5 : vector<1x4xf32> to vector<4xf32>
    %get3A_7 = arith.constant 0 : index
    %get3A_8 = arith.constant 4 : index
    %get3A_9 = vector.load %arg2[%get3A_7, %get3A_8] : memref<1x16xf32, #tpu.memory_space<vmem>>, vector<1x4xf32>
    %get3A_10 = vector.shape_cast %get3A_9 : vector<1x4xf32> to vector<4xf32>
    %broadcast_in_dim3A = vector.shape_cast %get3A_10 : vector<4xf32> to vector<1x4xf32>
    %add3A = vector.broadcast %broadcast_in_dim3A : vector<1x4xf32> to vector<1024x4xf32>
    %add3A_11 = arith.addf %slice3A, %add3A : vector<1024x4xf32>
    %broadcast_in_dim3A_12 = vector.shape_cast %get3A_6 : vector<4xf32> to vector<1x4xf32>
    %add3A_13 = vector.broadcast %broadcast_in_dim3A_12 : vector<1x4xf32> to vector<1024x4xf32>
    %add3A_14 = arith.addf %add3A_13, %slice3A_2 : vector<1024x4xf32>
    %gt3A = arith.constant 0.000000e+00 : f32
    %gt3A_15 = vector.broadcast %gt3A : f32 to vector<1024x4xf32>
    %gt3A_16 = arith.cmpf ogt, %add3A_14, %gt3A_15 : vector<1024x4xf32>
    %mul3A = arith.constant 2.000000e-01 : f32
    %mul3A_17 = vector.broadcast %mul3A : f32 to vector<1024x4xf32>
    %mul3A_18 = arith.mulf %mul3A_17, %add3A_14 : vector<1024x4xf32>
    %select_n3A = arith.select %gt3A_16, %add3A_14, %mul3A_18 : vector<1024x4xi1>, vector<1024x4xf32>
    %add3A_19 = arith.addf %add3A_11, %slice3A_2 : vector<1024x4xf32>
    %gt3A_20 = arith.constant 0.000000e+00 : f32
    %gt3A_21 = vector.broadcast %gt3A_20 : f32 to vector<1024x4xf32>
    %gt3A_22 = arith.cmpf ogt, %add3A_19, %gt3A_21 : vector<1024x4xf32>
    %mul3A_23 = arith.constant 2.000000e-01 : f32
    %mul3A_24 = vector.broadcast %mul3A_23 : f32 to vector<1024x4xf32>
    %mul3A_25 = arith.mulf %mul3A_24, %add3A_19 : vector<1024x4xf32>
    %select_n3A_26 = arith.select %gt3A_22, %add3A_19, %mul3A_25 : vector<1024x4xi1>, vector<1024x4xf32>
    %sub3A = arith.subf %select_n3A_26, %select_n3A : vector<1024x4xf32>
    %exp3A = math.exp %sub3A : vector<1024x4xf32>
    %broadcast_in_dim3A_27 = arith.constant 0.000000e+00 : f32
    %broadcast_in_dim3A_28 = vector.broadcast %broadcast_in_dim3A_27 : f32 to vector<1024x4xf32>
    %concatenate3A = tpu.concatenate %slice3A_2, %select_n3A in 1 : vector<1024x4xf32>, vector<1024x4xf32> -> vector<1024x8xf32>
    %swap3A = arith.constant 0 : index
    %swap3A_29 = arith.constant 0 : index
    %swap3A_30 = vector.load %arg3[%swap3A, %swap3A_29] : memref<1024x8xf32, #tpu.memory_space<vmem>>, vector<1024x8xf32>
    tpu.vector_store %arg3[%swap3A, %swap3A_29], %concatenate3A {strides = array<i32>} : memref<1024x8xf32, #tpu.memory_space<vmem>>, vector<1024x8xf32>,
    %concatenate3A_31 = tpu.concatenate %exp3A, %broadcast_in_dim3A_28 in 1 : vector<1024x4xf32>, vector<1024x4xf32> -> vector<1024x8xf32>
    %swap3A_32 = arith.constant 0 : index
    %swap3A_33 = arith.constant 0 : index
    %swap3A_34 = vector.load %arg4[%swap3A_32, %swap3A_33] : memref<1024x8xf32, #tpu.memory_space<vmem>>, vector<1024x8xf32>
    tpu.vector_store %arg4[%swap3A_32, %swap3A_33], %concatenate3A_31 {strides = array<i32>} : memref<1024x8xf32, #tpu.memory_space<vmem>>, vector<1024x8xf32>,
    return
  }
  func.func @transform_0(%arg0: i32) -> (i32, i32) {
    %c0_i32 = arith.constant 0 : i32
    %c0_i32_0 = arith.constant 0 : i32
    return %arg0, %c0_i32 : i32, i32
  }
  func.func @transform_1(%arg0: i32) -> (i32, i32) {
    %c0_i32 = arith.constant 0 : i32
    %c0_i32_0 = arith.constant 0 : i32
    %c0_i32_1 = arith.constant 0 : i32
    return %c0_i32, %c0_i32_0 : i32, i32
  }
  func.func @transform_2(%arg0: i32) -> (i32, i32) {
    %c0_i32 = arith.constant 0 : i32
    %c0_i32_0 = arith.constant 0 : i32
    return %arg0, %c0_i32 : i32, i32
  }
  func.func @transform_3(%arg0: i32) -> (i32, i32) {
    %c0_i32 = arith.constant 0 : i32
    %c0_i32_0 = arith.constant 0 : i32
    return %arg0, %c0_i32 : i32, i32
  }
}

module attributes {stable_mosaic.version = 14 : i64} {
  func.func @_combine12_body(%arg0: i32, %arg1: memref<2x1000x24xf32, #tpu.memory_space<vmem>>, %arg2: memref<1000x8xf32, #tpu.memory_space<vmem>>, %arg3: memref<1000x40xf32, #tpu.memory_space<vmem>>, %arg4: memref<1x32xf32, #tpu.memory_space<vmem>>, %arg5: memref<1000x32xf32, #tpu.memory_space<vmem>>) attributes {dimension_semantics = [#tpu.dimension_semantics<arbitrary>], iteration_bounds = array<i64: 50>, scalar_prefetch = 0 : i64, scratch_operands = 0 : i64, tpu.core_type = #tpu.core_type<tc>, window_params = [{transform_indices = @transform_0, window_bounds = array<i64: 2, 1000, 24>}, {transform_indices = @transform_1, window_bounds = array<i64: 1000, 8>}, {transform_indices = @transform_2, window_bounds = array<i64: 1000, 40>}, {pipeline_mode = #tpu.pipeline_mode<synchronous>, transform_indices = @transform_3, window_bounds = array<i64: 1, 32>}, {transform_indices = @transform_4, window_bounds = array<i64: 1000, 32>}]} {
    %get3A = arith.constant 0 : index
    %get3A_0 = arith.constant 0 : index
    %get3A_1 = vector.load %arg3[%get3A, %get3A_0] : memref<1000x40xf32, #tpu.memory_space<vmem>>, vector<1000x32xf32>
    %get3A_2 = arith.constant 0 : index
    %get3A_3 = arith.constant 0 : index
    %get3A_4 = vector.load %arg2[%get3A_2, %get3A_3] : memref<1000x8xf32, #tpu.memory_space<vmem>>, vector<1000x8xf32>
    %get3A_5 = arith.constant 0 : index
    %get3A_6 = arith.constant 0 : index
    %get3A_7 = arith.constant 0 : index
    %get3A_8 = vector.load %arg1[%get3A_5, %get3A_6, %get3A_7] : memref<2x1000x24xf32, #tpu.memory_space<vmem>>, vector<1x1000x24xf32>
    %get3A_9 = vector.shape_cast %get3A_8 : vector<1x1000x24xf32> to vector<1000x24xf32>
    %slice3A = vector.extract_strided_slice %get3A_9 {offsets = [0, 0], sizes = [1000, 8], strides = [1, 1]} : vector<1000x24xf32> to vector<1000x8xf32>
    %get3A_10 = arith.constant 0 : index
    %get3A_11 = arith.constant 0 : index
    %get3A_12 = arith.constant 0 : index
    %get3A_13 = vector.load %arg1[%get3A_10, %get3A_11, %get3A_12] : memref<2x1000x24xf32, #tpu.memory_space<vmem>>, vector<1x1000x24xf32>
    %get3A_14 = vector.shape_cast %get3A_13 : vector<1x1000x24xf32> to vector<1000x24xf32>
    %slice3A_15 = vector.extract_strided_slice %get3A_14 {offsets = [0, 16], sizes = [1000, 1], strides = [1, 1]} : vector<1000x24xf32> to vector<1000x1xf32>
    %slice3A_16 = vector.extract_strided_slice %get3A_4 {offsets = [0, 0], sizes = [1000, 1], strides = [1, 1]} : vector<1000x8xf32> to vector<1000x1xf32>
    %slice3A_17 = vector.extract_strided_slice %get3A_1 {offsets = [0, 0], sizes = [1000, 8], strides = [1, 1]} : vector<1000x32xf32> to vector<1000x8xf32>
    %mul3A = vector.broadcast %slice3A_16 : vector<1000x1xf32> to vector<1000x8xf32>
    %mul3A_18 = arith.mulf %mul3A, %slice3A_17 : vector<1000x8xf32>
    %add3A = arith.addf %slice3A, %mul3A_18 : vector<1000x8xf32>
    %add3A_19 = arith.addf %slice3A_15, %slice3A_16 : vector<1000x1xf32>
    %div3A = vector.broadcast %add3A_19 : vector<1000x1xf32> to vector<1000x8xf32>
    %div3A_20 = arith.divf %add3A, %div3A : vector<1000x8xf32>
    %get3A_21 = arith.constant 0 : index
    %get3A_22 = arith.constant 0 : index
    %get3A_23 = arith.constant 0 : index
    %get3A_24 = vector.load %arg1[%get3A_21, %get3A_22, %get3A_23] : memref<2x1000x24xf32, #tpu.memory_space<vmem>>, vector<1x1000x24xf32>
    %get3A_25 = vector.shape_cast %get3A_24 : vector<1x1000x24xf32> to vector<1000x24xf32>
    %slice3A_26 = vector.extract_strided_slice %get3A_25 {offsets = [0, 8], sizes = [1000, 8], strides = [1, 1]} : vector<1000x24xf32> to vector<1000x8xf32>
    %get3A_27 = arith.constant 0 : index
    %get3A_28 = arith.constant 0 : index
    %get3A_29 = arith.constant 0 : index
    %get3A_30 = vector.load %arg1[%get3A_27, %get3A_28, %get3A_29] : memref<2x1000x24xf32, #tpu.memory_space<vmem>>, vector<1x1000x24xf32>
    %get3A_31 = vector.shape_cast %get3A_30 : vector<1x1000x24xf32> to vector<1000x24xf32>
    %slice3A_32 = vector.extract_strided_slice %get3A_31 {offsets = [0, 17], sizes = [1000, 1], strides = [1, 1]} : vector<1000x24xf32> to vector<1000x1xf32>
    %slice3A_33 = vector.extract_strided_slice %get3A_4 {offsets = [0, 1], sizes = [1000, 1], strides = [1, 1]} : vector<1000x8xf32> to vector<1000x1xf32>
    %slice3A_34 = vector.extract_strided_slice %get3A_1 {offsets = [0, 8], sizes = [1000, 8], strides = [1, 1]} : vector<1000x32xf32> to vector<1000x8xf32>
    %mul3A_35 = vector.broadcast %slice3A_33 : vector<1000x1xf32> to vector<1000x8xf32>
    %mul3A_36 = arith.mulf %mul3A_35, %slice3A_34 : vector<1000x8xf32>
    %add3A_37 = arith.addf %slice3A_26, %mul3A_36 : vector<1000x8xf32>
    %add3A_38 = arith.addf %slice3A_32, %slice3A_33 : vector<1000x1xf32>
    %div3A_39 = vector.broadcast %add3A_38 : vector<1000x1xf32> to vector<1000x8xf32>
    %div3A_40 = arith.divf %add3A_37, %div3A_39 : vector<1000x8xf32>
    %get3A_41 = arith.constant 1 : index
    %get3A_42 = arith.constant 0 : index
    %get3A_43 = arith.constant 0 : index
    %get3A_44 = vector.load %arg1[%get3A_41, %get3A_42, %get3A_43] : memref<2x1000x24xf32, #tpu.memory_space<vmem>>, vector<1x1000x24xf32>
    %get3A_45 = vector.shape_cast %get3A_44 : vector<1x1000x24xf32> to vector<1000x24xf32>
    %slice3A_46 = vector.extract_strided_slice %get3A_45 {offsets = [0, 0], sizes = [1000, 8], strides = [1, 1]} : vector<1000x24xf32> to vector<1000x8xf32>
    %get3A_47 = arith.constant 1 : index
    %get3A_48 = arith.constant 0 : index
    %get3A_49 = arith.constant 0 : index
    %get3A_50 = vector.load %arg1[%get3A_47, %get3A_48, %get3A_49] : memref<2x1000x24xf32, #tpu.memory_space<vmem>>, vector<1x1000x24xf32>
    %get3A_51 = vector.shape_cast %get3A_50 : vector<1x1000x24xf32> to vector<1000x24xf32>
    %slice3A_52 = vector.extract_strided_slice %get3A_51 {offsets = [0, 16], sizes = [1000, 1], strides = [1, 1]} : vector<1000x24xf32> to vector<1000x1xf32>
    %slice3A_53 = vector.extract_strided_slice %get3A_4 {offsets = [0, 2], sizes = [1000, 1], strides = [1, 1]} : vector<1000x8xf32> to vector<1000x1xf32>
    %slice3A_54 = vector.extract_strided_slice %get3A_1 {offsets = [0, 16], sizes = [1000, 8], strides = [1, 1]} : vector<1000x32xf32> to vector<1000x8xf32>
    %mul3A_55 = vector.broadcast %slice3A_53 : vector<1000x1xf32> to vector<1000x8xf32>
    %mul3A_56 = arith.mulf %mul3A_55, %slice3A_54 : vector<1000x8xf32>
    %add3A_57 = arith.addf %slice3A_46, %mul3A_56 : vector<1000x8xf32>
    %add3A_58 = arith.addf %slice3A_52, %slice3A_53 : vector<1000x1xf32>
    %div3A_59 = vector.broadcast %add3A_58 : vector<1000x1xf32> to vector<1000x8xf32>
    %div3A_60 = arith.divf %add3A_57, %div3A_59 : vector<1000x8xf32>
    %get3A_61 = arith.constant 1 : index
    %get3A_62 = arith.constant 0 : index
    %get3A_63 = arith.constant 0 : index
    %get3A_64 = vector.load %arg1[%get3A_61, %get3A_62, %get3A_63] : memref<2x1000x24xf32, #tpu.memory_space<vmem>>, vector<1x1000x24xf32>
    %get3A_65 = vector.shape_cast %get3A_64 : vector<1x1000x24xf32> to vector<1000x24xf32>
    %slice3A_66 = vector.extract_strided_slice %get3A_65 {offsets = [0, 8], sizes = [1000, 8], strides = [1, 1]} : vector<1000x24xf32> to vector<1000x8xf32>
    %get3A_67 = arith.constant 1 : index
    %get3A_68 = arith.constant 0 : index
    %get3A_69 = arith.constant 0 : index
    %get3A_70 = vector.load %arg1[%get3A_67, %get3A_68, %get3A_69] : memref<2x1000x24xf32, #tpu.memory_space<vmem>>, vector<1x1000x24xf32>
    %get3A_71 = vector.shape_cast %get3A_70 : vector<1x1000x24xf32> to vector<1000x24xf32>
    %slice3A_72 = vector.extract_strided_slice %get3A_71 {offsets = [0, 17], sizes = [1000, 1], strides = [1, 1]} : vector<1000x24xf32> to vector<1000x1xf32>
    %slice3A_73 = vector.extract_strided_slice %get3A_4 {offsets = [0, 3], sizes = [1000, 1], strides = [1, 1]} : vector<1000x8xf32> to vector<1000x1xf32>
    %slice3A_74 = vector.extract_strided_slice %get3A_1 {offsets = [0, 24], sizes = [1000, 8], strides = [1, 1]} : vector<1000x32xf32> to vector<1000x8xf32>
    %mul3A_75 = vector.broadcast %slice3A_73 : vector<1000x1xf32> to vector<1000x8xf32>
    %mul3A_76 = arith.mulf %mul3A_75, %slice3A_74 : vector<1000x8xf32>
    %add3A_77 = arith.addf %slice3A_66, %mul3A_76 : vector<1000x8xf32>
    %add3A_78 = arith.addf %slice3A_72, %slice3A_73 : vector<1000x1xf32>
    %div3A_79 = vector.broadcast %add3A_78 : vector<1000x1xf32> to vector<1000x8xf32>
    %div3A_80 = arith.divf %add3A_77, %div3A_79 : vector<1000x8xf32>
    %concatenate3A = tpu.concatenate %div3A_20, %div3A_40, %div3A_60, %div3A_80 in 1 : vector<1000x8xf32>, vector<1000x8xf32>, vector<1000x8xf32>, vector<1000x8xf32> -> vector<1000x32xf32>
    %get3A_81 = arith.constant 0 : index
    %get3A_82 = arith.constant 0 : index
    %get3A_83 = vector.load %arg4[%get3A_81, %get3A_82] : memref<1x32xf32, #tpu.memory_space<vmem>>, vector<1x32xf32>
    %get3A_84 = vector.shape_cast %get3A_83 : vector<1x32xf32> to vector<32xf32>
    %broadcast_in_dim3A = vector.shape_cast %get3A_84 : vector<32xf32> to vector<1x32xf32>
    %add3A_85 = vector.broadcast %broadcast_in_dim3A : vector<1x32xf32> to vector<1000x32xf32>
    %add3A_86 = arith.addf %concatenate3A, %add3A_85 : vector<1000x32xf32>
    %max3A = arith.constant 0.000000e+00 : f32
    %max3A_87 = vector.broadcast %max3A : f32 to vector<1000x32xf32>
    %max3A_88 = arith.maximumf %add3A_86, %max3A_87 : vector<1000x32xf32>
    %swap3A = arith.constant 0 : index
    %swap3A_89 = arith.constant 0 : index
    %swap3A_90 = vector.load %arg5[%swap3A, %swap3A_89] : memref<1000x32xf32, #tpu.memory_space<vmem>>, vector<1000x32xf32>
    tpu.vector_store %arg5[%swap3A, %swap3A_89], %max3A_88 {strides = array<i32>} : memref<1000x32xf32, #tpu.memory_space<vmem>>, vector<1000x32xf32>,
    return
  }
  func.func @transform_0(%arg0: i32) -> (i32, i32, i32) {
    %c0_i32 = arith.constant 0 : i32
    %c0_i32_0 = arith.constant 0 : i32
    %c0_i32_1 = arith.constant 0 : i32
    return %c0_i32, %arg0, %c0_i32_0 : i32, i32, i32
  }
  func.func @transform_1(%arg0: i32) -> (i32, i32) {
    %c0_i32 = arith.constant 0 : i32
    %c0_i32_0 = arith.constant 0 : i32
    return %arg0, %c0_i32 : i32, i32
  }
  func.func @transform_2(%arg0: i32) -> (i32, i32) {
    %c0_i32 = arith.constant 0 : i32
    %c0_i32_0 = arith.constant 0 : i32
    return %arg0, %c0_i32 : i32, i32
  }
  func.func @transform_3(%arg0: i32) -> (i32, i32) {
    %c0_i32 = arith.constant 0 : i32
    %c0_i32_0 = arith.constant 0 : i32
    %c0_i32_1 = arith.constant 0 : i32
    return %c0_i32, %c0_i32_0 : i32, i32
  }
  func.func @transform_4(%arg0: i32) -> (i32, i32) {
    %c0_i32 = arith.constant 0 : i32
    %c0_i32_0 = arith.constant 0 : i32
    return %arg0, %c0_i32 : i32, i32
  }
}

module attributes {stable_mosaic.version = 14 : i64} {
  func.func @_prep_body(%arg0: i32, %arg1: memref<1000x32xf32, #tpu.memory_space<vmem>>, %arg2: memref<32x40xf32, #tpu.memory_space<vmem>>, %arg3: memref<1000x40xf32, #tpu.memory_space<vmem>>, %arg4: memref<1000x8xf32, #tpu.memory_space<vmem>>, %arg5: memref<1x1x8xf32, #tpu.memory_space<vmem>>) attributes {dimension_semantics = [#tpu.dimension_semantics<arbitrary>], iteration_bounds = array<i64: 50>, scalar_prefetch = 0 : i64, scratch_operands = 0 : i64, tpu.core_type = #tpu.core_type<tc>, window_params = [{transform_indices = @transform_0, window_bounds = array<i64: 1000, 32>}, {pipeline_mode = #tpu.pipeline_mode<synchronous>, transform_indices = @transform_1, window_bounds = array<i64: 32, 40>}, {transform_indices = @transform_2, window_bounds = array<i64: 1000, 40>}, {transform_indices = @transform_3, window_bounds = array<i64: 1000, 8>}, {transform_indices = @transform_4, window_bounds = array<i64: 1, 1, 8>}]} {
    %get3A = arith.constant 0 : index
    %get3A_0 = arith.constant 0 : index
    %get3A_1 = vector.load %arg1[%get3A, %get3A_0] : memref<1000x32xf32, #tpu.memory_space<vmem>>, vector<1000x32xf32>
    %get3A_2 = arith.constant 0 : index
    %get3A_3 = arith.constant 0 : index
    %get3A_4 = vector.load %arg2[%get3A_2, %get3A_3] : memref<32x40xf32, #tpu.memory_space<vmem>>, vector<32x40xf32>
    %dot_general3A = arith.constant dense<0.000000e+00> : vector<1000x40xf32>
    %dot_general3A_5 = tpu.matmul %get3A_1, %get3A_4, %dot_general3A {dimension_numbers = #tpu.dot_dimension_numbers<[1], [0], [0], [1], [0, 0, 1, 1], [], []>, transpose_lhs_hint = false} : vector<1000x32xf32>, vector<32x40xf32>, vector<1000x40xf32> -> vector<1000x40xf32>
    %swap3A = arith.constant 0 : index
    %swap3A_6 = arith.constant 0 : index
    %swap3A_7 = vector.load %arg3[%swap3A, %swap3A_6] : memref<1000x40xf32, #tpu.memory_space<vmem>>, vector<1000x40xf32>
    tpu.vector_store %arg3[%swap3A, %swap3A_6], %dot_general3A_5 {strides = array<i32>} : memref<1000x40xf32, #tpu.memory_space<vmem>>, vector<1000x40xf32>,
    %slice3A = vector.extract_strided_slice %dot_general3A_5 {offsets = [0, 32], sizes = [1000, 8], strides = [1, 1]} : vector<1000x40xf32> to vector<1000x8xf32>
    %swap3A_8 = arith.constant 0 : index
    %swap3A_9 = arith.constant 0 : index
    %swap3A_10 = vector.load %arg4[%swap3A_8, %swap3A_9] : memref<1000x8xf32, #tpu.memory_space<vmem>>, vector<1000x8xf32>
    tpu.vector_store %arg4[%swap3A_8, %swap3A_9], %slice3A {strides = array<i32>} : memref<1000x8xf32, #tpu.memory_space<vmem>>, vector<1000x8xf32>,
    %slice3A_11 = vector.extract_strided_slice %dot_general3A_5 {offsets = [0, 32], sizes = [1000, 8], strides = [1, 1]} : vector<1000x40xf32> to vector<1000x8xf32>
    %reduce_max3A = arith.constant dense<0xFF800000> : vector<8xf32>
    %reduce_max3A_12 = vector.multi_reduction <maximumf>, %slice3A_11, %reduce_max3A [0] : vector<1000x8xf32> to vector<8xf32>
    %broadcast_in_dim3A = vector.shape_cast %reduce_max3A_12 : vector<8xf32> to vector<1x8xf32>
    %broadcast_in_dim3A_13 = vector.shape_cast %broadcast_in_dim3A : vector<1x8xf32> to vector<1x1x8xf32>
    %swap3A_14 = arith.constant 0 : index
    %swap3A_15 = arith.constant 0 : index
    %swap3A_16 = arith.constant 0 : index
    %swap3A_17 = vector.load %arg5[%swap3A_14, %swap3A_15, %swap3A_16] : memref<1x1x8xf32, #tpu.memory_space<vmem>>, vector<1x1x8xf32>
    tpu.vector_store %arg5[%swap3A_14, %swap3A_15, %swap3A_16], %broadcast_in_dim3A_13 {strides = array<i32>} : memref<1x1x8xf32, #tpu.memory_space<vmem>>, vector<1x1x8xf32>,
    return
  }
  func.func @transform_0(%arg0: i32) -> (i32, i32) {
    %c0_i32 = arith.constant 0 : i32
    %c0_i32_0 = arith.constant 0 : i32
    return %arg0, %c0_i32 : i32, i32
  }
  func.func @transform_1(%arg0: i32) -> (i32, i32) {
    %c0_i32 = arith.constant 0 : i32
    %c0_i32_0 = arith.constant 0 : i32
    %c0_i32_1 = arith.constant 0 : i32
    return %c0_i32, %c0_i32_0 : i32, i32
  }
  func.func @transform_2(%arg0: i32) -> (i32, i32) {
    %c0_i32 = arith.constant 0 : i32
    %c0_i32_0 = arith.constant 0 : i32
    return %arg0, %c0_i32 : i32, i32
  }
  func.func @transform_3(%arg0: i32) -> (i32, i32) {
    %c0_i32 = arith.constant 0 : i32
    %c0_i32_0 = arith.constant 0 : i32
    return %arg0, %c0_i32 : i32, i32
  }
  func.func @transform_4(%arg0: i32) -> (i32, i32, i32) {
    %c0_i32 = arith.constant 0 : i32
    %c0_i32_0 = arith.constant 0 : i32
    %c0_i32_1 = arith.constant 0 : i32
    return %arg0, %c0_i32, %c0_i32_0 : i32, i32, i32
  }
}

module attributes {stable_mosaic.version = 14 : i64} {
  func.func @_combine3_body(%arg0: i32, %arg1: memref<2x1000x24xf32, #tpu.memory_space<vmem>>, %arg2: memref<1000x8xf32, #tpu.memory_space<vmem>>, %arg3: memref<1000x40xf32, #tpu.memory_space<vmem>>, %arg4: memref<1x8xf32, #tpu.memory_space<vmem>>, %arg5: memref<1000x8xf32, #tpu.memory_space<vmem>>) attributes {dimension_semantics = [#tpu.dimension_semantics<arbitrary>], iteration_bounds = array<i64: 50>, scalar_prefetch = 0 : i64, scratch_operands = 0 : i64, tpu.core_type = #tpu.core_type<tc>, window_params = [{transform_indices = @transform_0, window_bounds = array<i64: 2, 1000, 24>}, {transform_indices = @transform_1, window_bounds = array<i64: 1000, 8>}, {transform_indices = @transform_2, window_bounds = array<i64: 1000, 40>}, {pipeline_mode = #tpu.pipeline_mode<synchronous>, transform_indices = @transform_3, window_bounds = array<i64: 1, 8>}, {transform_indices = @transform_4, window_bounds = array<i64: 1000, 8>}]} {
    %get3A = arith.constant 0 : index
    %get3A_0 = arith.constant 0 : index
    %get3A_1 = vector.load %arg3[%get3A, %get3A_0] : memref<1000x40xf32, #tpu.memory_space<vmem>>, vector<1000x32xf32>
    %get3A_2 = arith.constant 0 : index
    %get3A_3 = arith.constant 0 : index
    %get3A_4 = vector.load %arg2[%get3A_2, %get3A_3] : memref<1000x8xf32, #tpu.memory_space<vmem>>, vector<1000x8xf32>
    %get3A_5 = arith.constant 0 : index
    %get3A_6 = arith.constant 0 : index
    %get3A_7 = arith.constant 0 : index
    %get3A_8 = vector.load %arg1[%get3A_5, %get3A_6, %get3A_7] : memref<2x1000x24xf32, #tpu.memory_space<vmem>>, vector<1x1000x24xf32>
    %get3A_9 = vector.shape_cast %get3A_8 : vector<1x1000x24xf32> to vector<1000x24xf32>
    %slice3A = vector.extract_strided_slice %get3A_9 {offsets = [0, 0], sizes = [1000, 8], strides = [1, 1]} : vector<1000x24xf32> to vector<1000x8xf32>
    %get3A_10 = arith.constant 0 : index
    %get3A_11 = arith.constant 0 : index
    %get3A_12 = arith.constant 0 : index
    %get3A_13 = vector.load %arg1[%get3A_10, %get3A_11, %get3A_12] : memref<2x1000x24xf32, #tpu.memory_space<vmem>>, vector<1x1000x24xf32>
    %get3A_14 = vector.shape_cast %get3A_13 : vector<1x1000x24xf32> to vector<1000x24xf32>
    %slice3A_15 = vector.extract_strided_slice %get3A_14 {offsets = [0, 16], sizes = [1000, 1], strides = [1, 1]} : vector<1000x24xf32> to vector<1000x1xf32>
    %slice3A_16 = vector.extract_strided_slice %get3A_4 {offsets = [0, 0], sizes = [1000, 1], strides = [1, 1]} : vector<1000x8xf32> to vector<1000x1xf32>
    %slice3A_17 = vector.extract_strided_slice %get3A_1 {offsets = [0, 0], sizes = [1000, 8], strides = [1, 1]} : vector<1000x32xf32> to vector<1000x8xf32>
    %mul3A = vector.broadcast %slice3A_16 : vector<1000x1xf32> to vector<1000x8xf32>
    %mul3A_18 = arith.mulf %mul3A, %slice3A_17 : vector<1000x8xf32>
    %add3A = arith.addf %slice3A, %mul3A_18 : vector<1000x8xf32>
    %add3A_19 = arith.addf %slice3A_15, %slice3A_16 : vector<1000x1xf32>
    %div3A = vector.broadcast %add3A_19 : vector<1000x1xf32> to vector<1000x8xf32>
    %div3A_20 = arith.divf %add3A, %div3A : vector<1000x8xf32>
    %get3A_21 = arith.constant 0 : index
    %get3A_22 = arith.constant 0 : index
    %get3A_23 = arith.constant 0 : index
    %get3A_24 = vector.load %arg1[%get3A_21, %get3A_22, %get3A_23] : memref<2x1000x24xf32, #tpu.memory_space<vmem>>, vector<1x1000x24xf32>
    %get3A_25 = vector.shape_cast %get3A_24 : vector<1x1000x24xf32> to vector<1000x24xf32>
    %slice3A_26 = vector.extract_strided_slice %get3A_25 {offsets = [0, 8], sizes = [1000, 8], strides = [1, 1]} : vector<1000x24xf32> to vector<1000x8xf32>
    %get3A_27 = arith.constant 0 : index
    %get3A_28 = arith.constant 0 : index
    %get3A_29 = arith.constant 0 : index
    %get3A_30 = vector.load %arg1[%get3A_27, %get3A_28, %get3A_29] : memref<2x1000x24xf32, #tpu.memory_space<vmem>>, vector<1x1000x24xf32>
    %get3A_31 = vector.shape_cast %get3A_30 : vector<1x1000x24xf32> to vector<1000x24xf32>
    %slice3A_32 = vector.extract_strided_slice %get3A_31 {offsets = [0, 17], sizes = [1000, 1], strides = [1, 1]} : vector<1000x24xf32> to vector<1000x1xf32>
    %slice3A_33 = vector.extract_strided_slice %get3A_4 {offsets = [0, 1], sizes = [1000, 1], strides = [1, 1]} : vector<1000x8xf32> to vector<1000x1xf32>
    %slice3A_34 = vector.extract_strided_slice %get3A_1 {offsets = [0, 8], sizes = [1000, 8], strides = [1, 1]} : vector<1000x32xf32> to vector<1000x8xf32>
    %mul3A_35 = vector.broadcast %slice3A_33 : vector<1000x1xf32> to vector<1000x8xf32>
    %mul3A_36 = arith.mulf %mul3A_35, %slice3A_34 : vector<1000x8xf32>
    %add3A_37 = arith.addf %slice3A_26, %mul3A_36 : vector<1000x8xf32>
    %add3A_38 = arith.addf %slice3A_32, %slice3A_33 : vector<1000x1xf32>
    %div3A_39 = vector.broadcast %add3A_38 : vector<1000x1xf32> to vector<1000x8xf32>
    %div3A_40 = arith.divf %add3A_37, %div3A_39 : vector<1000x8xf32>
    %add3A_41 = arith.addf %div3A_20, %div3A_40 : vector<1000x8xf32>
    %get3A_42 = arith.constant 1 : index
    %get3A_43 = arith.constant 0 : index
    %get3A_44 = arith.constant 0 : index
    %get3A_45 = vector.load %arg1[%get3A_42, %get3A_43, %get3A_44] : memref<2x1000x24xf32, #tpu.memory_space<vmem>>, vector<1x1000x24xf32>
    %get3A_46 = vector.shape_cast %get3A_45 : vector<1x1000x24xf32> to vector<1000x24xf32>
    %slice3A_47 = vector.extract_strided_slice %get3A_46 {offsets = [0, 0], sizes = [1000, 8], strides = [1, 1]} : vector<1000x24xf32> to vector<1000x8xf32>
    %get3A_48 = arith.constant 1 : index
    %get3A_49 = arith.constant 0 : index
    %get3A_50 = arith.constant 0 : index
    %get3A_51 = vector.load %arg1[%get3A_48, %get3A_49, %get3A_50] : memref<2x1000x24xf32, #tpu.memory_space<vmem>>, vector<1x1000x24xf32>
    %get3A_52 = vector.shape_cast %get3A_51 : vector<1x1000x24xf32> to vector<1000x24xf32>
    %slice3A_53 = vector.extract_strided_slice %get3A_52 {offsets = [0, 16], sizes = [1000, 1], strides = [1, 1]} : vector<1000x24xf32> to vector<1000x1xf32>
    %slice3A_54 = vector.extract_strided_slice %get3A_4 {offsets = [0, 2], sizes = [1000, 1], strides = [1, 1]} : vector<1000x8xf32> to vector<1000x1xf32>
    %slice3A_55 = vector.extract_strided_slice %get3A_1 {offsets = [0, 16], sizes = [1000, 8], strides = [1, 1]} : vector<1000x32xf32> to vector<1000x8xf32>
    %mul3A_56 = vector.broadcast %slice3A_54 : vector<1000x1xf32> to vector<1000x8xf32>
    %mul3A_57 = arith.mulf %mul3A_56, %slice3A_55 : vector<1000x8xf32>
    %add3A_58 = arith.addf %slice3A_47, %mul3A_57 : vector<1000x8xf32>
    %add3A_59 = arith.addf %slice3A_53, %slice3A_54 : vector<1000x1xf32>
    %div3A_60 = vector.broadcast %add3A_59 : vector<1000x1xf32> to vector<1000x8xf32>
    %div3A_61 = arith.divf %add3A_58, %div3A_60 : vector<1000x8xf32>
    %add3A_62 = arith.addf %add3A_41, %div3A_61 : vector<1000x8xf32>
    %get3A_63 = arith.constant 1 : index
    %get3A_64 = arith.constant 0 : index
    %get3A_65 = arith.constant 0 : index
    %get3A_66 = vector.load %arg1[%get3A_63, %get3A_64, %get3A_65] : memref<2x1000x24xf32, #tpu.memory_space<vmem>>, vector<1x1000x24xf32>
    %get3A_67 = vector.shape_cast %get3A_66 : vector<1x1000x24xf32> to vector<1000x24xf32>
    %slice3A_68 = vector.extract_strided_slice %get3A_67 {offsets = [0, 8], sizes = [1000, 8], strides = [1, 1]} : vector<1000x24xf32> to vector<1000x8xf32>
    %get3A_69 = arith.constant 1 : index
    %get3A_70 = arith.constant 0 : index
    %get3A_71 = arith.constant 0 : index
    %get3A_72 = vector.load %arg1[%get3A_69, %get3A_70, %get3A_71] : memref<2x1000x24xf32, #tpu.memory_space<vmem>>, vector<1x1000x24xf32>
    %get3A_73 = vector.shape_cast %get3A_72 : vector<1x1000x24xf32> to vector<1000x24xf32>
    %slice3A_74 = vector.extract_strided_slice %get3A_73 {offsets = [0, 17], sizes = [1000, 1], strides = [1, 1]} : vector<1000x24xf32> to vector<1000x1xf32>
    %slice3A_75 = vector.extract_strided_slice %get3A_4 {offsets = [0, 3], sizes = [1000, 1], strides = [1, 1]} : vector<1000x8xf32> to vector<1000x1xf32>
    %slice3A_76 = vector.extract_strided_slice %get3A_1 {offsets = [0, 24], sizes = [1000, 8], strides = [1, 1]} : vector<1000x32xf32> to vector<1000x8xf32>
    %mul3A_77 = vector.broadcast %slice3A_75 : vector<1000x1xf32> to vector<1000x8xf32>
    %mul3A_78 = arith.mulf %mul3A_77, %slice3A_76 : vector<1000x8xf32>
    %add3A_79 = arith.addf %slice3A_68, %mul3A_78 : vector<1000x8xf32>
    %add3A_80 = arith.addf %slice3A_74, %slice3A_75 : vector<1000x1xf32>
    %div3A_81 = vector.broadcast %add3A_80 : vector<1000x1xf32> to vector<1000x8xf32>
    %div3A_82 = arith.divf %add3A_79, %div3A_81 : vector<1000x8xf32>
    %add3A_83 = arith.addf %add3A_62, %div3A_82 : vector<1000x8xf32>
    %mul3A_84 = arith.constant 2.500000e-01 : f32
    %mul3A_85 = vector.broadcast %mul3A_84 : f32 to vector<1000x8xf32>
    %mul3A_86 = arith.mulf %add3A_83, %mul3A_85 : vector<1000x8xf32>
    %get3A_87 = arith.constant 0 : index
    %get3A_88 = arith.constant 0 : index
    %get3A_89 = vector.load %arg4[%get3A_87, %get3A_88] : memref<1x8xf32, #tpu.memory_space<vmem>>, vector<1x8xf32>
    %get3A_90 = vector.shape_cast %get3A_89 : vector<1x8xf32> to vector<8xf32>
    %broadcast_in_dim3A = vector.shape_cast %get3A_90 : vector<8xf32> to vector<1x8xf32>
    %add3A_91 = vector.broadcast %broadcast_in_dim3A : vector<1x8xf32> to vector<1000x8xf32>
    %add3A_92 = arith.addf %mul3A_86, %add3A_91 : vector<1000x8xf32>
    %swap3A = arith.constant 0 : index
    %swap3A_93 = arith.constant 0 : index
    %swap3A_94 = vector.load %arg5[%swap3A, %swap3A_93] : memref<1000x8xf32, #tpu.memory_space<vmem>>, vector<1000x8xf32>
    tpu.vector_store %arg5[%swap3A, %swap3A_93], %add3A_92 {strides = array<i32>} : memref<1000x8xf32, #tpu.memory_space<vmem>>, vector<1000x8xf32>,
    return
  }
  func.func @transform_0(%arg0: i32) -> (i32, i32, i32) {
    %c0_i32 = arith.constant 0 : i32
    %c0_i32_0 = arith.constant 0 : i32
    %c0_i32_1 = arith.constant 0 : i32
    return %c0_i32, %arg0, %c0_i32_0 : i32, i32, i32
  }
  func.func @transform_1(%arg0: i32) -> (i32, i32) {
    %c0_i32 = arith.constant 0 : i32
    %c0_i32_0 = arith.constant 0 : i32
    return %arg0, %c0_i32 : i32, i32
  }
  func.func @transform_2(%arg0: i32) -> (i32, i32) {
    %c0_i32 = arith.constant 0 : i32
    %c0_i32_0 = arith.constant 0 : i32
    return %arg0, %c0_i32 : i32, i32
  }
  func.func @transform_3(%arg0: i32) -> (i32, i32) {
    %c0_i32 = arith.constant 0 : i32
    %c0_i32_0 = arith.constant 0 : i32
    %c0_i32_1 = arith.constant 0 : i32
    return %c0_i32, %c0_i32_0 : i32, i32
  }
  func.func @transform_4(%arg0: i32) -> (i32, i32) {
    %c0_i32 = arith.constant 0 : i32
    %c0_i32_0 = arith.constant 0 : i32
    return %arg0, %c0_i32 : i32, i32
  }
}

module attributes {stable_mosaic.version = 14 : i64} {
  func.func @_pool_body(%arg0: i32, %arg1: memref<1000x8xf32, #tpu.memory_space<vmem>>, %arg2: memref<1000x16xf32, #tpu.memory_space<vmem>>, %arg3: memref<1x1x1000xi32, #tpu.memory_space<vmem>>, %arg4: memref<24x8xf32, #tpu.memory_space<vmem>>, %arg5: memref<1x8xf32, #tpu.memory_space<vmem>>, %arg6: memref<8x4xf32, #tpu.memory_space<vmem>>, %arg7: memref<1x4xf32, #tpu.memory_space<vmem>>, %arg8: memref<4x8xf32, #tpu.memory_space<vmem>>, %arg9: memref<1x8xf32, #tpu.memory_space<vmem>>, %arg10: memref<64x8xf32, #tpu.memory_space<vmem>>, %arg11: memref<64x25xf32, #tpu.memory_space<vmem>>) attributes {dimension_semantics = [#tpu.dimension_semantics<arbitrary>], iteration_bounds = array<i64: 50>, scalar_prefetch = 0 : i64, scratch_operands = 1 : i64, tpu.core_type = #tpu.core_type<tc>, window_params = [{transform_indices = @transform_0, window_bounds = array<i64: 1000, 8>}, {transform_indices = @transform_1, window_bounds = array<i64: 1000, 16>}, {transform_indices = @transform_2, window_bounds = array<i64: 1, 1, 1000>}, {pipeline_mode = #tpu.pipeline_mode<synchronous>, transform_indices = @transform_3, window_bounds = array<i64: 24, 8>}, {pipeline_mode = #tpu.pipeline_mode<synchronous>, transform_indices = @transform_4, window_bounds = array<i64: 1, 8>}, {pipeline_mode = #tpu.pipeline_mode<synchronous>, transform_indices = @transform_5, window_bounds = array<i64: 8, 4>}, {pipeline_mode = #tpu.pipeline_mode<synchronous>, transform_indices = @transform_6, window_bounds = array<i64: 1, 4>}, {pipeline_mode = #tpu.pipeline_mode<synchronous>, transform_indices = @transform_7, window_bounds = array<i64: 4, 8>}, {pipeline_mode = #tpu.pipeline_mode<synchronous>, transform_indices = @transform_8, window_bounds = array<i64: 1, 8>}, {pipeline_mode = #tpu.pipeline_mode<synchronous>, transform_indices = @transform_9, window_bounds = array<i64: 64, 8>}]} {
    %get3A = arith.constant 0 : index
    %get3A_0 = arith.constant 0 : index
    %get3A_1 = arith.constant 0 : index
    %get3A_2 = vector.load %arg3[%get3A, %get3A_0, %get3A_1] : memref<1x1x1000xi32, #tpu.memory_space<vmem>>, vector<1x1x1000xi32>
    %get3A_3 = vector.shape_cast %get3A_2 : vector<1x1x1000xi32> to vector<1x1000xi32>
    %iota3A = tpu.iota {dimensions = array<i32: 0>} : vector<64x1000xi32>
    %eq3A = vector.broadcast %get3A_3 : vector<1x1000xi32> to vector<64x1000xi32>
    %eq3A_4 = arith.cmpi eq, %iota3A, %eq3A : vector<64x1000xi32>
    %convert_element_type3A = arith.extui %eq3A_4 : vector<64x1000xi1> to vector<64x1000xi32>
    %convert_element_type3A_5 = arith.sitofp %convert_element_type3A : vector<64x1000xi32> to vector<64x1000xf32>
    %get3A_6 = arith.constant 0 : index
    %get3A_7 = arith.constant 0 : index
    %get3A_8 = vector.load %arg1[%get3A_6, %get3A_7] : memref<1000x8xf32, #tpu.memory_space<vmem>>, vector<1000x8xf32>
    %get3A_9 = arith.constant 0 : index
    %get3A_10 = arith.constant 0 : index
    %get3A_11 = vector.load %arg2[%get3A_9, %get3A_10] : memref<1000x16xf32, #tpu.memory_space<vmem>>, vector<1000x16xf32>
    %broadcast_in_dim3A = arith.constant 1.000000e+00 : f32
    %broadcast_in_dim3A_12 = vector.broadcast %broadcast_in_dim3A : f32 to vector<1000x1xf32>
    %concatenate3A = tpu.concatenate %get3A_8, %get3A_11, %broadcast_in_dim3A_12 in 1 : vector<1000x8xf32>, vector<1000x16xf32>, vector<1000x1xf32> -> vector<1000x25xf32>
    %dot_general3A = arith.constant dense<0.000000e+00> : vector<64x25xf32>
    %dot_general3A_13 = tpu.matmul %convert_element_type3A_5, %concatenate3A, %dot_general3A {dimension_numbers = #tpu.dot_dimension_numbers<[1], [0], [0], [1], [0, 0, 1, 1], [], []>, transpose_lhs_hint = false} : vector<64x1000xf32>, vector<1000x25xf32>, vector<64x25xf32> -> vector<64x25xf32>
    %eq3A_14 = arith.constant 0 : i32
    %eq3A_15 = arith.cmpi eq, %arg0, %eq3A_14 : i32
    %convert_element_type3A_16 = arith.extui %eq3A_15 : i1 to i32
    %cond3A = arith.constant 0 : i32
    %cond3A_17 = arith.cmpi ne, %convert_element_type3A_16, %cond3A : i32
    scf.if %cond3A_17 {
      %swap3A = arith.constant 0 : index
      %swap3A_27 = arith.constant 0 : index
      %swap3A_28 = vector.load %arg11[%swap3A, %swap3A_27] : memref<64x25xf32, #tpu.memory_space<vmem>>, vector<64x25xf32>
      tpu.vector_store %arg11[%swap3A, %swap3A_27], %dot_general3A_13 {strides = array<i32>} : memref<64x25xf32, #tpu.memory_space<vmem>>, vector<64x25xf32>,
    } else {
    }
    %gt3A = arith.constant 0 : i32
    %gt3A_18 = arith.cmpi sgt, %arg0, %gt3A : i32
    %convert_element_type3A_19 = arith.extui %gt3A_18 : i1 to i32
    %cond3A_20 = arith.constant 0 : i32
    %cond3A_21 = arith.cmpi ne, %convert_element_type3A_19, %cond3A_20 : i32
    scf.if %cond3A_21 {
      %get3A_27 = arith.constant 0 : index
      %get3A_28 = arith.constant 0 : index
      %get3A_29 = vector.load %arg11[%get3A_27, %get3A_28] : memref<64x25xf32, #tpu.memory_space<vmem>>, vector<64x25xf32>
      %add3A = arith.addf %get3A_29, %dot_general3A_13 : vector<64x25xf32>
      %swap3A = arith.constant 0 : index
      %swap3A_30 = arith.constant 0 : index
      %swap3A_31 = vector.load %arg11[%swap3A, %swap3A_30] : memref<64x25xf32, #tpu.memory_space<vmem>>, vector<64x25xf32>
      tpu.vector_store %arg11[%swap3A, %swap3A_30], %add3A {strides = array<i32>} : memref<64x25xf32, #tpu.memory_space<vmem>>, vector<64x25xf32>,
    } else {
    }
    %eq3A_22 = arith.constant 49 : i32
    %eq3A_23 = arith.cmpi eq, %arg0, %eq3A_22 : i32
    %convert_element_type3A_24 = arith.extui %eq3A_23 : i1 to i32
    %cond3A_25 = arith.constant 0 : i32
    %cond3A_26 = arith.cmpi ne, %convert_element_type3A_24, %cond3A_25 : i32
    scf.if %cond3A_26 {
      %get3A_27 = arith.constant 0 : index
      %get3A_28 = arith.constant 0 : index
      %get3A_29 = vector.load %arg11[%get3A_27, %get3A_28] : memref<64x25xf32, #tpu.memory_space<vmem>>, vector<64x25xf32>
      %slice3A = vector.extract_strided_slice %get3A_29 {offsets = [0, 24], sizes = [64, 1], strides = [1, 1]} : vector<64x25xf32> to vector<64x1xf32>
      %max3A = arith.constant 1.000000e+00 : f32
      %max3A_30 = vector.broadcast %max3A : f32 to vector<64x1xf32>
      %max3A_31 = arith.maximumf %slice3A, %max3A_30 : vector<64x1xf32>
      %slice3A_32 = vector.extract_strided_slice %get3A_29 {offsets = [0, 0], sizes = [64, 24], strides = [1, 1]} : vector<64x25xf32> to vector<64x24xf32>
      %div3A = vector.broadcast %max3A_31 : vector<64x1xf32> to vector<64x24xf32>
      %div3A_33 = arith.divf %slice3A_32, %div3A : vector<64x24xf32>
      %get3A_34 = arith.constant 0 : index
      %get3A_35 = arith.constant 0 : index
      %get3A_36 = vector.load %arg4[%get3A_34, %get3A_35] : memref<24x8xf32, #tpu.memory_space<vmem>>, vector<24x8xf32>
      %dot_general3A_37 = arith.constant dense<0.000000e+00> : vector<64x8xf32>
      %dot_general3A_38 = tpu.matmul %div3A_33, %get3A_36, %dot_general3A_37 {dimension_numbers = #tpu.dot_dimension_numbers<[1], [0], [0], [1], [0, 0, 1, 1], [], []>, transpose_lhs_hint = false} : vector<64x24xf32>, vector<24x8xf32>, vector<64x8xf32> -> vector<64x8xf32>
      %get3A_39 = arith.constant 0 : index
      %get3A_40 = arith.constant 0 : index
      %get3A_41 = vector.load %arg5[%get3A_39, %get3A_40] : memref<1x8xf32, #tpu.memory_space<vmem>>, vector<1x8xf32>
      %get3A_42 = vector.shape_cast %get3A_41 : vector<1x8xf32> to vector<8xf32>
      %broadcast_in_dim3A_43 = vector.shape_cast %get3A_42 : vector<8xf32> to vector<1x8xf32>
      %add3A = vector.broadcast %broadcast_in_dim3A_43 : vector<1x8xf32> to vector<64x8xf32>
      %add3A_44 = arith.addf %dot_general3A_38, %add3A : vector<64x8xf32>
      %max3A_45 = arith.constant 0.000000e+00 : f32
      %max3A_46 = vector.broadcast %max3A_45 : f32 to vector<64x8xf32>
      %max3A_47 = arith.maximumf %add3A_44, %max3A_46 : vector<64x8xf32>
      %get3A_48 = arith.constant 0 : index
      %get3A_49 = arith.constant 0 : index
      %get3A_50 = vector.load %arg6[%get3A_48, %get3A_49] : memref<8x4xf32, #tpu.memory_space<vmem>>, vector<8x4xf32>
      %dot_general3A_51 = arith.constant dense<0.000000e+00> : vector<64x4xf32>
      %dot_general3A_52 = tpu.matmul %max3A_47, %get3A_50, %dot_general3A_51 {dimension_numbers = #tpu.dot_dimension_numbers<[1], [0], [0], [1], [0, 0, 1, 1], [], []>, transpose_lhs_hint = false} : vector<64x8xf32>, vector<8x4xf32>, vector<64x4xf32> -> vector<64x4xf32>
      %get3A_53 = arith.constant 0 : index
      %get3A_54 = arith.constant 0 : index
      %get3A_55 = vector.load %arg7[%get3A_53, %get3A_54] : memref<1x4xf32, #tpu.memory_space<vmem>>, vector<1x4xf32>
      %get3A_56 = vector.shape_cast %get3A_55 : vector<1x4xf32> to vector<4xf32>
      %broadcast_in_dim3A_57 = vector.shape_cast %get3A_56 : vector<4xf32> to vector<1x4xf32>
      %add3A_58 = vector.broadcast %broadcast_in_dim3A_57 : vector<1x4xf32> to vector<64x4xf32>
      %add3A_59 = arith.addf %dot_general3A_52, %add3A_58 : vector<64x4xf32>
      %max3A_60 = arith.constant 0.000000e+00 : f32
      %max3A_61 = vector.broadcast %max3A_60 : f32 to vector<64x4xf32>
      %max3A_62 = arith.maximumf %add3A_59, %max3A_61 : vector<64x4xf32>
      %get3A_63 = arith.constant 0 : index
      %get3A_64 = arith.constant 0 : index
      %get3A_65 = vector.load %arg8[%get3A_63, %get3A_64] : memref<4x8xf32, #tpu.memory_space<vmem>>, vector<4x8xf32>
      %dot_general3A_66 = arith.constant dense<0.000000e+00> : vector<64x8xf32>
      %dot_general3A_67 = tpu.matmul %max3A_62, %get3A_65, %dot_general3A_66 {dimension_numbers = #tpu.dot_dimension_numbers<[1], [0], [0], [1], [0, 0, 1, 1], [], []>, transpose_lhs_hint = false} : vector<64x4xf32>, vector<4x8xf32>, vector<64x8xf32> -> vector<64x8xf32>
      %get3A_68 = arith.constant 0 : index
      %get3A_69 = arith.constant 0 : index
      %get3A_70 = vector.load %arg9[%get3A_68, %get3A_69] : memref<1x8xf32, #tpu.memory_space<vmem>>, vector<1x8xf32>
      %get3A_71 = vector.shape_cast %get3A_70 : vector<1x8xf32> to vector<8xf32>
      %broadcast_in_dim3A_72 = vector.shape_cast %get3A_71 : vector<8xf32> to vector<1x8xf32>
      %add3A_73 = vector.broadcast %broadcast_in_dim3A_72 : vector<1x8xf32> to vector<64x8xf32>
      %add3A_74 = arith.addf %dot_general3A_67, %add3A_73 : vector<64x8xf32>
      %swap3A = arith.constant 0 : index
      %swap3A_75 = arith.constant 0 : index
      %swap3A_76 = vector.load %arg10[%swap3A, %swap3A_75] : memref<64x8xf32, #tpu.memory_space<vmem>>, vector<64x8xf32>
      tpu.vector_store %arg10[%swap3A, %swap3A_75], %add3A_74 {strides = array<i32>} : memref<64x8xf32, #tpu.memory_space<vmem>>, vector<64x8xf32>,
    } else {
    }
    return
  }
  func.func @transform_0(%arg0: i32) -> (i32, i32) {
    %c0_i32 = arith.constant 0 : i32
    %c0_i32_0 = arith.constant 0 : i32
    return %arg0, %c0_i32 : i32, i32
  }
  func.func @transform_1(%arg0: i32) -> (i32, i32) {
    %c0_i32 = arith.constant 0 : i32
    %c0_i32_0 = arith.constant 0 : i32
    return %arg0, %c0_i32 : i32, i32
  }
  func.func @transform_2(%arg0: i32) -> (i32, i32, i32) {
    %c0_i32 = arith.constant 0 : i32
    %c0_i32_0 = arith.constant 0 : i32
    %c0_i32_1 = arith.constant 0 : i32
    return %arg0, %c0_i32, %c0_i32_0 : i32, i32, i32
  }
  func.func @transform_3(%arg0: i32) -> (i32, i32) {
    %c0_i32 = arith.constant 0 : i32
    %c0_i32_0 = arith.constant 0 : i32
    %c0_i32_1 = arith.constant 0 : i32
    return %c0_i32, %c0_i32_0 : i32, i32
  }
  func.func @transform_4(%arg0: i32) -> (i32, i32) {
    %c0_i32 = arith.constant 0 : i32
    %c0_i32_0 = arith.constant 0 : i32
    %c0_i32_1 = arith.constant 0 : i32
    return %c0_i32, %c0_i32_0 : i32, i32
  }
  func.func @transform_5(%arg0: i32) -> (i32, i32) {
    %c0_i32 = arith.constant 0 : i32
    %c0_i32_0 = arith.constant 0 : i32
    %c0_i32_1 = arith.constant 0 : i32
    return %c0_i32, %c0_i32_0 : i32, i32
  }
  func.func @transform_6(%arg0: i32) -> (i32, i32) {
    %c0_i32 = arith.constant 0 : i32
    %c0_i32_0 = arith.constant 0 : i32
    %c0_i32_1 = arith.constant 0 : i32
    return %c0_i32, %c0_i32_0 : i32, i32
  }
  func.func @transform_7(%arg0: i32) -> (i32, i32) {
    %c0_i32 = arith.constant 0 : i32
    %c0_i32_0 = arith.constant 0 : i32
    %c0_i32_1 = arith.constant 0 : i32
    return %c0_i32, %c0_i32_0 : i32, i32
  }
  func.func @transform_8(%arg0: i32) -> (i32, i32) {
    %c0_i32 = arith.constant 0 : i32
    %c0_i32_0 = arith.constant 0 : i32
    %c0_i32_1 = arith.constant 0 : i32
    return %c0_i32, %c0_i32_0 : i32, i32
  }
  func.func @transform_9(%arg0: i32) -> (i32, i32) {
    %c0_i32 = arith.constant 0 : i32
    %c0_i32_0 = arith.constant 0 : i32
    %c0_i32_1 = arith.constant 0 : i32
    return %c0_i32, %c0_i32_0 : i32, i32
  }
}

</mosaic_0001>

<sc_bundles>
// kernel: kernel.16.cloned.1.call-start
scs
__scs_entry_jumppad:
0x0: {  	(pc) =	sbr.rel $0x88, $3  }
0x1: {  	(tag) =	ssettag $0x0;
	lr =	simm.s32 $0x1  }
0x2: {  	[smem:$0x3F85] =	sst lr;
	_ =	strace $0xD0000000  }
0x3: {  	_ = 	snop  }
0x4: {  	_ = 	snop  }
0x5: {  	_ = 	snop  }
0x6: {  	_ = 	snop  }
0x7: {  	_ = 	snop  }
__scs_overlays_trampoline_lowered:
0x8: {  	[smem:$0x3F94] =	sst s0  }
0x9: {  	[smem:$0x3F95] =	sst s1  }
0xa: {  	[smem:$0x3F96] =	sst s2  }
0xb: {  	[smem:$0x3F97] =	sst s3  }
0xc: {  	[smem:$0x3F98] =	sst s4  }
0xd: {  	[smem:$0x3F99] =	sst s5  }
0xe: {  	[smem:$0x3F9A] =	sst s6  }
0xf: {  	[smem:$0x3F9B] =	sst s7  }
0x10: {  	[smem:$0x3F9C] =	sst s8  }
0x11: {  	[smem:$0x3F9D] =	sst s9;
	s0 =	simm.s32 @!p0 $0x0  }
0x12: {  	s1 =	sld [smem:$0x3F83];
	s0 =	simm.s32 @p0 $0x1  }
0x13: {  	[smem:$0x3F9E] =	sst s0;
	s0 =	simm.s32 @!p1 $0x0  }
0x14: {  	s2 =	sld [smem:$0x3F82];
	s0 =	simm.s32 @p1 $0x1  }
0x15: {  	[smem:$0x3F9F] =	sst s0;
	s0 =	simm.s32 @!p2 $0x0  }
0x16: {  	s3 =	sld [smem:$0x3FDB];
	s0 =	simm.s32 @p2 $0x1  }
0x17: {  	s4 =	simm.s32 $0x1BF5;
	[smem:$0x3FA1] =	sst s0  }
0x18: {  	s0 =	sld [smem:$0x3F84];
	_ =	swait.ge [sflag:s4], $0x0  }
0x19: {  	s7 =	sld [smem:$0x3F85]  }
0x1a: {  	s8 =	sadd.s32 $0xFFFFE003, lr  }
0x1b: {  	s9 =	sadd.s32 $0xFFFFFEF7, lr;
	s5 =	simm.s32 $0xFFFFFFFF;
	p2 =	slt.u32 s8, $0xFFFFF086  }
0x1c: {  	p1 =	slt.u32 s9, $0xF7A;
	s5 =	simm.s32 @!p2 $0x0  }
0x1d: {  	s5 =	simm.s32 @p1 $0x1;
	p0 =	seq.s32 s7, s2  }
0x1e: {  	s7 =	smul.u32 @!p0 $0xF7A, s2;
	p2 =	seq.s32 @!p0 s5, $0x0  }
0x1f: {  	s9 =	smul.u32 $0xF7A, s1;
	s8 =	simm.s32 @!p0 $0x1BF5;
	p2 =	por !p2, p0  }
0x20: {  	[sflag:s8] =	ssyncset.s32 @!p0 $0xFFFFF086;
	s6 =	sadd.s32 @!p0 s3, s7;
	s7 =	simm.s32 @!p0 $0x108  }
0x21: {  	s3 =	sadd.s32 s3, s9;
	s6 =	sadd.s32 @!p0 $0x88, s6;
	s7 =	simm.s32 @p2 $0x1082  }
0x22: {  	[simem:s7], [sflag:s8] =	dma.local @!p0 [hbm:s6], $0xF7A  }
0x23: {  	s9 =	sor.u32 $0xD0000000, s2;
	s6 =	simm.s32 $0x108;
	_ =	swait.ge @!p0 [sflag:s8], $0x0  }
0x24: {  	s3 =	sadd.s32 $0x88, s3;
	s6 =	simm.s32 @!p1 $0x1082;
	[sflag:s4] =	ssyncset.s32 $0xFFFFF086  }
0x25: {  	[simem:s6], [sflag:s4] =	dma.local [hbm:s3], $0xF7A  }
0x26: {  	[smem:$0x3F85] =	sst s1;
	(tag) =	ssettag s2;
	_ =	strace s9  }
0x27: {  	s1 =	sld [smem:$0x3F95]  }
0x28: {  	s2 =	sld [smem:$0x3F96]  }
0x29: {  	s4 =	sld [smem:$0x3F98]  }
0x2a: {  	p0 =	seq.s32 s5, $0x0;
	s5 =	sld [smem:$0x3F99]  }
0x2b: {  	s6 =	sld [smem:$0x3F9A]  }
0x2c: {  	s7 =	sld [smem:$0x3F9B]  }
0x2d: {  	s3 =	simm.s32 $0x108;
	s8 =	sld [smem:$0x3F9C]  }
0x2e: {  	s3 =	simm.s32 @!p0 $0x1082;
	s9 =	sld [smem:$0x3F9D]  }
0x2f: {  	lr =	sadd.s32 s0, s3;
	s0 =	sld [smem:$0x3F94]  }
0x30: {  	s3 =	sld [smem:$0x3F97]  }
0x31: {  	[smem:$0x3FA0] =	sst s10  }
0x32: {  	s10 =	sld [smem:$0x3F9E];
	_ =	sdelay $0x3  }
0x33: {  	p0 =	seq.s32 s10, $0x1;
	s10 =	sld [smem:$0x3FA0];
	_ =	sdelay $0x3  }
0x34: {  	[smem:$0x3FA0] =	sst s10  }
0x35: {  	s10 =	sld [smem:$0x3F9F];
	_ =	sdelay $0x3  }
0x36: {  	p1 =	seq.s32 s10, $0x1;
	s10 =	sld [smem:$0x3FA0];
	_ =	sdelay $0x3  }
0x37: {  	[smem:$0x3FA0] =	sst s10  }
0x38: {  	s10 =	sld [smem:$0x3FA1]  }
0x39: {  	_ = 	snop;
	(pc) =	sbr.ind lr, $3  }
0x3a: {  	_ = 	snop  }
0x3b: {  	_ = 	snop  }
0x3c: {  	p2 =	seq.s32 s10, $0x1;
	s10 =	sld [smem:$0x3FA0]  }
0x3d: {  	_ =	shalt  }
0x3e: {  	_ =	shalt  }
0x3f: {  	_ =	shalt  }
0x40: {  	_ =	shalt  }
0x41: {  	_ =	shalt  }
0x42: {  	_ =	shalt  }
0x43: {  	_ =	shalt  }
0x44: {  	_ =	shalt  }
0x45: {  	_ =	shalt  }
0x46: {  	_ =	shalt  }
0x47: {  	_ =	shalt  }
0x48: {  	_ =	shalt  }
0x49: {  	_ =	shalt  }
0x4a: {  	_ =	shalt  }
0x4b: {  	_ =	shalt  }
0x4c: {  	_ =	shalt  }
0x4d: {  	_ =	shalt  }
0x4e: {  	_ =	shalt  }
0x4f: {  	_ =	shalt  }
0x50: {  	_ =	shalt  }
0x51: {  	_ =	shalt  }
0x52: {  	_ =	shalt  }
0x53: {  	_ =	shalt  }
0x54: {  	_ =	shalt  }
0x55: {  	_ =	shalt  }
0x56: {  	_ =	shalt  }
0x57: {  	_ =	shalt  }
0x58: {  	_ =	shalt  }
0x59: {  	_ =	shalt  }
0x5a: {  	_ =	shalt  }
0x5b: {  	_ =	shalt  }
0x5c: {  	_ =	shalt  }
0x5d: {  	_ =	shalt  }
0x5e: {  	_ =	shalt  }
0x5f: {  	_ =	shalt  }
0x60: {  	_ =	shalt  }
0x61: {  	_ =	shalt  }
0x62: {  	_ =	shalt  }
0x63: {  	_ =	shalt  }
0x64: {  	_ =	shalt  }
0x65: {  	_ =	shalt  }
0x66: {  	_ =	shalt  }
0x67: {  	_ =	shalt  }
0x68: {  	_ =	shalt  }
0x69: {  	_ =	shalt  }
0x6a: {  	_ =	shalt  }
0x6b: {  	_ =	shalt  }
0x6c: {  	_ =	shalt  }
0x6d: {  	_ =	shalt  }
0x6e: {  	_ =	shalt  }
0x6f: {  	_ =	shalt  }
0x70: {  	_ =	shalt  }
0x71: {  	_ =	shalt  }
0x72: {  	_ =	shalt  }
0x73: {  	_ =	shalt  }
0x74: {  	_ =	shalt  }
0x75: {  	_ =	shalt  }
0x76: {  	_ =	shalt  }
0x77: {  	_ =	shalt  }
0x78: {  	_ =	shalt  }
0x79: {  	_ =	shalt  }
0x7a: {  	_ =	shalt  }
0x7b: {  	_ =	shalt  }
0x7c: {  	_ =	shalt  }
0x7d: {  	_ =	shalt  }
0x7e: {  	_ =	shalt  }
0x7f: {  	_ =	shalt  }
0x80: {  	_ =	shalt  }
0x81: {  	_ =	shalt  }
0x82: {  	_ =	shalt  }
0x83: {  	_ =	shalt  }
0x84: {  	_ =	shalt  }
0x85: {  	_ =	shalt  }
0x86: {  	_ =	shalt  }
0x87: {  	_ =	shalt  }
.Lfunc_end0:
.L_simem_size_0:
called_computation_lowered:
.L_overlay_start_0:
0x88: {  	s2 =	sld [smem:$0x3FD9]  }
0x89: {  	s3 =	sld [smem:$0x3FFE];
	_ =	sdelay $0x1  }
0x8a: {  	s1 =	srdreg.scid  }
0x8b: {  	s0 =	sand.u32 $0x1, s1  }
0x8c: {  	s16 =	sshll.u32 s0, $0xA;
	s2 =	sadd.s32 s3, s2  }
0x8d: {  	s2 =	sadd.s32 s2, s16  }
0x8e: {  	[smem:$0x3FAC] =	sst s2  }
0x8f: {  	_ = 	snop  }
0x90: {  	(tm) =	ssettm $0x1  }
0x91: {  	s17 =	sld [smem:$0x3FFB];
	_ =	sdelay $0x3  }
0x92: {  	_ =	strace s17  }
0x93: {  	s2 =	sld [smem:$0x3FFC];
	_ =	sdelay $0x3  }
0x94: {  	_ =	strace s2  }
0x95: {  	s2 =	sld [smem:$0x3FFD];
	_ =	sdelay $0x3  }
0x96: {  	_ =	strace s2  }
0x97: {  	_ =	strace $0x8FFFFFFF  }
0x98: {  	s18 =	sld [smem:$0x3FDB];
	_ =	sdelay $0x1  }
0x99: {  	s19 =	simm.s32 $_scs_section_size  }
0x9a: {  	s4 =	simm.s32 $_size__tile_overlayer_lowered;
	s5 =	simm.s32 $_tile_overlayer_lowered  }
0x9b: {  	s22 =	simm.s32 $0x1BFF;
	s21 =	sshll.u32 s5, $0x1;
	s2 =	sadd.s32 s19, s18  }
0x9c: {  	s6 =	simm.s32 $0x0;
	s20 =	sshll.u32 s4, $0x1;
	s4 =	sadd.s32 s21, s2  }
0x9d: {  	[timem:s6], [sflag:s22] =	dma.local [hbm:s4], s20  }
0x9e: {  	_ =	swait.ge [sflag:s22], s20  }
0x9f: {  	s3 =	ssub.s32 $0x0, s20;
	[sflag:s22] =	ssyncset.done $0x0  }
0xa0: {  	[sflag:s22] =	ssyncadd.s32 s3;
	_ =	sdelay $0x1  }
0xa1: {  	s23 =	simm.s32 $0x1B8B  }
0xa2: {  	_ =	swait.ge [sflag:s23], $0x1  }
0xa3: {  	[sflag:s23] =	ssyncset.done $0x0  }
0xa4: {  	s25 =	simm.s32 $0x1B8E;
	s24 =	sld [smem:$0x3FFE];
	[sflag:s23] =	ssyncadd.s32 $0xFFFFFFFF  }
0xa5: {  	s26 =	simm.s32 $execute0_lowered;
	[smem:$0x3FD2] =	sst s25  }
0xa6: {  	s4 =	sshll.u32 s26, $0x1;
	_ =	strace $0x80000046;
	[dreg:$0x1] =	wrdreg $0xFFFFFFFF  }
0xa7: {  	s28 =	simm.s32 $_size_execute0_lowered;
	s2 =	sadd.s32 s2, s4;
	[dreg:$0x0] =	wrdreg $0x0  }
0xa8: {  	s4 =	sshll.u32 s28, $0x1;
	[dreg:$0x2] =	wrdreg s2  }
0xa9: {  	[dreg:$0x3] =	wrdreg s4  }
0xaa: {  	[dreg:$0x4] =	wrdreg $0xC0  }
0xab: {  	_ =	task [dreg:s6], $0x5FFFF  }
0xac: {  	[dreg:$0x1] =	wrdreg $0xFFFFFFFF  }
0xad: {  	[dreg:$0x0] =	wrdreg $0x60  }
0xae: {  	[dreg:$0x2] =	wrdreg s24  }
0xaf: {  	[dreg:$0x3] =	wrdreg $0xA4200  }
0xb0: {  	[dreg:$0x4] =	wrdreg $0x9  }
0xb1: {  	_ =	task.clear_ibuf [dreg:s6], $0x5FFFF;
	_ =	strace $0x90000046  }
0xb2: {  	s29 =	simm.s32 $0x9;
	_ =	strace $0x80000048  }
0xb3: {  	_ =	swait.ge [sflag:s29], $0x1  }
0xb4: {  	[sflag:s29] =	ssyncadd.s32 $0xFFFFFFFF  }
0xb5: {  	_ =	strace $0x90000048  }
0xb6: {  	_ =	sfence  }
0xb7: {  	s30 =	sld [smem:$0x0];
	_ =	sdelay $0x2  }
0xb8: {  	s31 =	sshll.u32 s1, $0xD;
	s1 =	sshrl.u32 s1, $0x2  }
0xb9: {  	s3 =	sand.u32 $0x4000, s31;
	s1 =	sadd.s32 s1, s30  }
0xba: {  	s0 =	sor.u32 s3, s0;
	s1 =	sshll.u32 s1, $0x11  }
0xbb: {  	s0 =	sor.u32 s1, s0  }
0xbc: {  	s0 =	sadd.s32 $0x8F2B, s0  }
0xbd: {  	[sflag:s0] =	ssyncadd.remote.s32 $0x1  }
0xbe: {  	_ =	sfence.sel $0xFFFF  }
0xbf: {  	[dreg:$0x0] =	wrdreg $0xFFFFFFFF;
	(pc) =	sbr.abs _section_cstart, $3  }
0xc0: {  	[dreg:$0x1] =	wrdreg $0xFFFFFFFF  }
0xc1: {  	_ =	task.clear_ibuf [dreg:s6], $0x2FFFF;
	_ =	strace $0x9FFFFFFF  }
0xc2: {  	(tm) =	ssettm $0x7FFFFFFF  }
0xc3: {  	_ =	shalt  }
tec
execute0_lowered:
.L_overlay_start_1:
0x0: {  	(tag) =	ssettag $0x1  }
0x1: {  	s0 =	rddreg [dreg:$0x0]  }
0x2: {  	s1 =	rddreg [dreg:$0x1];
	s2 =	simm.s32 $0x0  }
0x3: {  	s14 =	stileid.u32;
	s19 =	srdreg.scid;
	s16 =	simm.s32 $0x5  }
0x4: {  	s17 =	simm.s32 $0xA400;
	s18 =	simm.s32 $0x200;
	s28 =	simm.s32 $0x1  }
0x5: {  	s29 =	simm.s32 $0x3;
	s30 =	simm.s32 $0x7400;
	s31 =	simm.s32 $0x2  }
0x6: {  	[smem:$0x7FF] =	sst s2;
	s4 =	sadd.s32 $0x104800, s0;
	s3 =	smul.u32 $0x12540, s14  }
0x7: {  	s2 =	sand.u32 $0x1, s19;
	s5 =	sadd.s32 $0x3400, s0;
	s6 =	sadd.s32 $0x34400, s0  }
0x8: {  	s7 =	sadd.s32 $0x27F000, s0;
	s8 =	sadd.s32 $0xF8400, s0;
	s10 =	sadd.s32 $0x1BC00, s0  }
0x9: {  	s23 =	sshll.u32 s14, $0x6;
	s19 =	simm.s32 $0x400;
	_ =	strace $0x80000047  }
0xa: {  	s9 =	smul.u32 $0x125400, s2;
	[dreg:$0x3] =	wrdreg s10;
	s20 =	ssub.s32 $0x2, s2  }
0xb: {  	s24 =	sshll.u32 s2, $0x1;
	s13 =	sshllo.u32 s2, $0x1;
	s2 =	sshll.u32 s2, $0x4  }
0xc: {  	s11 =	sshrl.u32 s3, $0x3;
	s12 =	sshrl.u32 s20, $0x1;
	s15 =	sshll.u32 s13, $0x3  }
0xd: {  	v0 =	vmov s24;
	v2 =	vmov s2;
	s24 =	simm.s32 $0xC00;
	s2 =	simm.s32 $0x8C00;
	s9 =	sadd.s32 s3, s9  }
0xe: {  	s11 =	sadd.s32 s11, s0;
	s21 =	ssub.s32 s20, s12;
	s3 =	sadd.s32 s3, s1  }
0xf: {  	s12 =	smul.u32 $0xC4, s14;
	s20 =	simm.s32 $0x100;
	s9 =	sshrl.u32 s9, $0x3  }
0x10: {  	s22 =	sadd.s32 $0x11D000, s11;
	s11 =	sor.u32 $0x1C05, s23;
	s25 =	smax.u32 s21, $0x1  }
0x11: {  	s26 =	sshrl.u32 s3, $0x3;
	s21 =	simm.s32 $0x1400;
	s23 =	simm.s32 $0x300  }
0x12: {  	v10 =	vimm.f32 $0.0e+00;
	s3 =	simm.s32 $0x0;
	s0 =	sadd.s32 s9, s0;
	[dreg:$0x4] =	wrdreg s22  }
0x13: {  	v11 =	vlaneseq.u32;
	v1 =	vmov s13;
	v3 =	vor.u32 $0x4, v0;
	[dreg:$0x6] =	wrdreg s25;
	s10 =	smov.u32 s26;
	s22 =	simm.s32 $0x6400  }
0x14: {  	v4 =	vor.u32 $0x8, v0;
	v5 =	vmov s15;
	v6 =	vor.u32 $0xC, v0;
	s25 =	simm.s32 $0x3C00;
	s0 =	sadd.s32 $0x141C00, s0;
	[dreg:$0x7] =	wrdreg s10  }
0x15: {  	v7 =	vor.u32 $0x4, v1;
	v8 =	vor.u32 $0x8, v1;
	v9 =	vor.u32 $0xC, v1;
	s26 =	simm.s32 $0x6C00;
	[dreg:$0x5] =	wrdreg s0;
	s0 =	simm.s32 $0x4  }
.LBB2_1:
0x16: {  	s9 =	rddreg [dreg:$0x4]  }
0x17: {  	[spmem:s10], [sflag:s11] =	dma.local [hbm:s9], $0x24A8  }
0x18: {  	_ =	swait.ge [sflag:s16], $0x24A8  }
0x19: {  	[sflag:s16] =	ssyncset.done $0x0  }
0x1a: {  	s13 =	simm.s32 $0x0;
	s14 =	rddreg [dreg:$0x3];
	[sflag:s16] =	ssyncadd.s32 $0xFFFFDB58  }
0x1b: {  	[tilespmem:s17], [sflag:$0x5] =	stream.linear.gather [hbm4b:s14+s13], $0x20, $0x38;
	[tilespmem:$0x1C960] =	vst v63  }
0x1c: {  	_ =	swait.ge [sflag:s16], $0x20  }
0x1d: {  	[sflag:s16] =	ssyncset.done $0x0  }
0x1e: {  	s9 =	simm.s32 $0x0;
	[sflag:s16] =	ssyncadd.s32 $0xFFFFFFE0  }
0x1f: {  	s15 =	smov.u32 s11;
	s10 =	simm.s32 $0x60;
	[tilespmem:s9+$0x7400] =	vst v10  }
.LBB2_2:
0x20: {  	p0 =	sne.s32 s10, $0x5FA0;
	[tilespmem:s9+$0x7408] =	vst v10;
	s13 =	smov.u32 s10;
	s10 =	sadd.s32 $0x60, s10  }
.Ltmp0:
0x21: {  	[tilespmem:s9+$0x8C00] =	vst v10;
	(pc) =	sbr.rel @p0 .LBB2_2-.Ltmp0, $3  }
0x22: {  	[tilespmem:s9+$0x8C08] =	vst v10;
	_ =	sdelay $0x1  }
0x23: {  	s9 =	sshra.s32 s13, $0x2  }
0x24: {  	[tilespmem:s9+$0x7400] =	vst v10  }
0x25: {  	[tilespmem:s9+$0x7408] =	vst v10  }
0x26: {  	[tilespmem:s9+$0x8C00] =	vst v10  }
0x27: {  	[tilespmem:s9+$0x8C08] =	vst v10  }
0x28: {  	[bflag:$0x0] =	sbarrier.arrive $0xFFFF  }
0x29: {  	v12 =	vld.idx.msk [tilespmem:v0+s17+$0x0], $0xffff  }
0x2a: {  	v13 =	vld.idx.msk [tilespmem:v3+s17+$0x0], $0xffff  }
0x2b: {  	v14 =	vld.idx.msk [tilespmem:v4+s17+$0x0], $0xffff  }
0x2c: {  	v15 =	vld.idx.msk [tilespmem:v6+s17+$0x0], $0xffff  }
0x2d: {  	v16 =	vld.idx.msk [tilespmem:v1+s17+$0x0], $0xffff  }
0x2e: {  	v17 =	vld.idx.msk [tilespmem:v7+s17+$0x0], $0xffff  }
0x2f: {  	v18 =	vld.idx.msk [tilespmem:v8+s17+$0x0], $0xffff  }
0x30: {  	s10 =	simm.s32 $0x0;
	s9 =	simm.s32 $0x0;
	v19 =	vld.idx.msk [tilespmem:v9+s17+$0x0], $0xffff  }
.LBB2_4:
0x31: {  	s13 =	sshll.u32 s10, $0x1  }
0x32: {  	s13 =	sadd.s32 s12, s13  }
0x33: {  	s14 =	sshll.u32 s13, $0x5  }
0x34: {  	s11 =	sadd.s32 s4, s14  }
0x35: {  	[tilespmem:s9], [sflag:$0x5] =	stream.linear.gather [hbm4b:s11+s9], $0x100, $0x38;
	[tilespmem:$0x1C960] =	vst v63  }
0x36: {  	_ =	swait.ge [sflag:s16], $0x100  }
0x37: {  	[sflag:s16] =	ssyncset.done $0x0  }
0x38: {  	s14 =	sadd.s32 s5, s14;
	[sflag:s16] =	ssyncadd.s32 $0xFFFFFF00  }
0x39: {  	[tilespmem:s18], [sflag:$0x5] =	stream.linear.gather [hbm4b:s14+s9], $0x100, $0x38;
	[tilespmem:$0x1C960] =	vst v63  }
0x3a: {  	_ =	swait.ge [sflag:s16], $0x100  }
0x3b: {  	s14 =	sshll.u32 s13, $0x8;
	[sflag:s16] =	ssyncset.done $0x0  }
0x3c: {  	s13 =	sadd.s32 s6, s14;
	[sflag:s16] =	ssyncadd.s32 $0xFFFFFF00  }
0x3d: {  	[tilespmem:s19], [sflag:$0x5] =	stream.linear.gather [hbm4b:s13+s9], $0x800, $0x38;
	[tilespmem:$0x1C960] =	vst v63  }
0x3e: {  	_ =	swait.ge [sflag:s16], $0x800  }
0x3f: {  	[sflag:s16] =	ssyncset.done $0x0  }
0x40: {  	s11 =	sor.u32 $0x100, s14;
	[sflag:s16] =	ssyncadd.s32 $0xFFFFF800  }
0x41: {  	[tilespmem:s21], [sflag:$0x1] =	stream.indirect.gather [hbm4b:s7+s20], $0x28, s9, s20, $0xb8;
	[tilespmem:$0x1C960] =	vst v63  }
0x42: {  	s13 =	sshrl.u32 s11, $0x3  }
0x43: {  	[tilespmem:s22], [sflag:$0x3] =	stream.indirect.gather [hbm4b:s8+s20], $0x8, s18, s20, $0xb8;
	[tilespmem:$0x1C960] =	vst v63  }
0x44: {  	s14 =	sadd.s32 s4, s13  }
0x45: {  	[tilespmem:s20], [sflag:$0x5] =	stream.linear.gather [hbm4b:s14+s9], $0x100, $0x38;
	[tilespmem:$0x1C960] =	vst v63  }
0x46: {  	_ =	swait.ge [sflag:s16], $0x100  }
0x47: {  	[sflag:s16] =	ssyncset.done $0x0  }
0x48: {  	s13 =	sadd.s32 s5, s13;
	[sflag:s16] =	ssyncadd.s32 $0xFFFFFF00  }
0x49: {  	[tilespmem:s23], [sflag:$0x5] =	stream.linear.gather [hbm4b:s13+s9], $0x100, $0x38;
	[tilespmem:$0x1C960] =	vst v63  }
0x4a: {  	_ =	swait.ge [sflag:s16], $0x100  }
0x4b: {  	[sflag:s16] =	ssyncset.done $0x0  }
0x4c: {  	s11 =	sadd.s32 s6, s11;
	[sflag:s16] =	ssyncadd.s32 $0xFFFFFF00  }
0x4d: {  	[tilespmem:s24], [sflag:$0x5] =	stream.linear.gather [hbm4b:s11+s9], $0x800, $0x38;
	[tilespmem:$0x1C960] =	vst v63  }
0x4e: {  	_ =	swait.ge [sflag:s16], $0x800  }
0x4f: {  	[sflag:s16] =	ssyncset.done $0x0  }
0x50: {  	[sflag:s16] =	ssyncadd.s32 $0xFFFFF800  }
0x51: {  	[tilespmem:s25], [sflag:$0x2] =	stream.indirect.gather [hbm4b:s7+s20], $0x28, s20, s20, $0xb8;
	[tilespmem:$0x1C960] =	vst v63  }
0x52: {  	_ = 	snop  }
0x53: {  	[tilespmem:s26], [sflag:$0x4] =	stream.indirect.gather [hbm4b:s8+s20], $0x8, s23, s20, $0xb8;
	[tilespmem:$0x1C960] =	vst v63  }
0x54: {  	v20 =	vor.u32 s9, v11;
	_ =	swait.ge [sflag:s28], $0x2800  }
0x55: {  	v21 =	vshll.u32 v20, $0x3;
	[sflag:s28] =	ssyncset.done $0x0  }
0x56: {  	v22 =	vor.u32 $0x1, v21;
	[sflag:s28] =	ssyncadd.s32 $0xFFFFD800  }
0x57: {  	_ =	swait.ge [sflag:s29], $0x800  }
0x58: {  	v23 =	vor.u32 $0x2, v21;
	[sflag:s29] =	ssyncset.done $0x0  }
0x59: {  	v24 =	vmul.u32 $0x28, v20;
	[sflag:s29] =	ssyncadd.s32 $0xFFFFF800  }
0x5a: {  	v25 =	vor.u32 $0x3, v21;
	v26 =	vld.idx.msk [tilespmem:v21+s19+$0x0], $0xffff  }
0x5b: {  	v28 =	vor.u32 v0, v21;
	v27 =	vadd.s32 $0x20, v24;
	v22 =	vld.idx.msk [tilespmem:v22+s19+$0x0], $0xffff  }
0x5c: {  	v29 =	vor.u32 v0, v27  }
0x5d: {  	v23 =	vld.idx.msk [tilespmem:v23+s19+$0x0], $0xffff;
	_ =	sdelay $0x1  }
0x5e: {  	v25 =	vld.idx.msk [tilespmem:v25+s19+$0x0], $0xffff  }
0x5f: {  	v28 =	vld.idx.msk [tilespmem:v28+s22+$0x0], $0xffff;
	v30 =	vmul.f32 v26, v12;
	v31 =	vmul.f32 v22, v13  }
0x60: {  	v29 =	vld.idx.msk [tilespmem:v29+s21+$0x0], $0xffff  }
0x61: {  	v30 =	vadd.f32 v31, v30;
	v31 =	vmul.f32 v23, v14  }
0x62: {  	v32 =	vor.u32 v3, v21  }
0x63: {  	v30 =	vadd.f32 v31, v30;
	v31 =	vmul.f32 v25, v15;
	_ =	sdelay $0x1  }
0x64: {  	v28 =	vadd.f32 v28, v29;
	v30 =	vadd.f32 v31, v30;
	_ =	sdelay $0x1  }
0x65: {  	v29 =	vld.idx.msk [tilespmem:v32+s22+$0x0], $0xffff;
	v28 =	vadd.f32 v28, v30;
	_ =	sdelay $0x1  }
0x66: {  	v30 =	vmul.f32 $2.000000030e-01, v28  }
0x67: {  	vm0 =	vgt.f32 v28, $0.0e+00  }
0x68: {  	v28 =	vsel vm0, v28, v30  }
0x69: {  	v28 =	vsub.f32 v28, v29;
	_ =	sdelay $0x1  }
0x6a: {  	v28 =	vmul.f32 $1.442695020e+00, v28;
	_ =	sdelay $0x1  }
0x6b: {  	(erf) = vpow2.f32 v28;
	_ =	sdelay $0x2  }
0x6c: {  	v20 =	vmul.u32 $0x18, v20;
	_ =	sdelay $0x1  }
0x6d: {  	v28 =	vadd.s32 $0x10, v20  }
0x6e: {  	v29 =	vadd.s32 v2, v24;
	_ =	sdelay $0x2  }
0x6f: {  	v30 =	vpop (erf)  }
0x70: {  	[tilespmem:v28+s30+$0x0] =	vst.idx.msk $0xffff, v30  }
0x71: {  	v28 =	vld.idx.msk [tilespmem:v29+s21+$0x0], $0xffff;
	_ =	sdelay $0x2  }
0x72: {  	v31 =	vor.u32 $0x1, v29;
	_ =	sdelay $0x1  }
0x73: {  	v28 =	vmul.f32 v30, v28;
	_ =	sdelay $0x1  }
0x74: {  	[tilespmem:v20+s30+$0x0] =	vst.idx.msk $0xffff, v28  }
0x75: {  	v28 =	vld.idx.msk [tilespmem:v31+s21+$0x0], $0xffff;
	_ =	sdelay $0x1  }
0x76: {  	v31 =	vor.u32 $0x1, v20  }
0x77: {  	v59 =	vor.u32 $0x2, v29;
	_ =	sdelay $0x1  }
0x78: {  	v28 =	vmul.f32 v30, v28;
	_ =	sdelay $0x1  }
0x79: {  	[tilespmem:v31+s30+$0x0] =	vst.idx.msk $0xffff, v28  }
0x7a: {  	v28 =	vld.idx.msk [tilespmem:v59+s21+$0x0], $0xffff;
	_ =	sdelay $0x1  }
0x7b: {  	v31 =	vor.u32 $0x2, v20  }
0x7c: {  	v60 =	vor.u32 $0x3, v29;
	_ =	sdelay $0x1  }
0x7d: {  	v28 =	vmul.f32 v28, v30;
	_ =	sdelay $0x1  }
0x7e: {  	[tilespmem:v31+s30+$0x0] =	vst.idx.msk $0xffff, v28  }
0x7f: {  	v28 =	vld.idx.msk [tilespmem:v60+s21+$0x0], $0xffff;
	_ =	sdelay $0x1  }
0x80: {  	v31 =	vor.u32 $0x3, v20  }
0x81: {  	v61 =	vor.u32 $0x4, v29;
	_ =	sdelay $0x1  }
0x82: {  	v28 =	vmul.f32 v28, v30;
	_ =	sdelay $0x1  }
0x83: {  	[tilespmem:v31+s30+$0x0] =	vst.idx.msk $0xffff, v28  }
0x84: {  	v28 =	vld.idx.msk [tilespmem:v61+s21+$0x0], $0xffff;
	_ =	sdelay $0x1  }
0x85: {  	v31 =	vor.u32 $0x4, v20  }
0x86: {  	v62 =	vor.u32 $0x5, v29;
	_ =	sdelay $0x1  }
0x87: {  	v28 =	vmul.f32 v28, v30;
	_ =	sdelay $0x1  }
0x88: {  	[tilespmem:v31+s30+$0x0] =	vst.idx.msk $0xffff, v28  }
0x89: {  	v28 =	vld.idx.msk [tilespmem:v62+s21+$0x0], $0xffff;
	_ =	sdelay $0x1  }
0x8a: {  	v31 =	vor.u32 $0x5, v20  }
0x8b: {  	v63 =	vor.u32 $0x6, v29;
	_ =	sdelay $0x1  }
0x8c: {  	v28 =	vmul.f32 v28, v30;
	_ =	sdelay $0x1  }
0x8d: {  	[tilespmem:v31+s30+$0x0] =	vst.idx.msk $0xffff, v28  }
0x8e: {  	v28 =	vld.idx.msk [tilespmem:v63+s21+$0x0], $0xffff;
	_ =	sdelay $0x1  }
0x8f: {  	v31 =	vor.u32 $0x6, v20  }
0x90: {  	v29 =	vor.u32 $0x7, v29;
	_ =	sdelay $0x1  }
0x91: {  	v28 =	vmul.f32 v28, v30;
	_ =	sdelay $0x1  }
0x92: {  	[tilespmem:v31+s30+$0x0] =	vst.idx.msk $0xffff, v28  }
0x93: {  	v28 =	vld.idx.msk [tilespmem:v29+s21+$0x0], $0xffff;
	_ =	sdelay $0x1  }
0x94: {  	v29 =	vor.u32 $0x7, v20  }
0x95: {  	v27 =	vor.u32 v1, v27  }
0x96: {  	v31 =	vor.u32 v1, v21  }
0x97: {  	v28 =	vmul.f32 v28, v30;
	_ =	sdelay $0x1  }
0x98: {  	[tilespmem:v29+s30+$0x0] =	vst.idx.msk $0xffff, v28  }
0x99: {  	v26 =	vmul.f32 v26, v16;
	v22 =	vmul.f32 v22, v17;
	v27 =	vld.idx.msk [tilespmem:v27+s21+$0x0], $0xffff  }
0x9a: {  	v28 =	vld.idx.msk [tilespmem:v31+s22+$0x0], $0xffff  }
0x9b: {  	v22 =	vadd.f32 v22, v26;
	v23 =	vmul.f32 v23, v18  }
0x9c: {  	v21 =	vor.u32 v7, v21  }
0x9d: {  	v22 =	vadd.f32 v23, v22;
	v23 =	vmul.f32 v25, v19;
	_ =	sdelay $0x1  }
0x9e: {  	v22 =	vadd.f32 v23, v22;
	v23 =	vadd.f32 v28, v27;
	_ =	sdelay $0x1  }
0x9f: {  	v21 =	vld.idx.msk [tilespmem:v21+s22+$0x0], $0xffff;
	v22 =	vadd.f32 v23, v22;
	_ =	sdelay $0x1  }
0xa0: {  	v23 =	vmul.f32 $2.000000030e-01, v22  }
0xa1: {  	vm15 =	vgt.f32 v22, $0.0e+00  }
0xa2: {  	v22 =	vsel vm15, v22, v23  }
0xa3: {  	v21 =	vsub.f32 v22, v21;
	_ =	sdelay $0x1  }
0xa4: {  	v21 =	vmul.f32 $1.442695020e+00, v21;
	_ =	sdelay $0x1  }
0xa5: {  	(erf) = vpow2.f32 v21;
	_ =	sdelay $0x4  }
0xa6: {  	v21 =	vadd.s32 $0x11, v20  }
0xa7: {  	v22 =	vadd.s32 v5, v24;
	_ =	sdelay $0x2  }
0xa8: {  	v29 =	vpop (erf)  }
0xa9: {  	[tilespmem:v21+s30+$0x0] =	vst.idx.msk $0xffff, v29  }
0xaa: {  	v21 =	vld.idx.msk [tilespmem:v22+s21+$0x0], $0xffff;
	_ =	sdelay $0x1  }
0xab: {  	v23 =	vadd.s32 $0x8, v20  }
0xac: {  	v24 =	vor.u32 $0x1, v22;
	_ =	sdelay $0x1  }
0xad: {  	v21 =	vmul.f32 v29, v21;
	_ =	sdelay $0x1  }
0xae: {  	[tilespmem:v23+s30+$0x0] =	vst.idx.msk $0xffff, v21  }
0xaf: {  	v21 =	vld.idx.msk [tilespmem:v24+s21+$0x0], $0xffff;
	_ =	sdelay $0x1  }
0xb0: {  	v23 =	vadd.s32 $0x9, v20  }
0xb1: {  	v24 =	vor.u32 $0x2, v22;
	_ =	sdelay $0x1  }
0xb2: {  	v21 =	vmul.f32 v29, v21;
	_ =	sdelay $0x1  }
0xb3: {  	[tilespmem:v23+s30+$0x0] =	vst.idx.msk $0xffff, v21  }
0xb4: {  	v21 =	vld.idx.msk [tilespmem:v24+s21+$0x0], $0xffff;
	_ =	sdelay $0x1  }
0xb5: {  	v23 =	vadd.s32 $0xA, v20  }
0xb6: {  	v24 =	vor.u32 $0x3, v22;
	_ =	sdelay $0x1  }
0xb7: {  	v21 =	vmul.f32 v21, v29;
	_ =	sdelay $0x1  }
0xb8: {  	[tilespmem:v23+s30+$0x0] =	vst.idx.msk $0xffff, v21  }
0xb9: {  	v21 =	vld.idx.msk [tilespmem:v24+s21+$0x0], $0xffff;
	_ =	sdelay $0x1  }
0xba: {  	v23 =	vadd.s32 $0xB, v20  }
0xbb: {  	v24 =	vor.u32 $0x4, v22;
	_ =	sdelay $0x1  }
0xbc: {  	v21 =	vmul.f32 v21, v29;
	_ =	sdelay $0x1  }
0xbd: {  	[tilespmem:v23+s30+$0x0] =	vst.idx.msk $0xffff, v21  }
0xbe: {  	v21 =	vld.idx.msk [tilespmem:v24+s21+$0x0], $0xffff;
	_ =	sdelay $0x1  }
0xbf: {  	v23 =	vadd.s32 $0xC, v20  }
0xc0: {  	v24 =	vor.u32 $0x5, v22;
	_ =	sdelay $0x1  }
0xc1: {  	v21 =	vmul.f32 v21, v29;
	_ =	sdelay $0x1  }
0xc2: {  	[tilespmem:v23+s30+$0x0] =	vst.idx.msk $0xffff, v21  }
0xc3: {  	v21 =	vld.idx.msk [tilespmem:v24+s21+$0x0], $0xffff;
	_ =	sdelay $0x1  }
0xc4: {  	v23 =	vadd.s32 $0xD, v20  }
0xc5: {  	v24 =	vor.u32 $0x6, v22;
	_ =	sdelay $0x1  }
0xc6: {  	v21 =	vmul.f32 v21, v29;
	_ =	sdelay $0x1  }
0xc7: {  	[tilespmem:v23+s30+$0x0] =	vst.idx.msk $0xffff, v21  }
0xc8: {  	v21 =	vld.idx.msk [tilespmem:v24+s21+$0x0], $0xffff;
	_ =	sdelay $0x1  }
0xc9: {  	v23 =	vadd.s32 $0xE, v20  }
0xca: {  	v22 =	vor.u32 $0x7, v22;
	_ =	sdelay $0x1  }
0xcb: {  	v21 =	vmul.f32 v21, v29;
	_ =	sdelay $0x1  }
0xcc: {  	[tilespmem:v23+s30+$0x0] =	vst.idx.msk $0xffff, v21  }
0xcd: {  	v30 =	vld.idx.msk [tilespmem:v22+s21+$0x0], $0xffff  }
0xce: {  	s14 =	simm.s32 $0x10  }
0xcf: {  	v25 =	vadd.s32 $0xF, v20;
	v22 =	vor.u32 s14, v11  }
0xd0: {  	v21 =	vshll.u32 v22, $0x3;
	v20 =	vmul.u32 $0x28, v22  }
0xd1: {  	v28 =	vor.u32 $0x1, v21;
	v26 =	vor.u32 $0x2, v21;
	v24 =	vor.u32 $0x3, v21  }
0xd2: {  	s13 =	simm.s32 $0x20;
	v27 =	vor.u32 v0, v21;
	v23 =	vadd.s32 $0x20, v20;
	v29 =	vmul.f32 v30, v29  }
.LBB2_5:
0xd3: {  	p0 =	sne.s32 s13, $0xF0;
	v30 =	vor.u32 v3, v21;
	s14 =	smov.u32 s13;
	s13 =	sadd.s32 $0x10, s13  }
0xd4: {  	[tilespmem:v25+s30+$0x0] =	vst.idx.msk $0xffff, v29  }
0xd5: {  	v25 =	vld.idx.msk [tilespmem:v21+s19+$0x0], $0xffff  }
0xd6: {  	v28 =	vld.idx.msk [tilespmem:v28+s19+$0x0], $0xffff  }
0xd7: {  	v29 =	vor.u32 v0, v23  }
0xd8: {  	v26 =	vld.idx.msk [tilespmem:v26+s19+$0x0], $0xffff;
	_ =	sdelay $0x1  }
0xd9: {  	v24 =	vld.idx.msk [tilespmem:v24+s19+$0x0], $0xffff  }
0xda: {  	v27 =	vld.idx.msk [tilespmem:v27+s22+$0x0], $0xffff  }
0xdb: {  	v31 =	vmul.f32 v25, v12;
	v32 =	vmul.f32 v28, v13;
	v29 =	vld.idx.msk [tilespmem:v29+s21+$0x0], $0xffff  }
0xdc: {  	v25 =	vmul.f32 v25, v16;
	v28 =	vmul.f32 v28, v17  }
0xdd: {  	v31 =	vadd.f32 v32, v31;
	v32 =	vmul.f32 v26, v14  }
0xde: {  	v25 =	vadd.f32 v28, v25;
	v26 =	vmul.f32 v26, v18  }
0xdf: {  	v28 =	vadd.f32 v32, v31;
	v31 =	vmul.f32 v24, v15  }
0xe0: {  	v25 =	vadd.f32 v26, v25  }
0xe1: {  	v26 =	vadd.f32 v31, v28;
	v27 =	vadd.f32 v27, v29  }
0xe2: {  	v28 =	vld.idx.msk [tilespmem:v30+s22+$0x0], $0xffff  }
0xe3: {  	v26 =	vadd.f32 v27, v26;
	_ =	sdelay $0x1  }
0xe4: {  	v27 =	vmul.f32 $2.000000030e-01, v26  }
0xe5: {  	vm0 =	vgt.f32 v26, $0.0e+00  }
0xe6: {  	v26 =	vsel vm0, v26, v27  }
0xe7: {  	v26 =	vsub.f32 v26, v28;
	_ =	sdelay $0x1  }
0xe8: {  	v26 =	vmul.f32 $1.442695020e+00, v26;
	_ =	sdelay $0x1  }
0xe9: {  	(erf) = vpow2.f32 v26;
	_ =	sdelay $0x2  }
0xea: {  	v22 =	vmul.u32 $0x18, v22;
	_ =	sdelay $0x1  }
0xeb: {  	v26 =	vadd.s32 $0x10, v22  }
0xec: {  	v27 =	vadd.s32 v2, v20;
	_ =	sdelay $0x2  }
0xed: {  	v28 =	vpop (erf)  }
0xee: {  	[tilespmem:v26+s30+$0x0] =	vst.idx.msk $0xffff, v28  }
0xef: {  	v26 =	vld.idx.msk [tilespmem:v27+s21+$0x0], $0xffff;
	_ =	sdelay $0x3  }
0xf0: {  	v29 =	vor.u32 $0x1, v27;
	_ =	sdelay $0x1  }
0xf1: {  	v26 =	vmul.f32 v28, v26;
	_ =	sdelay $0x1  }
0xf2: {  	[tilespmem:v22+s30+$0x0] =	vst.idx.msk $0xffff, v26  }
0xf3: {  	v26 =	vld.idx.msk [tilespmem:v29+s21+$0x0], $0xffff;
	_ =	sdelay $0x2  }
0xf4: {  	v29 =	vor.u32 $0x1, v22  }
0xf5: {  	v30 =	vor.u32 $0x2, v27;
	_ =	sdelay $0x1  }
0xf6: {  	v26 =	vmul.f32 v28, v26;
	_ =	sdelay $0x1  }
0xf7: {  	[tilespmem:v29+s30+$0x0] =	vst.idx.msk $0xffff, v26  }
0xf8: {  	v26 =	vld.idx.msk [tilespmem:v30+s21+$0x0], $0xffff;
	_ =	sdelay $0x2  }
0xf9: {  	v29 =	vor.u32 $0x2, v22  }
0xfa: {  	v30 =	vor.u32 $0x3, v27;
	_ =	sdelay $0x1  }
0xfb: {  	v26 =	vmul.f32 v26, v28;
	_ =	sdelay $0x1  }
0xfc: {  	[tilespmem:v29+s30+$0x0] =	vst.idx.msk $0xffff, v26  }
0xfd: {  	v26 =	vld.idx.msk [tilespmem:v30+s21+$0x0], $0xffff;
	_ =	sdelay $0x2  }
0xfe: {  	v29 =	vor.u32 $0x3, v22  }
0xff: {  	v30 =	vor.u32 $0x4, v27;
	_ =	sdelay $0x1  }
0x100: {  	v26 =	vmul.f32 v26, v28;
	_ =	sdelay $0x1  }
0x101: {  	[tilespmem:v29+s30+$0x0] =	vst.idx.msk $0xffff, v26  }
0x102: {  	v26 =	vld.idx.msk [tilespmem:v30+s21+$0x0], $0xffff;
	_ =	sdelay $0x2  }
0x103: {  	v29 =	vor.u32 $0x4, v22  }
0x104: {  	v30 =	vor.u32 $0x5, v27;
	_ =	sdelay $0x1  }
0x105: {  	v26 =	vmul.f32 v26, v28;
	_ =	sdelay $0x1  }
0x106: {  	[tilespmem:v29+s30+$0x0] =	vst.idx.msk $0xffff, v26  }
0x107: {  	v26 =	vld.idx.msk [tilespmem:v30+s21+$0x0], $0xffff;
	_ =	sdelay $0x2  }
0x108: {  	v29 =	vor.u32 $0x5, v22  }
0x109: {  	v30 =	vor.u32 $0x6, v27;
	_ =	sdelay $0x1  }
0x10a: {  	v26 =	vmul.f32 v26, v28;
	_ =	sdelay $0x1  }
0x10b: {  	[tilespmem:v29+s30+$0x0] =	vst.idx.msk $0xffff, v26  }
0x10c: {  	v26 =	vld.idx.msk [tilespmem:v30+s21+$0x0], $0xffff;
	_ =	sdelay $0x2  }
0x10d: {  	v29 =	vor.u32 $0x6, v22  }
0x10e: {  	v27 =	vor.u32 $0x7, v27;
	_ =	sdelay $0x1  }
0x10f: {  	v26 =	vmul.f32 v26, v28;
	_ =	sdelay $0x1  }
0x110: {  	[tilespmem:v29+s30+$0x0] =	vst.idx.msk $0xffff, v26  }
0x111: {  	v26 =	vld.idx.msk [tilespmem:v27+s21+$0x0], $0xffff;
	_ =	sdelay $0x2  }
0x112: {  	v27 =	vor.u32 $0x7, v22  }
0x113: {  	v23 =	vor.u32 v1, v23;
	v29 =	vor.u32 v1, v21;
	_ =	sdelay $0x1  }
0x114: {  	v26 =	vmul.f32 v26, v28;
	_ =	sdelay $0x1  }
0x115: {  	[tilespmem:v27+s30+$0x0] =	vst.idx.msk $0xffff, v26  }
0x116: {  	v23 =	vld.idx.msk [tilespmem:v23+s21+$0x0], $0xffff  }
0x117: {  	v26 =	vld.idx.msk [tilespmem:v29+s22+$0x0], $0xffff  }
0x118: {  	v21 =	vor.u32 v7, v21;
	_ =	sdelay $0x1  }
0x119: {  	v24 =	vmul.f32 v24, v19;
	_ =	sdelay $0x1  }
0x11a: {  	v24 =	vadd.f32 v24, v25  }
0x11b: {  	v23 =	vadd.f32 v26, v23;
	v21 =	vld.idx.msk [tilespmem:v21+s22+$0x0], $0xffff;
	_ =	sdelay $0x1  }
0x11c: {  	v23 =	vadd.f32 v23, v24;
	_ =	sdelay $0x1  }
0x11d: {  	vm0 =	vgt.f32 v23, $0.0e+00;
	v24 =	vmul.f32 $2.000000030e-01, v23;
	_ =	sdelay $0x1  }
0x11e: {  	v23 =	vsel vm0, v23, v24  }
0x11f: {  	v21 =	vsub.f32 v23, v21;
	_ =	sdelay $0x1  }
0x120: {  	v21 =	vmul.f32 $1.442695020e+00, v21;
	_ =	sdelay $0x1  }
0x121: {  	(erf) = vpow2.f32 v21;
	_ =	sdelay $0x3  }
0x122: {  	v21 =	vadd.s32 $0x11, v22  }
0x123: {  	v20 =	vadd.s32 v5, v20;
	_ =	sdelay $0x3  }
0x124: {  	v29 =	vpop (erf)  }
0x125: {  	[tilespmem:v21+s30+$0x0] =	vst.idx.msk $0xffff, v29  }
0x126: {  	v21 =	vld.idx.msk [tilespmem:v20+s21+$0x0], $0xffff;
	_ =	sdelay $0x1  }
0x127: {  	v23 =	vadd.s32 $0x8, v22  }
0x128: {  	v24 =	vor.u32 $0x1, v20;
	_ =	sdelay $0x2  }
0x129: {  	v21 =	vmul.f32 v29, v21;
	_ =	sdelay $0x1  }
0x12a: {  	[tilespmem:v23+s30+$0x0] =	vst.idx.msk $0xffff, v21  }
0x12b: {  	v21 =	vld.idx.msk [tilespmem:v24+s21+$0x0], $0xffff;
	_ =	sdelay $0x1  }
0x12c: {  	v23 =	vadd.s32 $0x9, v22  }
0x12d: {  	v24 =	vor.u32 $0x2, v20;
	_ =	sdelay $0x2  }
0x12e: {  	v21 =	vmul.f32 v29, v21;
	_ =	sdelay $0x1  }
0x12f: {  	[tilespmem:v23+s30+$0x0] =	vst.idx.msk $0xffff, v21  }
0x130: {  	v21 =	vld.idx.msk [tilespmem:v24+s21+$0x0], $0xffff;
	_ =	sdelay $0x1  }
0x131: {  	v23 =	vadd.s32 $0xA, v22  }
0x132: {  	v24 =	vor.u32 $0x3, v20;
	_ =	sdelay $0x2  }
0x133: {  	v21 =	vmul.f32 v21, v29;
	_ =	sdelay $0x1  }
0x134: {  	[tilespmem:v23+s30+$0x0] =	vst.idx.msk $0xffff, v21  }
0x135: {  	v21 =	vld.idx.msk [tilespmem:v24+s21+$0x0], $0xffff;
	_ =	sdelay $0x1  }
0x136: {  	v23 =	vadd.s32 $0xB, v22  }
0x137: {  	v24 =	vor.u32 $0x4, v20;
	_ =	sdelay $0x2  }
0x138: {  	v21 =	vmul.f32 v21, v29;
	_ =	sdelay $0x1  }
0x139: {  	[tilespmem:v23+s30+$0x0] =	vst.idx.msk $0xffff, v21  }
0x13a: {  	v21 =	vld.idx.msk [tilespmem:v24+s21+$0x0], $0xffff;
	_ =	sdelay $0x1  }
0x13b: {  	v23 =	vadd.s32 $0xC, v22  }
0x13c: {  	v24 =	vor.u32 $0x5, v20;
	_ =	sdelay $0x2  }
0x13d: {  	v21 =	vmul.f32 v21, v29;
	_ =	sdelay $0x1  }
0x13e: {  	[tilespmem:v23+s30+$0x0] =	vst.idx.msk $0xffff, v21  }
0x13f: {  	v21 =	vld.idx.msk [tilespmem:v24+s21+$0x0], $0xffff;
	_ =	sdelay $0x1  }
0x140: {  	v23 =	vadd.s32 $0xD, v22  }
0x141: {  	v24 =	vor.u32 $0x6, v20;
	_ =	sdelay $0x2  }
0x142: {  	v21 =	vmul.f32 v21, v29;
	_ =	sdelay $0x1  }
0x143: {  	[tilespmem:v23+s30+$0x0] =	vst.idx.msk $0xffff, v21  }
0x144: {  	v21 =	vld.idx.msk [tilespmem:v24+s21+$0x0], $0xffff;
	_ =	sdelay $0x1  }
0x145: {  	v23 =	vadd.s32 $0xE, v22  }
0x146: {  	v20 =	vor.u32 $0x7, v20;
	_ =	sdelay $0x2  }
0x147: {  	v21 =	vmul.f32 v21, v29;
	_ =	sdelay $0x1  }
0x148: {  	[tilespmem:v23+s30+$0x0] =	vst.idx.msk $0xffff, v21  }
0x149: {  	v30 =	vld.idx.msk [tilespmem:v20+s21+$0x0], $0xffff;
	_ =	sdelay $0x1  }
.Ltmp1:
0x14a: {  	v25 =	vadd.s32 $0xF, v22;
	(pc) =	sbr.rel @p0 .LBB2_5-.Ltmp1, $4  }
0x14b: {  	v22 =	vor.u32 s14, v11  }
0x14c: {  	v21 =	vshll.u32 v22, $0x3;
	v20 =	vmul.u32 $0x28, v22  }
0x14d: {  	v28 =	vor.u32 $0x1, v21;
	v26 =	vor.u32 $0x2, v21;
	v24 =	vor.u32 $0x3, v21  }
0x14e: {  	v27 =	vor.u32 v0, v21;
	v23 =	vadd.s32 $0x20, v20;
	v29 =	vmul.f32 v30, v29  }
0x14f: {  	_ =	sdelay $0x3  }
0x150: {  	[tilespmem:v25+s30+$0x0] =	vst.idx.msk $0xffff, v29  }
0x151: {  	v25 =	vld.idx.msk [tilespmem:v21+s19+$0x0], $0xffff  }
0x152: {  	v28 =	vld.idx.msk [tilespmem:v28+s19+$0x0], $0xffff  }
0x153: {  	v29 =	vor.u32 v0, v23  }
0x154: {  	v26 =	vld.idx.msk [tilespmem:v26+s19+$0x0], $0xffff;
	_ =	sdelay $0x1  }
0x155: {  	v24 =	vld.idx.msk [tilespmem:v24+s19+$0x0], $0xffff  }
0x156: {  	v27 =	vld.idx.msk [tilespmem:v27+s22+$0x0], $0xffff;
	v30 =	vmul.f32 v25, v12;
	v31 =	vmul.f32 v28, v13  }
0x157: {  	v29 =	vld.idx.msk [tilespmem:v29+s21+$0x0], $0xffff  }
0x158: {  	v30 =	vadd.f32 v31, v30;
	v31 =	vmul.f32 v26, v14  }
0x159: {  	v32 =	vor.u32 v3, v21  }
0x15a: {  	v30 =	vadd.f32 v31, v30;
	v31 =	vmul.f32 v24, v15;
	_ =	sdelay $0x1  }
0x15b: {  	v27 =	vadd.f32 v27, v29;
	v30 =	vadd.f32 v31, v30;
	_ =	sdelay $0x1  }
0x15c: {  	v29 =	vld.idx.msk [tilespmem:v32+s22+$0x0], $0xffff;
	v27 =	vadd.f32 v27, v30;
	_ =	sdelay $0x1  }
0x15d: {  	v30 =	vmul.f32 $2.000000030e-01, v27  }
0x15e: {  	vm0 =	vgt.f32 v27, $0.0e+00  }
0x15f: {  	v27 =	vsel vm0, v27, v30  }
0x160: {  	v27 =	vsub.f32 v27, v29;
	_ =	sdelay $0x1  }
0x161: {  	v27 =	vmul.f32 $1.442695020e+00, v27;
	_ =	sdelay $0x1  }
0x162: {  	(erf) = vpow2.f32 v27;
	_ =	sdelay $0x2  }
0x163: {  	v22 =	vmul.u32 $0x18, v22;
	_ =	sdelay $0x1  }
0x164: {  	v27 =	vadd.s32 $0x10, v22  }
0x165: {  	v29 =	vadd.s32 v2, v20;
	_ =	sdelay $0x2  }
0x166: {  	v30 =	vpop (erf)  }
0x167: {  	[tilespmem:v27+s30+$0x0] =	vst.idx.msk $0xffff, v30  }
0x168: {  	v27 =	vld.idx.msk [tilespmem:v29+s21+$0x0], $0xffff;
	_ =	sdelay $0x2  }
0x169: {  	v31 =	vor.u32 $0x1, v29;
	_ =	sdelay $0x1  }
0x16a: {  	v27 =	vmul.f32 v30, v27;
	_ =	sdelay $0x1  }
0x16b: {  	[tilespmem:v22+s30+$0x0] =	vst.idx.msk $0xffff, v27  }
0x16c: {  	v27 =	vld.idx.msk [tilespmem:v31+s21+$0x0], $0xffff;
	_ =	sdelay $0x1  }
0x16d: {  	v31 =	vor.u32 $0x1, v22  }
0x16e: {  	v53 =	vor.u32 $0x2, v29;
	_ =	sdelay $0x1  }
0x16f: {  	v27 =	vmul.f32 v30, v27;
	_ =	sdelay $0x1  }
0x170: {  	[tilespmem:v31+s30+$0x0] =	vst.idx.msk $0xffff, v27  }
0x171: {  	v27 =	vld.idx.msk [tilespmem:v53+s21+$0x0], $0xffff;
	_ =	sdelay $0x1  }
0x172: {  	v31 =	vor.u32 $0x2, v22  }
0x173: {  	v54 =	vor.u32 $0x3, v29;
	_ =	sdelay $0x1  }
0x174: {  	v27 =	vmul.f32 v27, v30;
	_ =	sdelay $0x1  }
0x175: {  	[tilespmem:v31+s30+$0x0] =	vst.idx.msk $0xffff, v27  }
0x176: {  	v27 =	vld.idx.msk [tilespmem:v54+s21+$0x0], $0xffff;
	_ =	sdelay $0x1  }
0x177: {  	v31 =	vor.u32 $0x3, v22  }
0x178: {  	v55 =	vor.u32 $0x4, v29;
	_ =	sdelay $0x1  }
0x179: {  	v27 =	vmul.f32 v27, v30;
	_ =	sdelay $0x1  }
0x17a: {  	[tilespmem:v31+s30+$0x0] =	vst.idx.msk $0xffff, v27  }
0x17b: {  	v27 =	vld.idx.msk [tilespmem:v55+s21+$0x0], $0xffff;
	_ =	sdelay $0x1  }
0x17c: {  	v31 =	vor.u32 $0x4, v22  }
0x17d: {  	v56 =	vor.u32 $0x5, v29;
	_ =	sdelay $0x1  }
0x17e: {  	v27 =	vmul.f32 v27, v30;
	_ =	sdelay $0x1  }
0x17f: {  	[tilespmem:v31+s30+$0x0] =	vst.idx.msk $0xffff, v27  }
0x180: {  	v27 =	vld.idx.msk [tilespmem:v56+s21+$0x0], $0xffff;
	_ =	sdelay $0x1  }
0x181: {  	v31 =	vor.u32 $0x5, v22  }
0x182: {  	v57 =	vor.u32 $0x6, v29;
	_ =	sdelay $0x1  }
0x183: {  	v27 =	vmul.f32 v27, v30;
	_ =	sdelay $0x1  }
0x184: {  	[tilespmem:v31+s30+$0x0] =	vst.idx.msk $0xffff, v27  }
0x185: {  	v27 =	vld.idx.msk [tilespmem:v57+s21+$0x0], $0xffff;
	_ =	sdelay $0x1  }
0x186: {  	v31 =	vor.u32 $0x6, v22  }
0x187: {  	v29 =	vor.u32 $0x7, v29;
	_ =	sdelay $0x1  }
0x188: {  	v27 =	vmul.f32 v27, v30;
	_ =	sdelay $0x1  }
0x189: {  	[tilespmem:v31+s30+$0x0] =	vst.idx.msk $0xffff, v27  }
0x18a: {  	v27 =	vld.idx.msk [tilespmem:v29+s21+$0x0], $0xffff;
	_ =	sdelay $0x1  }
0x18b: {  	v29 =	vor.u32 $0x7, v22  }
0x18c: {  	v23 =	vor.u32 v1, v23  }
0x18d: {  	v31 =	vor.u32 v1, v21  }
0x18e: {  	v27 =	vmul.f32 v27, v30;
	_ =	sdelay $0x1  }
0x18f: {  	[tilespmem:v29+s30+$0x0] =	vst.idx.msk $0xffff, v27  }
0x190: {  	v25 =	vmul.f32 v25, v16;
	v27 =	vmul.f32 v28, v17;
	v23 =	vld.idx.msk [tilespmem:v23+s21+$0x0], $0xffff  }
0x191: {  	v28 =	vld.idx.msk [tilespmem:v31+s22+$0x0], $0xffff  }
0x192: {  	v26 =	vmul.f32 v26, v18;
	v25 =	vadd.f32 v27, v25  }
0x193: {  	v21 =	vor.u32 v7, v21  }
0x194: {  	v24 =	vmul.f32 v24, v19;
	v25 =	vadd.f32 v26, v25;
	_ =	sdelay $0x1  }
0x195: {  	v24 =	vadd.f32 v24, v25;
	v23 =	vadd.f32 v28, v23;
	_ =	sdelay $0x1  }
0x196: {  	v21 =	vld.idx.msk [tilespmem:v21+s22+$0x0], $0xffff;
	v23 =	vadd.f32 v23, v24;
	_ =	sdelay $0x1  }
0x197: {  	v24 =	vmul.f32 $2.000000030e-01, v23  }
0x198: {  	vm13 =	vgt.f32 v23, $0.0e+00  }
0x199: {  	v23 =	vsel vm13, v23, v24  }
0x19a: {  	v21 =	vsub.f32 v23, v21;
	_ =	sdelay $0x1  }
0x19b: {  	v21 =	vmul.f32 $1.442695020e+00, v21;
	_ =	sdelay $0x1  }
0x19c: {  	(erf) = vpow2.f32 v21;
	_ =	sdelay $0x4  }
0x19d: {  	v21 =	vadd.s32 $0x11, v22  }
0x19e: {  	v20 =	vadd.s32 v5, v20;
	_ =	sdelay $0x2  }
0x19f: {  	v23 =	vpop (erf)  }
0x1a0: {  	[tilespmem:v21+s30+$0x0] =	vst.idx.msk $0xffff, v23  }
0x1a1: {  	v21 =	vld.idx.msk [tilespmem:v20+s21+$0x0], $0xffff;
	_ =	sdelay $0x1  }
0x1a2: {  	v24 =	vadd.s32 $0x8, v22  }
0x1a3: {  	v25 =	vor.u32 $0x1, v20;
	_ =	sdelay $0x1  }
0x1a4: {  	v21 =	vmul.f32 v23, v21;
	_ =	sdelay $0x1  }
0x1a5: {  	[tilespmem:v24+s30+$0x0] =	vst.idx.msk $0xffff, v21  }
0x1a6: {  	v21 =	vld.idx.msk [tilespmem:v25+s21+$0x0], $0xffff;
	_ =	sdelay $0x1  }
0x1a7: {  	v24 =	vadd.s32 $0x9, v22  }
0x1a8: {  	v25 =	vor.u32 $0x2, v20;
	_ =	sdelay $0x1  }
0x1a9: {  	v21 =	vmul.f32 v23, v21;
	_ =	sdelay $0x1  }
0x1aa: {  	[tilespmem:v24+s30+$0x0] =	vst.idx.msk $0xffff, v21  }
0x1ab: {  	v21 =	vld.idx.msk [tilespmem:v25+s21+$0x0], $0xffff;
	_ =	sdelay $0x1  }
0x1ac: {  	v24 =	vadd.s32 $0xA, v22  }
0x1ad: {  	v25 =	vor.u32 $0x3, v20;
	_ =	sdelay $0x1  }
0x1ae: {  	v21 =	vmul.f32 v21, v23;
	_ =	sdelay $0x1  }
0x1af: {  	[tilespmem:v24+s30+$0x0] =	vst.idx.msk $0xffff, v21  }
0x1b0: {  	v21 =	vld.idx.msk [tilespmem:v25+s21+$0x0], $0xffff;
	_ =	sdelay $0x1  }
0x1b1: {  	v24 =	vadd.s32 $0xB, v22  }
0x1b2: {  	v25 =	vor.u32 $0x4, v20;
	_ =	sdelay $0x1  }
0x1b3: {  	v21 =	vmul.f32 v21, v23;
	_ =	sdelay $0x1  }
0x1b4: {  	[tilespmem:v24+s30+$0x0] =	vst.idx.msk $0xffff, v21  }
0x1b5: {  	v21 =	vld.idx.msk [tilespmem:v25+s21+$0x0], $0xffff;
	_ =	sdelay $0x1  }
0x1b6: {  	v24 =	vadd.s32 $0xC, v22  }
0x1b7: {  	v25 =	vor.u32 $0x5, v20;
	_ =	sdelay $0x1  }
0x1b8: {  	v21 =	vmul.f32 v21, v23;
	_ =	sdelay $0x1  }
0x1b9: {  	[tilespmem:v24+s30+$0x0] =	vst.idx.msk $0xffff, v21  }
0x1ba: {  	v21 =	vld.idx.msk [tilespmem:v25+s21+$0x0], $0xffff;
	_ =	sdelay $0x1  }
0x1bb: {  	v24 =	vadd.s32 $0xD, v22  }
0x1bc: {  	v25 =	vor.u32 $0x6, v20;
	_ =	sdelay $0x1  }
0x1bd: {  	v21 =	vmul.f32 v21, v23;
	_ =	sdelay $0x1  }
0x1be: {  	[tilespmem:v24+s30+$0x0] =	vst.idx.msk $0xffff, v21  }
0x1bf: {  	v21 =	vld.idx.msk [tilespmem:v25+s21+$0x0], $0xffff;
	_ =	sdelay $0x1  }
0x1c0: {  	v24 =	vadd.s32 $0xE, v22  }
0x1c1: {  	v20 =	vor.u32 $0x7, v20;
	_ =	sdelay $0x1  }
0x1c2: {  	v21 =	vmul.f32 v21, v23;
	_ =	sdelay $0x1  }
0x1c3: {  	[tilespmem:v24+s30+$0x0] =	vst.idx.msk $0xffff, v21  }
0x1c4: {  	v20 =	vld.idx.msk [tilespmem:v20+s21+$0x0], $0xffff;
	_ =	sdelay $0x1  }
0x1c5: {  	v21 =	vadd.s32 $0xF, v22;
	_ =	sdelay $0x2  }
0x1c6: {  	v20 =	vmul.f32 v20, v23;
	_ =	sdelay $0x1  }
0x1c7: {  	[tilespmem:v21+s30+$0x0] =	vst.idx.msk $0xffff, v20  }
0x1c8: {  	[spmem:s1] =	stream.indirect.scatter.add.f32 [tilespmem:s30], [sflag:$0x5], $0x18, s18, s20, $0xb8;
	[tilespmem:$0x1C960] =	vst v63  }
0x1c9: {  	_ =	swait.ge [sflag:s16], $0x1800  }
0x1ca: {  	[sflag:s16] =	ssyncset.done $0x0  }
0x1cb: {  	s11 =	simm.s32 $0x0;
	[sflag:s16] =	ssyncadd.s32 $0xFFFFE800  }
0x1cc: {  	v20 =	vor.u32 s11, v11;
	_ =	swait.ge [sflag:s31], $0x2800  }
0x1cd: {  	v21 =	vshll.u32 v20, $0x3;
	[sflag:s31] =	ssyncset.done $0x0  }
0x1ce: {  	v22 =	vor.u32 $0x1, v21;
	[sflag:s31] =	ssyncadd.s32 $0xFFFFD800  }
0x1cf: {  	_ =	swait.ge [sflag:s0], $0x800  }
0x1d0: {  	v23 =	vor.u32 $0x2, v21;
	[sflag:s0] =	ssyncset.done $0x0  }
0x1d1: {  	v24 =	vmul.u32 $0x28, v20;
	[sflag:s0] =	ssyncadd.s32 $0xFFFFF800  }
0x1d2: {  	v25 =	vor.u32 $0x3, v21;
	v26 =	vld.idx.msk [tilespmem:v21+s24+$0x0], $0xffff  }
0x1d3: {  	v28 =	vor.u32 v0, v21;
	v27 =	vadd.s32 $0x20, v24;
	v22 =	vld.idx.msk [tilespmem:v22+s24+$0x0], $0xffff  }
0x1d4: {  	v29 =	vor.u32 v0, v27  }
0x1d5: {  	v23 =	vld.idx.msk [tilespmem:v23+s24+$0x0], $0xffff;
	_ =	sdelay $0x1  }
0x1d6: {  	v25 =	vld.idx.msk [tilespmem:v25+s24+$0x0], $0xffff  }
0x1d7: {  	v28 =	vld.idx.msk [tilespmem:v28+s26+$0x0], $0xffff;
	v30 =	vmul.f32 v26, v12;
	v31 =	vmul.f32 v22, v13  }
0x1d8: {  	v29 =	vld.idx.msk [tilespmem:v29+s25+$0x0], $0xffff  }
0x1d9: {  	v30 =	vadd.f32 v31, v30;
	v31 =	vmul.f32 v23, v14  }
0x1da: {  	v58 =	vor.u32 v3, v21  }
0x1db: {  	v30 =	vadd.f32 v31, v30;
	v31 =	vmul.f32 v25, v15;
	_ =	sdelay $0x1  }
0x1dc: {  	v28 =	vadd.f32 v28, v29;
	v30 =	vadd.f32 v31, v30;
	_ =	sdelay $0x1  }
0x1dd: {  	v29 =	vld.idx.msk [tilespmem:v58+s26+$0x0], $0xffff;
	v28 =	vadd.f32 v28, v30;
	_ =	sdelay $0x1  }
0x1de: {  	v30 =	vmul.f32 $2.000000030e-01, v28  }
0x1df: {  	vm14 =	vgt.f32 v28, $0.0e+00  }
0x1e0: {  	v28 =	vsel vm14, v28, v30  }
0x1e1: {  	v28 =	vsub.f32 v28, v29;
	_ =	sdelay $0x1  }
0x1e2: {  	v28 =	vmul.f32 $1.442695020e+00, v28;
	_ =	sdelay $0x1  }
0x1e3: {  	(erf) = vpow2.f32 v28;
	_ =	sdelay $0x2  }
0x1e4: {  	v20 =	vmul.u32 $0x18, v20;
	_ =	sdelay $0x1  }
0x1e5: {  	v28 =	vadd.s32 $0x10, v20  }
0x1e6: {  	v29 =	vadd.s32 v2, v24;
	_ =	sdelay $0x2  }
0x1e7: {  	v30 =	vpop (erf)  }
0x1e8: {  	[tilespmem:v28+s2+$0x0] =	vst.idx.msk $0xffff, v30  }
0x1e9: {  	v28 =	vld.idx.msk [tilespmem:v29+s25+$0x0], $0xffff;
	_ =	sdelay $0x2  }
0x1ea: {  	v31 =	vor.u32 $0x1, v29;
	_ =	sdelay $0x1  }
0x1eb: {  	v28 =	vmul.f32 v30, v28;
	_ =	sdelay $0x1  }
0x1ec: {  	[tilespmem:v20+s2+$0x0] =	vst.idx.msk $0xffff, v28  }
0x1ed: {  	v28 =	vld.idx.msk [tilespmem:v31+s25+$0x0], $0xffff;
	_ =	sdelay $0x1  }
0x1ee: {  	v31 =	vor.u32 $0x1, v20  }
0x1ef: {  	v59 =	vor.u32 $0x2, v29;
	_ =	sdelay $0x1  }
0x1f0: {  	v28 =	vmul.f32 v30, v28;
	_ =	sdelay $0x1  }
0x1f1: {  	[tilespmem:v31+s2+$0x0] =	vst.idx.msk $0xffff, v28  }
0x1f2: {  	v28 =	vld.idx.msk [tilespmem:v59+s25+$0x0], $0xffff;
	_ =	sdelay $0x1  }
0x1f3: {  	v31 =	vor.u32 $0x2, v20  }
0x1f4: {  	v60 =	vor.u32 $0x3, v29;
	_ =	sdelay $0x1  }
0x1f5: {  	v28 =	vmul.f32 v28, v30;
	_ =	sdelay $0x1  }
0x1f6: {  	[tilespmem:v31+s2+$0x0] =	vst.idx.msk $0xffff, v28  }
0x1f7: {  	v28 =	vld.idx.msk [tilespmem:v60+s25+$0x0], $0xffff;
	_ =	sdelay $0x1  }
0x1f8: {  	v31 =	vor.u32 $0x3, v20  }
0x1f9: {  	v61 =	vor.u32 $0x4, v29;
	_ =	sdelay $0x1  }
0x1fa: {  	v28 =	vmul.f32 v28, v30;
	_ =	sdelay $0x1  }
0x1fb: {  	[tilespmem:v31+s2+$0x0] =	vst.idx.msk $0xffff, v28  }
0x1fc: {  	v28 =	vld.idx.msk [tilespmem:v61+s25+$0x0], $0xffff;
	_ =	sdelay $0x1  }
0x1fd: {  	v31 =	vor.u32 $0x4, v20  }
0x1fe: {  	v62 =	vor.u32 $0x5, v29;
	_ =	sdelay $0x1  }
0x1ff: {  	v28 =	vmul.f32 v28, v30;
	_ =	sdelay $0x1  }
0x200: {  	[tilespmem:v31+s2+$0x0] =	vst.idx.msk $0xffff, v28  }
0x201: {  	v28 =	vld.idx.msk [tilespmem:v62+s25+$0x0], $0xffff;
	_ =	sdelay $0x1  }
0x202: {  	v31 =	vor.u32 $0x5, v20  }
0x203: {  	v63 =	vor.u32 $0x6, v29;
	_ =	sdelay $0x1  }
0x204: {  	v28 =	vmul.f32 v28, v30;
	_ =	sdelay $0x1  }
0x205: {  	[tilespmem:v31+s2+$0x0] =	vst.idx.msk $0xffff, v28  }
0x206: {  	v28 =	vld.idx.msk [tilespmem:v63+s25+$0x0], $0xffff;
	_ =	sdelay $0x1  }
0x207: {  	v31 =	vor.u32 $0x6, v20  }
0x208: {  	v29 =	vor.u32 $0x7, v29;
	_ =	sdelay $0x1  }
0x209: {  	v28 =	vmul.f32 v28, v30;
	_ =	sdelay $0x1  }
0x20a: {  	[tilespmem:v31+s2+$0x0] =	vst.idx.msk $0xffff, v28  }
0x20b: {  	v28 =	vld.idx.msk [tilespmem:v29+s25+$0x0], $0xffff;
	_ =	sdelay $0x1  }
0x20c: {  	v29 =	vor.u32 $0x7, v20  }
0x20d: {  	v27 =	vor.u32 v1, v27  }
0x20e: {  	v31 =	vor.u32 v1, v21  }
0x20f: {  	v28 =	vmul.f32 v28, v30;
	_ =	sdelay $0x1  }
0x210: {  	[tilespmem:v29+s2+$0x0] =	vst.idx.msk $0xffff, v28  }
0x211: {  	v26 =	vmul.f32 v26, v16;
	v22 =	vmul.f32 v22, v17;
	v27 =	vld.idx.msk [tilespmem:v27+s25+$0x0], $0xffff  }
0x212: {  	v28 =	vld.idx.msk [tilespmem:v31+s26+$0x0], $0xffff  }
0x213: {  	v22 =	vadd.f32 v22, v26;
	v23 =	vmul.f32 v23, v18  }
0x214: {  	v21 =	vor.u32 v7, v21  }
0x215: {  	v22 =	vadd.f32 v23, v22;
	v23 =	vmul.f32 v25, v19;
	_ =	sdelay $0x1  }
0x216: {  	v22 =	vadd.f32 v23, v22;
	v23 =	vadd.f32 v28, v27;
	_ =	sdelay $0x1  }
0x217: {  	v21 =	vld.idx.msk [tilespmem:v21+s26+$0x0], $0xffff;
	v22 =	vadd.f32 v23, v22;
	_ =	sdelay $0x1  }
0x218: {  	v23 =	vmul.f32 $2.000000030e-01, v22  }
0x219: {  	vm15 =	vgt.f32 v22, $0.0e+00  }
0x21a: {  	v22 =	vsel vm15, v22, v23  }
0x21b: {  	v21 =	vsub.f32 v22, v21;
	_ =	sdelay $0x1  }
0x21c: {  	v21 =	vmul.f32 $1.442695020e+00, v21;
	_ =	sdelay $0x1  }
0x21d: {  	(erf) = vpow2.f32 v21;
	_ =	sdelay $0x4  }
0x21e: {  	v21 =	vadd.s32 $0x11, v20  }
0x21f: {  	v22 =	vadd.s32 v5, v24;
	_ =	sdelay $0x2  }
0x220: {  	v29 =	vpop (erf)  }
0x221: {  	[tilespmem:v21+s2+$0x0] =	vst.idx.msk $0xffff, v29  }
0x222: {  	v21 =	vld.idx.msk [tilespmem:v22+s25+$0x0], $0xffff;
	_ =	sdelay $0x1  }
0x223: {  	v23 =	vadd.s32 $0x8, v20  }
0x224: {  	v24 =	vor.u32 $0x1, v22;
	_ =	sdelay $0x1  }
0x225: {  	v21 =	vmul.f32 v29, v21;
	_ =	sdelay $0x1  }
0x226: {  	[tilespmem:v23+s2+$0x0] =	vst.idx.msk $0xffff, v21  }
0x227: {  	v21 =	vld.idx.msk [tilespmem:v24+s25+$0x0], $0xffff;
	_ =	sdelay $0x1  }
0x228: {  	v23 =	vadd.s32 $0x9, v20  }
0x229: {  	v24 =	vor.u32 $0x2, v22;
	_ =	sdelay $0x1  }
0x22a: {  	v21 =	vmul.f32 v29, v21;
	_ =	sdelay $0x1  }
0x22b: {  	[tilespmem:v23+s2+$0x0] =	vst.idx.msk $0xffff, v21  }
0x22c: {  	v21 =	vld.idx.msk [tilespmem:v24+s25+$0x0], $0xffff;
	_ =	sdelay $0x1  }
0x22d: {  	v23 =	vadd.s32 $0xA, v20  }
0x22e: {  	v24 =	vor.u32 $0x3, v22;
	_ =	sdelay $0x1  }
0x22f: {  	v21 =	vmul.f32 v21, v29;
	_ =	sdelay $0x1  }
0x230: {  	[tilespmem:v23+s2+$0x0] =	vst.idx.msk $0xffff, v21  }
0x231: {  	v21 =	vld.idx.msk [tilespmem:v24+s25+$0x0], $0xffff;
	_ =	sdelay $0x1  }
0x232: {  	v23 =	vadd.s32 $0xB, v20  }
0x233: {  	v24 =	vor.u32 $0x4, v22;
	_ =	sdelay $0x1  }
0x234: {  	v21 =	vmul.f32 v21, v29;
	_ =	sdelay $0x1  }
0x235: {  	[tilespmem:v23+s2+$0x0] =	vst.idx.msk $0xffff, v21  }
0x236: {  	v21 =	vld.idx.msk [tilespmem:v24+s25+$0x0], $0xffff;
	_ =	sdelay $0x1  }
0x237: {  	v23 =	vadd.s32 $0xC, v20  }
0x238: {  	v24 =	vor.u32 $0x5, v22;
	_ =	sdelay $0x1  }
0x239: {  	v21 =	vmul.f32 v21, v29;
	_ =	sdelay $0x1  }
0x23a: {  	[tilespmem:v23+s2+$0x0] =	vst.idx.msk $0xffff, v21  }
0x23b: {  	v21 =	vld.idx.msk [tilespmem:v24+s25+$0x0], $0xffff;
	_ =	sdelay $0x1  }
0x23c: {  	v23 =	vadd.s32 $0xD, v20  }
0x23d: {  	v24 =	vor.u32 $0x6, v22;
	_ =	sdelay $0x1  }
0x23e: {  	v21 =	vmul.f32 v21, v29;
	_ =	sdelay $0x1  }
0x23f: {  	[tilespmem:v23+s2+$0x0] =	vst.idx.msk $0xffff, v21  }
0x240: {  	v21 =	vld.idx.msk [tilespmem:v24+s25+$0x0], $0xffff;
	_ =	sdelay $0x1  }
0x241: {  	v23 =	vadd.s32 $0xE, v20  }
0x242: {  	v22 =	vor.u32 $0x7, v22;
	_ =	sdelay $0x1  }
0x243: {  	v21 =	vmul.f32 v21, v29;
	_ =	sdelay $0x1  }
0x244: {  	[tilespmem:v23+s2+$0x0] =	vst.idx.msk $0xffff, v21  }
0x245: {  	v30 =	vld.idx.msk [tilespmem:v22+s25+$0x0], $0xffff  }
0x246: {  	s14 =	simm.s32 $0x10  }
0x247: {  	v25 =	vadd.s32 $0xF, v20;
	v22 =	vor.u32 s14, v11  }
0x248: {  	v21 =	vshll.u32 v22, $0x3;
	v20 =	vmul.u32 $0x28, v22  }
0x249: {  	v28 =	vor.u32 $0x1, v21;
	v26 =	vor.u32 $0x2, v21;
	v24 =	vor.u32 $0x3, v21  }
0x24a: {  	s13 =	simm.s32 $0x20;
	v27 =	vor.u32 v0, v21;
	v23 =	vadd.s32 $0x20, v20;
	v29 =	vmul.f32 v30, v29  }
.LBB2_7:
0x24b: {  	p0 =	sne.s32 s13, $0xF0;
	v30 =	vor.u32 v3, v21;
	s14 =	smov.u32 s13;
	s13 =	sadd.s32 $0x10, s13  }
0x24c: {  	[tilespmem:v25+s2+$0x0] =	vst.idx.msk $0xffff, v29  }
0x24d: {  	v25 =	vld.idx.msk [tilespmem:v21+s24+$0x0], $0xffff  }
0x24e: {  	v28 =	vld.idx.msk [tilespmem:v28+s24+$0x0], $0xffff  }
0x24f: {  	v29 =	vor.u32 v0, v23  }
0x250: {  	v26 =	vld.idx.msk [tilespmem:v26+s24+$0x0], $0xffff;
	_ =	sdelay $0x1  }
0x251: {  	v24 =	vld.idx.msk [tilespmem:v24+s24+$0x0], $0xffff  }
0x252: {  	v27 =	vld.idx.msk [tilespmem:v27+s26+$0x0], $0xffff  }
0x253: {  	v31 =	vmul.f32 v25, v12;
	v32 =	vmul.f32 v28, v13;
	v29 =	vld.idx.msk [tilespmem:v29+s25+$0x0], $0xffff  }
0x254: {  	v25 =	vmul.f32 v25, v16;
	v28 =	vmul.f32 v28, v17  }
0x255: {  	v31 =	vadd.f32 v32, v31;
	v32 =	vmul.f32 v26, v14  }
0x256: {  	v25 =	vadd.f32 v28, v25;
	v26 =	vmul.f32 v26, v18  }
0x257: {  	v28 =	vadd.f32 v32, v31;
	v31 =	vmul.f32 v24, v15  }
0x258: {  	v25 =	vadd.f32 v26, v25  }
0x259: {  	v26 =	vadd.f32 v31, v28;
	v27 =	vadd.f32 v27, v29  }
0x25a: {  	v28 =	vld.idx.msk [tilespmem:v30+s26+$0x0], $0xffff  }
0x25b: {  	v26 =	vadd.f32 v27, v26;
	_ =	sdelay $0x1  }
0x25c: {  	v27 =	vmul.f32 $2.000000030e-01, v26  }
0x25d: {  	vm0 =	vgt.f32 v26, $0.0e+00  }
0x25e: {  	v26 =	vsel vm0, v26, v27  }
0x25f: {  	v26 =	vsub.f32 v26, v28;
	_ =	sdelay $0x1  }
0x260: {  	v26 =	vmul.f32 $1.442695020e+00, v26;
	_ =	sdelay $0x1  }
0x261: {  	(erf) = vpow2.f32 v26;
	_ =	sdelay $0x2  }
0x262: {  	v22 =	vmul.u32 $0x18, v22;
	_ =	sdelay $0x1  }
0x263: {  	v26 =	vadd.s32 $0x10, v22  }
0x264: {  	v27 =	vadd.s32 v2, v20;
	_ =	sdelay $0x2  }
0x265: {  	v28 =	vpop (erf)  }
0x266: {  	[tilespmem:v26+s2+$0x0] =	vst.idx.msk $0xffff, v28  }
0x267: {  	v26 =	vld.idx.msk [tilespmem:v27+s25+$0x0], $0xffff;
	_ =	sdelay $0x3  }
0x268: {  	v29 =	vor.u32 $0x1, v27;
	_ =	sdelay $0x1  }
0x269: {  	v26 =	vmul.f32 v28, v26;
	_ =	sdelay $0x1  }
0x26a: {  	[tilespmem:v22+s2+$0x0] =	vst.idx.msk $0xffff, v26  }
0x26b: {  	v26 =	vld.idx.msk [tilespmem:v29+s25+$0x0], $0xffff;
	_ =	sdelay $0x2  }
0x26c: {  	v29 =	vor.u32 $0x1, v22  }
0x26d: {  	v30 =	vor.u32 $0x2, v27;
	_ =	sdelay $0x1  }
0x26e: {  	v26 =	vmul.f32 v28, v26;
	_ =	sdelay $0x1  }
0x26f: {  	[tilespmem:v29+s2+$0x0] =	vst.idx.msk $0xffff, v26  }
0x270: {  	v26 =	vld.idx.msk [tilespmem:v30+s25+$0x0], $0xffff;
	_ =	sdelay $0x2  }
0x271: {  	v29 =	vor.u32 $0x2, v22  }
0x272: {  	v30 =	vor.u32 $0x3, v27;
	_ =	sdelay $0x1  }
0x273: {  	v26 =	vmul.f32 v26, v28;
	_ =	sdelay $0x1  }
0x274: {  	[tilespmem:v29+s2+$0x0] =	vst.idx.msk $0xffff, v26  }
0x275: {  	v26 =	vld.idx.msk [tilespmem:v30+s25+$0x0], $0xffff;
	_ =	sdelay $0x2  }
0x276: {  	v29 =	vor.u32 $0x3, v22  }
0x277: {  	v30 =	vor.u32 $0x4, v27;
	_ =	sdelay $0x1  }
0x278: {  	v26 =	vmul.f32 v26, v28;
	_ =	sdelay $0x1  }
0x279: {  	[tilespmem:v29+s2+$0x0] =	vst.idx.msk $0xffff, v26  }
0x27a: {  	v26 =	vld.idx.msk [tilespmem:v30+s25+$0x0], $0xffff;
	_ =	sdelay $0x2  }
0x27b: {  	v29 =	vor.u32 $0x4, v22  }
0x27c: {  	v30 =	vor.u32 $0x5, v27;
	_ =	sdelay $0x1  }
0x27d: {  	v26 =	vmul.f32 v26, v28;
	_ =	sdelay $0x1  }
0x27e: {  	[tilespmem:v29+s2+$0x0] =	vst.idx.msk $0xffff, v26  }
0x27f: {  	v26 =	vld.idx.msk [tilespmem:v30+s25+$0x0], $0xffff;
	_ =	sdelay $0x2  }
0x280: {  	v29 =	vor.u32 $0x5, v22  }
0x281: {  	v30 =	vor.u32 $0x6, v27;
	_ =	sdelay $0x1  }
0x282: {  	v26 =	vmul.f32 v26, v28;
	_ =	sdelay $0x1  }
0x283: {  	[tilespmem:v29+s2+$0x0] =	vst.idx.msk $0xffff, v26  }
0x284: {  	v26 =	vld.idx.msk [tilespmem:v30+s25+$0x0], $0xffff;
	_ =	sdelay $0x2  }
0x285: {  	v29 =	vor.u32 $0x6, v22  }
0x286: {  	v27 =	vor.u32 $0x7, v27;
	_ =	sdelay $0x1  }
0x287: {  	v26 =	vmul.f32 v26, v28;
	_ =	sdelay $0x1  }
0x288: {  	[tilespmem:v29+s2+$0x0] =	vst.idx.msk $0xffff, v26  }
0x289: {  	v26 =	vld.idx.msk [tilespmem:v27+s25+$0x0], $0xffff;
	_ =	sdelay $0x2  }
0x28a: {  	v27 =	vor.u32 $0x7, v22  }
0x28b: {  	v23 =	vor.u32 v1, v23;
	v29 =	vor.u32 v1, v21;
	_ =	sdelay $0x1  }
0x28c: {  	v26 =	vmul.f32 v26, v28;
	_ =	sdelay $0x1  }
0x28d: {  	[tilespmem:v27+s2+$0x0] =	vst.idx.msk $0xffff, v26  }
0x28e: {  	v23 =	vld.idx.msk [tilespmem:v23+s25+$0x0], $0xffff  }
0x28f: {  	v26 =	vld.idx.msk [tilespmem:v29+s26+$0x0], $0xffff  }
0x290: {  	v21 =	vor.u32 v7, v21;
	_ =	sdelay $0x1  }
0x291: {  	v24 =	vmul.f32 v24, v19;
	_ =	sdelay $0x1  }
0x292: {  	v24 =	vadd.f32 v24, v25  }
0x293: {  	v23 =	vadd.f32 v26, v23;
	v21 =	vld.idx.msk [tilespmem:v21+s26+$0x0], $0xffff;
	_ =	sdelay $0x1  }
0x294: {  	v23 =	vadd.f32 v23, v24;
	_ =	sdelay $0x1  }
0x295: {  	vm0 =	vgt.f32 v23, $0.0e+00;
	v24 =	vmul.f32 $2.000000030e-01, v23;
	_ =	sdelay $0x1  }
0x296: {  	v23 =	vsel vm0, v23, v24  }
0x297: {  	v21 =	vsub.f32 v23, v21;
	_ =	sdelay $0x1  }
0x298: {  	v21 =	vmul.f32 $1.442695020e+00, v21;
	_ =	sdelay $0x1  }
0x299: {  	(erf) = vpow2.f32 v21;
	_ =	sdelay $0x3  }
0x29a: {  	v21 =	vadd.s32 $0x11, v22  }
0x29b: {  	v20 =	vadd.s32 v5, v20;
	_ =	sdelay $0x3  }
0x29c: {  	v29 =	vpop (erf)  }
0x29d: {  	[tilespmem:v21+s2+$0x0] =	vst.idx.msk $0xffff, v29  }
0x29e: {  	v21 =	vld.idx.msk [tilespmem:v20+s25+$0x0], $0xffff;
	_ =	sdelay $0x1  }
0x29f: {  	v23 =	vadd.s32 $0x8, v22  }
0x2a0: {  	v24 =	vor.u32 $0x1, v20;
	_ =	sdelay $0x2  }
0x2a1: {  	v21 =	vmul.f32 v29, v21;
	_ =	sdelay $0x1  }
0x2a2: {  	[tilespmem:v23+s2+$0x0] =	vst.idx.msk $0xffff, v21  }
0x2a3: {  	v21 =	vld.idx.msk [tilespmem:v24+s25+$0x0], $0xffff;
	_ =	sdelay $0x1  }
0x2a4: {  	v23 =	vadd.s32 $0x9, v22  }
0x2a5: {  	v24 =	vor.u32 $0x2, v20;
	_ =	sdelay $0x2  }
0x2a6: {  	v21 =	vmul.f32 v29, v21;
	_ =	sdelay $0x1  }
0x2a7: {  	[tilespmem:v23+s2+$0x0] =	vst.idx.msk $0xffff, v21  }
0x2a8: {  	v21 =	vld.idx.msk [tilespmem:v24+s25+$0x0], $0xffff;
	_ =	sdelay $0x1  }
0x2a9: {  	v23 =	vadd.s32 $0xA, v22  }
0x2aa: {  	v24 =	vor.u32 $0x3, v20;
	_ =	sdelay $0x2  }
0x2ab: {  	v21 =	vmul.f32 v21, v29;
	_ =	sdelay $0x1  }
0x2ac: {  	[tilespmem:v23+s2+$0x0] =	vst.idx.msk $0xffff, v21  }
0x2ad: {  	v21 =	vld.idx.msk [tilespmem:v24+s25+$0x0], $0xffff;
	_ =	sdelay $0x1  }
0x2ae: {  	v23 =	vadd.s32 $0xB, v22  }
0x2af: {  	v24 =	vor.u32 $0x4, v20;
	_ =	sdelay $0x2  }
0x2b0: {  	v21 =	vmul.f32 v21, v29;
	_ =	sdelay $0x1  }
0x2b1: {  	[tilespmem:v23+s2+$0x0] =	vst.idx.msk $0xffff, v21  }
0x2b2: {  	v21 =	vld.idx.msk [tilespmem:v24+s25+$0x0], $0xffff;
	_ =	sdelay $0x1  }
0x2b3: {  	v23 =	vadd.s32 $0xC, v22  }
0x2b4: {  	v24 =	vor.u32 $0x5, v20;
	_ =	sdelay $0x2  }
0x2b5: {  	v21 =	vmul.f32 v21, v29;
	_ =	sdelay $0x1  }
0x2b6: {  	[tilespmem:v23+s2+$0x0] =	vst.idx.msk $0xffff, v21  }
0x2b7: {  	v21 =	vld.idx.msk [tilespmem:v24+s25+$0x0], $0xffff;
	_ =	sdelay $0x1  }
0x2b8: {  	v23 =	vadd.s32 $0xD, v22  }
0x2b9: {  	v24 =	vor.u32 $0x6, v20;
	_ =	sdelay $0x2  }
0x2ba: {  	v21 =	vmul.f32 v21, v29;
	_ =	sdelay $0x1  }
0x2bb: {  	[tilespmem:v23+s2+$0x0] =	vst.idx.msk $0xffff, v21  }
0x2bc: {  	v21 =	vld.idx.msk [tilespmem:v24+s25+$0x0], $0xffff;
	_ =	sdelay $0x1  }
0x2bd: {  	v23 =	vadd.s32 $0xE, v22  }
0x2be: {  	v20 =	vor.u32 $0x7, v20;
	_ =	sdelay $0x2  }
0x2bf: {  	v21 =	vmul.f32 v21, v29;
	_ =	sdelay $0x1  }
0x2c0: {  	[tilespmem:v23+s2+$0x0] =	vst.idx.msk $0xffff, v21  }
0x2c1: {  	v30 =	vld.idx.msk [tilespmem:v20+s25+$0x0], $0xffff;
	_ =	sdelay $0x1  }
.Ltmp2:
0x2c2: {  	v25 =	vadd.s32 $0xF, v22;
	(pc) =	sbr.rel @p0 .LBB2_7-.Ltmp2, $4  }
0x2c3: {  	v22 =	vor.u32 s14, v11  }
0x2c4: {  	v21 =	vshll.u32 v22, $0x3;
	v20 =	vmul.u32 $0x28, v22  }
0x2c5: {  	v28 =	vor.u32 $0x1, v21;
	v26 =	vor.u32 $0x2, v21;
	v24 =	vor.u32 $0x3, v21  }
0x2c6: {  	v27 =	vor.u32 v0, v21;
	v23 =	vadd.s32 $0x20, v20;
	v29 =	vmul.f32 v30, v29  }
0x2c7: {  	_ =	sdelay $0x3  }
0x2c8: {  	[tilespmem:v25+s2+$0x0] =	vst.idx.msk $0xffff, v29  }
0x2c9: {  	v25 =	vld.idx.msk [tilespmem:v21+s24+$0x0], $0xffff  }
0x2ca: {  	v28 =	vld.idx.msk [tilespmem:v28+s24+$0x0], $0xffff  }
0x2cb: {  	v51 =	vor.u32 v0, v23  }
0x2cc: {  	v26 =	vld.idx.msk [tilespmem:v26+s24+$0x0], $0xffff;
	_ =	sdelay $0x1  }
0x2cd: {  	v24 =	vld.idx.msk [tilespmem:v24+s24+$0x0], $0xffff  }
0x2ce: {  	v27 =	vld.idx.msk [tilespmem:v27+s26+$0x0], $0xffff;
	v30 =	vmul.f32 v25, v12;
	v31 =	vmul.f32 v28, v13  }
0x2cf: {  	v29 =	vld.idx.msk [tilespmem:v51+s25+$0x0], $0xffff  }
0x2d0: {  	v52 =	vmul.f32 v26, v14;
	v30 =	vadd.f32 v31, v30  }
0x2d1: {  	v32 =	vor.u32 v3, v21  }
0x2d2: {  	v53 =	vmul.f32 v24, v15;
	v30 =	vadd.f32 v52, v30;
	_ =	sdelay $0x1  }
0x2d3: {  	v27 =	vadd.f32 v27, v29;
	v30 =	vadd.f32 v53, v30;
	_ =	sdelay $0x1  }
0x2d4: {  	v54 =	vld.idx.msk [tilespmem:v32+s26+$0x0], $0xffff;
	v27 =	vadd.f32 v27, v30;
	_ =	sdelay $0x1  }
0x2d5: {  	v30 =	vmul.f32 $2.000000030e-01, v27  }
0x2d6: {  	vm0 =	vgt.f32 v27, $0.0e+00  }
0x2d7: {  	v27 =	vsel vm0, v27, v30  }
0x2d8: {  	v27 =	vsub.f32 v27, v54;
	_ =	sdelay $0x1  }
0x2d9: {  	v27 =	vmul.f32 $1.442695020e+00, v27;
	_ =	sdelay $0x1  }
0x2da: {  	(erf) = vpow2.f32 v27;
	_ =	sdelay $0x2  }
0x2db: {  	v22 =	vmul.u32 $0x18, v22;
	_ =	sdelay $0x1  }
0x2dc: {  	v55 =	vadd.s32 $0x10, v22  }
0x2dd: {  	v56 =	vadd.s32 v2, v20;
	_ =	sdelay $0x2  }
0x2de: {  	v57 =	vpop (erf)  }
0x2df: {  	[tilespmem:v55+s2+$0x0] =	vst.idx.msk $0xffff, v57  }
0x2e0: {  	v27 =	vld.idx.msk [tilespmem:v56+s25+$0x0], $0xffff;
	_ =	sdelay $0x2  }
0x2e1: {  	v58 =	vor.u32 $0x1, v56;
	_ =	sdelay $0x1  }
0x2e2: {  	v27 =	vmul.f32 v57, v27;
	_ =	sdelay $0x1  }
0x2e3: {  	[tilespmem:v22+s2+$0x0] =	vst.idx.msk $0xffff, v27  }
0x2e4: {  	v27 =	vld.idx.msk [tilespmem:v58+s25+$0x0], $0xffff;
	_ =	sdelay $0x1  }
0x2e5: {  	v59 =	vor.u32 $0x1, v22  }
0x2e6: {  	v60 =	vor.u32 $0x2, v56;
	_ =	sdelay $0x1  }
0x2e7: {  	v27 =	vmul.f32 v57, v27;
	_ =	sdelay $0x1  }
0x2e8: {  	[tilespmem:v59+s2+$0x0] =	vst.idx.msk $0xffff, v27  }
0x2e9: {  	v27 =	vld.idx.msk [tilespmem:v60+s25+$0x0], $0xffff;
	_ =	sdelay $0x1  }
0x2ea: {  	v61 =	vor.u32 $0x2, v22  }
0x2eb: {  	v62 =	vor.u32 $0x3, v56;
	_ =	sdelay $0x1  }
0x2ec: {  	v27 =	vmul.f32 v27, v57;
	_ =	sdelay $0x1  }
0x2ed: {  	[tilespmem:v61+s2+$0x0] =	vst.idx.msk $0xffff, v27  }
0x2ee: {  	v27 =	vld.idx.msk [tilespmem:v62+s25+$0x0], $0xffff;
	_ =	sdelay $0x1  }
0x2ef: {  	v63 =	vor.u32 $0x3, v22  }
0x2f0: {  	v36 =	vor.u32 $0x4, v56;
	_ =	sdelay $0x1  }
0x2f1: {  	v27 =	vmul.f32 v27, v57;
	_ =	sdelay $0x1  }
0x2f2: {  	[tilespmem:v63+s2+$0x0] =	vst.idx.msk $0xffff, v27  }
0x2f3: {  	v27 =	vld.idx.msk [tilespmem:v36+s25+$0x0], $0xffff;
	_ =	sdelay $0x1  }
0x2f4: {  	v37 =	vor.u32 $0x4, v22  }
0x2f5: {  	v38 =	vor.u32 $0x5, v56;
	_ =	sdelay $0x1  }
0x2f6: {  	v27 =	vmul.f32 v27, v57;
	_ =	sdelay $0x1  }
0x2f7: {  	[tilespmem:v37+s2+$0x0] =	vst.idx.msk $0xffff, v27  }
0x2f8: {  	v27 =	vld.idx.msk [tilespmem:v38+s25+$0x0], $0xffff;
	_ =	sdelay $0x1  }
0x2f9: {  	v39 =	vor.u32 $0x5, v22  }
0x2fa: {  	v40 =	vor.u32 $0x6, v56;
	_ =	sdelay $0x1  }
0x2fb: {  	v27 =	vmul.f32 v27, v57;
	_ =	sdelay $0x1  }
0x2fc: {  	[tilespmem:v39+s2+$0x0] =	vst.idx.msk $0xffff, v27  }
0x2fd: {  	v27 =	vld.idx.msk [tilespmem:v40+s25+$0x0], $0xffff;
	_ =	sdelay $0x1  }
0x2fe: {  	v41 =	vor.u32 $0x6, v22  }
0x2ff: {  	v29 =	vor.u32 $0x7, v56;
	_ =	sdelay $0x1  }
0x300: {  	v27 =	vmul.f32 v27, v57;
	_ =	sdelay $0x1  }
0x301: {  	[tilespmem:v41+s2+$0x0] =	vst.idx.msk $0xffff, v27  }
0x302: {  	v27 =	vld.idx.msk [tilespmem:v29+s25+$0x0], $0xffff;
	_ =	sdelay $0x1  }
0x303: {  	v42 =	vor.u32 $0x7, v22  }
0x304: {  	v43 =	vor.u32 v1, v23  }
0x305: {  	v44 =	vor.u32 v1, v21  }
0x306: {  	v27 =	vmul.f32 v27, v57;
	_ =	sdelay $0x1  }
0x307: {  	[tilespmem:v42+s2+$0x0] =	vst.idx.msk $0xffff, v27  }
0x308: {  	v25 =	vmul.f32 v25, v16;
	v45 =	vmul.f32 v28, v17;
	v23 =	vld.idx.msk [tilespmem:v43+s25+$0x0], $0xffff  }
0x309: {  	v46 =	vld.idx.msk [tilespmem:v44+s26+$0x0], $0xffff  }
0x30a: {  	v26 =	vmul.f32 v26, v18;
	v25 =	vadd.f32 v45, v25  }
0x30b: {  	v47 =	vor.u32 v7, v21  }
0x30c: {  	v24 =	vmul.f32 v24, v19;
	v25 =	vadd.f32 v26, v25;
	_ =	sdelay $0x1  }
0x30d: {  	v24 =	vadd.f32 v24, v25;
	v23 =	vadd.f32 v46, v23;
	_ =	sdelay $0x1  }
0x30e: {  	v21 =	vld.idx.msk [tilespmem:v47+s26+$0x0], $0xffff;
	v23 =	vadd.f32 v23, v24;
	_ =	sdelay $0x1  }
0x30f: {  	v24 =	vmul.f32 $2.000000030e-01, v23  }
0x310: {  	vm15 =	vgt.f32 v23, $0.0e+00  }
0x311: {  	v23 =	vsel vm15, v23, v24  }
0x312: {  	v21 =	vsub.f32 v23, v21;
	_ =	sdelay $0x1  }
0x313: {  	v21 =	vmul.f32 $1.442695020e+00, v21;
	_ =	sdelay $0x1  }
0x314: {  	(erf) = vpow2.f32 v21;
	_ =	sdelay $0x4  }
0x315: {  	v48 =	vadd.s32 $0x11, v22  }
0x316: {  	v20 =	vadd.s32 v5, v20;
	_ =	sdelay $0x2  }
0x317: {  	v49 =	vpop (erf)  }
0x318: {  	[tilespmem:v48+s2+$0x0] =	vst.idx.msk $0xffff, v49  }
0x319: {  	v21 =	vld.idx.msk [tilespmem:v20+s25+$0x0], $0xffff;
	_ =	sdelay $0x1  }
0x31a: {  	v50 =	vadd.s32 $0x8, v22  }
0x31b: {  	v51 =	vor.u32 $0x1, v20;
	_ =	sdelay $0x1  }
0x31c: {  	v21 =	vmul.f32 v49, v21;
	_ =	sdelay $0x1  }
0x31d: {  	[tilespmem:v50+s2+$0x0] =	vst.idx.msk $0xffff, v21  }
0x31e: {  	v21 =	vld.idx.msk [tilespmem:v51+s25+$0x0], $0xffff;
	_ =	sdelay $0x1  }
0x31f: {  	v52 =	vadd.s32 $0x9, v22  }
0x320: {  	v53 =	vor.u32 $0x2, v20;
	_ =	sdelay $0x1  }
0x321: {  	v21 =	vmul.f32 v49, v21;
	_ =	sdelay $0x1  }
0x322: {  	[tilespmem:v52+s2+$0x0] =	vst.idx.msk $0xffff, v21  }
0x323: {  	v21 =	vld.idx.msk [tilespmem:v53+s25+$0x0], $0xffff;
	_ =	sdelay $0x1  }
0x324: {  	v54 =	vadd.s32 $0xA, v22  }
0x325: {  	v55 =	vor.u32 $0x3, v20;
	_ =	sdelay $0x1  }
0x326: {  	v21 =	vmul.f32 v21, v49;
	_ =	sdelay $0x1  }
0x327: {  	[tilespmem:v54+s2+$0x0] =	vst.idx.msk $0xffff, v21  }
0x328: {  	v21 =	vld.idx.msk [tilespmem:v55+s25+$0x0], $0xffff;
	_ =	sdelay $0x1  }
0x329: {  	v56 =	vadd.s32 $0xB, v22  }
0x32a: {  	v57 =	vor.u32 $0x4, v20;
	_ =	sdelay $0x1  }
0x32b: {  	v21 =	vmul.f32 v21, v49;
	_ =	sdelay $0x1  }
0x32c: {  	[tilespmem:v56+s2+$0x0] =	vst.idx.msk $0xffff, v21  }
0x32d: {  	v21 =	vld.idx.msk [tilespmem:v57+s25+$0x0], $0xffff;
	_ =	sdelay $0x1  }
0x32e: {  	v58 =	vadd.s32 $0xC, v22  }
0x32f: {  	v59 =	vor.u32 $0x5, v20;
	_ =	sdelay $0x1  }
0x330: {  	v21 =	vmul.f32 v21, v49;
	_ =	sdelay $0x1  }
0x331: {  	[tilespmem:v58+s2+$0x0] =	vst.idx.msk $0xffff, v21  }
0x332: {  	v21 =	vld.idx.msk [tilespmem:v59+s25+$0x0], $0xffff;
	_ =	sdelay $0x1  }
0x333: {  	v60 =	vadd.s32 $0xD, v22  }
0x334: {  	v61 =	vor.u32 $0x6, v20;
	_ =	sdelay $0x1  }
0x335: {  	v21 =	vmul.f32 v21, v49;
	_ =	sdelay $0x1  }
0x336: {  	[tilespmem:v60+s2+$0x0] =	vst.idx.msk $0xffff, v21  }
0x337: {  	v21 =	vld.idx.msk [tilespmem:v61+s25+$0x0], $0xffff;
	_ =	sdelay $0x1  }
0x338: {  	v62 =	vadd.s32 $0xE, v22  }
0x339: {  	v20 =	vor.u32 $0x7, v20;
	_ =	sdelay $0x1  }
0x33a: {  	v21 =	vmul.f32 v21, v49;
	_ =	sdelay $0x1  }
0x33b: {  	[tilespmem:v62+s2+$0x0] =	vst.idx.msk $0xffff, v21  }
0x33c: {  	v20 =	vld.idx.msk [tilespmem:v20+s25+$0x0], $0xffff;
	_ =	sdelay $0x1  }
0x33d: {  	v63 =	vadd.s32 $0xF, v22;
	_ =	sdelay $0x2  }
0x33e: {  	s10 =	sadd.s32 $0x1, s10;
	v20 =	vmul.f32 v20, v49  }
0x33f: {  	p0 =	sne.s32 s10, $0x62  }
.Ltmp3:
0x340: {  	[tilespmem:v63+s2+$0x0] =	vst.idx.msk $0xffff, v20;
	(pc) =	sbr.rel @p0 .LBB2_4-.Ltmp3, $4  }
0x341: {  	[spmem:s1] =	stream.indirect.scatter.add.f32 [tilespmem:s2], [sflag:$0x5], $0x18, s23, s20, $0xb8;
	[tilespmem:$0x1C960] =	vst v63  }
0x342: {  	_ =	swait.ge [sflag:s16], $0x1800  }
0x343: {  	[sflag:s16] =	ssyncset.done $0x0  }
0x344: {  	[sflag:s16] =	ssyncadd.s32 $0xFFFFE800  }
0x345: {  	[bflag:$0x0] =	sbarrier.arrive $0xFFFF  }
0x346: {  	s9 =	rddreg [dreg:$0x5]  }
0x347: {  	s10 =	rddreg [dreg:$0x7]  }
0x348: {  	[hbm:s9], [sflag:s15] =	dma.local [spmem:s10], $0x24A8  }
0x349: {  	_ =	swait.ge [sflag:s16], $0x24A8  }
0x34a: {  	s11 =	smov.u32 s15;
	s3 =	sadd.s32 $0x1, s3;
	s15 =	rddreg [dreg:$0x6]  }
0x34b: {  	p0 =	sne.s32 s3, s15  }
.Ltmp4:
0x34c: {  	_ = 	snop;
	(pc) =	sbr.rel @p0 .LBB2_1-.Ltmp4, $3  }
0x34d: {  	_ =	sdelay $0x1  }
0x34e: {  	[sflag:s16] =	ssyncset.done $0x0  }
0x34f: {  	[sflag:s16] =	ssyncadd.s32 $0xFFFFDB58  }
0x350: {  	_ =	sfence.sel $0x180000  }
0x351: {  	[bflag:$0x0] =	sbarrier.arrive $0xFFFF  }
0x352: {  	_ =	strace $0x90000047  }
0x353: {  	s0 =	stileid.u32;
	[bflag:$0x2] =	sbarrier.arrive $0xFFFF  }
0x354: {  	p0 =	sne.s32 s0, $0x0;
	s0 =	rddreg [dreg:$0x2]  }
0x355: {  	s0 =	sadd.s32 @!p0 $0x100000, s0  }
0x356: {  	[sflag:s0] =	ssyncadd.tile.s32 @!p0 $0x1;
	_ =	shalt  }
.Lfunc_end2:
_tile_overlayer_lowered:
.L_overlay_start_2:
0x357: {  	(tag) =	ssettag $0x2  }
0x358: {  	s0 =	rddreg [dreg:$0x0];
	s2 =	stileid.u32  }
0x359: {  	s1 =	rddreg [dreg:$0x1];
	p0 =	sne.s32 s2, $0x0  }
0x35a: {  	s3 =	rddreg [dreg:$0x2];
	[bflag:$0x3] =	sbarrier.arrive $0xFFFF;
	s2 =	simm.s32 @!p0 $0x1C05  }
0x35b: {  	[timem:s3], [sflag:s2] =	dma.local @!p0 [hbm:s0], s1  }
0x35c: {  	s0 =	simm.s32 @!p0 $0x5  }
0x35d: {  	_ =	swait.ge @!p0 [sflag:s0], s1  }
0x35e: {  	s1 =	ssub.s32 @!p0 $0x0, s1;
	[sflag:s0] =	ssyncset.done @!p0 $0x0  }
0x35f: {  	[sflag:s0] =	ssyncadd.s32 @!p0 s1  }
0x360: {  	[bflag:$0x3] =	sbarrier.arrive $0xFFFF  }
0x361: {  	_ =	shalt  }

// kernel: kernel.19.cloned.1.call-start
scs
__scs_entry_jumppad:
0x0: {  	(pc) =	sbr.rel $0x88, $3  }
0x1: {  	(tag) =	ssettag $0x0;
	lr =	simm.s32 $0x1  }
0x2: {  	[smem:$0x3F85] =	sst lr;
	_ =	strace $0xD0000000  }
0x3: {  	_ = 	snop  }
0x4: {  	_ = 	snop  }
0x5: {  	_ = 	snop  }
0x6: {  	_ = 	snop  }
0x7: {  	_ = 	snop  }
__scs_overlays_trampoline_lowered:
0x8: {  	[smem:$0x3F94] =	sst s0  }
0x9: {  	[smem:$0x3F95] =	sst s1  }
0xa: {  	[smem:$0x3F96] =	sst s2  }
0xb: {  	[smem:$0x3F97] =	sst s3  }
0xc: {  	[smem:$0x3F98] =	sst s4  }
0xd: {  	[smem:$0x3F99] =	sst s5  }
0xe: {  	[smem:$0x3F9A] =	sst s6  }
0xf: {  	[smem:$0x3F9B] =	sst s7  }
0x10: {  	[smem:$0x3F9C] =	sst s8  }
0x11: {  	[smem:$0x3F9D] =	sst s9;
	s0 =	simm.s32 @!p0 $0x0  }
0x12: {  	s1 =	sld [smem:$0x3F83];
	s0 =	simm.s32 @p0 $0x1  }
0x13: {  	[smem:$0x3F9E] =	sst s0;
	s0 =	simm.s32 @!p1 $0x0  }
0x14: {  	s2 =	sld [smem:$0x3F82];
	s0 =	simm.s32 @p1 $0x1  }
0x15: {  	[smem:$0x3F9F] =	sst s0;
	s0 =	simm.s32 @!p2 $0x0  }
0x16: {  	s3 =	sld [smem:$0x3FDB];
	s0 =	simm.s32 @p2 $0x1  }
0x17: {  	s4 =	simm.s32 $0x1BF5;
	[smem:$0x3FA1] =	sst s0  }
0x18: {  	s0 =	sld [smem:$0x3F84];
	_ =	swait.ge [sflag:s4], $0x0  }
0x19: {  	s7 =	sld [smem:$0x3F85]  }
0x1a: {  	s8 =	sadd.s32 $0xFFFFE003, lr  }
0x1b: {  	s9 =	sadd.s32 $0xFFFFFEF7, lr;
	s5 =	simm.s32 $0xFFFFFFFF;
	p2 =	slt.u32 s8, $0xFFFFF086  }
0x1c: {  	p1 =	slt.u32 s9, $0xF7A;
	s5 =	simm.s32 @!p2 $0x0  }
0x1d: {  	s5 =	simm.s32 @p1 $0x1;
	p0 =	seq.s32 s7, s2  }
0x1e: {  	s7 =	smul.u32 @!p0 $0xF7A, s2;
	p2 =	seq.s32 @!p0 s5, $0x0  }
0x1f: {  	s9 =	smul.u32 $0xF7A, s1;
	s8 =	simm.s32 @!p0 $0x1BF5;
	p2 =	por !p2, p0  }
0x20: {  	[sflag:s8] =	ssyncset.s32 @!p0 $0xFFFFF086;
	s6 =	sadd.s32 @!p0 s3, s7;
	s7 =	simm.s32 @!p0 $0x108  }
0x21: {  	s3 =	sadd.s32 s3, s9;
	s6 =	sadd.s32 @!p0 $0x88, s6;
	s7 =	simm.s32 @p2 $0x1082  }
0x22: {  	[simem:s7], [sflag:s8] =	dma.local @!p0 [hbm:s6], $0xF7A  }
0x23: {  	s9 =	sor.u32 $0xD0000000, s2;
	s6 =	simm.s32 $0x108;
	_ =	swait.ge @!p0 [sflag:s8], $0x0  }
0x24: {  	s3 =	sadd.s32 $0x88, s3;
	s6 =	simm.s32 @!p1 $0x1082;
	[sflag:s4] =	ssyncset.s32 $0xFFFFF086  }
0x25: {  	[simem:s6], [sflag:s4] =	dma.local [hbm:s3], $0xF7A  }
0x26: {  	[smem:$0x3F85] =	sst s1;
	(tag) =	ssettag s2;
	_ =	strace s9  }
0x27: {  	s1 =	sld [smem:$0x3F95]  }
0x28: {  	s2 =	sld [smem:$0x3F96]  }
0x29: {  	s4 =	sld [smem:$0x3F98]  }
0x2a: {  	p0 =	seq.s32 s5, $0x0;
	s5 =	sld [smem:$0x3F99]  }
0x2b: {  	s6 =	sld [smem:$0x3F9A]  }
0x2c: {  	s7 =	sld [smem:$0x3F9B]  }
0x2d: {  	s3 =	simm.s32 $0x108;
	s8 =	sld [smem:$0x3F9C]  }
0x2e: {  	s3 =	simm.s32 @!p0 $0x1082;
	s9 =	sld [smem:$0x3F9D]  }
0x2f: {  	lr =	sadd.s32 s0, s3;
	s0 =	sld [smem:$0x3F94]  }
0x30: {  	s3 =	sld [smem:$0x3F97]  }
0x31: {  	[smem:$0x3FA0] =	sst s10  }
0x32: {  	s10 =	sld [smem:$0x3F9E];
	_ =	sdelay $0x3  }
0x33: {  	p0 =	seq.s32 s10, $0x1;
	s10 =	sld [smem:$0x3FA0];
	_ =	sdelay $0x3  }
0x34: {  	[smem:$0x3FA0] =	sst s10  }
0x35: {  	s10 =	sld [smem:$0x3F9F];
	_ =	sdelay $0x3  }
0x36: {  	p1 =	seq.s32 s10, $0x1;
	s10 =	sld [smem:$0x3FA0];
	_ =	sdelay $0x3  }
0x37: {  	[smem:$0x3FA0] =	sst s10  }
0x38: {  	s10 =	sld [smem:$0x3FA1]  }
0x39: {  	_ = 	snop;
	(pc) =	sbr.ind lr, $3  }
0x3a: {  	_ = 	snop  }
0x3b: {  	_ = 	snop  }
0x3c: {  	p2 =	seq.s32 s10, $0x1;
	s10 =	sld [smem:$0x3FA0]  }
0x3d: {  	_ =	shalt  }
0x3e: {  	_ =	shalt  }
0x3f: {  	_ =	shalt  }
0x40: {  	_ =	shalt  }
0x41: {  	_ =	shalt  }
0x42: {  	_ =	shalt  }
0x43: {  	_ =	shalt  }
0x44: {  	_ =	shalt  }
0x45: {  	_ =	shalt  }
0x46: {  	_ =	shalt  }
0x47: {  	_ =	shalt  }
0x48: {  	_ =	shalt  }
0x49: {  	_ =	shalt  }
0x4a: {  	_ =	shalt  }
0x4b: {  	_ =	shalt  }
0x4c: {  	_ =	shalt  }
0x4d: {  	_ =	shalt  }
0x4e: {  	_ =	shalt  }
0x4f: {  	_ =	shalt  }
0x50: {  	_ =	shalt  }
0x51: {  	_ =	shalt  }
0x52: {  	_ =	shalt  }
0x53: {  	_ =	shalt  }
0x54: {  	_ =	shalt  }
0x55: {  	_ =	shalt  }
0x56: {  	_ =	shalt  }
0x57: {  	_ =	shalt  }
0x58: {  	_ =	shalt  }
0x59: {  	_ =	shalt  }
0x5a: {  	_ =	shalt  }
0x5b: {  	_ =	shalt  }
0x5c: {  	_ =	shalt  }
0x5d: {  	_ =	shalt  }
0x5e: {  	_ =	shalt  }
0x5f: {  	_ =	shalt  }
0x60: {  	_ =	shalt  }
0x61: {  	_ =	shalt  }
0x62: {  	_ =	shalt  }
0x63: {  	_ =	shalt  }
0x64: {  	_ =	shalt  }
0x65: {  	_ =	shalt  }
0x66: {  	_ =	shalt  }
0x67: {  	_ =	shalt  }
0x68: {  	_ =	shalt  }
0x69: {  	_ =	shalt  }
0x6a: {  	_ =	shalt  }
0x6b: {  	_ =	shalt  }
0x6c: {  	_ =	shalt  }
0x6d: {  	_ =	shalt  }
0x6e: {  	_ =	shalt  }
0x6f: {  	_ =	shalt  }
0x70: {  	_ =	shalt  }
0x71: {  	_ =	shalt  }
0x72: {  	_ =	shalt  }
0x73: {  	_ =	shalt  }
0x74: {  	_ =	shalt  }
0x75: {  	_ =	shalt  }
0x76: {  	_ =	shalt  }
0x77: {  	_ =	shalt  }
0x78: {  	_ =	shalt  }
0x79: {  	_ =	shalt  }
0x7a: {  	_ =	shalt  }
0x7b: {  	_ =	shalt  }
0x7c: {  	_ =	shalt  }
0x7d: {  	_ =	shalt  }
0x7e: {  	_ =	shalt  }
0x7f: {  	_ =	shalt  }
0x80: {  	_ =	shalt  }
0x81: {  	_ =	shalt  }
0x82: {  	_ =	shalt  }
0x83: {  	_ =	shalt  }
0x84: {  	_ =	shalt  }
0x85: {  	_ =	shalt  }
0x86: {  	_ =	shalt  }
0x87: {  	_ =	shalt  }
.Lfunc_end0:
.L_simem_size_0:
called_computation.1_lowered:
.L_overlay_start_0:
0x88: {  	s2 =	sld [smem:$0x3FD9]  }
0x89: {  	s3 =	sld [smem:$0x3FFE];
	_ =	sdelay $0x1  }
0x8a: {  	s1 =	srdreg.scid  }
0x8b: {  	s0 =	sand.u32 $0x1, s1  }
0x8c: {  	s16 =	sshll.u32 s0, $0xA;
	s2 =	sadd.s32 s3, s2  }
0x8d: {  	s2 =	sadd.s32 s2, s16  }
0x8e: {  	[smem:$0x3FAC] =	sst s2  }
0x8f: {  	_ = 	snop  }
0x90: {  	(tm) =	ssettm $0x1  }
0x91: {  	s17 =	sld [smem:$0x3FFB];
	_ =	sdelay $0x3  }
0x92: {  	_ =	strace s17  }
0x93: {  	s2 =	sld [smem:$0x3FFC];
	_ =	sdelay $0x3  }
0x94: {  	_ =	strace s2  }
0x95: {  	s2 =	sld [smem:$0x3FFD];
	_ =	sdelay $0x3  }
0x96: {  	_ =	strace s2  }
0x97: {  	_ =	strace $0x8FFFFFFF  }
0x98: {  	s18 =	sld [smem:$0x3FDB];
	_ =	sdelay $0x1  }
0x99: {  	s19 =	simm.s32 $_scs_section_size  }
0x9a: {  	s4 =	simm.s32 $_size__tile_overlayer_lowered;
	s5 =	simm.s32 $_tile_overlayer_lowered  }
0x9b: {  	s22 =	simm.s32 $0x1BFF;
	s21 =	sshll.u32 s5, $0x1;
	s2 =	sadd.s32 s19, s18  }
0x9c: {  	s6 =	simm.s32 $0x0;
	s20 =	sshll.u32 s4, $0x1;
	s4 =	sadd.s32 s21, s2  }
0x9d: {  	[timem:s6], [sflag:s22] =	dma.local [hbm:s4], s20  }
0x9e: {  	_ =	swait.ge [sflag:s22], s20  }
0x9f: {  	s3 =	ssub.s32 $0x0, s20;
	[sflag:s22] =	ssyncset.done $0x0  }
0xa0: {  	[sflag:s22] =	ssyncadd.s32 s3;
	_ =	sdelay $0x1  }
0xa1: {  	s23 =	simm.s32 $0x1B8B  }
0xa2: {  	_ =	swait.ge [sflag:s23], $0x1  }
0xa3: {  	[sflag:s23] =	ssyncset.done $0x0  }
0xa4: {  	s25 =	simm.s32 $0x1B8E;
	s24 =	sld [smem:$0x3FFE];
	[sflag:s23] =	ssyncadd.s32 $0xFFFFFFFF  }
0xa5: {  	s26 =	simm.s32 $execute0_lowered;
	[smem:$0x3FD2] =	sst s25  }
0xa6: {  	s4 =	sshll.u32 s26, $0x1;
	_ =	strace $0x80000049;
	[dreg:$0x1] =	wrdreg $0xFFFFFFFF  }
0xa7: {  	s28 =	simm.s32 $_size_execute0_lowered;
	s2 =	sadd.s32 s2, s4;
	[dreg:$0x0] =	wrdreg $0x0  }
0xa8: {  	s4 =	sshll.u32 s28, $0x1;
	[dreg:$0x2] =	wrdreg s2  }
0xa9: {  	[dreg:$0x3] =	wrdreg s4  }
0xaa: {  	[dreg:$0x4] =	wrdreg $0xC0  }
0xab: {  	_ =	task [dreg:s6], $0x5FFFF  }
0xac: {  	[dreg:$0x1] =	wrdreg $0xFFFFFFFF  }
0xad: {  	[dreg:$0x0] =	wrdreg $0x60  }
0xae: {  	[dreg:$0x2] =	wrdreg s24  }
0xaf: {  	[dreg:$0x3] =	wrdreg $0xA4200  }
0xb0: {  	[dreg:$0x4] =	wrdreg $0x9  }
0xb1: {  	_ =	task.clear_ibuf [dreg:s6], $0x5FFFF;
	_ =	strace $0x90000049  }
0xb2: {  	s29 =	simm.s32 $0x9;
	_ =	strace $0x8000004B  }
0xb3: {  	_ =	swait.ge [sflag:s29], $0x1  }
0xb4: {  	[sflag:s29] =	ssyncadd.s32 $0xFFFFFFFF  }
0xb5: {  	_ =	strace $0x9000004B  }
0xb6: {  	_ =	sfence  }
0xb7: {  	s30 =	sld [smem:$0x0];
	_ =	sdelay $0x2  }
0xb8: {  	s31 =	sshll.u32 s1, $0xD;
	s1 =	sshrl.u32 s1, $0x2  }
0xb9: {  	s3 =	sand.u32 $0x4000, s31;
	s1 =	sadd.s32 s1, s30  }
0xba: {  	s0 =	sor.u32 s3, s0;
	s1 =	sshll.u32 s1, $0x11  }
0xbb: {  	s0 =	sor.u32 s1, s0  }
0xbc: {  	s0 =	sadd.s32 $0x8F2B, s0  }
0xbd: {  	[sflag:s0] =	ssyncadd.remote.s32 $0x1  }
0xbe: {  	_ =	sfence.sel $0xFFFF  }
0xbf: {  	[dreg:$0x0] =	wrdreg $0xFFFFFFFF;
	(pc) =	sbr.abs _section_cstart, $3  }
0xc0: {  	[dreg:$0x1] =	wrdreg $0xFFFFFFFF  }
0xc1: {  	_ =	task.clear_ibuf [dreg:s6], $0x2FFFF;
	_ =	strace $0x9FFFFFFF  }
0xc2: {  	(tm) =	ssettm $0x7FFFFFFF  }
0xc3: {  	_ =	shalt  }
tec
execute0_lowered:
.L_overlay_start_1:
0x0: {  	(tag) =	ssettag $0x1  }
0x1: {  	s0 =	rddreg [dreg:$0x0]  }
0x2: {  	s1 =	rddreg [dreg:$0x1];
	s2 =	simm.s32 $0x0  }
0x3: {  	s14 =	stileid.u32;
	s19 =	srdreg.scid;
	s16 =	simm.s32 $0x5  }
0x4: {  	s17 =	simm.s32 $0xA400;
	s18 =	simm.s32 $0x200;
	s28 =	simm.s32 $0x1  }
0x5: {  	s29 =	simm.s32 $0x3;
	s30 =	simm.s32 $0x7400;
	s31 =	simm.s32 $0x2  }
0x6: {  	[smem:$0x7FF] =	sst s2;
	s4 =	sadd.s32 $0x104800, s0;
	s3 =	smul.u32 $0x12540, s14  }
0x7: {  	s2 =	sand.u32 $0x1, s19;
	s5 =	sadd.s32 $0x3400, s0;
	s6 =	sadd.s32 $0x34400, s0  }
0x8: {  	s7 =	sadd.s32 $0x205200, s0;
	s8 =	sadd.s32 $0xF8400, s0;
	s10 =	sadd.s32 $0x1BC00, s0  }
0x9: {  	s23 =	sshll.u32 s14, $0x6;
	s19 =	simm.s32 $0x400;
	_ =	strace $0x8000004A  }
0xa: {  	s9 =	smul.u32 $0x125400, s2;
	[dreg:$0x3] =	wrdreg s10;
	s20 =	ssub.s32 $0x2, s2  }
0xb: {  	s24 =	sshll.u32 s2, $0x1;
	s13 =	sshllo.u32 s2, $0x1;
	s2 =	sshll.u32 s2, $0x4  }
0xc: {  	s11 =	sshrl.u32 s3, $0x3;
	s12 =	sshrl.u32 s20, $0x1;
	s15 =	sshll.u32 s13, $0x3  }
0xd: {  	v0 =	vmov s24;
	v2 =	vmov s2;
	s24 =	simm.s32 $0xC00;
	s2 =	simm.s32 $0x8C00;
	s9 =	sadd.s32 s3, s9  }
0xe: {  	s11 =	sadd.s32 s11, s0;
	s21 =	ssub.s32 s20, s12;
	s3 =	sadd.s32 s3, s1  }
0xf: {  	s12 =	smul.u32 $0xC4, s14;
	s20 =	simm.s32 $0x100;
	s9 =	sshrl.u32 s9, $0x3  }
0x10: {  	s22 =	sadd.s32 $0x11D000, s11;
	s11 =	sor.u32 $0x1C05, s23;
	s25 =	smax.u32 s21, $0x1  }
0x11: {  	s26 =	sshrl.u32 s3, $0x3;
	s21 =	simm.s32 $0x1400;
	s23 =	simm.s32 $0x300  }
0x12: {  	v10 =	vimm.f32 $0.0e+00;
	s3 =	simm.s32 $0x0;
	s0 =	sadd.s32 s9, s0;
	[dreg:$0x4] =	wrdreg s22  }
0x13: {  	v11 =	vlaneseq.u32;
	v1 =	vmov s13;
	v3 =	vor.u32 $0x4, v0;
	[dreg:$0x6] =	wrdreg s25;
	s10 =	smov.u32 s26;
	s22 =	simm.s32 $0x6400  }
0x14: {  	v4 =	vor.u32 $0x8, v0;
	v5 =	vmov s15;
	v6 =	vor.u32 $0xC, v0;
	s25 =	simm.s32 $0x3C00;
	s0 =	sadd.s32 $0x242400, s0;
	[dreg:$0x7] =	wrdreg s10  }
0x15: {  	v7 =	vor.u32 $0x4, v1;
	v8 =	vor.u32 $0x8, v1;
	v9 =	vor.u32 $0xC, v1;
	s26 =	simm.s32 $0x6C00;
	[dreg:$0x5] =	wrdreg s0;
	s0 =	simm.s32 $0x4  }
.LBB2_1:
0x16: {  	s9 =	rddreg [dreg:$0x4]  }
0x17: {  	[spmem:s10], [sflag:s11] =	dma.local [hbm:s9], $0x24A8  }
0x18: {  	_ =	swait.ge [sflag:s16], $0x24A8  }
0x19: {  	[sflag:s16] =	ssyncset.done $0x0  }
0x1a: {  	s13 =	simm.s32 $0x0;
	s14 =	rddreg [dreg:$0x3];
	[sflag:s16] =	ssyncadd.s32 $0xFFFFDB58  }
0x1b: {  	[tilespmem:s17], [sflag:$0x5] =	stream.linear.gather [hbm4b:s14+s13], $0x20, $0x38;
	[tilespmem:$0x1C960] =	vst v63  }
0x1c: {  	_ =	swait.ge [sflag:s16], $0x20  }
0x1d: {  	[sflag:s16] =	ssyncset.done $0x0  }
0x1e: {  	s9 =	simm.s32 $0x0;
	[sflag:s16] =	ssyncadd.s32 $0xFFFFFFE0  }
0x1f: {  	s15 =	smov.u32 s11;
	s10 =	simm.s32 $0x60;
	[tilespmem:s9+$0x7400] =	vst v10  }
.LBB2_2:
0x20: {  	p0 =	sne.s32 s10, $0x5FA0;
	[tilespmem:s9+$0x7408] =	vst v10;
	s13 =	smov.u32 s10;
	s10 =	sadd.s32 $0x60, s10  }
.Ltmp0:
0x21: {  	[tilespmem:s9+$0x8C00] =	vst v10;
	(pc) =	sbr.rel @p0 .LBB2_2-.Ltmp0, $3  }
0x22: {  	[tilespmem:s9+$0x8C08] =	vst v10;
	_ =	sdelay $0x1  }
0x23: {  	s9 =	sshra.s32 s13, $0x2  }
0x24: {  	[tilespmem:s9+$0x7400] =	vst v10  }
0x25: {  	[tilespmem:s9+$0x7408] =	vst v10  }
0x26: {  	[tilespmem:s9+$0x8C00] =	vst v10  }
0x27: {  	[tilespmem:s9+$0x8C08] =	vst v10  }
0x28: {  	[bflag:$0x0] =	sbarrier.arrive $0xFFFF  }
0x29: {  	v12 =	vld.idx.msk [tilespmem:v0+s17+$0x0], $0xffff  }
0x2a: {  	v13 =	vld.idx.msk [tilespmem:v3+s17+$0x0], $0xffff  }
0x2b: {  	v14 =	vld.idx.msk [tilespmem:v4+s17+$0x0], $0xffff  }
0x2c: {  	v15 =	vld.idx.msk [tilespmem:v6+s17+$0x0], $0xffff  }
0x2d: {  	v16 =	vld.idx.msk [tilespmem:v1+s17+$0x0], $0xffff  }
0x2e: {  	v17 =	vld.idx.msk [tilespmem:v7+s17+$0x0], $0xffff  }
0x2f: {  	v18 =	vld.idx.msk [tilespmem:v8+s17+$0x0], $0xffff  }
0x30: {  	s10 =	simm.s32 $0x0;
	s9 =	simm.s32 $0x0;
	v19 =	vld.idx.msk [tilespmem:v9+s17+$0x0], $0xffff  }
.LBB2_4:
0x31: {  	s13 =	sshll.u32 s10, $0x1  }
0x32: {  	s13 =	sadd.s32 s12, s13  }
0x33: {  	s14 =	sshll.u32 s13, $0x5  }
0x34: {  	s11 =	sadd.s32 s4, s14  }
0x35: {  	[tilespmem:s9], [sflag:$0x5] =	stream.linear.gather [hbm4b:s11+s9], $0x100, $0x38;
	[tilespmem:$0x1C960] =	vst v63  }
0x36: {  	_ =	swait.ge [sflag:s16], $0x100  }
0x37: {  	[sflag:s16] =	ssyncset.done $0x0  }
0x38: {  	s14 =	sadd.s32 s5, s14;
	[sflag:s16] =	ssyncadd.s32 $0xFFFFFF00  }
0x39: {  	[tilespmem:s18], [sflag:$0x5] =	stream.linear.gather [hbm4b:s14+s9], $0x100, $0x38;
	[tilespmem:$0x1C960] =	vst v63  }
0x3a: {  	_ =	swait.ge [sflag:s16], $0x100  }
0x3b: {  	s14 =	sshll.u32 s13, $0x8;
	[sflag:s16] =	ssyncset.done $0x0  }
0x3c: {  	s13 =	sadd.s32 s6, s14;
	[sflag:s16] =	ssyncadd.s32 $0xFFFFFF00  }
0x3d: {  	[tilespmem:s19], [sflag:$0x5] =	stream.linear.gather [hbm4b:s13+s9], $0x800, $0x38;
	[tilespmem:$0x1C960] =	vst v63  }
0x3e: {  	_ =	swait.ge [sflag:s16], $0x800  }
0x3f: {  	[sflag:s16] =	ssyncset.done $0x0  }
0x40: {  	s11 =	sor.u32 $0x100, s14;
	[sflag:s16] =	ssyncadd.s32 $0xFFFFF800  }
0x41: {  	[tilespmem:s21], [sflag:$0x1] =	stream.indirect.gather [hbm4b:s7+s20], $0x28, s9, s20, $0xb8;
	[tilespmem:$0x1C960] =	vst v63  }
0x42: {  	s13 =	sshrl.u32 s11, $0x3  }
0x43: {  	[tilespmem:s22], [sflag:$0x3] =	stream.indirect.gather [hbm4b:s8+s20], $0x8, s18, s20, $0xb8;
	[tilespmem:$0x1C960] =	vst v63  }
0x44: {  	s14 =	sadd.s32 s4, s13  }
0x45: {  	[tilespmem:s20], [sflag:$0x5] =	stream.linear.gather [hbm4b:s14+s9], $0x100, $0x38;
	[tilespmem:$0x1C960] =	vst v63  }
0x46: {  	_ =	swait.ge [sflag:s16], $0x100  }
0x47: {  	[sflag:s16] =	ssyncset.done $0x0  }
0x48: {  	s13 =	sadd.s32 s5, s13;
	[sflag:s16] =	ssyncadd.s32 $0xFFFFFF00  }
0x49: {  	[tilespmem:s23], [sflag:$0x5] =	stream.linear.gather [hbm4b:s13+s9], $0x100, $0x38;
	[tilespmem:$0x1C960] =	vst v63  }
0x4a: {  	_ =	swait.ge [sflag:s16], $0x100  }
0x4b: {  	[sflag:s16] =	ssyncset.done $0x0  }
0x4c: {  	s11 =	sadd.s32 s6, s11;
	[sflag:s16] =	ssyncadd.s32 $0xFFFFFF00  }
0x4d: {  	[tilespmem:s24], [sflag:$0x5] =	stream.linear.gather [hbm4b:s11+s9], $0x800, $0x38;
	[tilespmem:$0x1C960] =	vst v63  }
0x4e: {  	_ =	swait.ge [sflag:s16], $0x800  }
0x4f: {  	[sflag:s16] =	ssyncset.done $0x0  }
0x50: {  	[sflag:s16] =	ssyncadd.s32 $0xFFFFF800  }
0x51: {  	[tilespmem:s25], [sflag:$0x2] =	stream.indirect.gather [hbm4b:s7+s20], $0x28, s20, s20, $0xb8;
	[tilespmem:$0x1C960] =	vst v63  }
0x52: {  	_ = 	snop  }
0x53: {  	[tilespmem:s26], [sflag:$0x4] =	stream.indirect.gather [hbm4b:s8+s20], $0x8, s23, s20, $0xb8;
	[tilespmem:$0x1C960] =	vst v63  }
0x54: {  	v20 =	vor.u32 s9, v11;
	_ =	swait.ge [sflag:s28], $0x2800  }
0x55: {  	v21 =	vshll.u32 v20, $0x3;
	[sflag:s28] =	ssyncset.done $0x0  }
0x56: {  	v22 =	vor.u32 $0x1, v21;
	[sflag:s28] =	ssyncadd.s32 $0xFFFFD800  }
0x57: {  	_ =	swait.ge [sflag:s29], $0x800  }
0x58: {  	v23 =	vor.u32 $0x2, v21;
	[sflag:s29] =	ssyncset.done $0x0  }
0x59: {  	v24 =	vmul.u32 $0x28, v20;
	[sflag:s29] =	ssyncadd.s32 $0xFFFFF800  }
0x5a: {  	v25 =	vor.u32 $0x3, v21;
	v26 =	vld.idx.msk [tilespmem:v21+s19+$0x0], $0xffff  }
0x5b: {  	v28 =	vor.u32 v0, v21;
	v27 =	vadd.s32 $0x20, v24;
	v22 =	vld.idx.msk [tilespmem:v22+s19+$0x0], $0xffff  }
0x5c: {  	v29 =	vor.u32 v0, v27  }
0x5d: {  	v23 =	vld.idx.msk [tilespmem:v23+s19+$0x0], $0xffff;
	_ =	sdelay $0x1  }
0x5e: {  	v25 =	vld.idx.msk [tilespmem:v25+s19+$0x0], $0xffff  }
0x5f: {  	v28 =	vld.idx.msk [tilespmem:v28+s22+$0x0], $0xffff;
	v30 =	vmul.f32 v26, v12;
	v31 =	vmul.f32 v22, v13  }
0x60: {  	v29 =	vld.idx.msk [tilespmem:v29+s21+$0x0], $0xffff  }
0x61: {  	v30 =	vadd.f32 v31, v30;
	v31 =	vmul.f32 v23, v14  }
0x62: {  	v32 =	vor.u32 v3, v21  }
0x63: {  	v30 =	vadd.f32 v31, v30;
	v31 =	vmul.f32 v25, v15;
	_ =	sdelay $0x1  }
0x64: {  	v28 =	vadd.f32 v28, v29;
	v30 =	vadd.f32 v31, v30;
	_ =	sdelay $0x1  }
0x65: {  	v29 =	vld.idx.msk [tilespmem:v32+s22+$0x0], $0xffff;
	v28 =	vadd.f32 v28, v30;
	_ =	sdelay $0x1  }
0x66: {  	v30 =	vmul.f32 $2.000000030e-01, v28  }
0x67: {  	vm0 =	vgt.f32 v28, $0.0e+00  }
0x68: {  	v28 =	vsel vm0, v28, v30  }
0x69: {  	v28 =	vsub.f32 v28, v29;
	_ =	sdelay $0x1  }
0x6a: {  	v28 =	vmul.f32 $1.442695020e+00, v28;
	_ =	sdelay $0x1  }
0x6b: {  	(erf) = vpow2.f32 v28;
	_ =	sdelay $0x2  }
0x6c: {  	v20 =	vmul.u32 $0x18, v20;
	_ =	sdelay $0x1  }
0x6d: {  	v28 =	vadd.s32 $0x10, v20  }
0x6e: {  	v29 =	vadd.s32 v2, v24;
	_ =	sdelay $0x2  }
0x6f: {  	v30 =	vpop (erf)  }
0x70: {  	[tilespmem:v28+s30+$0x0] =	vst.idx.msk $0xffff, v30  }
0x71: {  	v28 =	vld.idx.msk [tilespmem:v29+s21+$0x0], $0xffff;
	_ =	sdelay $0x2  }
0x72: {  	v31 =	vor.u32 $0x1, v29;
	_ =	sdelay $0x1  }
0x73: {  	v28 =	vmul.f32 v30, v28;
	_ =	sdelay $0x1  }
0x74: {  	[tilespmem:v20+s30+$0x0] =	vst.idx.msk $0xffff, v28  }
0x75: {  	v28 =	vld.idx.msk [tilespmem:v31+s21+$0x0], $0xffff;
	_ =	sdelay $0x1  }
0x76: {  	v31 =	vor.u32 $0x1, v20  }
0x77: {  	v59 =	vor.u32 $0x2, v29;
	_ =	sdelay $0x1  }
0x78: {  	v28 =	vmul.f32 v30, v28;
	_ =	sdelay $0x1  }
0x79: {  	[tilespmem:v31+s30+$0x0] =	vst.idx.msk $0xffff, v28  }
0x7a: {  	v28 =	vld.idx.msk [tilespmem:v59+s21+$0x0], $0xffff;
	_ =	sdelay $0x1  }
0x7b: {  	v31 =	vor.u32 $0x2, v20  }
0x7c: {  	v60 =	vor.u32 $0x3, v29;
	_ =	sdelay $0x1  }
0x7d: {  	v28 =	vmul.f32 v28, v30;
	_ =	sdelay $0x1  }
0x7e: {  	[tilespmem:v31+s30+$0x0] =	vst.idx.msk $0xffff, v28  }
0x7f: {  	v28 =	vld.idx.msk [tilespmem:v60+s21+$0x0], $0xffff;
	_ =	sdelay $0x1  }
0x80: {  	v31 =	vor.u32 $0x3, v20  }
0x81: {  	v61 =	vor.u32 $0x4, v29;
	_ =	sdelay $0x1  }
0x82: {  	v28 =	vmul.f32 v28, v30;
	_ =	sdelay $0x1  }
0x83: {  	[tilespmem:v31+s30+$0x0] =	vst.idx.msk $0xffff, v28  }
0x84: {  	v28 =	vld.idx.msk [tilespmem:v61+s21+$0x0], $0xffff;
	_ =	sdelay $0x1  }
0x85: {  	v31 =	vor.u32 $0x4, v20  }
0x86: {  	v62 =	vor.u32 $0x5, v29;
	_ =	sdelay $0x1  }
0x87: {  	v28 =	vmul.f32 v28, v30;
	_ =	sdelay $0x1  }
0x88: {  	[tilespmem:v31+s30+$0x0] =	vst.idx.msk $0xffff, v28  }
0x89: {  	v28 =	vld.idx.msk [tilespmem:v62+s21+$0x0], $0xffff;
	_ =	sdelay $0x1  }
0x8a: {  	v31 =	vor.u32 $0x5, v20  }
0x8b: {  	v63 =	vor.u32 $0x6, v29;
	_ =	sdelay $0x1  }
0x8c: {  	v28 =	vmul.f32 v28, v30;
	_ =	sdelay $0x1  }
0x8d: {  	[tilespmem:v31+s30+$0x0] =	vst.idx.msk $0xffff, v28  }
0x8e: {  	v28 =	vld.idx.msk [tilespmem:v63+s21+$0x0], $0xffff;
	_ =	sdelay $0x1  }
0x8f: {  	v31 =	vor.u32 $0x6, v20  }
0x90: {  	v29 =	vor.u32 $0x7, v29;
	_ =	sdelay $0x1  }
0x91: {  	v28 =	vmul.f32 v28, v30;
	_ =	sdelay $0x1  }
0x92: {  	[tilespmem:v31+s30+$0x0] =	vst.idx.msk $0xffff, v28  }
0x93: {  	v28 =	vld.idx.msk [tilespmem:v29+s21+$0x0], $0xffff;
	_ =	sdelay $0x1  }
0x94: {  	v29 =	vor.u32 $0x7, v20  }
0x95: {  	v27 =	vor.u32 v1, v27  }
0x96: {  	v31 =	vor.u32 v1, v21  }
0x97: {  	v28 =	vmul.f32 v28, v30;
	_ =	sdelay $0x1  }
0x98: {  	[tilespmem:v29+s30+$0x0] =	vst.idx.msk $0xffff, v28  }
0x99: {  	v26 =	vmul.f32 v26, v16;
	v22 =	vmul.f32 v22, v17;
	v27 =	vld.idx.msk [tilespmem:v27+s21+$0x0], $0xffff  }
0x9a: {  	v28 =	vld.idx.msk [tilespmem:v31+s22+$0x0], $0xffff  }
0x9b: {  	v22 =	vadd.f32 v22, v26;
	v23 =	vmul.f32 v23, v18  }
0x9c: {  	v21 =	vor.u32 v7, v21  }
0x9d: {  	v22 =	vadd.f32 v23, v22;
	v23 =	vmul.f32 v25, v19;
	_ =	sdelay $0x1  }
0x9e: {  	v22 =	vadd.f32 v23, v22;
	v23 =	vadd.f32 v28, v27;
	_ =	sdelay $0x1  }
0x9f: {  	v21 =	vld.idx.msk [tilespmem:v21+s22+$0x0], $0xffff;
	v22 =	vadd.f32 v23, v22;
	_ =	sdelay $0x1  }
0xa0: {  	v23 =	vmul.f32 $2.000000030e-01, v22  }
0xa1: {  	vm15 =	vgt.f32 v22, $0.0e+00  }
0xa2: {  	v22 =	vsel vm15, v22, v23  }
0xa3: {  	v21 =	vsub.f32 v22, v21;
	_ =	sdelay $0x1  }
0xa4: {  	v21 =	vmul.f32 $1.442695020e+00, v21;
	_ =	sdelay $0x1  }
0xa5: {  	(erf) = vpow2.f32 v21;
	_ =	sdelay $0x4  }
0xa6: {  	v21 =	vadd.s32 $0x11, v20  }
0xa7: {  	v22 =	vadd.s32 v5, v24;
	_ =	sdelay $0x2  }
0xa8: {  	v29 =	vpop (erf)  }
0xa9: {  	[tilespmem:v21+s30+$0x0] =	vst.idx.msk $0xffff, v29  }
0xaa: {  	v21 =	vld.idx.msk [tilespmem:v22+s21+$0x0], $0xffff;
	_ =	sdelay $0x1  }
0xab: {  	v23 =	vadd.s32 $0x8, v20  }
0xac: {  	v24 =	vor.u32 $0x1, v22;
	_ =	sdelay $0x1  }
0xad: {  	v21 =	vmul.f32 v29, v21;
	_ =	sdelay $0x1  }
0xae: {  	[tilespmem:v23+s30+$0x0] =	vst.idx.msk $0xffff, v21  }
0xaf: {  	v21 =	vld.idx.msk [tilespmem:v24+s21+$0x0], $0xffff;
	_ =	sdelay $0x1  }
0xb0: {  	v23 =	vadd.s32 $0x9, v20  }
0xb1: {  	v24 =	vor.u32 $0x2, v22;
	_ =	sdelay $0x1  }
0xb2: {  	v21 =	vmul.f32 v29, v21;
	_ =	sdelay $0x1  }
0xb3: {  	[tilespmem:v23+s30+$0x0] =	vst.idx.msk $0xffff, v21  }
0xb4: {  	v21 =	vld.idx.msk [tilespmem:v24+s21+$0x0], $0xffff;
	_ =	sdelay $0x1  }
0xb5: {  	v23 =	vadd.s32 $0xA, v20  }
0xb6: {  	v24 =	vor.u32 $0x3, v22;
	_ =	sdelay $0x1  }
0xb7: {  	v21 =	vmul.f32 v21, v29;
	_ =	sdelay $0x1  }
0xb8: {  	[tilespmem:v23+s30+$0x0] =	vst.idx.msk $0xffff, v21  }
0xb9: {  	v21 =	vld.idx.msk [tilespmem:v24+s21+$0x0], $0xffff;
	_ =	sdelay $0x1  }
0xba: {  	v23 =	vadd.s32 $0xB, v20  }
0xbb: {  	v24 =	vor.u32 $0x4, v22;
	_ =	sdelay $0x1  }
0xbc: {  	v21 =	vmul.f32 v21, v29;
	_ =	sdelay $0x1  }
0xbd: {  	[tilespmem:v23+s30+$0x0] =	vst.idx.msk $0xffff, v21  }
0xbe: {  	v21 =	vld.idx.msk [tilespmem:v24+s21+$0x0], $0xffff;
	_ =	sdelay $0x1  }
0xbf: {  	v23 =	vadd.s32 $0xC, v20  }
0xc0: {  	v24 =	vor.u32 $0x5, v22;
	_ =	sdelay $0x1  }
0xc1: {  	v21 =	vmul.f32 v21, v29;
	_ =	sdelay $0x1  }
0xc2: {  	[tilespmem:v23+s30+$0x0] =	vst.idx.msk $0xffff, v21  }
0xc3: {  	v21 =	vld.idx.msk [tilespmem:v24+s21+$0x0], $0xffff;
	_ =	sdelay $0x1  }
0xc4: {  	v23 =	vadd.s32 $0xD, v20  }
0xc5: {  	v24 =	vor.u32 $0x6, v22;
	_ =	sdelay $0x1  }
0xc6: {  	v21 =	vmul.f32 v21, v29;
	_ =	sdelay $0x1  }
0xc7: {  	[tilespmem:v23+s30+$0x0] =	vst.idx.msk $0xffff, v21  }
0xc8: {  	v21 =	vld.idx.msk [tilespmem:v24+s21+$0x0], $0xffff;
	_ =	sdelay $0x1  }
0xc9: {  	v23 =	vadd.s32 $0xE, v20  }
0xca: {  	v22 =	vor.u32 $0x7, v22;
	_ =	sdelay $0x1  }
0xcb: {  	v21 =	vmul.f32 v21, v29;
	_ =	sdelay $0x1  }
0xcc: {  	[tilespmem:v23+s30+$0x0] =	vst.idx.msk $0xffff, v21  }
0xcd: {  	v30 =	vld.idx.msk [tilespmem:v22+s21+$0x0], $0xffff  }
0xce: {  	s14 =	simm.s32 $0x10  }
0xcf: {  	v25 =	vadd.s32 $0xF, v20;
	v22 =	vor.u32 s14, v11  }
0xd0: {  	v21 =	vshll.u32 v22, $0x3;
	v20 =	vmul.u32 $0x28, v22  }
0xd1: {  	v28 =	vor.u32 $0x1, v21;
	v26 =	vor.u32 $0x2, v21;
	v24 =	vor.u32 $0x3, v21  }
0xd2: {  	s13 =	simm.s32 $0x20;
	v27 =	vor.u32 v0, v21;
	v23 =	vadd.s32 $0x20, v20;
	v29 =	vmul.f32 v30, v29  }
.LBB2_5:
0xd3: {  	p0 =	sne.s32 s13, $0xF0;
	v30 =	vor.u32 v3, v21;
	s14 =	smov.u32 s13;
	s13 =	sadd.s32 $0x10, s13  }
0xd4: {  	[tilespmem:v25+s30+$0x0] =	vst.idx.msk $0xffff, v29  }
0xd5: {  	v25 =	vld.idx.msk [tilespmem:v21+s19+$0x0], $0xffff  }
0xd6: {  	v28 =	vld.idx.msk [tilespmem:v28+s19+$0x0], $0xffff  }
0xd7: {  	v29 =	vor.u32 v0, v23  }
0xd8: {  	v26 =	vld.idx.msk [tilespmem:v26+s19+$0x0], $0xffff;
	_ =	sdelay $0x1  }
0xd9: {  	v24 =	vld.idx.msk [tilespmem:v24+s19+$0x0], $0xffff  }
0xda: {  	v27 =	vld.idx.msk [tilespmem:v27+s22+$0x0], $0xffff  }
0xdb: {  	v31 =	vmul.f32 v25, v12;
	v32 =	vmul.f32 v28, v13;
	v29 =	vld.idx.msk [tilespmem:v29+s21+$0x0], $0xffff  }
0xdc: {  	v25 =	vmul.f32 v25, v16;
	v28 =	vmul.f32 v28, v17  }
0xdd: {  	v31 =	vadd.f32 v32, v31;
	v32 =	vmul.f32 v26, v14  }
0xde: {  	v25 =	vadd.f32 v28, v25;
	v26 =	vmul.f32 v26, v18  }
0xdf: {  	v28 =	vadd.f32 v32, v31;
	v31 =	vmul.f32 v24, v15  }
0xe0: {  	v25 =	vadd.f32 v26, v25  }
0xe1: {  	v26 =	vadd.f32 v31, v28;
	v27 =	vadd.f32 v27, v29  }
0xe2: {  	v28 =	vld.idx.msk [tilespmem:v30+s22+$0x0], $0xffff  }
0xe3: {  	v26 =	vadd.f32 v27, v26;
	_ =	sdelay $0x1  }
0xe4: {  	v27 =	vmul.f32 $2.000000030e-01, v26  }
0xe5: {  	vm0 =	vgt.f32 v26, $0.0e+00  }
0xe6: {  	v26 =	vsel vm0, v26, v27  }
0xe7: {  	v26 =	vsub.f32 v26, v28;
	_ =	sdelay $0x1  }
0xe8: {  	v26 =	vmul.f32 $1.442695020e+00, v26;
	_ =	sdelay $0x1  }
0xe9: {  	(erf) = vpow2.f32 v26;
	_ =	sdelay $0x2  }
0xea: {  	v22 =	vmul.u32 $0x18, v22;
	_ =	sdelay $0x1  }
0xeb: {  	v26 =	vadd.s32 $0x10, v22  }
0xec: {  	v27 =	vadd.s32 v2, v20;
	_ =	sdelay $0x2  }
0xed: {  	v28 =	vpop (erf)  }
0xee: {  	[tilespmem:v26+s30+$0x0] =	vst.idx.msk $0xffff, v28  }
0xef: {  	v26 =	vld.idx.msk [tilespmem:v27+s21+$0x0], $0xffff;
	_ =	sdelay $0x3  }
0xf0: {  	v29 =	vor.u32 $0x1, v27;
	_ =	sdelay $0x1  }
0xf1: {  	v26 =	vmul.f32 v28, v26;
	_ =	sdelay $0x1  }
0xf2: {  	[tilespmem:v22+s30+$0x0] =	vst.idx.msk $0xffff, v26  }
0xf3: {  	v26 =	vld.idx.msk [tilespmem:v29+s21+$0x0], $0xffff;
	_ =	sdelay $0x2  }
0xf4: {  	v29 =	vor.u32 $0x1, v22  }
0xf5: {  	v30 =	vor.u32 $0x2, v27;
	_ =	sdelay $0x1  }
0xf6: {  	v26 =	vmul.f32 v28, v26;
	_ =	sdelay $0x1  }
0xf7: {  	[tilespmem:v29+s30+$0x0] =	vst.idx.msk $0xffff, v26  }
0xf8: {  	v26 =	vld.idx.msk [tilespmem:v30+s21+$0x0], $0xffff;
	_ =	sdelay $0x2  }
0xf9: {  	v29 =	vor.u32 $0x2, v22  }
0xfa: {  	v30 =	vor.u32 $0x3, v27;
	_ =	sdelay $0x1  }
0xfb: {  	v26 =	vmul.f32 v26, v28;
	_ =	sdelay $0x1  }
0xfc: {  	[tilespmem:v29+s30+$0x0] =	vst.idx.msk $0xffff, v26  }
0xfd: {  	v26 =	vld.idx.msk [tilespmem:v30+s21+$0x0], $0xffff;
	_ =	sdelay $0x2  }
0xfe: {  	v29 =	vor.u32 $0x3, v22  }
0xff: {  	v30 =	vor.u32 $0x4, v27;
	_ =	sdelay $0x1  }
0x100: {  	v26 =	vmul.f32 v26, v28;
	_ =	sdelay $0x1  }
0x101: {  	[tilespmem:v29+s30+$0x0] =	vst.idx.msk $0xffff, v26  }
0x102: {  	v26 =	vld.idx.msk [tilespmem:v30+s21+$0x0], $0xffff;
	_ =	sdelay $0x2  }
0x103: {  	v29 =	vor.u32 $0x4, v22  }
0x104: {  	v30 =	vor.u32 $0x5, v27;
	_ =	sdelay $0x1  }
0x105: {  	v26 =	vmul.f32 v26, v28;
	_ =	sdelay $0x1  }
0x106: {  	[tilespmem:v29+s30+$0x0] =	vst.idx.msk $0xffff, v26  }
0x107: {  	v26 =	vld.idx.msk [tilespmem:v30+s21+$0x0], $0xffff;
	_ =	sdelay $0x2  }
0x108: {  	v29 =	vor.u32 $0x5, v22  }
0x109: {  	v30 =	vor.u32 $0x6, v27;
	_ =	sdelay $0x1  }
0x10a: {  	v26 =	vmul.f32 v26, v28;
	_ =	sdelay $0x1  }
0x10b: {  	[tilespmem:v29+s30+$0x0] =	vst.idx.msk $0xffff, v26  }
0x10c: {  	v26 =	vld.idx.msk [tilespmem:v30+s21+$0x0], $0xffff;
	_ =	sdelay $0x2  }
0x10d: {  	v29 =	vor.u32 $0x6, v22  }
0x10e: {  	v27 =	vor.u32 $0x7, v27;
	_ =	sdelay $0x1  }
0x10f: {  	v26 =	vmul.f32 v26, v28;
	_ =	sdelay $0x1  }
0x110: {  	[tilespmem:v29+s30+$0x0] =	vst.idx.msk $0xffff, v26  }
0x111: {  	v26 =	vld.idx.msk [tilespmem:v27+s21+$0x0], $0xffff;
	_ =	sdelay $0x2  }
0x112: {  	v27 =	vor.u32 $0x7, v22  }
0x113: {  	v23 =	vor.u32 v1, v23;
	v29 =	vor.u32 v1, v21;
	_ =	sdelay $0x1  }
0x114: {  	v26 =	vmul.f32 v26, v28;
	_ =	sdelay $0x1  }
0x115: {  	[tilespmem:v27+s30+$0x0] =	vst.idx.msk $0xffff, v26  }
0x116: {  	v23 =	vld.idx.msk [tilespmem:v23+s21+$0x0], $0xffff  }
0x117: {  	v26 =	vld.idx.msk [tilespmem:v29+s22+$0x0], $0xffff  }
0x118: {  	v21 =	vor.u32 v7, v21;
	_ =	sdelay $0x1  }
0x119: {  	v24 =	vmul.f32 v24, v19;
	_ =	sdelay $0x1  }
0x11a: {  	v24 =	vadd.f32 v24, v25  }
0x11b: {  	v23 =	vadd.f32 v26, v23;
	v21 =	vld.idx.msk [tilespmem:v21+s22+$0x0], $0xffff;
	_ =	sdelay $0x1  }
0x11c: {  	v23 =	vadd.f32 v23, v24;
	_ =	sdelay $0x1  }
0x11d: {  	vm0 =	vgt.f32 v23, $0.0e+00;
	v24 =	vmul.f32 $2.000000030e-01, v23;
	_ =	sdelay $0x1  }
0x11e: {  	v23 =	vsel vm0, v23, v24  }
0x11f: {  	v21 =	vsub.f32 v23, v21;
	_ =	sdelay $0x1  }
0x120: {  	v21 =	vmul.f32 $1.442695020e+00, v21;
	_ =	sdelay $0x1  }
0x121: {  	(erf) = vpow2.f32 v21;
	_ =	sdelay $0x3  }
0x122: {  	v21 =	vadd.s32 $0x11, v22  }
0x123: {  	v20 =	vadd.s32 v5, v20;
	_ =	sdelay $0x3  }
0x124: {  	v29 =	vpop (erf)  }
0x125: {  	[tilespmem:v21+s30+$0x0] =	vst.idx.msk $0xffff, v29  }
0x126: {  	v21 =	vld.idx.msk [tilespmem:v20+s21+$0x0], $0xffff;
	_ =	sdelay $0x1  }
0x127: {  	v23 =	vadd.s32 $0x8, v22  }
0x128: {  	v24 =	vor.u32 $0x1, v20;
	_ =	sdelay $0x2  }
0x129: {  	v21 =	vmul.f32 v29, v21;
	_ =	sdelay $0x1  }
0x12a: {  	[tilespmem:v23+s30+$0x0] =	vst.idx.msk $0xffff, v21  }
0x12b: {  	v21 =	vld.idx.msk [tilespmem:v24+s21+$0x0], $0xffff;
	_ =	sdelay $0x1  }
0x12c: {  	v23 =	vadd.s32 $0x9, v22  }
0x12d: {  	v24 =	vor.u32 $0x2, v20;
	_ =	sdelay $0x2  }
0x12e: {  	v21 =	vmul.f32 v29, v21;
	_ =	sdelay $0x1  }
0x12f: {  	[tilespmem:v23+s30+$0x0] =	vst.idx.msk $0xffff, v21  }
0x130: {  	v21 =	vld.idx.msk [tilespmem:v24+s21+$0x0], $0xffff;
	_ =	sdelay $0x1  }
0x131: {  	v23 =	vadd.s32 $0xA, v22  }
0x132: {  	v24 =	vor.u32 $0x3, v20;
	_ =	sdelay $0x2  }
0x133: {  	v21 =	vmul.f32 v21, v29;
	_ =	sdelay $0x1  }
0x134: {  	[tilespmem:v23+s30+$0x0] =	vst.idx.msk $0xffff, v21  }
0x135: {  	v21 =	vld.idx.msk [tilespmem:v24+s21+$0x0], $0xffff;
	_ =	sdelay $0x1  }
0x136: {  	v23 =	vadd.s32 $0xB, v22  }
0x137: {  	v24 =	vor.u32 $0x4, v20;
	_ =	sdelay $0x2  }
0x138: {  	v21 =	vmul.f32 v21, v29;
	_ =	sdelay $0x1  }
0x139: {  	[tilespmem:v23+s30+$0x0] =	vst.idx.msk $0xffff, v21  }
0x13a: {  	v21 =	vld.idx.msk [tilespmem:v24+s21+$0x0], $0xffff;
	_ =	sdelay $0x1  }
0x13b: {  	v23 =	vadd.s32 $0xC, v22  }
0x13c: {  	v24 =	vor.u32 $0x5, v20;
	_ =	sdelay $0x2  }
0x13d: {  	v21 =	vmul.f32 v21, v29;
	_ =	sdelay $0x1  }
0x13e: {  	[tilespmem:v23+s30+$0x0] =	vst.idx.msk $0xffff, v21  }
0x13f: {  	v21 =	vld.idx.msk [tilespmem:v24+s21+$0x0], $0xffff;
	_ =	sdelay $0x1  }
0x140: {  	v23 =	vadd.s32 $0xD, v22  }
0x141: {  	v24 =	vor.u32 $0x6, v20;
	_ =	sdelay $0x2  }
0x142: {  	v21 =	vmul.f32 v21, v29;
	_ =	sdelay $0x1  }
0x143: {  	[tilespmem:v23+s30+$0x0] =	vst.idx.msk $0xffff, v21  }
0x144: {  	v21 =	vld.idx.msk [tilespmem:v24+s21+$0x0], $0xffff;
	_ =	sdelay $0x1  }
0x145: {  	v23 =	vadd.s32 $0xE, v22  }
0x146: {  	v20 =	vor.u32 $0x7, v20;
	_ =	sdelay $0x2  }
0x147: {  	v21 =	vmul.f32 v21, v29;
	_ =	sdelay $0x1  }
0x148: {  	[tilespmem:v23+s30+$0x0] =	vst.idx.msk $0xffff, v21  }
0x149: {  	v30 =	vld.idx.msk [tilespmem:v20+s21+$0x0], $0xffff;
	_ =	sdelay $0x1  }
.Ltmp1:
0x14a: {  	v25 =	vadd.s32 $0xF, v22;
	(pc) =	sbr.rel @p0 .LBB2_5-.Ltmp1, $4  }
0x14b: {  	v22 =	vor.u32 s14, v11  }
0x14c: {  	v21 =	vshll.u32 v22, $0x3;
	v20 =	vmul.u32 $0x28, v22  }
0x14d: {  	v28 =	vor.u32 $0x1, v21;
	v26 =	vor.u32 $0x2, v21;
	v24 =	vor.u32 $0x3, v21  }
0x14e: {  	v27 =	vor.u32 v0, v21;
	v23 =	vadd.s32 $0x20, v20;
	v29 =	vmul.f32 v30, v29  }
0x14f: {  	_ =	sdelay $0x3  }
0x150: {  	[tilespmem:v25+s30+$0x0] =	vst.idx.msk $0xffff, v29  }
0x151: {  	v25 =	vld.idx.msk [tilespmem:v21+s19+$0x0], $0xffff  }
0x152: {  	v28 =	vld.idx.msk [tilespmem:v28+s19+$0x0], $0xffff  }
0x153: {  	v29 =	vor.u32 v0, v23  }
0x154: {  	v26 =	vld.idx.msk [tilespmem:v26+s19+$0x0], $0xffff;
	_ =	sdelay $0x1  }
0x155: {  	v24 =	vld.idx.msk [tilespmem:v24+s19+$0x0], $0xffff  }
0x156: {  	v27 =	vld.idx.msk [tilespmem:v27+s22+$0x0], $0xffff;
	v30 =	vmul.f32 v25, v12;
	v31 =	vmul.f32 v28, v13  }
0x157: {  	v29 =	vld.idx.msk [tilespmem:v29+s21+$0x0], $0xffff  }
0x158: {  	v30 =	vadd.f32 v31, v30;
	v31 =	vmul.f32 v26, v14  }
0x159: {  	v32 =	vor.u32 v3, v21  }
0x15a: {  	v30 =	vadd.f32 v31, v30;
	v31 =	vmul.f32 v24, v15;
	_ =	sdelay $0x1  }
0x15b: {  	v27 =	vadd.f32 v27, v29;
	v30 =	vadd.f32 v31, v30;
	_ =	sdelay $0x1  }
0x15c: {  	v29 =	vld.idx.msk [tilespmem:v32+s22+$0x0], $0xffff;
	v27 =	vadd.f32 v27, v30;
	_ =	sdelay $0x1  }
0x15d: {  	v30 =	vmul.f32 $2.000000030e-01, v27  }
0x15e: {  	vm0 =	vgt.f32 v27, $0.0e+00  }
0x15f: {  	v27 =	vsel vm0, v27, v30  }
0x160: {  	v27 =	vsub.f32 v27, v29;
	_ =	sdelay $0x1  }
0x161: {  	v27 =	vmul.f32 $1.442695020e+00, v27;
	_ =	sdelay $0x1  }
0x162: {  	(erf) = vpow2.f32 v27;
	_ =	sdelay $0x2  }
0x163: {  	v22 =	vmul.u32 $0x18, v22;
	_ =	sdelay $0x1  }
0x164: {  	v27 =	vadd.s32 $0x10, v22  }
0x165: {  	v29 =	vadd.s32 v2, v20;
	_ =	sdelay $0x2  }
0x166: {  	v30 =	vpop (erf)  }
0x167: {  	[tilespmem:v27+s30+$0x0] =	vst.idx.msk $0xffff, v30  }
0x168: {  	v27 =	vld.idx.msk [tilespmem:v29+s21+$0x0], $0xffff;
	_ =	sdelay $0x2  }
0x169: {  	v31 =	vor.u32 $0x1, v29;
	_ =	sdelay $0x1  }
0x16a: {  	v27 =	vmul.f32 v30, v27;
	_ =	sdelay $0x1  }
0x16b: {  	[tilespmem:v22+s30+$0x0] =	vst.idx.msk $0xffff, v27  }
0x16c: {  	v27 =	vld.idx.msk [tilespmem:v31+s21+$0x0], $0xffff;
	_ =	sdelay $0x1  }
0x16d: {  	v31 =	vor.u32 $0x1, v22  }
0x16e: {  	v53 =	vor.u32 $0x2, v29;
	_ =	sdelay $0x1  }
0x16f: {  	v27 =	vmul.f32 v30, v27;
	_ =	sdelay $0x1  }
0x170: {  	[tilespmem:v31+s30+$0x0] =	vst.idx.msk $0xffff, v27  }
0x171: {  	v27 =	vld.idx.msk [tilespmem:v53+s21+$0x0], $0xffff;
	_ =	sdelay $0x1  }
0x172: {  	v31 =	vor.u32 $0x2, v22  }
0x173: {  	v54 =	vor.u32 $0x3, v29;
	_ =	sdelay $0x1  }
0x174: {  	v27 =	vmul.f32 v27, v30;
	_ =	sdelay $0x1  }
0x175: {  	[tilespmem:v31+s30+$0x0] =	vst.idx.msk $0xffff, v27  }
0x176: {  	v27 =	vld.idx.msk [tilespmem:v54+s21+$0x0], $0xffff;
	_ =	sdelay $0x1  }
0x177: {  	v31 =	vor.u32 $0x3, v22  }
0x178: {  	v55 =	vor.u32 $0x4, v29;
	_ =	sdelay $0x1  }
0x179: {  	v27 =	vmul.f32 v27, v30;
	_ =	sdelay $0x1  }
0x17a: {  	[tilespmem:v31+s30+$0x0] =	vst.idx.msk $0xffff, v27  }
0x17b: {  	v27 =	vld.idx.msk [tilespmem:v55+s21+$0x0], $0xffff;
	_ =	sdelay $0x1  }
0x17c: {  	v31 =	vor.u32 $0x4, v22  }
0x17d: {  	v56 =	vor.u32 $0x5, v29;
	_ =	sdelay $0x1  }
0x17e: {  	v27 =	vmul.f32 v27, v30;
	_ =	sdelay $0x1  }
0x17f: {  	[tilespmem:v31+s30+$0x0] =	vst.idx.msk $0xffff, v27  }
0x180: {  	v27 =	vld.idx.msk [tilespmem:v56+s21+$0x0], $0xffff;
	_ =	sdelay $0x1  }
0x181: {  	v31 =	vor.u32 $0x5, v22  }
0x182: {  	v57 =	vor.u32 $0x6, v29;
	_ =	sdelay $0x1  }
0x183: {  	v27 =	vmul.f32 v27, v30;
	_ =	sdelay $0x1  }
0x184: {  	[tilespmem:v31+s30+$0x0] =	vst.idx.msk $0xffff, v27  }
0x185: {  	v27 =	vld.idx.msk [tilespmem:v57+s21+$0x0], $0xffff;
	_ =	sdelay $0x1  }
0x186: {  	v31 =	vor.u32 $0x6, v22  }
0x187: {  	v29 =	vor.u32 $0x7, v29;
	_ =	sdelay $0x1  }
0x188: {  	v27 =	vmul.f32 v27, v30;
	_ =	sdelay $0x1  }
0x189: {  	[tilespmem:v31+s30+$0x0] =	vst.idx.msk $0xffff, v27  }
0x18a: {  	v27 =	vld.idx.msk [tilespmem:v29+s21+$0x0], $0xffff;
	_ =	sdelay $0x1  }
0x18b: {  	v29 =	vor.u32 $0x7, v22  }
0x18c: {  	v23 =	vor.u32 v1, v23  }
0x18d: {  	v31 =	vor.u32 v1, v21  }
0x18e: {  	v27 =	vmul.f32 v27, v30;
	_ =	sdelay $0x1  }
0x18f: {  	[tilespmem:v29+s30+$0x0] =	vst.idx.msk $0xffff, v27  }
0x190: {  	v25 =	vmul.f32 v25, v16;
	v27 =	vmul.f32 v28, v17;
	v23 =	vld.idx.msk [tilespmem:v23+s21+$0x0], $0xffff  }
0x191: {  	v28 =	vld.idx.msk [tilespmem:v31+s22+$0x0], $0xffff  }
0x192: {  	v26 =	vmul.f32 v26, v18;
	v25 =	vadd.f32 v27, v25  }
0x193: {  	v21 =	vor.u32 v7, v21  }
0x194: {  	v24 =	vmul.f32 v24, v19;
	v25 =	vadd.f32 v26, v25;
	_ =	sdelay $0x1  }
0x195: {  	v24 =	vadd.f32 v24, v25;
	v23 =	vadd.f32 v28, v23;
	_ =	sdelay $0x1  }
0x196: {  	v21 =	vld.idx.msk [tilespmem:v21+s22+$0x0], $0xffff;
	v23 =	vadd.f32 v23, v24;
	_ =	sdelay $0x1  }
0x197: {  	v24 =	vmul.f32 $2.000000030e-01, v23  }
0x198: {  	vm13 =	vgt.f32 v23, $0.0e+00  }
0x199: {  	v23 =	vsel vm13, v23, v24  }
0x19a: {  	v21 =	vsub.f32 v23, v21;
	_ =	sdelay $0x1  }
0x19b: {  	v21 =	vmul.f32 $1.442695020e+00, v21;
	_ =	sdelay $0x1  }
0x19c: {  	(erf) = vpow2.f32 v21;
	_ =	sdelay $0x4  }
0x19d: {  	v21 =	vadd.s32 $0x11, v22  }
0x19e: {  	v20 =	vadd.s32 v5, v20;
	_ =	sdelay $0x2  }
0x19f: {  	v23 =	vpop (erf)  }
0x1a0: {  	[tilespmem:v21+s30+$0x0] =	vst.idx.msk $0xffff, v23  }
0x1a1: {  	v21 =	vld.idx.msk [tilespmem:v20+s21+$0x0], $0xffff;
	_ =	sdelay $0x1  }
0x1a2: {  	v24 =	vadd.s32 $0x8, v22  }
0x1a3: {  	v25 =	vor.u32 $0x1, v20;
	_ =	sdelay $0x1  }
0x1a4: {  	v21 =	vmul.f32 v23, v21;
	_ =	sdelay $0x1  }
0x1a5: {  	[tilespmem:v24+s30+$0x0] =	vst.idx.msk $0xffff, v21  }
0x1a6: {  	v21 =	vld.idx.msk [tilespmem:v25+s21+$0x0], $0xffff;
	_ =	sdelay $0x1  }
0x1a7: {  	v24 =	vadd.s32 $0x9, v22  }
0x1a8: {  	v25 =	vor.u32 $0x2, v20;
	_ =	sdelay $0x1  }
0x1a9: {  	v21 =	vmul.f32 v23, v21;
	_ =	sdelay $0x1  }
0x1aa: {  	[tilespmem:v24+s30+$0x0] =	vst.idx.msk $0xffff, v21  }
0x1ab: {  	v21 =	vld.idx.msk [tilespmem:v25+s21+$0x0], $0xffff;
	_ =	sdelay $0x1  }
0x1ac: {  	v24 =	vadd.s32 $0xA, v22  }
0x1ad: {  	v25 =	vor.u32 $0x3, v20;
	_ =	sdelay $0x1  }
0x1ae: {  	v21 =	vmul.f32 v21, v23;
	_ =	sdelay $0x1  }
0x1af: {  	[tilespmem:v24+s30+$0x0] =	vst.idx.msk $0xffff, v21  }
0x1b0: {  	v21 =	vld.idx.msk [tilespmem:v25+s21+$0x0], $0xffff;
	_ =	sdelay $0x1  }
0x1b1: {  	v24 =	vadd.s32 $0xB, v22  }
0x1b2: {  	v25 =	vor.u32 $0x4, v20;
	_ =	sdelay $0x1  }
0x1b3: {  	v21 =	vmul.f32 v21, v23;
	_ =	sdelay $0x1  }
0x1b4: {  	[tilespmem:v24+s30+$0x0] =	vst.idx.msk $0xffff, v21  }
0x1b5: {  	v21 =	vld.idx.msk [tilespmem:v25+s21+$0x0], $0xffff;
	_ =	sdelay $0x1  }
0x1b6: {  	v24 =	vadd.s32 $0xC, v22  }
0x1b7: {  	v25 =	vor.u32 $0x5, v20;
	_ =	sdelay $0x1  }
0x1b8: {  	v21 =	vmul.f32 v21, v23;
	_ =	sdelay $0x1  }
0x1b9: {  	[tilespmem:v24+s30+$0x0] =	vst.idx.msk $0xffff, v21  }
0x1ba: {  	v21 =	vld.idx.msk [tilespmem:v25+s21+$0x0], $0xffff;
	_ =	sdelay $0x1  }
0x1bb: {  	v24 =	vadd.s32 $0xD, v22  }
0x1bc: {  	v25 =	vor.u32 $0x6, v20;
	_ =	sdelay $0x1  }
0x1bd: {  	v21 =	vmul.f32 v21, v23;
	_ =	sdelay $0x1  }
0x1be: {  	[tilespmem:v24+s30+$0x0] =	vst.idx.msk $0xffff, v21  }
0x1bf: {  	v21 =	vld.idx.msk [tilespmem:v25+s21+$0x0], $0xffff;
	_ =	sdelay $0x1  }
0x1c0: {  	v24 =	vadd.s32 $0xE, v22  }
0x1c1: {  	v20 =	vor.u32 $0x7, v20;
	_ =	sdelay $0x1  }
0x1c2: {  	v21 =	vmul.f32 v21, v23;
	_ =	sdelay $0x1  }
0x1c3: {  	[tilespmem:v24+s30+$0x0] =	vst.idx.msk $0xffff, v21  }
0x1c4: {  	v20 =	vld.idx.msk [tilespmem:v20+s21+$0x0], $0xffff;
	_ =	sdelay $0x1  }
0x1c5: {  	v21 =	vadd.s32 $0xF, v22;
	_ =	sdelay $0x2  }
0x1c6: {  	v20 =	vmul.f32 v20, v23;
	_ =	sdelay $0x1  }
0x1c7: {  	[tilespmem:v21+s30+$0x0] =	vst.idx.msk $0xffff, v20  }
0x1c8: {  	[spmem:s1] =	stream.indirect.scatter.add.f32 [tilespmem:s30], [sflag:$0x5], $0x18, s18, s20, $0xb8;
	[tilespmem:$0x1C960] =	vst v63  }
0x1c9: {  	_ =	swait.ge [sflag:s16], $0x1800  }
0x1ca: {  	[sflag:s16] =	ssyncset.done $0x0  }
0x1cb: {  	s11 =	simm.s32 $0x0;
	[sflag:s16] =	ssyncadd.s32 $0xFFFFE800  }
0x1cc: {  	v20 =	vor.u32 s11, v11;
	_ =	swait.ge [sflag:s31], $0x2800  }
0x1cd: {  	v21 =	vshll.u32 v20, $0x3;
	[sflag:s31] =	ssyncset.done $0x0  }
0x1ce: {  	v22 =	vor.u32 $0x1, v21;
	[sflag:s31] =	ssyncadd.s32 $0xFFFFD800  }
0x1cf: {  	_ =	swait.ge [sflag:s0], $0x800  }
0x1d0: {  	v23 =	vor.u32 $0x2, v21;
	[sflag:s0] =	ssyncset.done $0x0  }
0x1d1: {  	v24 =	vmul.u32 $0x28, v20;
	[sflag:s0] =	ssyncadd.s32 $0xFFFFF800  }
0x1d2: {  	v25 =	vor.u32 $0x3, v21;
	v26 =	vld.idx.msk [tilespmem:v21+s24+$0x0], $0xffff  }
0x1d3: {  	v28 =	vor.u32 v0, v21;
	v27 =	vadd.s32 $0x20, v24;
	v22 =	vld.idx.msk [tilespmem:v22+s24+$0x0], $0xffff  }
0x1d4: {  	v29 =	vor.u32 v0, v27  }
0x1d5: {  	v23 =	vld.idx.msk [tilespmem:v23+s24+$0x0], $0xffff;
	_ =	sdelay $0x1  }
0x1d6: {  	v25 =	vld.idx.msk [tilespmem:v25+s24+$0x0], $0xffff  }
0x1d7: {  	v28 =	vld.idx.msk [tilespmem:v28+s26+$0x0], $0xffff;
	v30 =	vmul.f32 v26, v12;
	v31 =	vmul.f32 v22, v13  }
0x1d8: {  	v29 =	vld.idx.msk [tilespmem:v29+s25+$0x0], $0xffff  }
0x1d9: {  	v30 =	vadd.f32 v31, v30;
	v31 =	vmul.f32 v23, v14  }
0x1da: {  	v58 =	vor.u32 v3, v21  }
0x1db: {  	v30 =	vadd.f32 v31, v30;
	v31 =	vmul.f32 v25, v15;
	_ =	sdelay $0x1  }
0x1dc: {  	v28 =	vadd.f32 v28, v29;
	v30 =	vadd.f32 v31, v30;
	_ =	sdelay $0x1  }
0x1dd: {  	v29 =	vld.idx.msk [tilespmem:v58+s26+$0x0], $0xffff;
	v28 =	vadd.f32 v28, v30;
	_ =	sdelay $0x1  }
0x1de: {  	v30 =	vmul.f32 $2.000000030e-01, v28  }
0x1df: {  	vm14 =	vgt.f32 v28, $0.0e+00  }
0x1e0: {  	v28 =	vsel vm14, v28, v30  }
0x1e1: {  	v28 =	vsub.f32 v28, v29;
	_ =	sdelay $0x1  }
0x1e2: {  	v28 =	vmul.f32 $1.442695020e+00, v28;
	_ =	sdelay $0x1  }
0x1e3: {  	(erf) = vpow2.f32 v28;
	_ =	sdelay $0x2  }
0x1e4: {  	v20 =	vmul.u32 $0x18, v20;
	_ =	sdelay $0x1  }
0x1e5: {  	v28 =	vadd.s32 $0x10, v20  }
0x1e6: {  	v29 =	vadd.s32 v2, v24;
	_ =	sdelay $0x2  }
0x1e7: {  	v30 =	vpop (erf)  }
0x1e8: {  	[tilespmem:v28+s2+$0x0] =	vst.idx.msk $0xffff, v30  }
0x1e9: {  	v28 =	vld.idx.msk [tilespmem:v29+s25+$0x0], $0xffff;
	_ =	sdelay $0x2  }
0x1ea: {  	v31 =	vor.u32 $0x1, v29;
	_ =	sdelay $0x1  }
0x1eb: {  	v28 =	vmul.f32 v30, v28;
	_ =	sdelay $0x1  }
0x1ec: {  	[tilespmem:v20+s2+$0x0] =	vst.idx.msk $0xffff, v28  }
0x1ed: {  	v28 =	vld.idx.msk [tilespmem:v31+s25+$0x0], $0xffff;
	_ =	sdelay $0x1  }
0x1ee: {  	v31 =	vor.u32 $0x1, v20  }
0x1ef: {  	v59 =	vor.u32 $0x2, v29;
	_ =	sdelay $0x1  }
0x1f0: {  	v28 =	vmul.f32 v30, v28;
	_ =	sdelay $0x1  }
0x1f1: {  	[tilespmem:v31+s2+$0x0] =	vst.idx.msk $0xffff, v28  }
0x1f2: {  	v28 =	vld.idx.msk [tilespmem:v59+s25+$0x0], $0xffff;
	_ =	sdelay $0x1  }
0x1f3: {  	v31 =	vor.u32 $0x2, v20  }
0x1f4: {  	v60 =	vor.u32 $0x3, v29;
	_ =	sdelay $0x1  }
0x1f5: {  	v28 =	vmul.f32 v28, v30;
	_ =	sdelay $0x1  }
0x1f6: {  	[tilespmem:v31+s2+$0x0] =	vst.idx.msk $0xffff, v28  }
0x1f7: {  	v28 =	vld.idx.msk [tilespmem:v60+s25+$0x0], $0xffff;
	_ =	sdelay $0x1  }
0x1f8: {  	v31 =	vor.u32 $0x3, v20  }
0x1f9: {  	v61 =	vor.u32 $0x4, v29;
	_ =	sdelay $0x1  }
0x1fa: {  	v28 =	vmul.f32 v28, v30;
	_ =	sdelay $0x1  }
0x1fb: {  	[tilespmem:v31+s2+$0x0] =	vst.idx.msk $0xffff, v28  }
0x1fc: {  	v28 =	vld.idx.msk [tilespmem:v61+s25+$0x0], $0xffff;
	_ =	sdelay $0x1  }
0x1fd: {  	v31 =	vor.u32 $0x4, v20  }
0x1fe: {  	v62 =	vor.u32 $0x5, v29;
	_ =	sdelay $0x1  }
0x1ff: {  	v28 =	vmul.f32 v28, v30;
	_ =	sdelay $0x1  }
0x200: {  	[tilespmem:v31+s2+$0x0] =	vst.idx.msk $0xffff, v28  }
0x201: {  	v28 =	vld.idx.msk [tilespmem:v62+s25+$0x0], $0xffff;
	_ =	sdelay $0x1  }
0x202: {  	v31 =	vor.u32 $0x5, v20  }
0x203: {  	v63 =	vor.u32 $0x6, v29;
	_ =	sdelay $0x1  }
0x204: {  	v28 =	vmul.f32 v28, v30;
	_ =	sdelay $0x1  }
0x205: {  	[tilespmem:v31+s2+$0x0] =	vst.idx.msk $0xffff, v28  }
0x206: {  	v28 =	vld.idx.msk [tilespmem:v63+s25+$0x0], $0xffff;
	_ =	sdelay $0x1  }
0x207: {  	v31 =	vor.u32 $0x6, v20  }
0x208: {  	v29 =	vor.u32 $0x7, v29;
	_ =	sdelay $0x1  }
0x209: {  	v28 =	vmul.f32 v28, v30;
	_ =	sdelay $0x1  }
0x20a: {  	[tilespmem:v31+s2+$0x0] =	vst.idx.msk $0xffff, v28  }
0x20b: {  	v28 =	vld.idx.msk [tilespmem:v29+s25+$0x0], $0xffff;
	_ =	sdelay $0x1  }
0x20c: {  	v29 =	vor.u32 $0x7, v20  }
0x20d: {  	v27 =	vor.u32 v1, v27  }
0x20e: {  	v31 =	vor.u32 v1, v21  }
0x20f: {  	v28 =	vmul.f32 v28, v30;
	_ =	sdelay $0x1  }
0x210: {  	[tilespmem:v29+s2+$0x0] =	vst.idx.msk $0xffff, v28  }
0x211: {  	v26 =	vmul.f32 v26, v16;
	v22 =	vmul.f32 v22, v17;
	v27 =	vld.idx.msk [tilespmem:v27+s25+$0x0], $0xffff  }
0x212: {  	v28 =	vld.idx.msk [tilespmem:v31+s26+$0x0], $0xffff  }
0x213: {  	v22 =	vadd.f32 v22, v26;
	v23 =	vmul.f32 v23, v18  }
0x214: {  	v21 =	vor.u32 v7, v21  }
0x215: {  	v22 =	vadd.f32 v23, v22;
	v23 =	vmul.f32 v25, v19;
	_ =	sdelay $0x1  }
0x216: {  	v22 =	vadd.f32 v23, v22;
	v23 =	vadd.f32 v28, v27;
	_ =	sdelay $0x1  }
0x217: {  	v21 =	vld.idx.msk [tilespmem:v21+s26+$0x0], $0xffff;
	v22 =	vadd.f32 v23, v22;
	_ =	sdelay $0x1  }
0x218: {  	v23 =	vmul.f32 $2.000000030e-01, v22  }
0x219: {  	vm15 =	vgt.f32 v22, $0.0e+00  }
0x21a: {  	v22 =	vsel vm15, v22, v23  }
0x21b: {  	v21 =	vsub.f32 v22, v21;
	_ =	sdelay $0x1  }
0x21c: {  	v21 =	vmul.f32 $1.442695020e+00, v21;
	_ =	sdelay $0x1  }
0x21d: {  	(erf) = vpow2.f32 v21;
	_ =	sdelay $0x4  }
0x21e: {  	v21 =	vadd.s32 $0x11, v20  }
0x21f: {  	v22 =	vadd.s32 v5, v24;
	_ =	sdelay $0x2  }
0x220: {  	v29 =	vpop (erf)  }
0x221: {  	[tilespmem:v21+s2+$0x0] =	vst.idx.msk $0xffff, v29  }
0x222: {  	v21 =	vld.idx.msk [tilespmem:v22+s25+$0x0], $0xffff;
	_ =	sdelay $0x1  }
0x223: {  	v23 =	vadd.s32 $0x8, v20  }
0x224: {  	v24 =	vor.u32 $0x1, v22;
	_ =	sdelay $0x1  }
0x225: {  	v21 =	vmul.f32 v29, v21;
	_ =	sdelay $0x1  }
0x226: {  	[tilespmem:v23+s2+$0x0] =	vst.idx.msk $0xffff, v21  }
0x227: {  	v21 =	vld.idx.msk [tilespmem:v24+s25+$0x0], $0xffff;
	_ =	sdelay $0x1  }
0x228: {  	v23 =	vadd.s32 $0x9, v20  }
0x229: {  	v24 =	vor.u32 $0x2, v22;
	_ =	sdelay $0x1  }
0x22a: {  	v21 =	vmul.f32 v29, v21;
	_ =	sdelay $0x1  }
0x22b: {  	[tilespmem:v23+s2+$0x0] =	vst.idx.msk $0xffff, v21  }
0x22c: {  	v21 =	vld.idx.msk [tilespmem:v24+s25+$0x0], $0xffff;
	_ =	sdelay $0x1  }
0x22d: {  	v23 =	vadd.s32 $0xA, v20  }
0x22e: {  	v24 =	vor.u32 $0x3, v22;
	_ =	sdelay $0x1  }
0x22f: {  	v21 =	vmul.f32 v21, v29;
	_ =	sdelay $0x1  }
0x230: {  	[tilespmem:v23+s2+$0x0] =	vst.idx.msk $0xffff, v21  }
0x231: {  	v21 =	vld.idx.msk [tilespmem:v24+s25+$0x0], $0xffff;
	_ =	sdelay $0x1  }
0x232: {  	v23 =	vadd.s32 $0xB, v20  }
0x233: {  	v24 =	vor.u32 $0x4, v22;
	_ =	sdelay $0x1  }
0x234: {  	v21 =	vmul.f32 v21, v29;
	_ =	sdelay $0x1  }
0x235: {  	[tilespmem:v23+s2+$0x0] =	vst.idx.msk $0xffff, v21  }
0x236: {  	v21 =	vld.idx.msk [tilespmem:v24+s25+$0x0], $0xffff;
	_ =	sdelay $0x1  }
0x237: {  	v23 =	vadd.s32 $0xC, v20  }
0x238: {  	v24 =	vor.u32 $0x5, v22;
	_ =	sdelay $0x1  }
0x239: {  	v21 =	vmul.f32 v21, v29;
	_ =	sdelay $0x1  }
0x23a: {  	[tilespmem:v23+s2+$0x0] =	vst.idx.msk $0xffff, v21  }
0x23b: {  	v21 =	vld.idx.msk [tilespmem:v24+s25+$0x0], $0xffff;
	_ =	sdelay $0x1  }
0x23c: {  	v23 =	vadd.s32 $0xD, v20  }
0x23d: {  	v24 =	vor.u32 $0x6, v22;
	_ =	sdelay $0x1  }
0x23e: {  	v21 =	vmul.f32 v21, v29;
	_ =	sdelay $0x1  }
0x23f: {  	[tilespmem:v23+s2+$0x0] =	vst.idx.msk $0xffff, v21  }
0x240: {  	v21 =	vld.idx.msk [tilespmem:v24+s25+$0x0], $0xffff;
	_ =	sdelay $0x1  }
0x241: {  	v23 =	vadd.s32 $0xE, v20  }
0x242: {  	v22 =	vor.u32 $0x7, v22;
	_ =	sdelay $0x1  }
0x243: {  	v21 =	vmul.f32 v21, v29;
	_ =	sdelay $0x1  }
0x244: {  	[tilespmem:v23+s2+$0x0] =	vst.idx.msk $0xffff, v21  }
0x245: {  	v30 =	vld.idx.msk [tilespmem:v22+s25+$0x0], $0xffff  }
0x246: {  	s14 =	simm.s32 $0x10  }
0x247: {  	v25 =	vadd.s32 $0xF, v20;
	v22 =	vor.u32 s14, v11  }
0x248: {  	v21 =	vshll.u32 v22, $0x3;
	v20 =	vmul.u32 $0x28, v22  }
0x249: {  	v28 =	vor.u32 $0x1, v21;
	v26 =	vor.u32 $0x2, v21;
	v24 =	vor.u32 $0x3, v21  }
0x24a: {  	s13 =	simm.s32 $0x20;
	v27 =	vor.u32 v0, v21;
	v23 =	vadd.s32 $0x20, v20;
	v29 =	vmul.f32 v30, v29  }
.LBB2_7:
0x24b: {  	p0 =	sne.s32 s13, $0xF0;
	v30 =	vor.u32 v3, v21;
	s14 =	smov.u32 s13;
	s13 =	sadd.s32 $0x10, s13  }
0x24c: {  	[tilespmem:v25+s2+$0x0] =	vst.idx.msk $0xffff, v29  }
0x24d: {  	v25 =	vld.idx.msk [tilespmem:v21+s24+$0x0], $0xffff  }
0x24e: {  	v28 =	vld.idx.msk [tilespmem:v28+s24+$0x0], $0xffff  }
0x24f: {  	v29 =	vor.u32 v0, v23  }
0x250: {  	v26 =	vld.idx.msk [tilespmem:v26+s24+$0x0], $0xffff;
	_ =	sdelay $0x1  }
0x251: {  	v24 =	vld.idx.msk [tilespmem:v24+s24+$0x0], $0xffff  }
0x252: {  	v27 =	vld.idx.msk [tilespmem:v27+s26+$0x0], $0xffff  }
0x253: {  	v31 =	vmul.f32 v25, v12;
	v32 =	vmul.f32 v28, v13;
	v29 =	vld.idx.msk [tilespmem:v29+s25+$0x0], $0xffff  }
0x254: {  	v25 =	vmul.f32 v25, v16;
	v28 =	vmul.f32 v28, v17  }
0x255: {  	v31 =	vadd.f32 v32, v31;
	v32 =	vmul.f32 v26, v14  }
0x256: {  	v25 =	vadd.f32 v28, v25;
	v26 =	vmul.f32 v26, v18  }
0x257: {  	v28 =	vadd.f32 v32, v31;
	v31 =	vmul.f32 v24, v15  }
0x258: {  	v25 =	vadd.f32 v26, v25  }
0x259: {  	v26 =	vadd.f32 v31, v28;
	v27 =	vadd.f32 v27, v29  }
0x25a: {  	v28 =	vld.idx.msk [tilespmem:v30+s26+$0x0], $0xffff  }
0x25b: {  	v26 =	vadd.f32 v27, v26;
	_ =	sdelay $0x1  }
0x25c: {  	v27 =	vmul.f32 $2.000000030e-01, v26  }
0x25d: {  	vm0 =	vgt.f32 v26, $0.0e+00  }
0x25e: {  	v26 =	vsel vm0, v26, v27  }
0x25f: {  	v26 =	vsub.f32 v26, v28;
	_ =	sdelay $0x1  }
0x260: {  	v26 =	vmul.f32 $1.442695020e+00, v26;
	_ =	sdelay $0x1  }
0x261: {  	(erf) = vpow2.f32 v26;
	_ =	sdelay $0x2  }
0x262: {  	v22 =	vmul.u32 $0x18, v22;
	_ =	sdelay $0x1  }
0x263: {  	v26 =	vadd.s32 $0x10, v22  }
0x264: {  	v27 =	vadd.s32 v2, v20;
	_ =	sdelay $0x2  }
0x265: {  	v28 =	vpop (erf)  }
0x266: {  	[tilespmem:v26+s2+$0x0] =	vst.idx.msk $0xffff, v28  }
0x267: {  	v26 =	vld.idx.msk [tilespmem:v27+s25+$0x0], $0xffff;
	_ =	sdelay $0x3  }
0x268: {  	v29 =	vor.u32 $0x1, v27;
	_ =	sdelay $0x1  }
0x269: {  	v26 =	vmul.f32 v28, v26;
	_ =	sdelay $0x1  }
0x26a: {  	[tilespmem:v22+s2+$0x0] =	vst.idx.msk $0xffff, v26  }
0x26b: {  	v26 =	vld.idx.msk [tilespmem:v29+s25+$0x0], $0xffff;
	_ =	sdelay $0x2  }
0x26c: {  	v29 =	vor.u32 $0x1, v22  }
0x26d: {  	v30 =	vor.u32 $0x2, v27;
	_ =	sdelay $0x1  }
0x26e: {  	v26 =	vmul.f32 v28, v26;
	_ =	sdelay $0x1  }
0x26f: {  	[tilespmem:v29+s2+$0x0] =	vst.idx.msk $0xffff, v26  }
0x270: {  	v26 =	vld.idx.msk [tilespmem:v30+s25+$0x0], $0xffff;
	_ =	sdelay $0x2  }
0x271: {  	v29 =	vor.u32 $0x2, v22  }
0x272: {  	v30 =	vor.u32 $0x3, v27;
	_ =	sdelay $0x1  }
0x273: {  	v26 =	vmul.f32 v26, v28;
	_ =	sdelay $0x1  }
0x274: {  	[tilespmem:v29+s2+$0x0] =	vst.idx.msk $0xffff, v26  }
0x275: {  	v26 =	vld.idx.msk [tilespmem:v30+s25+$0x0], $0xffff;
	_ =	sdelay $0x2  }
0x276: {  	v29 =	vor.u32 $0x3, v22  }
0x277: {  	v30 =	vor.u32 $0x4, v27;
	_ =	sdelay $0x1  }
0x278: {  	v26 =	vmul.f32 v26, v28;
	_ =	sdelay $0x1  }
0x279: {  	[tilespmem:v29+s2+$0x0] =	vst.idx.msk $0xffff, v26  }
0x27a: {  	v26 =	vld.idx.msk [tilespmem:v30+s25+$0x0], $0xffff;
	_ =	sdelay $0x2  }
0x27b: {  	v29 =	vor.u32 $0x4, v22  }
0x27c: {  	v30 =	vor.u32 $0x5, v27;
	_ =	sdelay $0x1  }
0x27d: {  	v26 =	vmul.f32 v26, v28;
	_ =	sdelay $0x1  }
0x27e: {  	[tilespmem:v29+s2+$0x0] =	vst.idx.msk $0xffff, v26  }
0x27f: {  	v26 =	vld.idx.msk [tilespmem:v30+s25+$0x0], $0xffff;
	_ =	sdelay $0x2  }
0x280: {  	v29 =	vor.u32 $0x5, v22  }
0x281: {  	v30 =	vor.u32 $0x6, v27;
	_ =	sdelay $0x1  }
0x282: {  	v26 =	vmul.f32 v26, v28;
	_ =	sdelay $0x1  }
0x283: {  	[tilespmem:v29+s2+$0x0] =	vst.idx.msk $0xffff, v26  }
0x284: {  	v26 =	vld.idx.msk [tilespmem:v30+s25+$0x0], $0xffff;
	_ =	sdelay $0x2  }
0x285: {  	v29 =	vor.u32 $0x6, v22  }
0x286: {  	v27 =	vor.u32 $0x7, v27;
	_ =	sdelay $0x1  }
0x287: {  	v26 =	vmul.f32 v26, v28;
	_ =	sdelay $0x1  }
0x288: {  	[tilespmem:v29+s2+$0x0] =	vst.idx.msk $0xffff, v26  }
0x289: {  	v26 =	vld.idx.msk [tilespmem:v27+s25+$0x0], $0xffff;
	_ =	sdelay $0x2  }
0x28a: {  	v27 =	vor.u32 $0x7, v22  }
0x28b: {  	v23 =	vor.u32 v1, v23;
	v29 =	vor.u32 v1, v21;
	_ =	sdelay $0x1  }
0x28c: {  	v26 =	vmul.f32 v26, v28;
	_ =	sdelay $0x1  }
0x28d: {  	[tilespmem:v27+s2+$0x0] =	vst.idx.msk $0xffff, v26  }
0x28e: {  	v23 =	vld.idx.msk [tilespmem:v23+s25+$0x0], $0xffff  }
0x28f: {  	v26 =	vld.idx.msk [tilespmem:v29+s26+$0x0], $0xffff  }
0x290: {  	v21 =	vor.u32 v7, v21;
	_ =	sdelay $0x1  }
0x291: {  	v24 =	vmul.f32 v24, v19;
	_ =	sdelay $0x1  }
0x292: {  	v24 =	vadd.f32 v24, v25  }
0x293: {  	v23 =	vadd.f32 v26, v23;
	v21 =	vld.idx.msk [tilespmem:v21+s26+$0x0], $0xffff;
	_ =	sdelay $0x1  }
0x294: {  	v23 =	vadd.f32 v23, v24;
	_ =	sdelay $0x1  }
0x295: {  	vm0 =	vgt.f32 v23, $0.0e+00;
	v24 =	vmul.f32 $2.000000030e-01, v23;
	_ =	sdelay $0x1  }
0x296: {  	v23 =	vsel vm0, v23, v24  }
0x297: {  	v21 =	vsub.f32 v23, v21;
	_ =	sdelay $0x1  }
0x298: {  	v21 =	vmul.f32 $1.442695020e+00, v21;
	_ =	sdelay $0x1  }
0x299: {  	(erf) = vpow2.f32 v21;
	_ =	sdelay $0x3  }
0x29a: {  	v21 =	vadd.s32 $0x11, v22  }
0x29b: {  	v20 =	vadd.s32 v5, v20;
	_ =	sdelay $0x3  }
0x29c: {  	v29 =	vpop (erf)  }
0x29d: {  	[tilespmem:v21+s2+$0x0] =	vst.idx.msk $0xffff, v29  }
0x29e: {  	v21 =	vld.idx.msk [tilespmem:v20+s25+$0x0], $0xffff;
	_ =	sdelay $0x1  }
0x29f: {  	v23 =	vadd.s32 $0x8, v22  }
0x2a0: {  	v24 =	vor.u32 $0x1, v20;
	_ =	sdelay $0x2  }
0x2a1: {  	v21 =	vmul.f32 v29, v21;
	_ =	sdelay $0x1  }
0x2a2: {  	[tilespmem:v23+s2+$0x0] =	vst.idx.msk $0xffff, v21  }
0x2a3: {  	v21 =	vld.idx.msk [tilespmem:v24+s25+$0x0], $0xffff;
	_ =	sdelay $0x1  }
0x2a4: {  	v23 =	vadd.s32 $0x9, v22  }
0x2a5: {  	v24 =	vor.u32 $0x2, v20;
	_ =	sdelay $0x2  }
0x2a6: {  	v21 =	vmul.f32 v29, v21;
	_ =	sdelay $0x1  }
0x2a7: {  	[tilespmem:v23+s2+$0x0] =	vst.idx.msk $0xffff, v21  }
0x2a8: {  	v21 =	vld.idx.msk [tilespmem:v24+s25+$0x0], $0xffff;
	_ =	sdelay $0x1  }
0x2a9: {  	v23 =	vadd.s32 $0xA, v22  }
0x2aa: {  	v24 =	vor.u32 $0x3, v20;
	_ =	sdelay $0x2  }
0x2ab: {  	v21 =	vmul.f32 v21, v29;
	_ =	sdelay $0x1  }
0x2ac: {  	[tilespmem:v23+s2+$0x0] =	vst.idx.msk $0xffff, v21  }
0x2ad: {  	v21 =	vld.idx.msk [tilespmem:v24+s25+$0x0], $0xffff;
	_ =	sdelay $0x1  }
0x2ae: {  	v23 =	vadd.s32 $0xB, v22  }
0x2af: {  	v24 =	vor.u32 $0x4, v20;
	_ =	sdelay $0x2  }
0x2b0: {  	v21 =	vmul.f32 v21, v29;
	_ =	sdelay $0x1  }
0x2b1: {  	[tilespmem:v23+s2+$0x0] =	vst.idx.msk $0xffff, v21  }
0x2b2: {  	v21 =	vld.idx.msk [tilespmem:v24+s25+$0x0], $0xffff;
	_ =	sdelay $0x1  }
0x2b3: {  	v23 =	vadd.s32 $0xC, v22  }
0x2b4: {  	v24 =	vor.u32 $0x5, v20;
	_ =	sdelay $0x2  }
0x2b5: {  	v21 =	vmul.f32 v21, v29;
	_ =	sdelay $0x1  }
0x2b6: {  	[tilespmem:v23+s2+$0x0] =	vst.idx.msk $0xffff, v21  }
0x2b7: {  	v21 =	vld.idx.msk [tilespmem:v24+s25+$0x0], $0xffff;
	_ =	sdelay $0x1  }
0x2b8: {  	v23 =	vadd.s32 $0xD, v22  }
0x2b9: {  	v24 =	vor.u32 $0x6, v20;
	_ =	sdelay $0x2  }
0x2ba: {  	v21 =	vmul.f32 v21, v29;
	_ =	sdelay $0x1  }
0x2bb: {  	[tilespmem:v23+s2+$0x0] =	vst.idx.msk $0xffff, v21  }
0x2bc: {  	v21 =	vld.idx.msk [tilespmem:v24+s25+$0x0], $0xffff;
	_ =	sdelay $0x1  }
0x2bd: {  	v23 =	vadd.s32 $0xE, v22  }
0x2be: {  	v20 =	vor.u32 $0x7, v20;
	_ =	sdelay $0x2  }
0x2bf: {  	v21 =	vmul.f32 v21, v29;
	_ =	sdelay $0x1  }
0x2c0: {  	[tilespmem:v23+s2+$0x0] =	vst.idx.msk $0xffff, v21  }
0x2c1: {  	v30 =	vld.idx.msk [tilespmem:v20+s25+$0x0], $0xffff;
	_ =	sdelay $0x1  }
.Ltmp2:
0x2c2: {  	v25 =	vadd.s32 $0xF, v22;
	(pc) =	sbr.rel @p0 .LBB2_7-.Ltmp2, $4  }
0x2c3: {  	v22 =	vor.u32 s14, v11  }
0x2c4: {  	v21 =	vshll.u32 v22, $0x3;
	v20 =	vmul.u32 $0x28, v22  }
0x2c5: {  	v28 =	vor.u32 $0x1, v21;
	v26 =	vor.u32 $0x2, v21;
	v24 =	vor.u32 $0x3, v21  }
0x2c6: {  	v27 =	vor.u32 v0, v21;
	v23 =	vadd.s32 $0x20, v20;
	v29 =	vmul.f32 v30, v29  }
0x2c7: {  	_ =	sdelay $0x3  }
0x2c8: {  	[tilespmem:v25+s2+$0x0] =	vst.idx.msk $0xffff, v29  }
0x2c9: {  	v25 =	vld.idx.msk [tilespmem:v21+s24+$0x0], $0xffff  }
0x2ca: {  	v28 =	vld.idx.msk [tilespmem:v28+s24+$0x0], $0xffff  }
0x2cb: {  	v51 =	vor.u32 v0, v23  }
0x2cc: {  	v26 =	vld.idx.msk [tilespmem:v26+s24+$0x0], $0xffff;
	_ =	sdelay $0x1  }
0x2cd: {  	v24 =	vld.idx.msk [tilespmem:v24+s24+$0x0], $0xffff  }
0x2ce: {  	v27 =	vld.idx.msk [tilespmem:v27+s26+$0x0], $0xffff;
	v30 =	vmul.f32 v25, v12;
	v31 =	vmul.f32 v28, v13  }
0x2cf: {  	v29 =	vld.idx.msk [tilespmem:v51+s25+$0x0], $0xffff  }
0x2d0: {  	v52 =	vmul.f32 v26, v14;
	v30 =	vadd.f32 v31, v30  }
0x2d1: {  	v32 =	vor.u32 v3, v21  }
0x2d2: {  	v53 =	vmul.f32 v24, v15;
	v30 =	vadd.f32 v52, v30;
	_ =	sdelay $0x1  }
0x2d3: {  	v27 =	vadd.f32 v27, v29;
	v30 =	vadd.f32 v53, v30;
	_ =	sdelay $0x1  }
0x2d4: {  	v54 =	vld.idx.msk [tilespmem:v32+s26+$0x0], $0xffff;
	v27 =	vadd.f32 v27, v30;
	_ =	sdelay $0x1  }
0x2d5: {  	v30 =	vmul.f32 $2.000000030e-01, v27  }
0x2d6: {  	vm0 =	vgt.f32 v27, $0.0e+00  }
0x2d7: {  	v27 =	vsel vm0, v27, v30  }
0x2d8: {  	v27 =	vsub.f32 v27, v54;
	_ =	sdelay $0x1  }
0x2d9: {  	v27 =	vmul.f32 $1.442695020e+00, v27;
	_ =	sdelay $0x1  }
0x2da: {  	(erf) = vpow2.f32 v27;
	_ =	sdelay $0x2  }
0x2db: {  	v22 =	vmul.u32 $0x18, v22;
	_ =	sdelay $0x1  }
0x2dc: {  	v55 =	vadd.s32 $0x10, v22  }
0x2dd: {  	v56 =	vadd.s32 v2, v20;
	_ =	sdelay $0x2  }
0x2de: {  	v57 =	vpop (erf)  }
0x2df: {  	[tilespmem:v55+s2+$0x0] =	vst.idx.msk $0xffff, v57  }
0x2e0: {  	v27 =	vld.idx.msk [tilespmem:v56+s25+$0x0], $0xffff;
	_ =	sdelay $0x2  }
0x2e1: {  	v58 =	vor.u32 $0x1, v56;
	_ =	sdelay $0x1  }
0x2e2: {  	v27 =	vmul.f32 v57, v27;
	_ =	sdelay $0x1  }
0x2e3: {  	[tilespmem:v22+s2+$0x0] =	vst.idx.msk $0xffff, v27  }
0x2e4: {  	v27 =	vld.idx.msk [tilespmem:v58+s25+$0x0], $0xffff;
	_ =	sdelay $0x1  }
0x2e5: {  	v59 =	vor.u32 $0x1, v22  }
0x2e6: {  	v60 =	vor.u32 $0x2, v56;
	_ =	sdelay $0x1  }
0x2e7: {  	v27 =	vmul.f32 v57, v27;
	_ =	sdelay $0x1  }
0x2e8: {  	[tilespmem:v59+s2+$0x0] =	vst.idx.msk $0xffff, v27  }
0x2e9: {  	v27 =	vld.idx.msk [tilespmem:v60+s25+$0x0], $0xffff;
	_ =	sdelay $0x1  }
0x2ea: {  	v61 =	vor.u32 $0x2, v22  }
0x2eb: {  	v62 =	vor.u32 $0x3, v56;
	_ =	sdelay $0x1  }
0x2ec: {  	v27 =	vmul.f32 v27, v57;
	_ =	sdelay $0x1  }
0x2ed: {  	[tilespmem:v61+s2+$0x0] =	vst.idx.msk $0xffff, v27  }
0x2ee: {  	v27 =	vld.idx.msk [tilespmem:v62+s25+$0x0], $0xffff;
	_ =	sdelay $0x1  }
0x2ef: {  	v63 =	vor.u32 $0x3, v22  }
0x2f0: {  	v36 =	vor.u32 $0x4, v56;
	_ =	sdelay $0x1  }
0x2f1: {  	v27 =	vmul.f32 v27, v57;
	_ =	sdelay $0x1  }
0x2f2: {  	[tilespmem:v63+s2+$0x0] =	vst.idx.msk $0xffff, v27  }
0x2f3: {  	v27 =	vld.idx.msk [tilespmem:v36+s25+$0x0], $0xffff;
	_ =	sdelay $0x1  }
0x2f4: {  	v37 =	vor.u32 $0x4, v22  }
0x2f5: {  	v38 =	vor.u32 $0x5, v56;
	_ =	sdelay $0x1  }
0x2f6: {  	v27 =	vmul.f32 v27, v57;
	_ =	sdelay $0x1  }
0x2f7: {  	[tilespmem:v37+s2+$0x0] =	vst.idx.msk $0xffff, v27  }
0x2f8: {  	v27 =	vld.idx.msk [tilespmem:v38+s25+$0x0], $0xffff;
	_ =	sdelay $0x1  }
0x2f9: {  	v39 =	vor.u32 $0x5, v22  }
0x2fa: {  	v40 =	vor.u32 $0x6, v56;
	_ =	sdelay $0x1  }
0x2fb: {  	v27 =	vmul.f32 v27, v57;
	_ =	sdelay $0x1  }
0x2fc: {  	[tilespmem:v39+s2+$0x0] =	vst.idx.msk $0xffff, v27  }
0x2fd: {  	v27 =	vld.idx.msk [tilespmem:v40+s25+$0x0], $0xffff;
	_ =	sdelay $0x1  }
0x2fe: {  	v41 =	vor.u32 $0x6, v22  }
0x2ff: {  	v29 =	vor.u32 $0x7, v56;
	_ =	sdelay $0x1  }
0x300: {  	v27 =	vmul.f32 v27, v57;
	_ =	sdelay $0x1  }
0x301: {  	[tilespmem:v41+s2+$0x0] =	vst.idx.msk $0xffff, v27  }
0x302: {  	v27 =	vld.idx.msk [tilespmem:v29+s25+$0x0], $0xffff;
	_ =	sdelay $0x1  }
0x303: {  	v42 =	vor.u32 $0x7, v22  }
0x304: {  	v43 =	vor.u32 v1, v23  }
0x305: {  	v44 =	vor.u32 v1, v21  }
0x306: {  	v27 =	vmul.f32 v27, v57;
	_ =	sdelay $0x1  }
0x307: {  	[tilespmem:v42+s2+$0x0] =	vst.idx.msk $0xffff, v27  }
0x308: {  	v25 =	vmul.f32 v25, v16;
	v45 =	vmul.f32 v28, v17;
	v23 =	vld.idx.msk [tilespmem:v43+s25+$0x0], $0xffff  }
0x309: {  	v46 =	vld.idx.msk [tilespmem:v44+s26+$0x0], $0xffff  }
0x30a: {  	v26 =	vmul.f32 v26, v18;
	v25 =	vadd.f32 v45, v25  }
0x30b: {  	v47 =	vor.u32 v7, v21  }
0x30c: {  	v24 =	vmul.f32 v24, v19;
	v25 =	vadd.f32 v26, v25;
	_ =	sdelay $0x1  }
0x30d: {  	v24 =	vadd.f32 v24, v25;
	v23 =	vadd.f32 v46, v23;
	_ =	sdelay $0x1  }
0x30e: {  	v21 =	vld.idx.msk [tilespmem:v47+s26+$0x0], $0xffff;
	v23 =	vadd.f32 v23, v24;
	_ =	sdelay $0x1  }
0x30f: {  	v24 =	vmul.f32 $2.000000030e-01, v23  }
0x310: {  	vm15 =	vgt.f32 v23, $0.0e+00  }
0x311: {  	v23 =	vsel vm15, v23, v24  }
0x312: {  	v21 =	vsub.f32 v23, v21;
	_ =	sdelay $0x1  }
0x313: {  	v21 =	vmul.f32 $1.442695020e+00, v21;
	_ =	sdelay $0x1  }
0x314: {  	(erf) = vpow2.f32 v21;
	_ =	sdelay $0x4  }
0x315: {  	v48 =	vadd.s32 $0x11, v22  }
0x316: {  	v20 =	vadd.s32 v5, v20;
	_ =	sdelay $0x2  }
0x317: {  	v49 =	vpop (erf)  }
0x318: {  	[tilespmem:v48+s2+$0x0] =	vst.idx.msk $0xffff, v49  }
0x319: {  	v21 =	vld.idx.msk [tilespmem:v20+s25+$0x0], $0xffff;
	_ =	sdelay $0x1  }
0x31a: {  	v50 =	vadd.s32 $0x8, v22  }
0x31b: {  	v51 =	vor.u32 $0x1, v20;
	_ =	sdelay $0x1  }
0x31c: {  	v21 =	vmul.f32 v49, v21;
	_ =	sdelay $0x1  }
0x31d: {  	[tilespmem:v50+s2+$0x0] =	vst.idx.msk $0xffff, v21  }
0x31e: {  	v21 =	vld.idx.msk [tilespmem:v51+s25+$0x0], $0xffff;
	_ =	sdelay $0x1  }
0x31f: {  	v52 =	vadd.s32 $0x9, v22  }
0x320: {  	v53 =	vor.u32 $0x2, v20;
	_ =	sdelay $0x1  }
0x321: {  	v21 =	vmul.f32 v49, v21;
	_ =	sdelay $0x1  }
0x322: {  	[tilespmem:v52+s2+$0x0] =	vst.idx.msk $0xffff, v21  }
0x323: {  	v21 =	vld.idx.msk [tilespmem:v53+s25+$0x0], $0xffff;
	_ =	sdelay $0x1  }
0x324: {  	v54 =	vadd.s32 $0xA, v22  }
0x325: {  	v55 =	vor.u32 $0x3, v20;
	_ =	sdelay $0x1  }
0x326: {  	v21 =	vmul.f32 v21, v49;
	_ =	sdelay $0x1  }
0x327: {  	[tilespmem:v54+s2+$0x0] =	vst.idx.msk $0xffff, v21  }
0x328: {  	v21 =	vld.idx.msk [tilespmem:v55+s25+$0x0], $0xffff;
	_ =	sdelay $0x1  }
0x329: {  	v56 =	vadd.s32 $0xB, v22  }
0x32a: {  	v57 =	vor.u32 $0x4, v20;
	_ =	sdelay $0x1  }
0x32b: {  	v21 =	vmul.f32 v21, v49;
	_ =	sdelay $0x1  }
0x32c: {  	[tilespmem:v56+s2+$0x0] =	vst.idx.msk $0xffff, v21  }
0x32d: {  	v21 =	vld.idx.msk [tilespmem:v57+s25+$0x0], $0xffff;
	_ =	sdelay $0x1  }
0x32e: {  	v58 =	vadd.s32 $0xC, v22  }
0x32f: {  	v59 =	vor.u32 $0x5, v20;
	_ =	sdelay $0x1  }
0x330: {  	v21 =	vmul.f32 v21, v49;
	_ =	sdelay $0x1  }
0x331: {  	[tilespmem:v58+s2+$0x0] =	vst.idx.msk $0xffff, v21  }
0x332: {  	v21 =	vld.idx.msk [tilespmem:v59+s25+$0x0], $0xffff;
	_ =	sdelay $0x1  }
0x333: {  	v60 =	vadd.s32 $0xD, v22  }
0x334: {  	v61 =	vor.u32 $0x6, v20;
	_ =	sdelay $0x1  }
0x335: {  	v21 =	vmul.f32 v21, v49;
	_ =	sdelay $0x1  }
0x336: {  	[tilespmem:v60+s2+$0x0] =	vst.idx.msk $0xffff, v21  }
0x337: {  	v21 =	vld.idx.msk [tilespmem:v61+s25+$0x0], $0xffff;
	_ =	sdelay $0x1  }
0x338: {  	v62 =	vadd.s32 $0xE, v22  }
0x339: {  	v20 =	vor.u32 $0x7, v20;
	_ =	sdelay $0x1  }
0x33a: {  	v21 =	vmul.f32 v21, v49;
	_ =	sdelay $0x1  }
0x33b: {  	[tilespmem:v62+s2+$0x0] =	vst.idx.msk $0xffff, v21  }
0x33c: {  	v20 =	vld.idx.msk [tilespmem:v20+s25+$0x0], $0xffff;
	_ =	sdelay $0x1  }
0x33d: {  	v63 =	vadd.s32 $0xF, v22;
	_ =	sdelay $0x2  }
0x33e: {  	s10 =	sadd.s32 $0x1, s10;
	v20 =	vmul.f32 v20, v49  }
0x33f: {  	p0 =	sne.s32 s10, $0x62  }
.Ltmp3:
0x340: {  	[tilespmem:v63+s2+$0x0] =	vst.idx.msk $0xffff, v20;
	(pc) =	sbr.rel @p0 .LBB2_4-.Ltmp3, $4  }
0x341: {  	[spmem:s1] =	stream.indirect.scatter.add.f32 [tilespmem:s2], [sflag:$0x5], $0x18, s23, s20, $0xb8;
	[tilespmem:$0x1C960] =	vst v63  }
0x342: {  	_ =	swait.ge [sflag:s16], $0x1800  }
0x343: {  	[sflag:s16] =	ssyncset.done $0x0  }
0x344: {  	[sflag:s16] =	ssyncadd.s32 $0xFFFFE800  }
0x345: {  	[bflag:$0x0] =	sbarrier.arrive $0xFFFF  }
0x346: {  	s9 =	rddreg [dreg:$0x5]  }
0x347: {  	s10 =	rddreg [dreg:$0x7]  }
0x348: {  	[hbm:s9], [sflag:s15] =	dma.local [spmem:s10], $0x24A8  }
0x349: {  	_ =	swait.ge [sflag:s16], $0x24A8  }
0x34a: {  	s11 =	smov.u32 s15;
	s3 =	sadd.s32 $0x1, s3;
	s15 =	rddreg [dreg:$0x6]  }
0x34b: {  	p0 =	sne.s32 s3, s15  }
.Ltmp4:
0x34c: {  	_ = 	snop;
	(pc) =	sbr.rel @p0 .LBB2_1-.Ltmp4, $3  }
0x34d: {  	_ =	sdelay $0x1  }
0x34e: {  	[sflag:s16] =	ssyncset.done $0x0  }
0x34f: {  	[sflag:s16] =	ssyncadd.s32 $0xFFFFDB58  }
0x350: {  	_ =	sfence.sel $0x180000  }
0x351: {  	[bflag:$0x0] =	sbarrier.arrive $0xFFFF  }
0x352: {  	_ =	strace $0x9000004A  }
0x353: {  	s0 =	stileid.u32;
	[bflag:$0x2] =	sbarrier.arrive $0xFFFF  }
0x354: {  	p0 =	sne.s32 s0, $0x0;
	s0 =	rddreg [dreg:$0x2]  }
0x355: {  	s0 =	sadd.s32 @!p0 $0x100000, s0  }
0x356: {  	[sflag:s0] =	ssyncadd.tile.s32 @!p0 $0x1;
	_ =	shalt  }
.Lfunc_end2:
_tile_overlayer_lowered:
.L_overlay_start_2:
0x357: {  	(tag) =	ssettag $0x2  }
0x358: {  	s0 =	rddreg [dreg:$0x0];
	s2 =	stileid.u32  }
0x359: {  	s1 =	rddreg [dreg:$0x1];
	p0 =	sne.s32 s2, $0x0  }
0x35a: {  	s3 =	rddreg [dreg:$0x2];
	[bflag:$0x3] =	sbarrier.arrive $0xFFFF;
	s2 =	simm.s32 @!p0 $0x1C05  }
0x35b: {  	[timem:s3], [sflag:s2] =	dma.local @!p0 [hbm:s0], s1  }
0x35c: {  	s0 =	simm.s32 @!p0 $0x5  }
0x35d: {  	_ =	swait.ge @!p0 [sflag:s0], s1  }
0x35e: {  	s1 =	ssub.s32 @!p0 $0x0, s1;
	[sflag:s0] =	ssyncset.done @!p0 $0x0  }
0x35f: {  	[sflag:s0] =	ssyncadd.s32 @!p0 s1  }
0x360: {  	[bflag:$0x3] =	sbarrier.arrive $0xFFFF  }
0x361: {  	_ =	shalt  }

// kernel: kernel.22.cloned.1.call-start
scs
__scs_entry_jumppad:
0x0: {  	(pc) =	sbr.rel $0x88, $3  }
0x1: {  	(tag) =	ssettag $0x0;
	lr =	simm.s32 $0x1  }
0x2: {  	[smem:$0x3F85] =	sst lr;
	_ =	strace $0xD0000000  }
0x3: {  	_ = 	snop  }
0x4: {  	_ = 	snop  }
0x5: {  	_ = 	snop  }
0x6: {  	_ = 	snop  }
0x7: {  	_ = 	snop  }
__scs_overlays_trampoline_lowered:
0x8: {  	[smem:$0x3F94] =	sst s0  }
0x9: {  	[smem:$0x3F95] =	sst s1  }
0xa: {  	[smem:$0x3F96] =	sst s2  }
0xb: {  	[smem:$0x3F97] =	sst s3  }
0xc: {  	[smem:$0x3F98] =	sst s4  }
0xd: {  	[smem:$0x3F99] =	sst s5  }
0xe: {  	[smem:$0x3F9A] =	sst s6  }
0xf: {  	[smem:$0x3F9B] =	sst s7  }
0x10: {  	[smem:$0x3F9C] =	sst s8  }
0x11: {  	[smem:$0x3F9D] =	sst s9;
	s0 =	simm.s32 @!p0 $0x0  }
0x12: {  	s1 =	sld [smem:$0x3F83];
	s0 =	simm.s32 @p0 $0x1  }
0x13: {  	[smem:$0x3F9E] =	sst s0;
	s0 =	simm.s32 @!p1 $0x0  }
0x14: {  	s2 =	sld [smem:$0x3F82];
	s0 =	simm.s32 @p1 $0x1  }
0x15: {  	[smem:$0x3F9F] =	sst s0;
	s0 =	simm.s32 @!p2 $0x0  }
0x16: {  	s3 =	sld [smem:$0x3FDB];
	s0 =	simm.s32 @p2 $0x1  }
0x17: {  	s4 =	simm.s32 $0x1BF5;
	[smem:$0x3FA1] =	sst s0  }
0x18: {  	s0 =	sld [smem:$0x3F84];
	_ =	swait.ge [sflag:s4], $0x0  }
0x19: {  	s7 =	sld [smem:$0x3F85]  }
0x1a: {  	s8 =	sadd.s32 $0xFFFFE003, lr  }
0x1b: {  	s9 =	sadd.s32 $0xFFFFFEF7, lr;
	s5 =	simm.s32 $0xFFFFFFFF;
	p2 =	slt.u32 s8, $0xFFFFF086  }
0x1c: {  	p1 =	slt.u32 s9, $0xF7A;
	s5 =	simm.s32 @!p2 $0x0  }
0x1d: {  	s5 =	simm.s32 @p1 $0x1;
	p0 =	seq.s32 s7, s2  }
0x1e: {  	s7 =	smul.u32 @!p0 $0xF7A, s2;
	p2 =	seq.s32 @!p0 s5, $0x0  }
0x1f: {  	s9 =	smul.u32 $0xF7A, s1;
	s8 =	simm.s32 @!p0 $0x1BF5;
	p2 =	por !p2, p0  }
0x20: {  	[sflag:s8] =	ssyncset.s32 @!p0 $0xFFFFF086;
	s6 =	sadd.s32 @!p0 s3, s7;
	s7 =	simm.s32 @!p0 $0x108  }
0x21: {  	s3 =	sadd.s32 s3, s9;
	s6 =	sadd.s32 @!p0 $0x88, s6;
	s7 =	simm.s32 @p2 $0x1082  }
0x22: {  	[simem:s7], [sflag:s8] =	dma.local @!p0 [hbm:s6], $0xF7A  }
0x23: {  	s9 =	sor.u32 $0xD0000000, s2;
	s6 =	simm.s32 $0x108;
	_ =	swait.ge @!p0 [sflag:s8], $0x0  }
0x24: {  	s3 =	sadd.s32 $0x88, s3;
	s6 =	simm.s32 @!p1 $0x1082;
	[sflag:s4] =	ssyncset.s32 $0xFFFFF086  }
0x25: {  	[simem:s6], [sflag:s4] =	dma.local [hbm:s3], $0xF7A  }
0x26: {  	[smem:$0x3F85] =	sst s1;
	(tag) =	ssettag s2;
	_ =	strace s9  }
0x27: {  	s1 =	sld [smem:$0x3F95]  }
0x28: {  	s2 =	sld [smem:$0x3F96]  }
0x29: {  	s4 =	sld [smem:$0x3F98]  }
0x2a: {  	p0 =	seq.s32 s5, $0x0;
	s5 =	sld [smem:$0x3F99]  }
0x2b: {  	s6 =	sld [smem:$0x3F9A]  }
0x2c: {  	s7 =	sld [smem:$0x3F9B]  }
0x2d: {  	s3 =	simm.s32 $0x108;
	s8 =	sld [smem:$0x3F9C]  }
0x2e: {  	s3 =	simm.s32 @!p0 $0x1082;
	s9 =	sld [smem:$0x3F9D]  }
0x2f: {  	lr =	sadd.s32 s0, s3;
	s0 =	sld [smem:$0x3F94]  }
0x30: {  	s3 =	sld [smem:$0x3F97]  }
0x31: {  	[smem:$0x3FA0] =	sst s10  }
0x32: {  	s10 =	sld [smem:$0x3F9E];
	_ =	sdelay $0x3  }
0x33: {  	p0 =	seq.s32 s10, $0x1;
	s10 =	sld [smem:$0x3FA0];
	_ =	sdelay $0x3  }
0x34: {  	[smem:$0x3FA0] =	sst s10  }
0x35: {  	s10 =	sld [smem:$0x3F9F];
	_ =	sdelay $0x3  }
0x36: {  	p1 =	seq.s32 s10, $0x1;
	s10 =	sld [smem:$0x3FA0];
	_ =	sdelay $0x3  }
0x37: {  	[smem:$0x3FA0] =	sst s10  }
0x38: {  	s10 =	sld [smem:$0x3FA1]  }
0x39: {  	_ = 	snop;
	(pc) =	sbr.ind lr, $3  }
0x3a: {  	_ = 	snop  }
0x3b: {  	_ = 	snop  }
0x3c: {  	p2 =	seq.s32 s10, $0x1;
	s10 =	sld [smem:$0x3FA0]  }
0x3d: {  	_ =	shalt  }
0x3e: {  	_ =	shalt  }
0x3f: {  	_ =	shalt  }
0x40: {  	_ =	shalt  }
0x41: {  	_ =	shalt  }
0x42: {  	_ =	shalt  }
0x43: {  	_ =	shalt  }
0x44: {  	_ =	shalt  }
0x45: {  	_ =	shalt  }
0x46: {  	_ =	shalt  }
0x47: {  	_ =	shalt  }
0x48: {  	_ =	shalt  }
0x49: {  	_ =	shalt  }
0x4a: {  	_ =	shalt  }
0x4b: {  	_ =	shalt  }
0x4c: {  	_ =	shalt  }
0x4d: {  	_ =	shalt  }
0x4e: {  	_ =	shalt  }
0x4f: {  	_ =	shalt  }
0x50: {  	_ =	shalt  }
0x51: {  	_ =	shalt  }
0x52: {  	_ =	shalt  }
0x53: {  	_ =	shalt  }
0x54: {  	_ =	shalt  }
0x55: {  	_ =	shalt  }
0x56: {  	_ =	shalt  }
0x57: {  	_ =	shalt  }
0x58: {  	_ =	shalt  }
0x59: {  	_ =	shalt  }
0x5a: {  	_ =	shalt  }
0x5b: {  	_ =	shalt  }
0x5c: {  	_ =	shalt  }
0x5d: {  	_ =	shalt  }
0x5e: {  	_ =	shalt  }
0x5f: {  	_ =	shalt  }
0x60: {  	_ =	shalt  }
0x61: {  	_ =	shalt  }
0x62: {  	_ =	shalt  }
0x63: {  	_ =	shalt  }
0x64: {  	_ =	shalt  }
0x65: {  	_ =	shalt  }
0x66: {  	_ =	shalt  }
0x67: {  	_ =	shalt  }
0x68: {  	_ =	shalt  }
0x69: {  	_ =	shalt  }
0x6a: {  	_ =	shalt  }
0x6b: {  	_ =	shalt  }
0x6c: {  	_ =	shalt  }
0x6d: {  	_ =	shalt  }
0x6e: {  	_ =	shalt  }
0x6f: {  	_ =	shalt  }
0x70: {  	_ =	shalt  }
0x71: {  	_ =	shalt  }
0x72: {  	_ =	shalt  }
0x73: {  	_ =	shalt  }
0x74: {  	_ =	shalt  }
0x75: {  	_ =	shalt  }
0x76: {  	_ =	shalt  }
0x77: {  	_ =	shalt  }
0x78: {  	_ =	shalt  }
0x79: {  	_ =	shalt  }
0x7a: {  	_ =	shalt  }
0x7b: {  	_ =	shalt  }
0x7c: {  	_ =	shalt  }
0x7d: {  	_ =	shalt  }
0x7e: {  	_ =	shalt  }
0x7f: {  	_ =	shalt  }
0x80: {  	_ =	shalt  }
0x81: {  	_ =	shalt  }
0x82: {  	_ =	shalt  }
0x83: {  	_ =	shalt  }
0x84: {  	_ =	shalt  }
0x85: {  	_ =	shalt  }
0x86: {  	_ =	shalt  }
0x87: {  	_ =	shalt  }
.Lfunc_end0:
.L_simem_size_0:
called_computation.2_lowered:
.L_overlay_start_0:
0x88: {  	s2 =	sld [smem:$0x3FD9]  }
0x89: {  	s3 =	sld [smem:$0x3FFE];
	_ =	sdelay $0x1  }
0x8a: {  	s1 =	srdreg.scid  }
0x8b: {  	s0 =	sand.u32 $0x1, s1  }
0x8c: {  	s17 =	sshll.u32 s0, $0xA;
	s2 =	sadd.s32 s3, s2  }
0x8d: {  	s2 =	sadd.s32 s2, s17  }
0x8e: {  	[smem:$0x3FAC] =	sst s2  }
0x8f: {  	_ = 	snop  }
0x90: {  	s2 =	sld [smem:$0x3FD0];
	(tm) =	ssettm $0x1  }
0x91: {  	s18 =	sld [smem:$0x3FFB];
	_ =	sdelay $0x3  }
0x92: {  	_ =	strace s18  }
0x93: {  	s3 =	sld [smem:$0x3FFC];
	_ =	sdelay $0x3  }
0x94: {  	_ =	strace s3  }
0x95: {  	s3 =	sld [smem:$0x3FFD];
	_ =	sdelay $0x3  }
0x96: {  	_ =	strace s3  }
0x97: {  	_ =	strace $0x8FFFFFFF  }
0x98: {  	s19 =	sld [smem:$0x3FDB];
	_ =	sdelay $0x1  }
0x99: {  	s4 =	simm.s32 $_scs_section_size  }
0x9a: {  	s5 =	simm.s32 $_size__tile_overlayer_lowered;
	s6 =	simm.s32 $_tile_overlayer_lowered  }
0x9b: {  	s22 =	simm.s32 $0x1BFF;
	s21 =	sshll.u32 s6, $0x1;
	s3 =	sadd.s32 s4, s19  }
0x9c: {  	s7 =	simm.s32 $0x0;
	s20 =	sshll.u32 s5, $0x1;
	s5 =	sadd.s32 s21, s3  }
0x9d: {  	[timem:s7], [sflag:s22] =	dma.local [hbm:s5], s20  }
0x9e: {  	_ =	swait.ge [sflag:s22], s20  }
0x9f: {  	s4 =	ssub.s32 $0x0, s20;
	[sflag:s22] =	ssyncset.done $0x0  }
0xa0: {  	[sflag:s22] =	ssyncadd.s32 s4;
	_ =	sdelay $0x1  }
0xa1: {  	s23 =	simm.s32 $0x1B8B  }
0xa2: {  	_ =	swait.ge [sflag:s23], $0x1  }
0xa3: {  	[sflag:s23] =	ssyncset.done $0x0  }
0xa4: {  	s25 =	simm.s32 $0x1B8E;
	s24 =	sld [smem:$0x3FFE];
	[sflag:s23] =	ssyncadd.s32 $0xFFFFFFFF  }
0xa5: {  	s26 =	simm.s32 $execute0_lowered;
	[smem:$0x3FD2] =	sst s25  }
0xa6: {  	s5 =	sshll.u32 s26, $0x1;
	_ =	strace $0x8000004C;
	[dreg:$0x1] =	wrdreg $0xFFFFFFFF  }
0xa7: {  	s28 =	simm.s32 $_size_execute0_lowered;
	s3 =	sadd.s32 s3, s5;
	[dreg:$0x0] =	wrdreg $0x0  }
0xa8: {  	s5 =	sshll.u32 s28, $0x1;
	[dreg:$0x2] =	wrdreg s3  }
0xa9: {  	[dreg:$0x3] =	wrdreg s5  }
0xaa: {  	[dreg:$0x4] =	wrdreg $0xC0  }
0xab: {  	_ =	task [dreg:s7], $0x5FFFF  }
0xac: {  	[dreg:$0x1] =	wrdreg $0xFFFFFFFF  }
0xad: {  	[dreg:$0x0] =	wrdreg $0x60  }
0xae: {  	[dreg:$0x2] =	wrdreg s24  }
0xaf: {  	[dreg:$0x3] =	wrdreg s2  }
0xb0: {  	[dreg:$0x4] =	wrdreg $0xA4200  }
0xb1: {  	[dreg:$0x5] =	wrdreg $0x9  }
0xb2: {  	_ =	task.clear_ibuf [dreg:s7], $0x6FFFF;
	_ =	strace $0x9000004C  }
0xb3: {  	s29 =	simm.s32 $0x9;
	_ =	strace $0x8000004E  }
0xb4: {  	_ =	swait.ge [sflag:s29], $0x1  }
0xb5: {  	[sflag:s29] =	ssyncadd.s32 $0xFFFFFFFF  }
0xb6: {  	_ =	strace $0x9000004E  }
0xb7: {  	_ =	sfence  }
0xb8: {  	s30 =	sld [smem:$0x0];
	_ =	sdelay $0x2  }
0xb9: {  	s31 =	sshll.u32 s1, $0xD;
	s1 =	sshrl.u32 s1, $0x2  }
0xba: {  	s3 =	sand.u32 $0x4000, s31;
	s1 =	sadd.s32 s1, s30  }
0xbb: {  	s0 =	sor.u32 s3, s0;
	s1 =	sshll.u32 s1, $0x11  }
0xbc: {  	s0 =	sor.u32 s1, s0  }
0xbd: {  	s0 =	sadd.s32 $0x8F2B, s0  }
0xbe: {  	[sflag:s0] =	ssyncadd.remote.s32 $0x1  }
0xbf: {  	_ =	sfence.sel $0xFFFF  }
0xc0: {  	[dreg:$0x0] =	wrdreg $0xFFFFFFFF;
	(pc) =	sbr.abs _section_cstart, $3  }
0xc1: {  	[dreg:$0x1] =	wrdreg $0xFFFFFFFF  }
0xc2: {  	_ =	task.clear_ibuf [dreg:s7], $0x2FFFF;
	_ =	strace $0x9FFFFFFF  }
0xc3: {  	(tm) =	ssettm $0x7FFFFFFF  }
tec
execute0_lowered:
.L_overlay_start_1:
0x0: {  	(tag) =	ssettag $0x1  }
0x1: {  	s0 =	rddreg [dreg:$0x0]  }
0x2: {  	s3 =	rddreg [dreg:$0x2];
	s1 =	simm.s32 $0x0;
	s14 =	stileid.u32  }
0x3: {  	s20 =	srdreg.scid;
	s16 =	simm.s32 $0x5;
	s17 =	simm.s32 $0xA400  }
0x4: {  	s18 =	simm.s32 $0x200;
	s19 =	simm.s32 $0x400;
	s28 =	simm.s32 $0x1  }
0x5: {  	s29 =	simm.s32 $0x3;
	s30 =	simm.s32 $0x7400;
	s31 =	simm.s32 $0x2  }
0x6: {  	[smem:$0x7FF] =	sst s1;
	s2 =	smul.u32 $0x12540, s14;
	s1 =	sand.u32 $0x1, s20  }
0x7: {  	s5 =	sadd.s32 $0x104800, s0;
	s6 =	sadd.s32 $0x3400, s0;
	s7 =	sadd.s32 $0x34400, s0  }
0x8: {  	s8 =	sadd.s32 $0x205200, s0;
	s9 =	sadd.s32 $0xF8400, s0;
	s23 =	sshll.u32 s14, $0x6  }
0x9: {  	s20 =	simm.s32 $0x100;
	_ =	strace $0x8000004D;
	s4 =	smul.u32 $0x125400, s1  }
0xa: {  	s10 =	ssub.s32 $0x2, s1;
	s24 =	sshll.u32 s1, $0x1;
	s13 =	sshllo.u32 s1, $0x1  }
0xb: {  	s1 =	sshll.u32 s1, $0x4;
	s11 =	sshrl.u32 s2, $0x3;
	s12 =	sshrl.u32 s10, $0x1  }
0xc: {  	s15 =	sshll.u32 s13, $0x3;
	v0 =	vmov s24;
	v2 =	vmov s1;
	s24 =	simm.s32 $0xC00;
	s1 =	simm.s32 $0x0  }
0xd: {  	s4 =	sadd.s32 s2, s4;
	s11 =	sadd.s32 s11, s0;
	s21 =	ssub.s32 s10, s12  }
0xe: {  	s2 =	sadd.s32 s2, s3;
	s12 =	smul.u32 $0xC4, s14;
	s4 =	sshrl.u32 s4, $0x3  }
0xf: {  	s22 =	sadd.s32 $0x11D000, s11;
	s11 =	sor.u32 $0x1C05, s23;
	s25 =	smax.u32 s21, $0x1  }
0x10: {  	s26 =	sshrl.u32 s2, $0x3;
	s21 =	simm.s32 $0x1400;
	s23 =	simm.s32 $0x300  }
0x11: {  	v10 =	vimm.f32 $0.0e+00;
	s2 =	simm.s32 $0x8C00;
	s0 =	sadd.s32 s4, s0;
	[dreg:$0x4] =	wrdreg s22  }
0x12: {  	v11 =	vlaneseq.u32;
	v1 =	vmov s13;
	v3 =	vor.u32 $0x4, v0;
	[dreg:$0x6] =	wrdreg s25;
	s10 =	smov.u32 s26;
	s22 =	simm.s32 $0x6400  }
0x13: {  	v4 =	vor.u32 $0x8, v0;
	v5 =	vmov s15;
	v6 =	vor.u32 $0xC, v0;
	s25 =	simm.s32 $0x3C00;
	s0 =	sadd.s32 $0x141C00, s0;
	[dreg:$0x7] =	wrdreg s10  }
0x14: {  	v7 =	vor.u32 $0x4, v1;
	v8 =	vor.u32 $0x8, v1;
	v9 =	vor.u32 $0xC, v1;
	s26 =	simm.s32 $0x6C00;
	[dreg:$0x5] =	wrdreg s0;
	s0 =	simm.s32 $0x4  }
.LBB2_1:
0x15: {  	s4 =	rddreg [dreg:$0x4]  }
0x16: {  	[spmem:s10], [sflag:s11] =	dma.local [hbm:s4], $0x24A8  }
0x17: {  	_ =	swait.ge [sflag:s16], $0x24A8  }
0x18: {  	[sflag:s16] =	ssyncset.done $0x0  }
0x19: {  	[sflag:s16] =	ssyncadd.s32 $0xFFFFDB58  }
0x1a: {  	s14 =	simm.s32 $0x0;
	s13 =	rddreg [dreg:$0x1]  }
0x1b: {  	[tilespmem:s17], [sflag:$0x5] =	stream.linear.gather [hbm4b:s13+s14], $0x20, $0x38;
	[tilespmem:$0x1C960] =	vst v63  }
0x1c: {  	_ =	swait.ge [sflag:s16], $0x20  }
0x1d: {  	[sflag:s16] =	ssyncset.done $0x0  }
0x1e: {  	s4 =	simm.s32 $0x0;
	[sflag:s16] =	ssyncadd.s32 $0xFFFFFFE0  }
0x1f: {  	s15 =	smov.u32 s11;
	s10 =	simm.s32 $0x60;
	[tilespmem:s4+$0x7400] =	vst v10  }
.LBB2_2:
0x20: {  	p0 =	sne.s32 s10, $0x5FA0;
	[tilespmem:s4+$0x7408] =	vst v10;
	s13 =	smov.u32 s10;
	s10 =	sadd.s32 $0x60, s10  }
.Ltmp0:
0x21: {  	[tilespmem:s4+$0x8C00] =	vst v10;
	(pc) =	sbr.rel @p0 .LBB2_2-.Ltmp0, $3  }
0x22: {  	[tilespmem:s4+$0x8C08] =	vst v10;
	_ =	sdelay $0x1  }
0x23: {  	s4 =	sshra.s32 s13, $0x2  }
0x24: {  	[tilespmem:s4+$0x7400] =	vst v10  }
0x25: {  	[tilespmem:s4+$0x7408] =	vst v10  }
0x26: {  	[tilespmem:s4+$0x8C00] =	vst v10  }
0x27: {  	[tilespmem:s4+$0x8C08] =	vst v10  }
0x28: {  	[bflag:$0x0] =	sbarrier.arrive $0xFFFF  }
0x29: {  	v12 =	vld.idx.msk [tilespmem:v0+s17+$0x0], $0xffff  }
0x2a: {  	v13 =	vld.idx.msk [tilespmem:v3+s17+$0x0], $0xffff  }
0x2b: {  	v14 =	vld.idx.msk [tilespmem:v4+s17+$0x0], $0xffff  }
0x2c: {  	v15 =	vld.idx.msk [tilespmem:v6+s17+$0x0], $0xffff  }
0x2d: {  	v16 =	vld.idx.msk [tilespmem:v1+s17+$0x0], $0xffff  }
0x2e: {  	v17 =	vld.idx.msk [tilespmem:v7+s17+$0x0], $0xffff  }
0x2f: {  	v18 =	vld.idx.msk [tilespmem:v8+s17+$0x0], $0xffff  }
0x30: {  	s10 =	simm.s32 $0x0;
	s4 =	simm.s32 $0x0;
	v19 =	vld.idx.msk [tilespmem:v9+s17+$0x0], $0xffff  }
.LBB2_4:
0x31: {  	s13 =	sshll.u32 s10, $0x1  }
0x32: {  	s13 =	sadd.s32 s12, s13  }
0x33: {  	s14 =	sshll.u32 s13, $0x5  }
0x34: {  	s11 =	sadd.s32 s5, s14  }
0x35: {  	[tilespmem:s4], [sflag:$0x5] =	stream.linear.gather [hbm4b:s11+s4], $0x100, $0x38;
	[tilespmem:$0x1C960] =	vst v63  }
0x36: {  	_ =	swait.ge [sflag:s16], $0x100  }
0x37: {  	[sflag:s16] =	ssyncset.done $0x0  }
0x38: {  	s14 =	sadd.s32 s6, s14;
	[sflag:s16] =	ssyncadd.s32 $0xFFFFFF00  }
0x39: {  	[tilespmem:s18], [sflag:$0x5] =	stream.linear.gather [hbm4b:s14+s4], $0x100, $0x38;
	[tilespmem:$0x1C960] =	vst v63  }
0x3a: {  	_ =	swait.ge [sflag:s16], $0x100  }
0x3b: {  	s14 =	sshll.u32 s13, $0x8;
	[sflag:s16] =	ssyncset.done $0x0  }
0x3c: {  	s13 =	sadd.s32 s7, s14;
	[sflag:s16] =	ssyncadd.s32 $0xFFFFFF00  }
0x3d: {  	[tilespmem:s19], [sflag:$0x5] =	stream.linear.gather [hbm4b:s13+s4], $0x800, $0x38;
	[tilespmem:$0x1C960] =	vst v63  }
0x3e: {  	_ =	swait.ge [sflag:s16], $0x800  }
0x3f: {  	[sflag:s16] =	ssyncset.done $0x0  }
0x40: {  	s11 =	sor.u32 $0x100, s14;
	[sflag:s16] =	ssyncadd.s32 $0xFFFFF800  }
0x41: {  	[tilespmem:s21], [sflag:$0x1] =	stream.indirect.gather [hbm4b:s8+s20], $0x28, s4, s20, $0xb8;
	[tilespmem:$0x1C960] =	vst v63  }
0x42: {  	s13 =	sshrl.u32 s11, $0x3  }
0x43: {  	[tilespmem:s22], [sflag:$0x3] =	stream.indirect.gather [hbm4b:s9+s20], $0x8, s18, s20, $0xb8;
	[tilespmem:$0x1C960] =	vst v63  }
0x44: {  	s14 =	sadd.s32 s5, s13  }
0x45: {  	[tilespmem:s20], [sflag:$0x5] =	stream.linear.gather [hbm4b:s14+s4], $0x100, $0x38;
	[tilespmem:$0x1C960] =	vst v63  }
0x46: {  	_ =	swait.ge [sflag:s16], $0x100  }
0x47: {  	[sflag:s16] =	ssyncset.done $0x0  }
0x48: {  	s13 =	sadd.s32 s6, s13;
	[sflag:s16] =	ssyncadd.s32 $0xFFFFFF00  }
0x49: {  	[tilespmem:s23], [sflag:$0x5] =	stream.linear.gather [hbm4b:s13+s4], $0x100, $0x38;
	[tilespmem:$0x1C960] =	vst v63  }
0x4a: {  	_ =	swait.ge [sflag:s16], $0x100  }
0x4b: {  	[sflag:s16] =	ssyncset.done $0x0  }
0x4c: {  	s11 =	sadd.s32 s7, s11;
	[sflag:s16] =	ssyncadd.s32 $0xFFFFFF00  }
0x4d: {  	[tilespmem:s24], [sflag:$0x5] =	stream.linear.gather [hbm4b:s11+s4], $0x800, $0x38;
	[tilespmem:$0x1C960] =	vst v63  }
0x4e: {  	_ =	swait.ge [sflag:s16], $0x800  }
0x4f: {  	[sflag:s16] =	ssyncset.done $0x0  }
0x50: {  	[sflag:s16] =	ssyncadd.s32 $0xFFFFF800  }
0x51: {  	[tilespmem:s25], [sflag:$0x2] =	stream.indirect.gather [hbm4b:s8+s20], $0x28, s20, s20, $0xb8;
	[tilespmem:$0x1C960] =	vst v63  }
0x52: {  	_ = 	snop  }
0x53: {  	[tilespmem:s26], [sflag:$0x4] =	stream.indirect.gather [hbm4b:s9+s20], $0x8, s23, s20, $0xb8;
	[tilespmem:$0x1C960] =	vst v63  }
0x54: {  	v20 =	vor.u32 s4, v11;
	_ =	swait.ge [sflag:s28], $0x2800  }
0x55: {  	v21 =	vshll.u32 v20, $0x3;
	[sflag:s28] =	ssyncset.done $0x0  }
0x56: {  	v22 =	vor.u32 $0x1, v21;
	[sflag:s28] =	ssyncadd.s32 $0xFFFFD800  }
0x57: {  	_ =	swait.ge [sflag:s29], $0x800  }
0x58: {  	v23 =	vor.u32 $0x2, v21;
	[sflag:s29] =	ssyncset.done $0x0  }
0x59: {  	v24 =	vmul.u32 $0x28, v20;
	[sflag:s29] =	ssyncadd.s32 $0xFFFFF800  }
0x5a: {  	v25 =	vor.u32 $0x3, v21;
	v26 =	vld.idx.msk [tilespmem:v21+s19+$0x0], $0xffff  }
0x5b: {  	v28 =	vor.u32 v0, v21;
	v27 =	vadd.s32 $0x20, v24;
	v22 =	vld.idx.msk [tilespmem:v22+s19+$0x0], $0xffff  }
0x5c: {  	v29 =	vor.u32 v0, v27  }
0x5d: {  	v23 =	vld.idx.msk [tilespmem:v23+s19+$0x0], $0xffff;
	_ =	sdelay $0x1  }
0x5e: {  	v25 =	vld.idx.msk [tilespmem:v25+s19+$0x0], $0xffff  }
0x5f: {  	v28 =	vld.idx.msk [tilespmem:v28+s22+$0x0], $0xffff;
	v30 =	vmul.f32 v26, v12;
	v31 =	vmul.f32 v22, v13  }
0x60: {  	v29 =	vld.idx.msk [tilespmem:v29+s21+$0x0], $0xffff  }
0x61: {  	v30 =	vadd.f32 v31, v30;
	v31 =	vmul.f32 v23, v14  }
0x62: {  	v32 =	vor.u32 v3, v21  }
0x63: {  	v30 =	vadd.f32 v31, v30;
	v31 =	vmul.f32 v25, v15;
	_ =	sdelay $0x1  }
0x64: {  	v28 =	vadd.f32 v28, v29;
	v30 =	vadd.f32 v31, v30;
	_ =	sdelay $0x1  }
0x65: {  	v29 =	vld.idx.msk [tilespmem:v32+s22+$0x0], $0xffff;
	v28 =	vadd.f32 v28, v30;
	_ =	sdelay $0x1  }
0x66: {  	v30 =	vmul.f32 $2.000000030e-01, v28  }
0x67: {  	vm0 =	vgt.f32 v28, $0.0e+00  }
0x68: {  	v28 =	vsel vm0, v28, v30  }
0x69: {  	v28 =	vsub.f32 v28, v29;
	_ =	sdelay $0x1  }
0x6a: {  	v28 =	vmul.f32 $1.442695020e+00, v28;
	_ =	sdelay $0x1  }
0x6b: {  	(erf) = vpow2.f32 v28;
	_ =	sdelay $0x2  }
0x6c: {  	v20 =	vmul.u32 $0x18, v20;
	_ =	sdelay $0x1  }
0x6d: {  	v28 =	vadd.s32 $0x10, v20  }
0x6e: {  	v29 =	vadd.s32 v2, v24;
	_ =	sdelay $0x2  }
0x6f: {  	v30 =	vpop (erf)  }
0x70: {  	[tilespmem:v28+s30+$0x0] =	vst.idx.msk $0xffff, v30  }
0x71: {  	v28 =	vld.idx.msk [tilespmem:v29+s21+$0x0], $0xffff;
	_ =	sdelay $0x2  }
0x72: {  	v31 =	vor.u32 $0x1, v29;
	_ =	sdelay $0x1  }
0x73: {  	v28 =	vmul.f32 v30, v28;
	_ =	sdelay $0x1  }
0x74: {  	[tilespmem:v20+s30+$0x0] =	vst.idx.msk $0xffff, v28  }
0x75: {  	v28 =	vld.idx.msk [tilespmem:v31+s21+$0x0], $0xffff;
	_ =	sdelay $0x1  }
0x76: {  	v31 =	vor.u32 $0x1, v20  }
0x77: {  	v59 =	vor.u32 $0x2, v29;
	_ =	sdelay $0x1  }
0x78: {  	v28 =	vmul.f32 v30, v28;
	_ =	sdelay $0x1  }
0x79: {  	[tilespmem:v31+s30+$0x0] =	vst.idx.msk $0xffff, v28  }
0x7a: {  	v28 =	vld.idx.msk [tilespmem:v59+s21+$0x0], $0xffff;
	_ =	sdelay $0x1  }
0x7b: {  	v31 =	vor.u32 $0x2, v20  }
0x7c: {  	v60 =	vor.u32 $0x3, v29;
	_ =	sdelay $0x1  }
0x7d: {  	v28 =	vmul.f32 v28, v30;
	_ =	sdelay $0x1  }
0x7e: {  	[tilespmem:v31+s30+$0x0] =	vst.idx.msk $0xffff, v28  }
0x7f: {  	v28 =	vld.idx.msk [tilespmem:v60+s21+$0x0], $0xffff;
	_ =	sdelay $0x1  }
0x80: {  	v31 =	vor.u32 $0x3, v20  }
0x81: {  	v61 =	vor.u32 $0x4, v29;
	_ =	sdelay $0x1  }
0x82: {  	v28 =	vmul.f32 v28, v30;
	_ =	sdelay $0x1  }
0x83: {  	[tilespmem:v31+s30+$0x0] =	vst.idx.msk $0xffff, v28  }
0x84: {  	v28 =	vld.idx.msk [tilespmem:v61+s21+$0x0], $0xffff;
	_ =	sdelay $0x1  }
0x85: {  	v31 =	vor.u32 $0x4, v20  }
0x86: {  	v62 =	vor.u32 $0x5, v29;
	_ =	sdelay $0x1  }
0x87: {  	v28 =	vmul.f32 v28, v30;
	_ =	sdelay $0x1  }
0x88: {  	[tilespmem:v31+s30+$0x0] =	vst.idx.msk $0xffff, v28  }
0x89: {  	v28 =	vld.idx.msk [tilespmem:v62+s21+$0x0], $0xffff;
	_ =	sdelay $0x1  }
0x8a: {  	v31 =	vor.u32 $0x5, v20  }
0x8b: {  	v63 =	vor.u32 $0x6, v29;
	_ =	sdelay $0x1  }
0x8c: {  	v28 =	vmul.f32 v28, v30;
	_ =	sdelay $0x1  }
0x8d: {  	[tilespmem:v31+s30+$0x0] =	vst.idx.msk $0xffff, v28  }
0x8e: {  	v28 =	vld.idx.msk [tilespmem:v63+s21+$0x0], $0xffff;
	_ =	sdelay $0x1  }
0x8f: {  	v31 =	vor.u32 $0x6, v20  }
0x90: {  	v29 =	vor.u32 $0x7, v29;
	_ =	sdelay $0x1  }
0x91: {  	v28 =	vmul.f32 v28, v30;
	_ =	sdelay $0x1  }
0x92: {  	[tilespmem:v31+s30+$0x0] =	vst.idx.msk $0xffff, v28  }
0x93: {  	v28 =	vld.idx.msk [tilespmem:v29+s21+$0x0], $0xffff;
	_ =	sdelay $0x1  }
0x94: {  	v29 =	vor.u32 $0x7, v20  }
0x95: {  	v27 =	vor.u32 v1, v27  }
0x96: {  	v31 =	vor.u32 v1, v21  }
0x97: {  	v28 =	vmul.f32 v28, v30;
	_ =	sdelay $0x1  }
0x98: {  	[tilespmem:v29+s30+$0x0] =	vst.idx.msk $0xffff, v28  }
0x99: {  	v26 =	vmul.f32 v26, v16;
	v22 =	vmul.f32 v22, v17;
	v27 =	vld.idx.msk [tilespmem:v27+s21+$0x0], $0xffff  }
0x9a: {  	v28 =	vld.idx.msk [tilespmem:v31+s22+$0x0], $0xffff  }
0x9b: {  	v22 =	vadd.f32 v22, v26;
	v23 =	vmul.f32 v23, v18  }
0x9c: {  	v21 =	vor.u32 v7, v21  }
0x9d: {  	v22 =	vadd.f32 v23, v22;
	v23 =	vmul.f32 v25, v19;
	_ =	sdelay $0x1  }
0x9e: {  	v22 =	vadd.f32 v23, v22;
	v23 =	vadd.f32 v28, v27;
	_ =	sdelay $0x1  }
0x9f: {  	v21 =	vld.idx.msk [tilespmem:v21+s22+$0x0], $0xffff;
	v22 =	vadd.f32 v23, v22;
	_ =	sdelay $0x1  }
0xa0: {  	v23 =	vmul.f32 $2.000000030e-01, v22  }
0xa1: {  	vm15 =	vgt.f32 v22, $0.0e+00  }
0xa2: {  	v22 =	vsel vm15, v22, v23  }
0xa3: {  	v21 =	vsub.f32 v22, v21;
	_ =	sdelay $0x1  }
0xa4: {  	v21 =	vmul.f32 $1.442695020e+00, v21;
	_ =	sdelay $0x1  }
0xa5: {  	(erf) = vpow2.f32 v21;
	_ =	sdelay $0x4  }
0xa6: {  	v21 =	vadd.s32 $0x11, v20  }
0xa7: {  	v22 =	vadd.s32 v5, v24;
	_ =	sdelay $0x2  }
0xa8: {  	v29 =	vpop (erf)  }
0xa9: {  	[tilespmem:v21+s30+$0x0] =	vst.idx.msk $0xffff, v29  }
0xaa: {  	v21 =	vld.idx.msk [tilespmem:v22+s21+$0x0], $0xffff;
	_ =	sdelay $0x1  }
0xab: {  	v23 =	vadd.s32 $0x8, v20  }
0xac: {  	v24 =	vor.u32 $0x1, v22;
	_ =	sdelay $0x1  }
0xad: {  	v21 =	vmul.f32 v29, v21;
	_ =	sdelay $0x1  }
0xae: {  	[tilespmem:v23+s30+$0x0] =	vst.idx.msk $0xffff, v21  }
0xaf: {  	v21 =	vld.idx.msk [tilespmem:v24+s21+$0x0], $0xffff;
	_ =	sdelay $0x1  }
0xb0: {  	v23 =	vadd.s32 $0x9, v20  }
0xb1: {  	v24 =	vor.u32 $0x2, v22;
	_ =	sdelay $0x1  }
0xb2: {  	v21 =	vmul.f32 v29, v21;
	_ =	sdelay $0x1  }
0xb3: {  	[tilespmem:v23+s30+$0x0] =	vst.idx.msk $0xffff, v21  }
0xb4: {  	v21 =	vld.idx.msk [tilespmem:v24+s21+$0x0], $0xffff;
	_ =	sdelay $0x1  }
0xb5: {  	v23 =	vadd.s32 $0xA, v20  }
0xb6: {  	v24 =	vor.u32 $0x3, v22;
	_ =	sdelay $0x1  }
0xb7: {  	v21 =	vmul.f32 v21, v29;
	_ =	sdelay $0x1  }
0xb8: {  	[tilespmem:v23+s30+$0x0] =	vst.idx.msk $0xffff, v21  }
0xb9: {  	v21 =	vld.idx.msk [tilespmem:v24+s21+$0x0], $0xffff;
	_ =	sdelay $0x1  }
0xba: {  	v23 =	vadd.s32 $0xB, v20  }
0xbb: {  	v24 =	vor.u32 $0x4, v22;
	_ =	sdelay $0x1  }
0xbc: {  	v21 =	vmul.f32 v21, v29;
	_ =	sdelay $0x1  }
0xbd: {  	[tilespmem:v23+s30+$0x0] =	vst.idx.msk $0xffff, v21  }
0xbe: {  	v21 =	vld.idx.msk [tilespmem:v24+s21+$0x0], $0xffff;
	_ =	sdelay $0x1  }
0xbf: {  	v23 =	vadd.s32 $0xC, v20  }
0xc0: {  	v24 =	vor.u32 $0x5, v22;
	_ =	sdelay $0x1  }
0xc1: {  	v21 =	vmul.f32 v21, v29;
	_ =	sdelay $0x1  }
0xc2: {  	[tilespmem:v23+s30+$0x0] =	vst.idx.msk $0xffff, v21  }
0xc3: {  	v21 =	vld.idx.msk [tilespmem:v24+s21+$0x0], $0xffff;
	_ =	sdelay $0x1  }
0xc4: {  	v23 =	vadd.s32 $0xD, v20  }
0xc5: {  	v24 =	vor.u32 $0x6, v22;
	_ =	sdelay $0x1  }
0xc6: {  	v21 =	vmul.f32 v21, v29;
	_ =	sdelay $0x1  }
0xc7: {  	[tilespmem:v23+s30+$0x0] =	vst.idx.msk $0xffff, v21  }
0xc8: {  	v21 =	vld.idx.msk [tilespmem:v24+s21+$0x0], $0xffff;
	_ =	sdelay $0x1  }
0xc9: {  	v23 =	vadd.s32 $0xE, v20  }
0xca: {  	v22 =	vor.u32 $0x7, v22;
	_ =	sdelay $0x1  }
0xcb: {  	v21 =	vmul.f32 v21, v29;
	_ =	sdelay $0x1  }
0xcc: {  	[tilespmem:v23+s30+$0x0] =	vst.idx.msk $0xffff, v21  }
0xcd: {  	v30 =	vld.idx.msk [tilespmem:v22+s21+$0x0], $0xffff  }
0xce: {  	s14 =	simm.s32 $0x10  }
0xcf: {  	v25 =	vadd.s32 $0xF, v20;
	v22 =	vor.u32 s14, v11  }
0xd0: {  	v21 =	vshll.u32 v22, $0x3;
	v20 =	vmul.u32 $0x28, v22  }
0xd1: {  	v28 =	vor.u32 $0x1, v21;
	v26 =	vor.u32 $0x2, v21;
	v24 =	vor.u32 $0x3, v21  }
0xd2: {  	s13 =	simm.s32 $0x20;
	v27 =	vor.u32 v0, v21;
	v23 =	vadd.s32 $0x20, v20;
	v29 =	vmul.f32 v30, v29  }
.LBB2_5:
0xd3: {  	p0 =	sne.s32 s13, $0xF0;
	v30 =	vor.u32 v3, v21;
	s14 =	smov.u32 s13;
	s13 =	sadd.s32 $0x10, s13  }
0xd4: {  	[tilespmem:v25+s30+$0x0] =	vst.idx.msk $0xffff, v29  }
0xd5: {  	v25 =	vld.idx.msk [tilespmem:v21+s19+$0x0], $0xffff  }
0xd6: {  	v28 =	vld.idx.msk [tilespmem:v28+s19+$0x0], $0xffff  }
0xd7: {  	v29 =	vor.u32 v0, v23  }
0xd8: {  	v26 =	vld.idx.msk [tilespmem:v26+s19+$0x0], $0xffff;
	_ =	sdelay $0x1  }
0xd9: {  	v24 =	vld.idx.msk [tilespmem:v24+s19+$0x0], $0xffff  }
0xda: {  	v27 =	vld.idx.msk [tilespmem:v27+s22+$0x0], $0xffff  }
0xdb: {  	v31 =	vmul.f32 v25, v12;
	v32 =	vmul.f32 v28, v13;
	v29 =	vld.idx.msk [tilespmem:v29+s21+$0x0], $0xffff  }
0xdc: {  	v25 =	vmul.f32 v25, v16;
	v28 =	vmul.f32 v28, v17  }
0xdd: {  	v31 =	vadd.f32 v32, v31;
	v32 =	vmul.f32 v26, v14  }
0xde: {  	v25 =	vadd.f32 v28, v25;
	v26 =	vmul.f32 v26, v18  }
0xdf: {  	v28 =	vadd.f32 v32, v31;
	v31 =	vmul.f32 v24, v15  }
0xe0: {  	v25 =	vadd.f32 v26, v25  }
0xe1: {  	v26 =	vadd.f32 v31, v28;
	v27 =	vadd.f32 v27, v29  }
0xe2: {  	v28 =	vld.idx.msk [tilespmem:v30+s22+$0x0], $0xffff  }
0xe3: {  	v26 =	vadd.f32 v27, v26;
	_ =	sdelay $0x1  }
0xe4: {  	v27 =	vmul.f32 $2.000000030e-01, v26  }
0xe5: {  	vm0 =	vgt.f32 v26, $0.0e+00  }
0xe6: {  	v26 =	vsel vm0, v26, v27  }
0xe7: {  	v26 =	vsub.f32 v26, v28;
	_ =	sdelay $0x1  }
0xe8: {  	v26 =	vmul.f32 $1.442695020e+00, v26;
	_ =	sdelay $0x1  }
0xe9: {  	(erf) = vpow2.f32 v26;
	_ =	sdelay $0x2  }
0xea: {  	v22 =	vmul.u32 $0x18, v22;
	_ =	sdelay $0x1  }
0xeb: {  	v26 =	vadd.s32 $0x10, v22  }
0xec: {  	v27 =	vadd.s32 v2, v20;
	_ =	sdelay $0x2  }
0xed: {  	v28 =	vpop (erf)  }
0xee: {  	[tilespmem:v26+s30+$0x0] =	vst.idx.msk $0xffff, v28  }
0xef: {  	v26 =	vld.idx.msk [tilespmem:v27+s21+$0x0], $0xffff;
	_ =	sdelay $0x3  }
0xf0: {  	v29 =	vor.u32 $0x1, v27;
	_ =	sdelay $0x1  }
0xf1: {  	v26 =	vmul.f32 v28, v26;
	_ =	sdelay $0x1  }
0xf2: {  	[tilespmem:v22+s30+$0x0] =	vst.idx.msk $0xffff, v26  }
0xf3: {  	v26 =	vld.idx.msk [tilespmem:v29+s21+$0x0], $0xffff;
	_ =	sdelay $0x2  }
0xf4: {  	v29 =	vor.u32 $0x1, v22  }
0xf5: {  	v30 =	vor.u32 $0x2, v27;
	_ =	sdelay $0x1  }
0xf6: {  	v26 =	vmul.f32 v28, v26;
	_ =	sdelay $0x1  }
0xf7: {  	[tilespmem:v29+s30+$0x0] =	vst.idx.msk $0xffff, v26  }
0xf8: {  	v26 =	vld.idx.msk [tilespmem:v30+s21+$0x0], $0xffff;
	_ =	sdelay $0x2  }
0xf9: {  	v29 =	vor.u32 $0x2, v22  }
0xfa: {  	v30 =	vor.u32 $0x3, v27;
	_ =	sdelay $0x1  }
0xfb: {  	v26 =	vmul.f32 v26, v28;
	_ =	sdelay $0x1  }
0xfc: {  	[tilespmem:v29+s30+$0x0] =	vst.idx.msk $0xffff, v26  }
0xfd: {  	v26 =	vld.idx.msk [tilespmem:v30+s21+$0x0], $0xffff;
	_ =	sdelay $0x2  }
0xfe: {  	v29 =	vor.u32 $0x3, v22  }
0xff: {  	v30 =	vor.u32 $0x4, v27;
	_ =	sdelay $0x1  }
0x100: {  	v26 =	vmul.f32 v26, v28;
	_ =	sdelay $0x1  }
0x101: {  	[tilespmem:v29+s30+$0x0] =	vst.idx.msk $0xffff, v26  }
0x102: {  	v26 =	vld.idx.msk [tilespmem:v30+s21+$0x0], $0xffff;
	_ =	sdelay $0x2  }
0x103: {  	v29 =	vor.u32 $0x4, v22  }
0x104: {  	v30 =	vor.u32 $0x5, v27;
	_ =	sdelay $0x1  }
0x105: {  	v26 =	vmul.f32 v26, v28;
	_ =	sdelay $0x1  }
0x106: {  	[tilespmem:v29+s30+$0x0] =	vst.idx.msk $0xffff, v26  }
0x107: {  	v26 =	vld.idx.msk [tilespmem:v30+s21+$0x0], $0xffff;
	_ =	sdelay $0x2  }
0x108: {  	v29 =	vor.u32 $0x5, v22  }
0x109: {  	v30 =	vor.u32 $0x6, v27;
	_ =	sdelay $0x1  }
0x10a: {  	v26 =	vmul.f32 v26, v28;
	_ =	sdelay $0x1  }
0x10b: {  	[tilespmem:v29+s30+$0x0] =	vst.idx.msk $0xffff, v26  }
0x10c: {  	v26 =	vld.idx.msk [tilespmem:v30+s21+$0x0], $0xffff;
	_ =	sdelay $0x2  }
0x10d: {  	v29 =	vor.u32 $0x6, v22  }
0x10e: {  	v27 =	vor.u32 $0x7, v27;
	_ =	sdelay $0x1  }
0x10f: {  	v26 =	vmul.f32 v26, v28;
	_ =	sdelay $0x1  }
0x110: {  	[tilespmem:v29+s30+$0x0] =	vst.idx.msk $0xffff, v26  }
0x111: {  	v26 =	vld.idx.msk [tilespmem:v27+s21+$0x0], $0xffff;
	_ =	sdelay $0x2  }
0x112: {  	v27 =	vor.u32 $0x7, v22  }
0x113: {  	v23 =	vor.u32 v1, v23;
	v29 =	vor.u32 v1, v21;
	_ =	sdelay $0x1  }
0x114: {  	v26 =	vmul.f32 v26, v28;
	_ =	sdelay $0x1  }
0x115: {  	[tilespmem:v27+s30+$0x0] =	vst.idx.msk $0xffff, v26  }
0x116: {  	v23 =	vld.idx.msk [tilespmem:v23+s21+$0x0], $0xffff  }
0x117: {  	v26 =	vld.idx.msk [tilespmem:v29+s22+$0x0], $0xffff  }
0x118: {  	v21 =	vor.u32 v7, v21;
	_ =	sdelay $0x1  }
0x119: {  	v24 =	vmul.f32 v24, v19;
	_ =	sdelay $0x1  }
0x11a: {  	v24 =	vadd.f32 v24, v25  }
0x11b: {  	v23 =	vadd.f32 v26, v23;
	v21 =	vld.idx.msk [tilespmem:v21+s22+$0x0], $0xffff;
	_ =	sdelay $0x1  }
0x11c: {  	v23 =	vadd.f32 v23, v24;
	_ =	sdelay $0x1  }
0x11d: {  	vm0 =	vgt.f32 v23, $0.0e+00;
	v24 =	vmul.f32 $2.000000030e-01, v23;
	_ =	sdelay $0x1  }
0x11e: {  	v23 =	vsel vm0, v23, v24  }
0x11f: {  	v21 =	vsub.f32 v23, v21;
	_ =	sdelay $0x1  }
0x120: {  	v21 =	vmul.f32 $1.442695020e+00, v21;
	_ =	sdelay $0x1  }
0x121: {  	(erf) = vpow2.f32 v21;
	_ =	sdelay $0x3  }
0x122: {  	v21 =	vadd.s32 $0x11, v22  }
0x123: {  	v20 =	vadd.s32 v5, v20;
	_ =	sdelay $0x3  }
0x124: {  	v29 =	vpop (erf)  }
0x125: {  	[tilespmem:v21+s30+$0x0] =	vst.idx.msk $0xffff, v29  }
0x126: {  	v21 =	vld.idx.msk [tilespmem:v20+s21+$0x0], $0xffff;
	_ =	sdelay $0x1  }
0x127: {  	v23 =	vadd.s32 $0x8, v22  }
0x128: {  	v24 =	vor.u32 $0x1, v20;
	_ =	sdelay $0x2  }
0x129: {  	v21 =	vmul.f32 v29, v21;
	_ =	sdelay $0x1  }
0x12a: {  	[tilespmem:v23+s30+$0x0] =	vst.idx.msk $0xffff, v21  }
0x12b: {  	v21 =	vld.idx.msk [tilespmem:v24+s21+$0x0], $0xffff;
	_ =	sdelay $0x1  }
0x12c: {  	v23 =	vadd.s32 $0x9, v22  }
0x12d: {  	v24 =	vor.u32 $0x2, v20;
	_ =	sdelay $0x2  }
0x12e: {  	v21 =	vmul.f32 v29, v21;
	_ =	sdelay $0x1  }
0x12f: {  	[tilespmem:v23+s30+$0x0] =	vst.idx.msk $0xffff, v21  }
0x130: {  	v21 =	vld.idx.msk [tilespmem:v24+s21+$0x0], $0xffff;
	_ =	sdelay $0x1  }
0x131: {  	v23 =	vadd.s32 $0xA, v22  }
0x132: {  	v24 =	vor.u32 $0x3, v20;
	_ =	sdelay $0x2  }
0x133: {  	v21 =	vmul.f32 v21, v29;
	_ =	sdelay $0x1  }
0x134: {  	[tilespmem:v23+s30+$0x0] =	vst.idx.msk $0xffff, v21  }
0x135: {  	v21 =	vld.idx.msk [tilespmem:v24+s21+$0x0], $0xffff;
	_ =	sdelay $0x1  }
0x136: {  	v23 =	vadd.s32 $0xB, v22  }
0x137: {  	v24 =	vor.u32 $0x4, v20;
	_ =	sdelay $0x2  }
0x138: {  	v21 =	vmul.f32 v21, v29;
	_ =	sdelay $0x1  }
0x139: {  	[tilespmem:v23+s30+$0x0] =	vst.idx.msk $0xffff, v21  }
0x13a: {  	v21 =	vld.idx.msk [tilespmem:v24+s21+$0x0], $0xffff;
	_ =	sdelay $0x1  }
0x13b: {  	v23 =	vadd.s32 $0xC, v22  }
0x13c: {  	v24 =	vor.u32 $0x5, v20;
	_ =	sdelay $0x2  }
0x13d: {  	v21 =	vmul.f32 v21, v29;
	_ =	sdelay $0x1  }
0x13e: {  	[tilespmem:v23+s30+$0x0] =	vst.idx.msk $0xffff, v21  }
0x13f: {  	v21 =	vld.idx.msk [tilespmem:v24+s21+$0x0], $0xffff;
	_ =	sdelay $0x1  }
0x140: {  	v23 =	vadd.s32 $0xD, v22  }
0x141: {  	v24 =	vor.u32 $0x6, v20;
	_ =	sdelay $0x2  }
0x142: {  	v21 =	vmul.f32 v21, v29;
	_ =	sdelay $0x1  }
0x143: {  	[tilespmem:v23+s30+$0x0] =	vst.idx.msk $0xffff, v21  }
0x144: {  	v21 =	vld.idx.msk [tilespmem:v24+s21+$0x0], $0xffff;
	_ =	sdelay $0x1  }
0x145: {  	v23 =	vadd.s32 $0xE, v22  }
0x146: {  	v20 =	vor.u32 $0x7, v20;
	_ =	sdelay $0x2  }
0x147: {  	v21 =	vmul.f32 v21, v29;
	_ =	sdelay $0x1  }
0x148: {  	[tilespmem:v23+s30+$0x0] =	vst.idx.msk $0xffff, v21  }
0x149: {  	v30 =	vld.idx.msk [tilespmem:v20+s21+$0x0], $0xffff;
	_ =	sdelay $0x1  }
.Ltmp1:
0x14a: {  	v25 =	vadd.s32 $0xF, v22;
	(pc) =	sbr.rel @p0 .LBB2_5-.Ltmp1, $4  }
0x14b: {  	v22 =	vor.u32 s14, v11  }
0x14c: {  	v21 =	vshll.u32 v22, $0x3;
	v20 =	vmul.u32 $0x28, v22  }
0x14d: {  	v28 =	vor.u32 $0x1, v21;
	v26 =	vor.u32 $0x2, v21;
	v24 =	vor.u32 $0x3, v21  }
0x14e: {  	v27 =	vor.u32 v0, v21;
	v23 =	vadd.s32 $0x20, v20;
	v29 =	vmul.f32 v30, v29  }
0x14f: {  	_ =	sdelay $0x3  }
0x150: {  	[tilespmem:v25+s30+$0x0] =	vst.idx.msk $0xffff, v29  }
0x151: {  	v25 =	vld.idx.msk [tilespmem:v21+s19+$0x0], $0xffff  }
0x152: {  	v28 =	vld.idx.msk [tilespmem:v28+s19+$0x0], $0xffff  }
0x153: {  	v29 =	vor.u32 v0, v23  }
0x154: {  	v26 =	vld.idx.msk [tilespmem:v26+s19+$0x0], $0xffff;
	_ =	sdelay $0x1  }
0x155: {  	v24 =	vld.idx.msk [tilespmem:v24+s19+$0x0], $0xffff  }
0x156: {  	v27 =	vld.idx.msk [tilespmem:v27+s22+$0x0], $0xffff;
	v30 =	vmul.f32 v25, v12;
	v31 =	vmul.f32 v28, v13  }
0x157: {  	v29 =	vld.idx.msk [tilespmem:v29+s21+$0x0], $0xffff  }
0x158: {  	v30 =	vadd.f32 v31, v30;
	v31 =	vmul.f32 v26, v14  }
0x159: {  	v32 =	vor.u32 v3, v21  }
0x15a: {  	v30 =	vadd.f32 v31, v30;
	v31 =	vmul.f32 v24, v15;
	_ =	sdelay $0x1  }
0x15b: {  	v27 =	vadd.f32 v27, v29;
	v30 =	vadd.f32 v31, v30;
	_ =	sdelay $0x1  }
0x15c: {  	v29 =	vld.idx.msk [tilespmem:v32+s22+$0x0], $0xffff;
	v27 =	vadd.f32 v27, v30;
	_ =	sdelay $0x1  }
0x15d: {  	v30 =	vmul.f32 $2.000000030e-01, v27  }
0x15e: {  	vm0 =	vgt.f32 v27, $0.0e+00  }
0x15f: {  	v27 =	vsel vm0, v27, v30  }
0x160: {  	v27 =	vsub.f32 v27, v29;
	_ =	sdelay $0x1  }
0x161: {  	v27 =	vmul.f32 $1.442695020e+00, v27;
	_ =	sdelay $0x1  }
0x162: {  	(erf) = vpow2.f32 v27;
	_ =	sdelay $0x2  }
0x163: {  	v22 =	vmul.u32 $0x18, v22;
	_ =	sdelay $0x1  }
0x164: {  	v27 =	vadd.s32 $0x10, v22  }
0x165: {  	v29 =	vadd.s32 v2, v20;
	_ =	sdelay $0x2  }
0x166: {  	v30 =	vpop (erf)  }
0x167: {  	[tilespmem:v27+s30+$0x0] =	vst.idx.msk $0xffff, v30  }
0x168: {  	v27 =	vld.idx.msk [tilespmem:v29+s21+$0x0], $0xffff;
	_ =	sdelay $0x2  }
0x169: {  	v31 =	vor.u32 $0x1, v29;
	_ =	sdelay $0x1  }
0x16a: {  	v27 =	vmul.f32 v30, v27;
	_ =	sdelay $0x1  }
0x16b: {  	[tilespmem:v22+s30+$0x0] =	vst.idx.msk $0xffff, v27  }
0x16c: {  	v27 =	vld.idx.msk [tilespmem:v31+s21+$0x0], $0xffff;
	_ =	sdelay $0x1  }
0x16d: {  	v31 =	vor.u32 $0x1, v22  }
0x16e: {  	v53 =	vor.u32 $0x2, v29;
	_ =	sdelay $0x1  }
0x16f: {  	v27 =	vmul.f32 v30, v27;
	_ =	sdelay $0x1  }
0x170: {  	[tilespmem:v31+s30+$0x0] =	vst.idx.msk $0xffff, v27  }
0x171: {  	v27 =	vld.idx.msk [tilespmem:v53+s21+$0x0], $0xffff;
	_ =	sdelay $0x1  }
0x172: {  	v31 =	vor.u32 $0x2, v22  }
0x173: {  	v54 =	vor.u32 $0x3, v29;
	_ =	sdelay $0x1  }
0x174: {  	v27 =	vmul.f32 v27, v30;
	_ =	sdelay $0x1  }
0x175: {  	[tilespmem:v31+s30+$0x0] =	vst.idx.msk $0xffff, v27  }
0x176: {  	v27 =	vld.idx.msk [tilespmem:v54+s21+$0x0], $0xffff;
	_ =	sdelay $0x1  }
0x177: {  	v31 =	vor.u32 $0x3, v22  }
0x178: {  	v55 =	vor.u32 $0x4, v29;
	_ =	sdelay $0x1  }
0x179: {  	v27 =	vmul.f32 v27, v30;
	_ =	sdelay $0x1  }
0x17a: {  	[tilespmem:v31+s30+$0x0] =	vst.idx.msk $0xffff, v27  }
0x17b: {  	v27 =	vld.idx.msk [tilespmem:v55+s21+$0x0], $0xffff;
	_ =	sdelay $0x1  }
0x17c: {  	v31 =	vor.u32 $0x4, v22  }
0x17d: {  	v56 =	vor.u32 $0x5, v29;
	_ =	sdelay $0x1  }
0x17e: {  	v27 =	vmul.f32 v27, v30;
	_ =	sdelay $0x1  }
0x17f: {  	[tilespmem:v31+s30+$0x0] =	vst.idx.msk $0xffff, v27  }
0x180: {  	v27 =	vld.idx.msk [tilespmem:v56+s21+$0x0], $0xffff;
	_ =	sdelay $0x1  }
0x181: {  	v31 =	vor.u32 $0x5, v22  }
0x182: {  	v57 =	vor.u32 $0x6, v29;
	_ =	sdelay $0x1  }
0x183: {  	v27 =	vmul.f32 v27, v30;
	_ =	sdelay $0x1  }
0x184: {  	[tilespmem:v31+s30+$0x0] =	vst.idx.msk $0xffff, v27  }
0x185: {  	v27 =	vld.idx.msk [tilespmem:v57+s21+$0x0], $0xffff;
	_ =	sdelay $0x1  }
0x186: {  	v31 =	vor.u32 $0x6, v22  }
0x187: {  	v29 =	vor.u32 $0x7, v29;
	_ =	sdelay $0x1  }
0x188: {  	v27 =	vmul.f32 v27, v30;
	_ =	sdelay $0x1  }
0x189: {  	[tilespmem:v31+s30+$0x0] =	vst.idx.msk $0xffff, v27  }
0x18a: {  	v27 =	vld.idx.msk [tilespmem:v29+s21+$0x0], $0xffff;
	_ =	sdelay $0x1  }
0x18b: {  	v29 =	vor.u32 $0x7, v22  }
0x18c: {  	v23 =	vor.u32 v1, v23  }
0x18d: {  	v31 =	vor.u32 v1, v21  }
0x18e: {  	v27 =	vmul.f32 v27, v30;
	_ =	sdelay $0x1  }
0x18f: {  	[tilespmem:v29+s30+$0x0] =	vst.idx.msk $0xffff, v27  }
0x190: {  	v25 =	vmul.f32 v25, v16;
	v27 =	vmul.f32 v28, v17;
	v23 =	vld.idx.msk [tilespmem:v23+s21+$0x0], $0xffff  }
0x191: {  	v28 =	vld.idx.msk [tilespmem:v31+s22+$0x0], $0xffff  }
0x192: {  	v26 =	vmul.f32 v26, v18;
	v25 =	vadd.f32 v27, v25  }
0x193: {  	v21 =	vor.u32 v7, v21  }
0x194: {  	v24 =	vmul.f32 v24, v19;
	v25 =	vadd.f32 v26, v25;
	_ =	sdelay $0x1  }
0x195: {  	v24 =	vadd.f32 v24, v25;
	v23 =	vadd.f32 v28, v23;
	_ =	sdelay $0x1  }
0x196: {  	v21 =	vld.idx.msk [tilespmem:v21+s22+$0x0], $0xffff;
	v23 =	vadd.f32 v23, v24;
	_ =	sdelay $0x1  }
0x197: {  	v24 =	vmul.f32 $2.000000030e-01, v23  }
0x198: {  	vm13 =	vgt.f32 v23, $0.0e+00  }
0x199: {  	v23 =	vsel vm13, v23, v24  }
0x19a: {  	v21 =	vsub.f32 v23, v21;
	_ =	sdelay $0x1  }
0x19b: {  	v21 =	vmul.f32 $1.442695020e+00, v21;
	_ =	sdelay $0x1  }
0x19c: {  	(erf) = vpow2.f32 v21;
	_ =	sdelay $0x4  }
0x19d: {  	v21 =	vadd.s32 $0x11, v22  }
0x19e: {  	v20 =	vadd.s32 v5, v20;
	_ =	sdelay $0x2  }
0x19f: {  	v23 =	vpop (erf)  }
0x1a0: {  	[tilespmem:v21+s30+$0x0] =	vst.idx.msk $0xffff, v23  }
0x1a1: {  	v21 =	vld.idx.msk [tilespmem:v20+s21+$0x0], $0xffff;
	_ =	sdelay $0x1  }
0x1a2: {  	v24 =	vadd.s32 $0x8, v22  }
0x1a3: {  	v25 =	vor.u32 $0x1, v20;
	_ =	sdelay $0x1  }
0x1a4: {  	v21 =	vmul.f32 v23, v21;
	_ =	sdelay $0x1  }
0x1a5: {  	[tilespmem:v24+s30+$0x0] =	vst.idx.msk $0xffff, v21  }
0x1a6: {  	v21 =	vld.idx.msk [tilespmem:v25+s21+$0x0], $0xffff;
	_ =	sdelay $0x1  }
0x1a7: {  	v24 =	vadd.s32 $0x9, v22  }
0x1a8: {  	v25 =	vor.u32 $0x2, v20;
	_ =	sdelay $0x1  }
0x1a9: {  	v21 =	vmul.f32 v23, v21;
	_ =	sdelay $0x1  }
0x1aa: {  	[tilespmem:v24+s30+$0x0] =	vst.idx.msk $0xffff, v21  }
0x1ab: {  	v21 =	vld.idx.msk [tilespmem:v25+s21+$0x0], $0xffff;
	_ =	sdelay $0x1  }
0x1ac: {  	v24 =	vadd.s32 $0xA, v22  }
0x1ad: {  	v25 =	vor.u32 $0x3, v20;
	_ =	sdelay $0x1  }
0x1ae: {  	v21 =	vmul.f32 v21, v23;
	_ =	sdelay $0x1  }
0x1af: {  	[tilespmem:v24+s30+$0x0] =	vst.idx.msk $0xffff, v21  }
0x1b0: {  	v21 =	vld.idx.msk [tilespmem:v25+s21+$0x0], $0xffff;
	_ =	sdelay $0x1  }
0x1b1: {  	v24 =	vadd.s32 $0xB, v22  }
0x1b2: {  	v25 =	vor.u32 $0x4, v20;
	_ =	sdelay $0x1  }
0x1b3: {  	v21 =	vmul.f32 v21, v23;
	_ =	sdelay $0x1  }
0x1b4: {  	[tilespmem:v24+s30+$0x0] =	vst.idx.msk $0xffff, v21  }
0x1b5: {  	v21 =	vld.idx.msk [tilespmem:v25+s21+$0x0], $0xffff;
	_ =	sdelay $0x1  }
0x1b6: {  	v24 =	vadd.s32 $0xC, v22  }
0x1b7: {  	v25 =	vor.u32 $0x5, v20;
	_ =	sdelay $0x1  }
0x1b8: {  	v21 =	vmul.f32 v21, v23;
	_ =	sdelay $0x1  }
0x1b9: {  	[tilespmem:v24+s30+$0x0] =	vst.idx.msk $0xffff, v21  }
0x1ba: {  	v21 =	vld.idx.msk [tilespmem:v25+s21+$0x0], $0xffff;
	_ =	sdelay $0x1  }
0x1bb: {  	v24 =	vadd.s32 $0xD, v22  }
0x1bc: {  	v25 =	vor.u32 $0x6, v20;
	_ =	sdelay $0x1  }
0x1bd: {  	v21 =	vmul.f32 v21, v23;
	_ =	sdelay $0x1  }
0x1be: {  	[tilespmem:v24+s30+$0x0] =	vst.idx.msk $0xffff, v21  }
0x1bf: {  	v21 =	vld.idx.msk [tilespmem:v25+s21+$0x0], $0xffff;
	_ =	sdelay $0x1  }
0x1c0: {  	v24 =	vadd.s32 $0xE, v22  }
0x1c1: {  	v20 =	vor.u32 $0x7, v20;
	_ =	sdelay $0x1  }
0x1c2: {  	v21 =	vmul.f32 v21, v23;
	_ =	sdelay $0x1  }
0x1c3: {  	[tilespmem:v24+s30+$0x0] =	vst.idx.msk $0xffff, v21  }
0x1c4: {  	v20 =	vld.idx.msk [tilespmem:v20+s21+$0x0], $0xffff;
	_ =	sdelay $0x1  }
0x1c5: {  	v21 =	vadd.s32 $0xF, v22;
	_ =	sdelay $0x2  }
0x1c6: {  	v20 =	vmul.f32 v20, v23;
	_ =	sdelay $0x1  }
0x1c7: {  	[tilespmem:v21+s30+$0x0] =	vst.idx.msk $0xffff, v20  }
0x1c8: {  	[spmem:s3] =	stream.indirect.scatter.add.f32 [tilespmem:s30], [sflag:$0x5], $0x18, s18, s20, $0xb8;
	[tilespmem:$0x1C960] =	vst v63  }
0x1c9: {  	_ =	swait.ge [sflag:s16], $0x1800  }
0x1ca: {  	[sflag:s16] =	ssyncset.done $0x0  }
0x1cb: {  	s11 =	simm.s32 $0x0;
	[sflag:s16] =	ssyncadd.s32 $0xFFFFE800  }
0x1cc: {  	v20 =	vor.u32 s11, v11;
	_ =	swait.ge [sflag:s31], $0x2800  }
0x1cd: {  	v21 =	vshll.u32 v20, $0x3;
	[sflag:s31] =	ssyncset.done $0x0  }
0x1ce: {  	v22 =	vor.u32 $0x1, v21;
	[sflag:s31] =	ssyncadd.s32 $0xFFFFD800  }
0x1cf: {  	_ =	swait.ge [sflag:s0], $0x800  }
0x1d0: {  	v23 =	vor.u32 $0x2, v21;
	[sflag:s0] =	ssyncset.done $0x0  }
0x1d1: {  	v24 =	vmul.u32 $0x28, v20;
	[sflag:s0] =	ssyncadd.s32 $0xFFFFF800  }
0x1d2: {  	v25 =	vor.u32 $0x3, v21;
	v26 =	vld.idx.msk [tilespmem:v21+s24+$0x0], $0xffff  }
0x1d3: {  	v28 =	vor.u32 v0, v21;
	v27 =	vadd.s32 $0x20, v24;
	v22 =	vld.idx.msk [tilespmem:v22+s24+$0x0], $0xffff  }
0x1d4: {  	v29 =	vor.u32 v0, v27  }
0x1d5: {  	v23 =	vld.idx.msk [tilespmem:v23+s24+$0x0], $0xffff;
	_ =	sdelay $0x1  }
0x1d6: {  	v25 =	vld.idx.msk [tilespmem:v25+s24+$0x0], $0xffff  }
0x1d7: {  	v28 =	vld.idx.msk [tilespmem:v28+s26+$0x0], $0xffff;
	v30 =	vmul.f32 v26, v12;
	v31 =	vmul.f32 v22, v13  }
0x1d8: {  	v29 =	vld.idx.msk [tilespmem:v29+s25+$0x0], $0xffff  }
0x1d9: {  	v30 =	vadd.f32 v31, v30;
	v31 =	vmul.f32 v23, v14  }
0x1da: {  	v58 =	vor.u32 v3, v21  }
0x1db: {  	v30 =	vadd.f32 v31, v30;
	v31 =	vmul.f32 v25, v15;
	_ =	sdelay $0x1  }
0x1dc: {  	v28 =	vadd.f32 v28, v29;
	v30 =	vadd.f32 v31, v30;
	_ =	sdelay $0x1  }
0x1dd: {  	v29 =	vld.idx.msk [tilespmem:v58+s26+$0x0], $0xffff;
	v28 =	vadd.f32 v28, v30;
	_ =	sdelay $0x1  }
0x1de: {  	v30 =	vmul.f32 $2.000000030e-01, v28  }
0x1df: {  	vm14 =	vgt.f32 v28, $0.0e+00  }
0x1e0: {  	v28 =	vsel vm14, v28, v30  }
0x1e1: {  	v28 =	vsub.f32 v28, v29;
	_ =	sdelay $0x1  }
0x1e2: {  	v28 =	vmul.f32 $1.442695020e+00, v28;
	_ =	sdelay $0x1  }
0x1e3: {  	(erf) = vpow2.f32 v28;
	_ =	sdelay $0x2  }
0x1e4: {  	v20 =	vmul.u32 $0x18, v20;
	_ =	sdelay $0x1  }
0x1e5: {  	v28 =	vadd.s32 $0x10, v20  }
0x1e6: {  	v29 =	vadd.s32 v2, v24;
	_ =	sdelay $0x2  }
0x1e7: {  	v30 =	vpop (erf)  }
0x1e8: {  	[tilespmem:v28+s2+$0x0] =	vst.idx.msk $0xffff, v30  }
0x1e9: {  	v28 =	vld.idx.msk [tilespmem:v29+s25+$0x0], $0xffff;
	_ =	sdelay $0x2  }
0x1ea: {  	v31 =	vor.u32 $0x1, v29;
	_ =	sdelay $0x1  }
0x1eb: {  	v28 =	vmul.f32 v30, v28;
	_ =	sdelay $0x1  }
0x1ec: {  	[tilespmem:v20+s2+$0x0] =	vst.idx.msk $0xffff, v28  }
0x1ed: {  	v28 =	vld.idx.msk [tilespmem:v31+s25+$0x0], $0xffff;
	_ =	sdelay $0x1  }
0x1ee: {  	v31 =	vor.u32 $0x1, v20  }
0x1ef: {  	v59 =	vor.u32 $0x2, v29;
	_ =	sdelay $0x1  }
0x1f0: {  	v28 =	vmul.f32 v30, v28;
	_ =	sdelay $0x1  }
0x1f1: {  	[tilespmem:v31+s2+$0x0] =	vst.idx.msk $0xffff, v28  }
0x1f2: {  	v28 =	vld.idx.msk [tilespmem:v59+s25+$0x0], $0xffff;
	_ =	sdelay $0x1  }
0x1f3: {  	v31 =	vor.u32 $0x2, v20  }
0x1f4: {  	v60 =	vor.u32 $0x3, v29;
	_ =	sdelay $0x1  }
0x1f5: {  	v28 =	vmul.f32 v28, v30;
	_ =	sdelay $0x1  }
0x1f6: {  	[tilespmem:v31+s2+$0x0] =	vst.idx.msk $0xffff, v28  }
0x1f7: {  	v28 =	vld.idx.msk [tilespmem:v60+s25+$0x0], $0xffff;
	_ =	sdelay $0x1  }
0x1f8: {  	v31 =	vor.u32 $0x3, v20  }
0x1f9: {  	v61 =	vor.u32 $0x4, v29;
	_ =	sdelay $0x1  }
0x1fa: {  	v28 =	vmul.f32 v28, v30;
	_ =	sdelay $0x1  }
0x1fb: {  	[tilespmem:v31+s2+$0x0] =	vst.idx.msk $0xffff, v28  }
0x1fc: {  	v28 =	vld.idx.msk [tilespmem:v61+s25+$0x0], $0xffff;
	_ =	sdelay $0x1  }
0x1fd: {  	v31 =	vor.u32 $0x4, v20  }
0x1fe: {  	v62 =	vor.u32 $0x5, v29;
	_ =	sdelay $0x1  }
0x1ff: {  	v28 =	vmul.f32 v28, v30;
	_ =	sdelay $0x1  }
0x200: {  	[tilespmem:v31+s2+$0x0] =	vst.idx.msk $0xffff, v28  }
0x201: {  	v28 =	vld.idx.msk [tilespmem:v62+s25+$0x0], $0xffff;
	_ =	sdelay $0x1  }
0x202: {  	v31 =	vor.u32 $0x5, v20  }
0x203: {  	v63 =	vor.u32 $0x6, v29;
	_ =	sdelay $0x1  }
0x204: {  	v28 =	vmul.f32 v28, v30;
	_ =	sdelay $0x1  }
0x205: {  	[tilespmem:v31+s2+$0x0] =	vst.idx.msk $0xffff, v28  }
0x206: {  	v28 =	vld.idx.msk [tilespmem:v63+s25+$0x0], $0xffff;
	_ =	sdelay $0x1  }
0x207: {  	v31 =	vor.u32 $0x6, v20  }
0x208: {  	v29 =	vor.u32 $0x7, v29;
	_ =	sdelay $0x1  }
0x209: {  	v28 =	vmul.f32 v28, v30;
	_ =	sdelay $0x1  }
0x20a: {  	[tilespmem:v31+s2+$0x0] =	vst.idx.msk $0xffff, v28  }
0x20b: {  	v28 =	vld.idx.msk [tilespmem:v29+s25+$0x0], $0xffff;
	_ =	sdelay $0x1  }
0x20c: {  	v29 =	vor.u32 $0x7, v20  }
0x20d: {  	v27 =	vor.u32 v1, v27  }
0x20e: {  	v31 =	vor.u32 v1, v21  }
0x20f: {  	v28 =	vmul.f32 v28, v30;
	_ =	sdelay $0x1  }
0x210: {  	[tilespmem:v29+s2+$0x0] =	vst.idx.msk $0xffff, v28  }
0x211: {  	v26 =	vmul.f32 v26, v16;
	v22 =	vmul.f32 v22, v17;
	v27 =	vld.idx.msk [tilespmem:v27+s25+$0x0], $0xffff  }
0x212: {  	v28 =	vld.idx.msk [tilespmem:v31+s26+$0x0], $0xffff  }
0x213: {  	v22 =	vadd.f32 v22, v26;
	v23 =	vmul.f32 v23, v18  }
0x214: {  	v21 =	vor.u32 v7, v21  }
0x215: {  	v22 =	vadd.f32 v23, v22;
	v23 =	vmul.f32 v25, v19;
	_ =	sdelay $0x1  }
0x216: {  	v22 =	vadd.f32 v23, v22;
	v23 =	vadd.f32 v28, v27;
	_ =	sdelay $0x1  }
0x217: {  	v21 =	vld.idx.msk [tilespmem:v21+s26+$0x0], $0xffff;
	v22 =	vadd.f32 v23, v22;
	_ =	sdelay $0x1  }
0x218: {  	v23 =	vmul.f32 $2.000000030e-01, v22  }
0x219: {  	vm15 =	vgt.f32 v22, $0.0e+00  }
0x21a: {  	v22 =	vsel vm15, v22, v23  }
0x21b: {  	v21 =	vsub.f32 v22, v21;
	_ =	sdelay $0x1  }
0x21c: {  	v21 =	vmul.f32 $1.442695020e+00, v21;
	_ =	sdelay $0x1  }
0x21d: {  	(erf) = vpow2.f32 v21;
	_ =	sdelay $0x4  }
0x21e: {  	v21 =	vadd.s32 $0x11, v20  }
0x21f: {  	v22 =	vadd.s32 v5, v24;
	_ =	sdelay $0x2  }
0x220: {  	v29 =	vpop (erf)  }
0x221: {  	[tilespmem:v21+s2+$0x0] =	vst.idx.msk $0xffff, v29  }
0x222: {  	v21 =	vld.idx.msk [tilespmem:v22+s25+$0x0], $0xffff;
	_ =	sdelay $0x1  }
0x223: {  	v23 =	vadd.s32 $0x8, v20  }
0x224: {  	v24 =	vor.u32 $0x1, v22;
	_ =	sdelay $0x1  }
0x225: {  	v21 =	vmul.f32 v29, v21;
	_ =	sdelay $0x1  }
0x226: {  	[tilespmem:v23+s2+$0x0] =	vst.idx.msk $0xffff, v21  }
0x227: {  	v21 =	vld.idx.msk [tilespmem:v24+s25+$0x0], $0xffff;
	_ =	sdelay $0x1  }
0x228: {  	v23 =	vadd.s32 $0x9, v20  }
0x229: {  	v24 =	vor.u32 $0x2, v22;
	_ =	sdelay $0x1  }
0x22a: {  	v21 =	vmul.f32 v29, v21;
	_ =	sdelay $0x1  }
0x22b: {  	[tilespmem:v23+s2+$0x0] =	vst.idx.msk $0xffff, v21  }
0x22c: {  	v21 =	vld.idx.msk [tilespmem:v24+s25+$0x0], $0xffff;
	_ =	sdelay $0x1  }
0x22d: {  	v23 =	vadd.s32 $0xA, v20  }
0x22e: {  	v24 =	vor.u32 $0x3, v22;
	_ =	sdelay $0x1  }
0x22f: {  	v21 =	vmul.f32 v21, v29;
	_ =	sdelay $0x1  }
0x230: {  	[tilespmem:v23+s2+$0x0] =	vst.idx.msk $0xffff, v21  }
0x231: {  	v21 =	vld.idx.msk [tilespmem:v24+s25+$0x0], $0xffff;
	_ =	sdelay $0x1  }
0x232: {  	v23 =	vadd.s32 $0xB, v20  }
0x233: {  	v24 =	vor.u32 $0x4, v22;
	_ =	sdelay $0x1  }
0x234: {  	v21 =	vmul.f32 v21, v29;
	_ =	sdelay $0x1  }
0x235: {  	[tilespmem:v23+s2+$0x0] =	vst.idx.msk $0xffff, v21  }
0x236: {  	v21 =	vld.idx.msk [tilespmem:v24+s25+$0x0], $0xffff;
	_ =	sdelay $0x1  }
0x237: {  	v23 =	vadd.s32 $0xC, v20  }
0x238: {  	v24 =	vor.u32 $0x5, v22;
	_ =	sdelay $0x1  }
0x239: {  	v21 =	vmul.f32 v21, v29;
	_ =	sdelay $0x1  }
0x23a: {  	[tilespmem:v23+s2+$0x0] =	vst.idx.msk $0xffff, v21  }
0x23b: {  	v21 =	vld.idx.msk [tilespmem:v24+s25+$0x0], $0xffff;
	_ =	sdelay $0x1  }
0x23c: {  	v23 =	vadd.s32 $0xD, v20  }
0x23d: {  	v24 =	vor.u32 $0x6, v22;
	_ =	sdelay $0x1  }
0x23e: {  	v21 =	vmul.f32 v21, v29;
	_ =	sdelay $0x1  }
0x23f: {  	[tilespmem:v23+s2+$0x0] =	vst.idx.msk $0xffff, v21  }
0x240: {  	v21 =	vld.idx.msk [tilespmem:v24+s25+$0x0], $0xffff;
	_ =	sdelay $0x1  }
0x241: {  	v23 =	vadd.s32 $0xE, v20  }
0x242: {  	v22 =	vor.u32 $0x7, v22;
	_ =	sdelay $0x1  }
0x243: {  	v21 =	vmul.f32 v21, v29;
	_ =	sdelay $0x1  }
0x244: {  	[tilespmem:v23+s2+$0x0] =	vst.idx.msk $0xffff, v21  }
0x245: {  	v30 =	vld.idx.msk [tilespmem:v22+s25+$0x0], $0xffff  }
0x246: {  	s14 =	simm.s32 $0x10  }
0x247: {  	v25 =	vadd.s32 $0xF, v20;
	v22 =	vor.u32 s14, v11  }
0x248: {  	v21 =	vshll.u32 v22, $0x3;
	v20 =	vmul.u32 $0x28, v22  }
0x249: {  	v28 =	vor.u32 $0x1, v21;
	v26 =	vor.u32 $0x2, v21;
	v24 =	vor.u32 $0x3, v21  }
0x24a: {  	s13 =	simm.s32 $0x20;
	v27 =	vor.u32 v0, v21;
	v23 =	vadd.s32 $0x20, v20;
	v29 =	vmul.f32 v30, v29  }
.LBB2_7:
0x24b: {  	p0 =	sne.s32 s13, $0xF0;
	v30 =	vor.u32 v3, v21;
	s14 =	smov.u32 s13;
	s13 =	sadd.s32 $0x10, s13  }
0x24c: {  	[tilespmem:v25+s2+$0x0] =	vst.idx.msk $0xffff, v29  }
0x24d: {  	v25 =	vld.idx.msk [tilespmem:v21+s24+$0x0], $0xffff  }
0x24e: {  	v28 =	vld.idx.msk [tilespmem:v28+s24+$0x0], $0xffff  }
0x24f: {  	v29 =	vor.u32 v0, v23  }
0x250: {  	v26 =	vld.idx.msk [tilespmem:v26+s24+$0x0], $0xffff;
	_ =	sdelay $0x1  }
0x251: {  	v24 =	vld.idx.msk [tilespmem:v24+s24+$0x0], $0xffff  }
0x252: {  	v27 =	vld.idx.msk [tilespmem:v27+s26+$0x0], $0xffff  }
0x253: {  	v31 =	vmul.f32 v25, v12;
	v32 =	vmul.f32 v28, v13;
	v29 =	vld.idx.msk [tilespmem:v29+s25+$0x0], $0xffff  }
0x254: {  	v25 =	vmul.f32 v25, v16;
	v28 =	vmul.f32 v28, v17  }
0x255: {  	v31 =	vadd.f32 v32, v31;
	v32 =	vmul.f32 v26, v14  }
0x256: {  	v25 =	vadd.f32 v28, v25;
	v26 =	vmul.f32 v26, v18  }
0x257: {  	v28 =	vadd.f32 v32, v31;
	v31 =	vmul.f32 v24, v15  }
0x258: {  	v25 =	vadd.f32 v26, v25  }
0x259: {  	v26 =	vadd.f32 v31, v28;
	v27 =	vadd.f32 v27, v29  }
0x25a: {  	v28 =	vld.idx.msk [tilespmem:v30+s26+$0x0], $0xffff  }
0x25b: {  	v26 =	vadd.f32 v27, v26;
	_ =	sdelay $0x1  }
0x25c: {  	v27 =	vmul.f32 $2.000000030e-01, v26  }
0x25d: {  	vm0 =	vgt.f32 v26, $0.0e+00  }
0x25e: {  	v26 =	vsel vm0, v26, v27  }
0x25f: {  	v26 =	vsub.f32 v26, v28;
	_ =	sdelay $0x1  }
0x260: {  	v26 =	vmul.f32 $1.442695020e+00, v26;
	_ =	sdelay $0x1  }
0x261: {  	(erf) = vpow2.f32 v26;
	_ =	sdelay $0x2  }
0x262: {  	v22 =	vmul.u32 $0x18, v22;
	_ =	sdelay $0x1  }
0x263: {  	v26 =	vadd.s32 $0x10, v22  }
0x264: {  	v27 =	vadd.s32 v2, v20;
	_ =	sdelay $0x2  }
0x265: {  	v28 =	vpop (erf)  }
0x266: {  	[tilespmem:v26+s2+$0x0] =	vst.idx.msk $0xffff, v28  }
0x267: {  	v26 =	vld.idx.msk [tilespmem:v27+s25+$0x0], $0xffff;
	_ =	sdelay $0x3  }
0x268: {  	v29 =	vor.u32 $0x1, v27;
	_ =	sdelay $0x1  }
0x269: {  	v26 =	vmul.f32 v28, v26;
	_ =	sdelay $0x1  }
0x26a: {  	[tilespmem:v22+s2+$0x0] =	vst.idx.msk $0xffff, v26  }
0x26b: {  	v26 =	vld.idx.msk [tilespmem:v29+s25+$0x0], $0xffff;
	_ =	sdelay $0x2  }
0x26c: {  	v29 =	vor.u32 $0x1, v22  }
0x26d: {  	v30 =	vor.u32 $0x2, v27;
	_ =	sdelay $0x1  }
0x26e: {  	v26 =	vmul.f32 v28, v26;
	_ =	sdelay $0x1  }
0x26f: {  	[tilespmem:v29+s2+$0x0] =	vst.idx.msk $0xffff, v26  }
0x270: {  	v26 =	vld.idx.msk [tilespmem:v30+s25+$0x0], $0xffff;
	_ =	sdelay $0x2  }
0x271: {  	v29 =	vor.u32 $0x2, v22  }
0x272: {  	v30 =	vor.u32 $0x3, v27;
	_ =	sdelay $0x1  }
0x273: {  	v26 =	vmul.f32 v26, v28;
	_ =	sdelay $0x1  }
0x274: {  	[tilespmem:v29+s2+$0x0] =	vst.idx.msk $0xffff, v26  }
0x275: {  	v26 =	vld.idx.msk [tilespmem:v30+s25+$0x0], $0xffff;
	_ =	sdelay $0x2  }
0x276: {  	v29 =	vor.u32 $0x3, v22  }
0x277: {  	v30 =	vor.u32 $0x4, v27;
	_ =	sdelay $0x1  }
0x278: {  	v26 =	vmul.f32 v26, v28;
	_ =	sdelay $0x1  }
0x279: {  	[tilespmem:v29+s2+$0x0] =	vst.idx.msk $0xffff, v26  }
0x27a: {  	v26 =	vld.idx.msk [tilespmem:v30+s25+$0x0], $0xffff;
	_ =	sdelay $0x2  }
0x27b: {  	v29 =	vor.u32 $0x4, v22  }
0x27c: {  	v30 =	vor.u32 $0x5, v27;
	_ =	sdelay $0x1  }
0x27d: {  	v26 =	vmul.f32 v26, v28;
	_ =	sdelay $0x1  }
0x27e: {  	[tilespmem:v29+s2+$0x0] =	vst.idx.msk $0xffff, v26  }
0x27f: {  	v26 =	vld.idx.msk [tilespmem:v30+s25+$0x0], $0xffff;
	_ =	sdelay $0x2  }
0x280: {  	v29 =	vor.u32 $0x5, v22  }
0x281: {  	v30 =	vor.u32 $0x6, v27;
	_ =	sdelay $0x1  }
0x282: {  	v26 =	vmul.f32 v26, v28;
	_ =	sdelay $0x1  }
0x283: {  	[tilespmem:v29+s2+$0x0] =	vst.idx.msk $0xffff, v26  }
0x284: {  	v26 =	vld.idx.msk [tilespmem:v30+s25+$0x0], $0xffff;
	_ =	sdelay $0x2  }
0x285: {  	v29 =	vor.u32 $0x6, v22  }
0x286: {  	v27 =	vor.u32 $0x7, v27;
	_ =	sdelay $0x1  }
0x287: {  	v26 =	vmul.f32 v26, v28;
	_ =	sdelay $0x1  }
0x288: {  	[tilespmem:v29+s2+$0x0] =	vst.idx.msk $0xffff, v26  }
0x289: {  	v26 =	vld.idx.msk [tilespmem:v27+s25+$0x0], $0xffff;
	_ =	sdelay $0x2  }
0x28a: {  	v27 =	vor.u32 $0x7, v22  }
0x28b: {  	v23 =	vor.u32 v1, v23;
	v29 =	vor.u32 v1, v21;
	_ =	sdelay $0x1  }
0x28c: {  	v26 =	vmul.f32 v26, v28;
	_ =	sdelay $0x1  }
0x28d: {  	[tilespmem:v27+s2+$0x0] =	vst.idx.msk $0xffff, v26  }
0x28e: {  	v23 =	vld.idx.msk [tilespmem:v23+s25+$0x0], $0xffff  }
0x28f: {  	v26 =	vld.idx.msk [tilespmem:v29+s26+$0x0], $0xffff  }
0x290: {  	v21 =	vor.u32 v7, v21;
	_ =	sdelay $0x1  }
0x291: {  	v24 =	vmul.f32 v24, v19;
	_ =	sdelay $0x1  }
0x292: {  	v24 =	vadd.f32 v24, v25  }
0x293: {  	v23 =	vadd.f32 v26, v23;
	v21 =	vld.idx.msk [tilespmem:v21+s26+$0x0], $0xffff;
	_ =	sdelay $0x1  }
0x294: {  	v23 =	vadd.f32 v23, v24;
	_ =	sdelay $0x1  }
0x295: {  	vm0 =	vgt.f32 v23, $0.0e+00;
	v24 =	vmul.f32 $2.000000030e-01, v23;
	_ =	sdelay $0x1  }
0x296: {  	v23 =	vsel vm0, v23, v24  }
0x297: {  	v21 =	vsub.f32 v23, v21;
	_ =	sdelay $0x1  }
0x298: {  	v21 =	vmul.f32 $1.442695020e+00, v21;
	_ =	sdelay $0x1  }
0x299: {  	(erf) = vpow2.f32 v21;
	_ =	sdelay $0x3  }
0x29a: {  	v21 =	vadd.s32 $0x11, v22  }
0x29b: {  	v20 =	vadd.s32 v5, v20;
	_ =	sdelay $0x3  }
0x29c: {  	v29 =	vpop (erf)  }
0x29d: {  	[tilespmem:v21+s2+$0x0] =	vst.idx.msk $0xffff, v29  }
0x29e: {  	v21 =	vld.idx.msk [tilespmem:v20+s25+$0x0], $0xffff;
	_ =	sdelay $0x1  }
0x29f: {  	v23 =	vadd.s32 $0x8, v22  }
0x2a0: {  	v24 =	vor.u32 $0x1, v20;
	_ =	sdelay $0x2  }
0x2a1: {  	v21 =	vmul.f32 v29, v21;
	_ =	sdelay $0x1  }
0x2a2: {  	[tilespmem:v23+s2+$0x0] =	vst.idx.msk $0xffff, v21  }
0x2a3: {  	v21 =	vld.idx.msk [tilespmem:v24+s25+$0x0], $0xffff;
	_ =	sdelay $0x1  }
0x2a4: {  	v23 =	vadd.s32 $0x9, v22  }
0x2a5: {  	v24 =	vor.u32 $0x2, v20;
	_ =	sdelay $0x2  }
0x2a6: {  	v21 =	vmul.f32 v29, v21;
	_ =	sdelay $0x1  }
0x2a7: {  	[tilespmem:v23+s2+$0x0] =	vst.idx.msk $0xffff, v21  }
0x2a8: {  	v21 =	vld.idx.msk [tilespmem:v24+s25+$0x0], $0xffff;
	_ =	sdelay $0x1  }
0x2a9: {  	v23 =	vadd.s32 $0xA, v22  }
0x2aa: {  	v24 =	vor.u32 $0x3, v20;
	_ =	sdelay $0x2  }
0x2ab: {  	v21 =	vmul.f32 v21, v29;
	_ =	sdelay $0x1  }
0x2ac: {  	[tilespmem:v23+s2+$0x0] =	vst.idx.msk $0xffff, v21  }
0x2ad: {  	v21 =	vld.idx.msk [tilespmem:v24+s25+$0x0], $0xffff;
	_ =	sdelay $0x1  }
0x2ae: {  	v23 =	vadd.s32 $0xB, v22  }
0x2af: {  	v24 =	vor.u32 $0x4, v20;
	_ =	sdelay $0x2  }
0x2b0: {  	v21 =	vmul.f32 v21, v29;
	_ =	sdelay $0x1  }
0x2b1: {  	[tilespmem:v23+s2+$0x0] =	vst.idx.msk $0xffff, v21  }
0x2b2: {  	v21 =	vld.idx.msk [tilespmem:v24+s25+$0x0], $0xffff;
	_ =	sdelay $0x1  }
0x2b3: {  	v23 =	vadd.s32 $0xC, v22  }
0x2b4: {  	v24 =	vor.u32 $0x5, v20;
	_ =	sdelay $0x2  }
0x2b5: {  	v21 =	vmul.f32 v21, v29;
	_ =	sdelay $0x1  }
0x2b6: {  	[tilespmem:v23+s2+$0x0] =	vst.idx.msk $0xffff, v21  }
0x2b7: {  	v21 =	vld.idx.msk [tilespmem:v24+s25+$0x0], $0xffff;
	_ =	sdelay $0x1  }
0x2b8: {  	v23 =	vadd.s32 $0xD, v22  }
0x2b9: {  	v24 =	vor.u32 $0x6, v20;
	_ =	sdelay $0x2  }
0x2ba: {  	v21 =	vmul.f32 v21, v29;
	_ =	sdelay $0x1  }
0x2bb: {  	[tilespmem:v23+s2+$0x0] =	vst.idx.msk $0xffff, v21  }
0x2bc: {  	v21 =	vld.idx.msk [tilespmem:v24+s25+$0x0], $0xffff;
	_ =	sdelay $0x1  }
0x2bd: {  	v23 =	vadd.s32 $0xE, v22  }
0x2be: {  	v20 =	vor.u32 $0x7, v20;
	_ =	sdelay $0x2  }
0x2bf: {  	v21 =	vmul.f32 v21, v29;
	_ =	sdelay $0x1  }
0x2c0: {  	[tilespmem:v23+s2+$0x0] =	vst.idx.msk $0xffff, v21  }
0x2c1: {  	v30 =	vld.idx.msk [tilespmem:v20+s25+$0x0], $0xffff;
	_ =	sdelay $0x1  }
.Ltmp2:
0x2c2: {  	v25 =	vadd.s32 $0xF, v22;
	(pc) =	sbr.rel @p0 .LBB2_7-.Ltmp2, $4  }
0x2c3: {  	v22 =	vor.u32 s14, v11  }
0x2c4: {  	v21 =	vshll.u32 v22, $0x3;
	v20 =	vmul.u32 $0x28, v22  }
0x2c5: {  	v28 =	vor.u32 $0x1, v21;
	v26 =	vor.u32 $0x2, v21;
	v24 =	vor.u32 $0x3, v21  }
0x2c6: {  	v27 =	vor.u32 v0, v21;
	v23 =	vadd.s32 $0x20, v20;
	v29 =	vmul.f32 v30, v29  }
0x2c7: {  	_ =	sdelay $0x3  }
0x2c8: {  	[tilespmem:v25+s2+$0x0] =	vst.idx.msk $0xffff, v29  }
0x2c9: {  	v25 =	vld.idx.msk [tilespmem:v21+s24+$0x0], $0xffff  }
0x2ca: {  	v28 =	vld.idx.msk [tilespmem:v28+s24+$0x0], $0xffff  }
0x2cb: {  	v51 =	vor.u32 v0, v23  }
0x2cc: {  	v26 =	vld.idx.msk [tilespmem:v26+s24+$0x0], $0xffff;
	_ =	sdelay $0x1  }
0x2cd: {  	v24 =	vld.idx.msk [tilespmem:v24+s24+$0x0], $0xffff  }
0x2ce: {  	v27 =	vld.idx.msk [tilespmem:v27+s26+$0x0], $0xffff;
	v30 =	vmul.f32 v25, v12;
	v31 =	vmul.f32 v28, v13  }
0x2cf: {  	v29 =	vld.idx.msk [tilespmem:v51+s25+$0x0], $0xffff  }
0x2d0: {  	v52 =	vmul.f32 v26, v14;
	v30 =	vadd.f32 v31, v30  }
0x2d1: {  	v32 =	vor.u32 v3, v21  }
0x2d2: {  	v53 =	vmul.f32 v24, v15;
	v30 =	vadd.f32 v52, v30;
	_ =	sdelay $0x1  }
0x2d3: {  	v27 =	vadd.f32 v27, v29;
	v30 =	vadd.f32 v53, v30;
	_ =	sdelay $0x1  }
0x2d4: {  	v54 =	vld.idx.msk [tilespmem:v32+s26+$0x0], $0xffff;
	v27 =	vadd.f32 v27, v30;
	_ =	sdelay $0x1  }
0x2d5: {  	v30 =	vmul.f32 $2.000000030e-01, v27  }
0x2d6: {  	vm0 =	vgt.f32 v27, $0.0e+00  }
0x2d7: {  	v27 =	vsel vm0, v27, v30  }
0x2d8: {  	v27 =	vsub.f32 v27, v54;
	_ =	sdelay $0x1  }
0x2d9: {  	v27 =	vmul.f32 $1.442695020e+00, v27;
	_ =	sdelay $0x1  }
0x2da: {  	(erf) = vpow2.f32 v27;
	_ =	sdelay $0x2  }
0x2db: {  	v22 =	vmul.u32 $0x18, v22;
	_ =	sdelay $0x1  }
0x2dc: {  	v55 =	vadd.s32 $0x10, v22  }
0x2dd: {  	v56 =	vadd.s32 v2, v20;
	_ =	sdelay $0x2  }
0x2de: {  	v57 =	vpop (erf)  }
0x2df: {  	[tilespmem:v55+s2+$0x0] =	vst.idx.msk $0xffff, v57  }
0x2e0: {  	v27 =	vld.idx.msk [tilespmem:v56+s25+$0x0], $0xffff;
	_ =	sdelay $0x2  }
0x2e1: {  	v58 =	vor.u32 $0x1, v56;
	_ =	sdelay $0x1  }
0x2e2: {  	v27 =	vmul.f32 v57, v27;
	_ =	sdelay $0x1  }
0x2e3: {  	[tilespmem:v22+s2+$0x0] =	vst.idx.msk $0xffff, v27  }
0x2e4: {  	v27 =	vld.idx.msk [tilespmem:v58+s25+$0x0], $0xffff;
	_ =	sdelay $0x1  }
0x2e5: {  	v59 =	vor.u32 $0x1, v22  }
0x2e6: {  	v60 =	vor.u32 $0x2, v56;
	_ =	sdelay $0x1  }
0x2e7: {  	v27 =	vmul.f32 v57, v27;
	_ =	sdelay $0x1  }
0x2e8: {  	[tilespmem:v59+s2+$0x0] =	vst.idx.msk $0xffff, v27  }
0x2e9: {  	v27 =	vld.idx.msk [tilespmem:v60+s25+$0x0], $0xffff;
	_ =	sdelay $0x1  }
0x2ea: {  	v61 =	vor.u32 $0x2, v22  }
0x2eb: {  	v62 =	vor.u32 $0x3, v56;
	_ =	sdelay $0x1  }
0x2ec: {  	v27 =	vmul.f32 v27, v57;
	_ =	sdelay $0x1  }
0x2ed: {  	[tilespmem:v61+s2+$0x0] =	vst.idx.msk $0xffff, v27  }
0x2ee: {  	v27 =	vld.idx.msk [tilespmem:v62+s25+$0x0], $0xffff;
	_ =	sdelay $0x1  }
0x2ef: {  	v63 =	vor.u32 $0x3, v22  }
0x2f0: {  	v36 =	vor.u32 $0x4, v56;
	_ =	sdelay $0x1  }
0x2f1: {  	v27 =	vmul.f32 v27, v57;
	_ =	sdelay $0x1  }
0x2f2: {  	[tilespmem:v63+s2+$0x0] =	vst.idx.msk $0xffff, v27  }
0x2f3: {  	v27 =	vld.idx.msk [tilespmem:v36+s25+$0x0], $0xffff;
	_ =	sdelay $0x1  }
0x2f4: {  	v37 =	vor.u32 $0x4, v22  }
0x2f5: {  	v38 =	vor.u32 $0x5, v56;
	_ =	sdelay $0x1  }
0x2f6: {  	v27 =	vmul.f32 v27, v57;
	_ =	sdelay $0x1  }
0x2f7: {  	[tilespmem:v37+s2+$0x0] =	vst.idx.msk $0xffff, v27  }
0x2f8: {  	v27 =	vld.idx.msk [tilespmem:v38+s25+$0x0], $0xffff;
	_ =	sdelay $0x1  }
0x2f9: {  	v39 =	vor.u32 $0x5, v22  }
0x2fa: {  	v40 =	vor.u32 $0x6, v56;
	_ =	sdelay $0x1  }
0x2fb: {  	v27 =	vmul.f32 v27, v57;
	_ =	sdelay $0x1  }
0x2fc: {  	[tilespmem:v39+s2+$0x0] =	vst.idx.msk $0xffff, v27  }
0x2fd: {  	v27 =	vld.idx.msk [tilespmem:v40+s25+$0x0], $0xffff;
	_ =	sdelay $0x1  }
0x2fe: {  	v41 =	vor.u32 $0x6, v22  }
0x2ff: {  	v29 =	vor.u32 $0x7, v56;
	_ =	sdelay $0x1  }
0x300: {  	v27 =	vmul.f32 v27, v57;
	_ =	sdelay $0x1  }
0x301: {  	[tilespmem:v41+s2+$0x0] =	vst.idx.msk $0xffff, v27  }
0x302: {  	v27 =	vld.idx.msk [tilespmem:v29+s25+$0x0], $0xffff;
	_ =	sdelay $0x1  }
0x303: {  	v42 =	vor.u32 $0x7, v22  }
0x304: {  	v43 =	vor.u32 v1, v23  }
0x305: {  	v44 =	vor.u32 v1, v21  }
0x306: {  	v27 =	vmul.f32 v27, v57;
	_ =	sdelay $0x1  }
0x307: {  	[tilespmem:v42+s2+$0x0] =	vst.idx.msk $0xffff, v27  }
0x308: {  	v25 =	vmul.f32 v25, v16;
	v45 =	vmul.f32 v28, v17;
	v23 =	vld.idx.msk [tilespmem:v43+s25+$0x0], $0xffff  }
0x309: {  	v46 =	vld.idx.msk [tilespmem:v44+s26+$0x0], $0xffff  }
0x30a: {  	v26 =	vmul.f32 v26, v18;
	v25 =	vadd.f32 v45, v25  }
0x30b: {  	v47 =	vor.u32 v7, v21  }
0x30c: {  	v24 =	vmul.f32 v24, v19;
	v25 =	vadd.f32 v26, v25;
	_ =	sdelay $0x1  }
0x30d: {  	v24 =	vadd.f32 v24, v25;
	v23 =	vadd.f32 v46, v23;
	_ =	sdelay $0x1  }
0x30e: {  	v21 =	vld.idx.msk [tilespmem:v47+s26+$0x0], $0xffff;
	v23 =	vadd.f32 v23, v24;
	_ =	sdelay $0x1  }
0x30f: {  	v24 =	vmul.f32 $2.000000030e-01, v23  }
0x310: {  	vm15 =	vgt.f32 v23, $0.0e+00  }
0x311: {  	v23 =	vsel vm15, v23, v24  }
0x312: {  	v21 =	vsub.f32 v23, v21;
	_ =	sdelay $0x1  }
0x313: {  	v21 =	vmul.f32 $1.442695020e+00, v21;
	_ =	sdelay $0x1  }
0x314: {  	(erf) = vpow2.f32 v21;
	_ =	sdelay $0x4  }
0x315: {  	v48 =	vadd.s32 $0x11, v22  }
0x316: {  	v20 =	vadd.s32 v5, v20;
	_ =	sdelay $0x2  }
0x317: {  	v49 =	vpop (erf)  }
0x318: {  	[tilespmem:v48+s2+$0x0] =	vst.idx.msk $0xffff, v49  }
0x319: {  	v21 =	vld.idx.msk [tilespmem:v20+s25+$0x0], $0xffff;
	_ =	sdelay $0x1  }
0x31a: {  	v50 =	vadd.s32 $0x8, v22  }
0x31b: {  	v51 =	vor.u32 $0x1, v20;
	_ =	sdelay $0x1  }
0x31c: {  	v21 =	vmul.f32 v49, v21;
	_ =	sdelay $0x1  }
0x31d: {  	[tilespmem:v50+s2+$0x0] =	vst.idx.msk $0xffff, v21  }
0x31e: {  	v21 =	vld.idx.msk [tilespmem:v51+s25+$0x0], $0xffff;
	_ =	sdelay $0x1  }
0x31f: {  	v52 =	vadd.s32 $0x9, v22  }
0x320: {  	v53 =	vor.u32 $0x2, v20;
	_ =	sdelay $0x1  }
0x321: {  	v21 =	vmul.f32 v49, v21;
	_ =	sdelay $0x1  }
0x322: {  	[tilespmem:v52+s2+$0x0] =	vst.idx.msk $0xffff, v21  }
0x323: {  	v21 =	vld.idx.msk [tilespmem:v53+s25+$0x0], $0xffff;
	_ =	sdelay $0x1  }
0x324: {  	v54 =	vadd.s32 $0xA, v22  }
0x325: {  	v55 =	vor.u32 $0x3, v20;
	_ =	sdelay $0x1  }
0x326: {  	v21 =	vmul.f32 v21, v49;
	_ =	sdelay $0x1  }
0x327: {  	[tilespmem:v54+s2+$0x0] =	vst.idx.msk $0xffff, v21  }
0x328: {  	v21 =	vld.idx.msk [tilespmem:v55+s25+$0x0], $0xffff;
	_ =	sdelay $0x1  }
0x329: {  	v56 =	vadd.s32 $0xB, v22  }
0x32a: {  	v57 =	vor.u32 $0x4, v20;
	_ =	sdelay $0x1  }
0x32b: {  	v21 =	vmul.f32 v21, v49;
	_ =	sdelay $0x1  }
0x32c: {  	[tilespmem:v56+s2+$0x0] =	vst.idx.msk $0xffff, v21  }
0x32d: {  	v21 =	vld.idx.msk [tilespmem:v57+s25+$0x0], $0xffff;
	_ =	sdelay $0x1  }
0x32e: {  	v58 =	vadd.s32 $0xC, v22  }
0x32f: {  	v59 =	vor.u32 $0x5, v20;
	_ =	sdelay $0x1  }
0x330: {  	v21 =	vmul.f32 v21, v49;
	_ =	sdelay $0x1  }
0x331: {  	[tilespmem:v58+s2+$0x0] =	vst.idx.msk $0xffff, v21  }
0x332: {  	v21 =	vld.idx.msk [tilespmem:v59+s25+$0x0], $0xffff;
	_ =	sdelay $0x1  }
0x333: {  	v60 =	vadd.s32 $0xD, v22  }
0x334: {  	v61 =	vor.u32 $0x6, v20;
	_ =	sdelay $0x1  }
0x335: {  	v21 =	vmul.f32 v21, v49;
	_ =	sdelay $0x1  }
0x336: {  	[tilespmem:v60+s2+$0x0] =	vst.idx.msk $0xffff, v21  }
0x337: {  	v21 =	vld.idx.msk [tilespmem:v61+s25+$0x0], $0xffff;
	_ =	sdelay $0x1  }
0x338: {  	v62 =	vadd.s32 $0xE, v22  }
0x339: {  	v20 =	vor.u32 $0x7, v20;
	_ =	sdelay $0x1  }
0x33a: {  	v21 =	vmul.f32 v21, v49;
	_ =	sdelay $0x1  }
0x33b: {  	[tilespmem:v62+s2+$0x0] =	vst.idx.msk $0xffff, v21  }
0x33c: {  	v20 =	vld.idx.msk [tilespmem:v20+s25+$0x0], $0xffff;
	_ =	sdelay $0x1  }
0x33d: {  	v63 =	vadd.s32 $0xF, v22;
	_ =	sdelay $0x2  }
0x33e: {  	s10 =	sadd.s32 $0x1, s10;
	v20 =	vmul.f32 v20, v49  }
0x33f: {  	p0 =	sne.s32 s10, $0x62  }
.Ltmp3:
0x340: {  	[tilespmem:v63+s2+$0x0] =	vst.idx.msk $0xffff, v20;
	(pc) =	sbr.rel @p0 .LBB2_4-.Ltmp3, $4  }
0x341: {  	[spmem:s3] =	stream.indirect.scatter.add.f32 [tilespmem:s2], [sflag:$0x5], $0x18, s23, s20, $0xb8;
	[tilespmem:$0x1C960] =	vst v63  }
0x342: {  	_ =	swait.ge [sflag:s16], $0x1800  }
0x343: {  	[sflag:s16] =	ssyncset.done $0x0  }
0x344: {  	[sflag:s16] =	ssyncadd.s32 $0xFFFFE800  }
0x345: {  	[bflag:$0x0] =	sbarrier.arrive $0xFFFF  }
0x346: {  	s4 =	rddreg [dreg:$0x5]  }
0x347: {  	s10 =	rddreg [dreg:$0x7]  }
0x348: {  	[hbm:s4], [sflag:s15] =	dma.local [spmem:s10], $0x24A8  }
0x349: {  	_ =	swait.ge [sflag:s16], $0x24A8  }
0x34a: {  	s11 =	smov.u32 s15;
	s1 =	sadd.s32 $0x1, s1;
	s15 =	rddreg [dreg:$0x6]  }
0x34b: {  	p0 =	sne.s32 s1, s15  }
.Ltmp4:
0x34c: {  	_ = 	snop;
	(pc) =	sbr.rel @p0 .LBB2_1-.Ltmp4, $3  }
0x34d: {  	_ =	sdelay $0x1  }
0x34e: {  	[sflag:s16] =	ssyncset.done $0x0  }
0x34f: {  	[sflag:s16] =	ssyncadd.s32 $0xFFFFDB58  }
0x350: {  	_ =	sfence.sel $0x180000  }
0x351: {  	[bflag:$0x0] =	sbarrier.arrive $0xFFFF  }
0x352: {  	_ =	strace $0x9000004D  }
0x353: {  	s0 =	stileid.u32;
	[bflag:$0x2] =	sbarrier.arrive $0xFFFF  }
0x354: {  	p0 =	sne.s32 s0, $0x0;
	s0 =	rddreg [dreg:$0x3]  }
0x355: {  	s0 =	sadd.s32 @!p0 $0x100000, s0  }
0x356: {  	[sflag:s0] =	ssyncadd.tile.s32 @!p0 $0x1;
	_ =	shalt  }
.Lfunc_end2:
_tile_overlayer_lowered:
.L_overlay_start_2:
0x357: {  	(tag) =	ssettag $0x2  }
0x358: {  	s0 =	rddreg [dreg:$0x0];
	s2 =	stileid.u32  }
0x359: {  	s1 =	rddreg [dreg:$0x1];
	p0 =	sne.s32 s2, $0x0  }
0x35a: {  	s3 =	rddreg [dreg:$0x2];
	[bflag:$0x3] =	sbarrier.arrive $0xFFFF;
	s2 =	simm.s32 @!p0 $0x1C05  }
0x35b: {  	[timem:s3], [sflag:s2] =	dma.local @!p0 [hbm:s0], s1  }
0x35c: {  	s0 =	simm.s32 @!p0 $0x5  }
0x35d: {  	_ =	swait.ge @!p0 [sflag:s0], s1  }
0x35e: {  	s1 =	ssub.s32 @!p0 $0x0, s1;
	[sflag:s0] =	ssyncset.done @!p0 $0x0  }
0x35f: {  	[sflag:s0] =	ssyncadd.s32 @!p0 s1  }
0x360: {  	[bflag:$0x3] =	sbarrier.arrive $0xFFFF  }
0x361: {  	_ =	shalt  }

</sc_bundles>
